<compile_context>
chip_gen: v7x
topology: tpu7x:2x2x1
jax: 0.10.2.dev20260603
libtpu: 0.0.44.dev20260713+nightly
codegen_flags: <defaults>
</compile_context>

<pallas_src>
import functools

import jax
import jax.numpy as jnp
from jax import lax
from jax.experimental import pallas as pl
from jax.experimental.pallas import tpu as pltpu
from jax.experimental.pallas import tpu_sc as plsc

N = 100000
D = 32
H = 16
E = 1600000
NS = 16
RPT = 784
ROWS = RPT * NS
EPAD = ROWS * 128
EPT = RPT * 128
BE = 1024
NBLK = EPT // BE
BEA = 512
NBLKA = EPT // BEA
NACC = 100352
ZSTRIPE = NACC // NS
NP = NACC // 8
BP = NP // 8
GRID = NP // BP

_mesh = plsc.VectorSubcoreMesh(core_axis_name="c", subcore_axis_name="s")


@functools.partial(
    pl.kernel,
    out_type=[jax.ShapeDtypeStruct((NACC, H), jnp.float32)] * 4,
    mesh=_mesh,
    compiler_params=pltpu.CompilerParams(use_tc_tiling_on_sc=False),
    scratch_types=[
        pltpu.VMEM_SHARED((NACC, H), jnp.float32),
        [pltpu.VMEM((BEA,), jnp.int32)] * 4,
        [pltpu.VMEM((BEA,), jnp.int32)] * 4,
        [pltpu.VMEM((BEA, H), jnp.float32)] * 2,
        [pltpu.SemaphoreType.DMA] * 2,
        [pltpu.SemaphoreType.DMA] * 2,
        [pltpu.SemaphoreType.DMA] * 4,
    ],
)
def _sc_agg(tA_r, tB_r, tA_b, tB_b, srcR, dstR, srcB, dstB, zeros,
            oAi, oBi, oAu, oBu, accum, sidx, didx, rows, semg, sems, semi):
    c = lax.axis_index("c")
    s = lax.axis_index("s")

    def do_rel(table, src1, dst1, out):
        pltpu.sync_copy(zeros, accum.at[pl.ds(s * ZSTRIPE, ZSTRIPE)])
        plsc.subcore_barrier()
        base = s * EPT

        def fire_idx(q, b):
            e0 = base + b * BEA
            pltpu.async_copy(src1.at[pl.ds(e0, BEA)], sidx[q], semi[q])
            pltpu.async_copy(dst1.at[pl.ds(e0, BEA)], didx[q], semi[q])

        def drain_idx(q, b):
            e0 = base + b * BEA
            pltpu.make_async_copy(src1.at[pl.ds(e0, BEA)], sidx[q],
                                  semi[q]).wait()
            pltpu.make_async_copy(dst1.at[pl.ds(e0, BEA)], didx[q],
                                  semi[q]).wait()

        fire_idx(0, 0)
        fire_idx(1, 1)
        drain_idx(0, 0)
        pltpu.async_copy(table.at[sidx[0]], rows[0], semg[0])

        def quad(k, carry):
            for st4 in range(4):
                b = k * 4 + st4
                st = st4 % 2
                nst = 1 - st

                @pl.when(b + 2 < NBLKA)
                def _():
                    fire_idx((st4 + 2) % 4, b + 2)

                pltpu.make_async_copy(table.at[sidx[st4]], rows[st],
                                      semg[st]).wait()
                pltpu.async_copy(rows[st], accum.at[didx[st4]], sems[st],
                                 add=True)

                @pl.when(b > 0)
                def _():
                    pltpu.make_async_copy(rows[nst],
                                          accum.at[didx[(st4 + 3) % 4]],
                                          sems[nst]).wait()

                @pl.when(b + 1 < NBLKA)
                def _():
                    drain_idx((st4 + 1) % 4, b + 1)
                    pltpu.async_copy(table.at[sidx[(st4 + 1) % 4]],
                                     rows[nst], semg[nst])
            return carry

        lax.fori_loop(0, NBLKA // 4, quad, 0)
        pltpu.make_async_copy(rows[(NBLKA - 1) % 2],
                              accum.at[didx[(NBLKA - 1) % 4]],
                              sems[(NBLKA - 1) % 2]).wait()
        plsc.subcore_barrier()
        pltpu.sync_copy(accum.at[pl.ds(s * ZSTRIPE, ZSTRIPE)],
                        out.at[pl.ds(s * ZSTRIPE, ZSTRIPE)])
        plsc.subcore_barrier()

    @pl.when(c == 0)
    def _():
        do_rel(tA_r, srcR, dstR, oAi)
        do_rel(tA_b, srcB, dstB, oAu)

    @pl.when(c == 1)
    def _():
        do_rel(tB_r, srcR, dstR, oBi)
        do_rel(tB_b, srcB, dstB, oBu)


@functools.partial(
    pl.kernel,
    out_type=[jax.ShapeDtypeStruct((NACC, H), jnp.float32)] * 2,
    mesh=_mesh,
    compiler_params=pltpu.CompilerParams(use_tc_tiling_on_sc=False),
    scratch_types=[
        pltpu.VMEM_SHARED((NACC, H), jnp.float32),
        pltpu.VMEM((BE,), jnp.int32),
        pltpu.VMEM((BE, H), jnp.float32),
        pltpu.SemaphoreType.DMA,
    ],
)
def _sc_deg(dstR, dstB, ones, zeros, oI, oU, accum, didx, ones_v, sem):
    c = lax.axis_index("c")
    s = lax.axis_index("s")
    pltpu.sync_copy(ones, ones_v)

    def do_rel(dst1, out):
        pltpu.sync_copy(zeros, accum.at[pl.ds(s * ZSTRIPE, ZSTRIPE)])
        plsc.subcore_barrier()
        base = s * EPT

        def blk(b, carry):
            e0 = base + b * BE
            pltpu.sync_copy(dst1.at[pl.ds(e0, BE)], didx)
            pltpu.async_copy(ones_v, accum.at[didx], sem, add=True).wait()
            return carry

        lax.fori_loop(0, NBLK, blk, 0)
        plsc.subcore_barrier()
        pltpu.sync_copy(accum.at[pl.ds(s * ZSTRIPE, ZSTRIPE)],
                        out.at[pl.ds(s * ZSTRIPE, ZSTRIPE)])

    @pl.when(c == 0)
    def _():
        do_rel(dstR, oI)

    @pl.when(c == 1)
    def _():
        do_rel(dstB, oU)


def _rows(w):
    return pl.BlockSpec((BP, w), lambda i: (i, 0))


def _const(r, w):
    return pl.BlockSpec((r, w), lambda i: (0, 0))


_f32 = functools.partial(jnp.dot, preferred_element_type=jnp.float32)


def _tcA_body(xu, xi, wrA, wrB, wbA, wbB, yAr, yBr, yAb, yBb):
    yAr[...] = _f32(xu[...], wrA[...])
    yBr[...] = _f32(xu[...], wrB[...])
    yAb[...] = _f32(xi[...], wbA[...])
    yBb[...] = _f32(xi[...], wbB[...])


_tcA = pl.pallas_call(
    _tcA_body,
    grid=(GRID,),
    in_specs=[_rows(256), _rows(256)] + [_const(256, 128)] * 4,
    out_specs=[_rows(128)] * 4,
    out_shape=[jax.ShapeDtypeStruct((NP, 128), jnp.float32)] * 4,
)


def _mix(aA, aB, dg, eA, eB):
    inv = 1.0 / jnp.maximum(dg, 1.0)
    return _f32(aA * inv, eA) + _f32(aB * inv, eB)


def _tcB_body(xu, aAu, aBu, dgu, wsu, bu, w2rA, w2rB,
              xi, aAi, aBi, dgi, wsi, bi, w2bA, w2bB, eA, eB,
              hu, t2Ar, t2Br, hi, t2Ab, t2Bb):
    h_u = jnp.maximum(_f32(xu[...], wsu[...])
                      + _mix(aAu[...], aBu[...], dgu[...], eA[...], eB[...])
                      + bu[...], 0.0)
    hu[...] = h_u
    t2Ar[...] = _f32(h_u, w2rA[...])
    t2Br[...] = _f32(h_u, w2rB[...])
    h_i = jnp.maximum(_f32(xi[...], wsi[...])
                      + _mix(aAi[...], aBi[...], dgi[...], eA[...], eB[...])
                      + bi[...], 0.0)
    hi[...] = h_i
    t2Ab[...] = _f32(h_i, w2bA[...])
    t2Bb[...] = _f32(h_i, w2bB[...])


_tcB = pl.pallas_call(
    _tcB_body,
    grid=(GRID,),
    in_specs=[_rows(256), _rows(128), _rows(128), _rows(128),
              _const(256, 256), _const(1, 256), _const(256, 128), _const(256, 128),
              _rows(256), _rows(128), _rows(128), _rows(128),
              _const(256, 256), _const(1, 256), _const(256, 128), _const(256, 128),
              _const(128, 256), _const(128, 256)],
    out_specs=[_rows(256), _rows(128), _rows(128),
               _rows(256), _rows(128), _rows(128)],
    out_shape=[jax.ShapeDtypeStruct((NP, 256), jnp.float32),
               jax.ShapeDtypeStruct((NP, 128), jnp.float32),
               jax.ShapeDtypeStruct((NP, 128), jnp.float32),
               jax.ShapeDtypeStruct((NP, 256), jnp.float32),
               jax.ShapeDtypeStruct((NP, 128), jnp.float32),
               jax.ShapeDtypeStruct((NP, 128), jnp.float32)],
)


def _tcC_body(hu, aAu, aBu, dgu, wsu, bu,
              hi, aAi, aBi, dgi, wsi, bi, eA, eB,
              ou, oi):
    ou[...] = (_f32(hu[...], wsu[...])
               + _mix(aAu[...], aBu[...], dgu[...], eA[...], eB[...])
               + bu[...])
    oi[...] = (_f32(hi[...], wsi[...])
               + _mix(aAi[...], aBi[...], dgi[...], eA[...], eB[...])
               + bi[...])


_tcC = pl.pallas_call(
    _tcC_body,
    grid=(GRID,),
    in_specs=[_rows(256), _rows(128), _rows(128), _rows(128),
              _const(256, 256), _const(1, 256),
              _rows(256), _rows(128), _rows(128), _rows(128),
              _const(256, 256), _const(1, 256),
              _const(128, 256), _const(128, 256)],
    out_specs=[_rows(256), _rows(256)],
    out_shape=[jax.ShapeDtypeStruct((NP, 256), jnp.float32),
               jax.ShapeDtypeStruct((NP, 256), jnp.float32)],
)


def _pad_edges(src, dst):
    padn = EPAD - E
    pad_src = (jnp.arange(padn, dtype=jnp.int32) * 97) % N
    pad_dst = N + (jnp.arange(padn, dtype=jnp.int32) % (NACC - N))
    src1 = jnp.concatenate([src.astype(jnp.int32), pad_src])
    dst1 = jnp.concatenate([dst.astype(jnp.int32), pad_dst])
    return src1, dst1


def _pack(x):
    return jnp.pad(x, ((0, NACC - N), (0, 0))).reshape(NP, 8 * x.shape[1])


def _bd(W):
    return jnp.kron(jnp.eye(8, dtype=W.dtype), W)


def _as_table(p):
    return p.reshape(NACC, H)


def _as_packed(t):
    return t.reshape(NP, 128)


def kernel(x_user, x_item, edge_index_rates, edge_index_rated_by,
           W1_rates_self, W1_rates_neigh, W1_rb_self, W1_rb_neigh,
           W2_rates_self, W2_rates_neigh, W2_rb_self, W2_rb_neigh,
           b1_rates, b1_rb, b2_rates, b2_rb):
    srcR2, dstR2 = _pad_edges(edge_index_rates[0], edge_index_rates[1])
    srcB2, dstB2 = _pad_edges(edge_index_rated_by[0], edge_index_rated_by[1])
    zeros = jnp.zeros((ZSTRIPE, H), jnp.float32)
    ones = jnp.ones((BE, H), jnp.float32)
    eye8 = jnp.eye(8, dtype=jnp.float32)
    selA = jnp.kron(eye8, jnp.eye(H, D, dtype=jnp.float32))
    selB = jnp.kron(eye8, jnp.eye(H, D, k=H, dtype=jnp.float32))

    xu_p = _pack(x_user)
    xi_p = _pack(x_item)

    degI, degU = _sc_deg(dstR2, dstB2, ones, zeros)
    degI_p, degU_p = _as_packed(degI), _as_packed(degU)

    yAr, yBr, yAb, yBb = _tcA(xu_p, xi_p,
                              _bd(W1_rates_neigh[:, :H]), _bd(W1_rates_neigh[:, H:]),
                              _bd(W1_rb_neigh[:, :H]), _bd(W1_rb_neigh[:, H:]))
    aAi, aBi, aAu, aBu = _sc_agg(_as_table(yAr), _as_table(yBr),
                                 _as_table(yAb), _as_table(yBb),
                                 srcR2, dstR2, srcB2, dstB2, zeros)
    hu, t2Ar, t2Br, hi, t2Ab, t2Bb = _tcB(
        xu_p, _as_packed(aAu), _as_packed(aBu), degU_p,
        _bd(W1_rb_self), jnp.tile(b1_rb, 8).reshape(1, 256),
        _bd(W2_rates_neigh[:, :H]), _bd(W2_rates_neigh[:, H:]),
        xi_p, _as_packed(aAi), _as_packed(aBi), degI_p,
        _bd(W1_rates_self), jnp.tile(b1_rates, 8).reshape(1, 256),
        _bd(W2_rb_neigh[:, :H]), _bd(W2_rb_neigh[:, H:]),
        selA, selB)
    a2Ai, a2Bi, a2Au, a2Bu = _sc_agg(_as_table(t2Ar), _as_table(t2Br),
                                     _as_table(t2Ab), _as_table(t2Bb),
                                     srcR2, dstR2, srcB2, dstB2, zeros)
    hu2, hi2 = _tcC(hu, _as_packed(a2Au), _as_packed(a2Bu), degU_p,
                    _bd(W2_rb_self), jnp.tile(b2_rb, 8).reshape(1, 256),
                    hi, _as_packed(a2Ai), _as_packed(a2Bi), degI_p,
                    _bd(W2_rates_self), jnp.tile(b2_rates, 8).reshape(1, 256),
                    selA, selB)
    out_u = hu2.reshape(NACC, D)[:N]
    out_i = hi2.reshape(NACC, D)[:N]
    return (out_u, out_i)

# --- scband reference (transcript-rebuilt; emitter-appended) ---
"""Pipeline reference for scband-hetero-gnn-25537875542278 (READ-ONLY COPY).

The authoritative reference and input builder live on the scoring server;
editing this copy changes nothing except your own understanding.
"""

import jax, jax.numpy as jnp
import numpy as np

N_USER = 100000
N_ITEM = 100000
E = 1600000
D = 32


def setup_inputs(seed: int = 0) -> dict:
    key = jax.random.key(seed)
    ks = jax.random.split(key, 16)
    inp = {}
    inp["x_user"] = jax.random.normal(ks[0], (N_USER, D), dtype=jnp.float32)
    inp["x_item"] = jax.random.normal(ks[1], (N_ITEM, D), dtype=jnp.float32)
    inp["edge_index_rates"] = jax.random.randint(ks[2], (2, E), 0, N_ITEM, dtype=jnp.int64) if jax.config.jax_enable_x64 else jax.random.randint(ks[2], (2, E), 0, N_ITEM)
    inp["edge_index_rated_by"] = jax.random.randint(ks[3], (2, E), 0, N_USER)
    scale = 1.0 / np.sqrt(D)
    wnames = ["W1_rates_self", "W1_rates_neigh", "W1_rb_self", "W1_rb_neigh",
              "W2_rates_self", "W2_rates_neigh", "W2_rb_self", "W2_rb_neigh"]
    for i, n in enumerate(wnames):
        inp[n] = jax.random.normal(ks[4 + i], (D, D), dtype=jnp.float32) * scale
    for n in ["b1_rates", "b1_rb", "b2_rates", "b2_rb"]:
        inp[n] = jnp.zeros((D,), dtype=jnp.float32)
    return inp


def _sage_conv(x_src, x_dst, src, dst, W_self, W_neigh, b, num_dst):
    # DGL SAGEConv, aggregator_type='mean':
    #   out = fc_self(h_dst) + fc_neigh(mean_{u in N(v)} h_src[u]) + bias
    msg = jnp.take(x_src, src, axis=0)                      # gather  [E, D]
    agg = jax.ops.segment_sum(msg, dst, num_segments=num_dst)
    deg = jax.ops.segment_sum(jnp.ones((src.shape[0],), dtype=x_src.dtype), dst, num_segments=num_dst)
    mean = agg / jnp.clip(deg, 1.0)[:, None]
    return x_dst @ W_self + mean @ W_neigh + b


def reference(x_user, x_item, edge_index_rates, edge_index_rated_by,
              W1_rates_self, W1_rates_neigh, W1_rb_self, W1_rb_neigh,
              W2_rates_self, W2_rates_neigh, W2_rb_self, W2_rb_neigh,
              b1_rates, b1_rb, b2_rates, b2_rb):
    # conv1: HeteroGraphConv({'rates': user->item, 'rated_by': item->user}, aggregate='sum')
    # each dst ntype receives exactly one relation here, so cross-relation 'sum' is identity
    h_item = _sage_conv(x_user, x_item, edge_index_rates[0], edge_index_rates[1],
                        W1_rates_self, W1_rates_neigh, b1_rates, N_ITEM)
    h_user = _sage_conv(x_item, x_user, edge_index_rated_by[0], edge_index_rated_by[1],
                        W1_rb_self, W1_rb_neigh, b1_rb, N_USER)
    h_item = jax.nn.relu(h_item)
    h_user = jax.nn.relu(h_user)
    # conv2
    h_item2 = _sage_conv(h_user, h_item, edge_index_rates[0], edge_index_rates[1],
                         W2_rates_self, W2_rates_neigh, b2_rates, N_ITEM)
    h_user2 = _sage_conv(h_item, h_user, edge_index_rated_by[0], edge_index_rated_by[1],
                         W2_rb_self, W2_rb_neigh, b2_rb, N_USER)
    # every ntype present in h, so the fallback `h[nt] = features[nt]` branch is a no-op
    return (h_user2, h_item2)

if __name__ == "__main__":
    import jax
    _d = setup_inputs()
    print(jax.jit(kernel)(*tuple(_d.values())))

</pallas_src>

<mosaic_0001>
#map = affine_map<(d0, d1) -> (0, 0)>
#map1 = affine_map<(d0, d1) -> (0)>
module attributes {stable_mosaic.version = 14 : i64} {
  func.func @_sc_agg(%arg0: i32, %arg1: i32, %arg2: memref<100352x16xf32, #tpu.memory_space<hbm>>, %arg3: memref<100352x16xf32, #tpu.memory_space<hbm>>, %arg4: memref<100352x16xf32, #tpu.memory_space<hbm>>, %arg5: memref<100352x16xf32, #tpu.memory_space<hbm>>, %arg6: memref<1605632xi32, #tpu.memory_space<hbm>>, %arg7: memref<1605632xi32, #tpu.memory_space<hbm>>, %arg8: memref<1605632xi32, #tpu.memory_space<hbm>>, %arg9: memref<1605632xi32, #tpu.memory_space<hbm>>, %arg10: memref<6272x16xf32, #tpu.memory_space<hbm>>, %arg11: memref<100352x16xf32, #tpu.memory_space<hbm>>, %arg12: memref<100352x16xf32, #tpu.memory_space<hbm>>, %arg13: memref<100352x16xf32, #tpu.memory_space<hbm>>, %arg14: memref<100352x16xf32, #tpu.memory_space<hbm>>, %arg15: memref<100352x16xf32, #tpu.memory_space<vmem_shared>>, %arg16: memref<512xi32, #tpu.memory_space<vmem>>, %arg17: memref<512xi32, #tpu.memory_space<vmem>>, %arg18: memref<512xi32, #tpu.memory_space<vmem>>, %arg19: memref<512xi32, #tpu.memory_space<vmem>>, %arg20: memref<512xi32, #tpu.memory_space<vmem>>, %arg21: memref<512xi32, #tpu.memory_space<vmem>>, %arg22: memref<512xi32, #tpu.memory_space<vmem>>, %arg23: memref<512xi32, #tpu.memory_space<vmem>>, %arg24: memref<512x16xf32, #tpu.memory_space<vmem>>, %arg25: memref<512x16xf32, #tpu.memory_space<vmem>>, %arg26: memref<!tpu.dma_semaphore, #tpu.memory_space<semaphore_mem>>, %arg27: memref<!tpu.dma_semaphore, #tpu.memory_space<semaphore_mem>>, %arg28: memref<!tpu.dma_semaphore, #tpu.memory_space<semaphore_mem>>, %arg29: memref<!tpu.dma_semaphore, #tpu.memory_space<semaphore_mem>>, %arg30: memref<!tpu.dma_semaphore, #tpu.memory_space<semaphore_mem>>, %arg31: memref<!tpu.dma_semaphore, #tpu.memory_space<semaphore_mem>>, %arg32: memref<!tpu.dma_semaphore, #tpu.memory_space<semaphore_mem>>, %arg33: memref<!tpu.dma_semaphore, #tpu.memory_space<semaphore_mem>>) attributes {dimension_semantics = [#tpu.dimension_semantics<core_parallel>, #tpu.dimension_semantics<subcore_parallel>], iteration_bounds = array<i64: 2, 16>, scalar_prefetch = 0 : i64, scratch_operands = 19 : i64, tpu.core_type = #tpu.core_type<sc_vector_subcore>, window_params = [{transform_indices = #map}, {transform_indices = #map}, {transform_indices = #map}, {transform_indices = #map}, {transform_indices = #map1}, {transform_indices = #map1}, {transform_indices = #map1}, {transform_indices = #map1}, {transform_indices = #map}, {transform_indices = #map}, {transform_indices = #map}, {transform_indices = #map}, {transform_indices = #map}]} {
    %eq3A = arith.constant 0 : i32
    %eq3A_0 = arith.cmpi eq, %arg0, %eq3A : i32
    %convert_element_type3A = arith.extui %eq3A_0 : i1 to i32
    %cond3A = arith.constant 0 : i32
    %cond3A_1 = arith.cmpi ne, %convert_element_type3A, %cond3A : i32
    scf.if %cond3A_1 {
      %mul3A = arith.constant 6272 : i32
      %mul3A_7 = arith.muli %arg1, %mul3A : i32
      "tpu.region"() ({
        %run_scoped3A = tpu.sem_alloc : memref<!tpu.dma_semaphore, #tpu.memory_space<semaphore_mem>>
        %dma_start3A_83 = arith.constant 0 : i32
        %dma_start3A_84 = tpu.memref_slice %arg15[%mul3A_7, %dma_start3A_83] : memref<100352x16xf32, #tpu.memory_space<vmem_shared>> -> memref<6272x16xf32, #tpu.memory_space<vmem_shared>>
        tpu.enqueue_dma source(%arg10 : memref<6272x16xf32, #tpu.memory_space<hbm>>) target(%dma_start3A_84 : memref<6272x16xf32, #tpu.memory_space<vmem_shared>>) target_semaphore(%run_scoped3A : memref<!tpu.dma_semaphore, #tpu.memory_space<semaphore_mem>>)
        %dma_wait3A_85 = arith.constant 0 : i32
        %dma_wait3A_86 = tpu.memref_slice %arg15[%mul3A_7, %dma_wait3A_85] : memref<100352x16xf32, #tpu.memory_space<vmem_shared>> -> memref<6272x16xf32, #tpu.memory_space<vmem_shared>>
        tpu.wait_dma2 semaphore(%run_scoped3A : memref<!tpu.dma_semaphore, #tpu.memory_space<semaphore_mem>>) src(%arg10 : memref<6272x16xf32, #tpu.memory_space<hbm>>) dst(%dma_wait3A_86 : memref<6272x16xf32, #tpu.memory_space<vmem_shared>>)
        tpu.yield
      }) : () -> ()
      %barrier3A = arith.constant 0 : index
      tpu.barrier barrier_id(%barrier3A)
      %mul3A_8 = arith.constant 100352 : i32
      %mul3A_9 = arith.muli %arg1, %mul3A_8 : i32
      %add3A = arith.constant 0 : i32
      %add3A_10 = arith.addi %mul3A_9, %add3A : i32
      %dma_start3A = tpu.memref_slice %arg6[%add3A_10] : memref<1605632xi32, #tpu.memory_space<hbm>> -> memref<512xi32, #tpu.memory_space<hbm>>
      %dma_start3A_11 = tpu.memref_slice %arg6[%add3A_10] : memref<1605632xi32, #tpu.memory_space<hbm>> -> memref<512xi32, #tpu.memory_space<hbm>>
      tpu.enqueue_dma source(%dma_start3A_11 : memref<512xi32, #tpu.memory_space<hbm>>) target(%arg16 : memref<512xi32, #tpu.memory_space<vmem>>) target_semaphore(%arg30 : memref<!tpu.dma_semaphore, #tpu.memory_space<semaphore_mem>>)
      %dma_start3A_12 = tpu.memref_slice %arg7[%add3A_10] : memref<1605632xi32, #tpu.memory_space<hbm>> -> memref<512xi32, #tpu.memory_space<hbm>>
      %dma_start3A_13 = tpu.memref_slice %arg7[%add3A_10] : memref<1605632xi32, #tpu.memory_space<hbm>> -> memref<512xi32, #tpu.memory_space<hbm>>
      tpu.enqueue_dma source(%dma_start3A_13 : memref<512xi32, #tpu.memory_space<hbm>>) target(%arg20 : memref<512xi32, #tpu.memory_space<vmem>>) target_semaphore(%arg30 : memref<!tpu.dma_semaphore, #tpu.memory_space<semaphore_mem>>)
      %add3A_14 = arith.constant 512 : i32
      %add3A_15 = arith.addi %mul3A_9, %add3A_14 : i32
      %dma_start3A_16 = tpu.memref_slice %arg6[%add3A_15] : memref<1605632xi32, #tpu.memory_space<hbm>> -> memref<512xi32, #tpu.memory_space<hbm>>
      %dma_start3A_17 = tpu.memref_slice %arg6[%add3A_15] : memref<1605632xi32, #tpu.memory_space<hbm>> -> memref<512xi32, #tpu.memory_space<hbm>>
      tpu.enqueue_dma source(%dma_start3A_17 : memref<512xi32, #tpu.memory_space<hbm>>) target(%arg17 : memref<512xi32, #tpu.memory_space<vmem>>) target_semaphore(%arg31 : memref<!tpu.dma_semaphore, #tpu.memory_space<semaphore_mem>>)
      %dma_start3A_18 = tpu.memref_slice %arg7[%add3A_15] : memref<1605632xi32, #tpu.memory_space<hbm>> -> memref<512xi32, #tpu.memory_space<hbm>>
      %dma_start3A_19 = tpu.memref_slice %arg7[%add3A_15] : memref<1605632xi32, #tpu.memory_space<hbm>> -> memref<512xi32, #tpu.memory_space<hbm>>
      tpu.enqueue_dma source(%dma_start3A_19 : memref<512xi32, #tpu.memory_space<hbm>>) target(%arg21 : memref<512xi32, #tpu.memory_space<vmem>>) target_semaphore(%arg31 : memref<!tpu.dma_semaphore, #tpu.memory_space<semaphore_mem>>)
      %add3A_20 = arith.constant 0 : i32
      %add3A_21 = arith.addi %mul3A_9, %add3A_20 : i32
      %dma_wait3A = tpu.memref_slice %arg6[%add3A_21] : memref<1605632xi32, #tpu.memory_space<hbm>> -> memref<512xi32, #tpu.memory_space<hbm>>
      %dma_wait3A_22 = tpu.memref_slice %arg6[%add3A_21] : memref<1605632xi32, #tpu.memory_space<hbm>> -> memref<512xi32, #tpu.memory_space<hbm>>
      tpu.wait_dma2 semaphore(%arg30 : memref<!tpu.dma_semaphore, #tpu.memory_space<semaphore_mem>>) src(%dma_wait3A_22 : memref<512xi32, #tpu.memory_space<hbm>>) dst(%arg16 : memref<512xi32, #tpu.memory_space<vmem>>)
      %dma_wait3A_23 = tpu.memref_slice %arg7[%add3A_21] : memref<1605632xi32, #tpu.memory_space<hbm>> -> memref<512xi32, #tpu.memory_space<hbm>>
      %dma_wait3A_24 = tpu.memref_slice %arg7[%add3A_21] : memref<1605632xi32, #tpu.memory_space<hbm>> -> memref<512xi32, #tpu.memory_space<hbm>>
      tpu.wait_dma2 semaphore(%arg30 : memref<!tpu.dma_semaphore, #tpu.memory_space<semaphore_mem>>) src(%dma_wait3A_24 : memref<512xi32, #tpu.memory_space<hbm>>) dst(%arg20 : memref<512xi32, #tpu.memory_space<vmem>>)
      %dma_start3A_25 = arith.constant 0 : i32
      %dma_start3A_26 = arith.constant 0 : i32
      %dma_start3A_27 = tpu.memref_slice %arg2[%dma_start3A_25, %dma_start3A_26] : memref<100352x16xf32, #tpu.memory_space<hbm>> -> memref<100352x16xf32, #tpu.memory_space<hbm>>
      tpu.enqueue_indirect_dma source(%dma_start3A_27 : memref<100352x16xf32, #tpu.memory_space<hbm>>) target(%arg24 : memref<512x16xf32, #tpu.memory_space<vmem>>) offsets(%arg16 : memref<512xi32, #tpu.memory_space<vmem>>) semaphore(%arg26 : memref<!tpu.dma_semaphore, #tpu.memory_space<semaphore_mem>>)
      %scan3A = arith.constant 0 : i32
      %scan3A_28 = arith.constant 0 : i32
      %scan3A_29 = arith.constant 49 : i32
      %scan3A_30 = arith.addi %scan3A_28, %scan3A_29 : i32
      %scan3A_31 = arith.constant 1 : i32
      scf.for %scan3A_83 = %scan3A_28 to %scan3A_30 step %scan3A_31  : i32 {
        %mul3A_84 = arith.constant 4 : i32
        %mul3A_85 = arith.muli %scan3A_83, %mul3A_84 : i32
        %add3A_86 = arith.constant 0 : i32
        %add3A_87 = arith.addi %mul3A_85, %add3A_86 : i32
        %add3A_88 = arith.constant 2 : i32
        %add3A_89 = arith.addi %add3A_87, %add3A_88 : i32
        %lt3A = arith.constant 196 : i32
        %lt3A_90 = arith.cmpi slt, %add3A_89, %lt3A : i32
        %convert_element_type3A_91 = arith.extui %lt3A_90 : i1 to i32
        %cond3A_92 = arith.constant 0 : i32
        %cond3A_93 = arith.cmpi ne, %convert_element_type3A_91, %cond3A_92 : i32
        scf.if %cond3A_93 {
          %add3A_198 = arith.constant 2 : i32
          %add3A_199 = arith.addi %add3A_87, %add3A_198 : i32
          %mul3A_200 = arith.constant 512 : i32
          %mul3A_201 = arith.muli %add3A_199, %mul3A_200 : i32
          %add3A_202 = arith.addi %mul3A_9, %mul3A_201 : i32
          %dma_start3A_203 = tpu.memref_slice %arg6[%add3A_202] : memref<1605632xi32, #tpu.memory_space<hbm>> -> memref<512xi32, #tpu.memory_space<hbm>>
          %dma_start3A_204 = tpu.memref_slice %arg6[%add3A_202] : memref<1605632xi32, #tpu.memory_space<hbm>> -> memref<512xi32, #tpu.memory_space<hbm>>
          tpu.enqueue_dma source(%dma_start3A_204 : memref<512xi32, #tpu.memory_space<hbm>>) target(%arg18 : memref<512xi32, #tpu.memory_space<vmem>>) target_semaphore(%arg32 : memref<!tpu.dma_semaphore, #tpu.memory_space<semaphore_mem>>)
          %dma_start3A_205 = tpu.memref_slice %arg7[%add3A_202] : memref<1605632xi32, #tpu.memory_space<hbm>> -> memref<512xi32, #tpu.memory_space<hbm>>
          %dma_start3A_206 = tpu.memref_slice %arg7[%add3A_202] : memref<1605632xi32, #tpu.memory_space<hbm>> -> memref<512xi32, #tpu.memory_space<hbm>>
          tpu.enqueue_dma source(%dma_start3A_206 : memref<512xi32, #tpu.memory_space<hbm>>) target(%arg22 : memref<512xi32, #tpu.memory_space<vmem>>) target_semaphore(%arg32 : memref<!tpu.dma_semaphore, #tpu.memory_space<semaphore_mem>>)
        } else {
        }
        %dma_wait3A_94 = arith.constant 0 : i32
        %dma_wait3A_95 = arith.constant 0 : i32
        %dma_wait3A_96 = tpu.memref_slice %arg2[%dma_wait3A_94, %dma_wait3A_95] : memref<100352x16xf32, #tpu.memory_space<hbm>> -> memref<100352x16xf32, #tpu.memory_space<hbm>>
        tpu.wait_indirect_dma semaphore(%arg26 : memref<!tpu.dma_semaphore, #tpu.memory_space<semaphore_mem>>) src(%dma_wait3A_96 : memref<100352x16xf32, #tpu.memory_space<hbm>>) dst(%arg24 : memref<512x16xf32, #tpu.memory_space<vmem>>)
        %dma_start3A_97 = arith.constant 0 : i32
        %dma_start3A_98 = arith.constant 0 : i32
        %dma_start3A_99 = tpu.memref_slice %arg15[%dma_start3A_97, %dma_start3A_98] : memref<100352x16xf32, #tpu.memory_space<vmem_shared>> -> memref<100352x16xf32, #tpu.memory_space<vmem_shared>>
        tpu.enqueue_indirect_dma source(%arg24 : memref<512x16xf32, #tpu.memory_space<vmem>>) target(%dma_start3A_99 : memref<100352x16xf32, #tpu.memory_space<vmem_shared>>) offsets(%arg20 : memref<512xi32, #tpu.memory_space<vmem>>) semaphore(%arg28 : memref<!tpu.dma_semaphore, #tpu.memory_space<semaphore_mem>>) {add = true}
        %gt3A = arith.constant 0 : i32
        %gt3A_100 = arith.cmpi sgt, %add3A_87, %gt3A : i32
        %convert_element_type3A_101 = arith.extui %gt3A_100 : i1 to i32
        %cond3A_102 = arith.constant 0 : i32
        %cond3A_103 = arith.cmpi ne, %convert_element_type3A_101, %cond3A_102 : i32
        scf.if %cond3A_103 {
          %dma_wait3A_198 = arith.constant 0 : i32
          %dma_wait3A_199 = arith.constant 0 : i32
          %dma_wait3A_200 = tpu.memref_slice %arg15[%dma_wait3A_198, %dma_wait3A_199] : memref<100352x16xf32, #tpu.memory_space<vmem_shared>> -> memref<100352x16xf32, #tpu.memory_space<vmem_shared>>
          tpu.wait_indirect_dma semaphore(%arg29 : memref<!tpu.dma_semaphore, #tpu.memory_space<semaphore_mem>>) src(%arg25 : memref<512x16xf32, #tpu.memory_space<vmem>>) dst(%dma_wait3A_200 : memref<100352x16xf32, #tpu.memory_space<vmem_shared>>)
        } else {
        }
        %add3A_104 = arith.constant 1 : i32
        %add3A_105 = arith.addi %add3A_87, %add3A_104 : i32
        %lt3A_106 = arith.constant 196 : i32
        %lt3A_107 = arith.cmpi slt, %add3A_105, %lt3A_106 : i32
        %convert_element_type3A_108 = arith.extui %lt3A_107 : i1 to i32
        %cond3A_109 = arith.constant 0 : i32
        %cond3A_110 = arith.cmpi ne, %convert_element_type3A_108, %cond3A_109 : i32
        scf.if %cond3A_110 {
          %add3A_198 = arith.constant 1 : i32
          %add3A_199 = arith.addi %add3A_87, %add3A_198 : i32
          %mul3A_200 = arith.constant 512 : i32
          %mul3A_201 = arith.muli %add3A_199, %mul3A_200 : i32
          %add3A_202 = arith.addi %mul3A_9, %mul3A_201 : i32
          %dma_wait3A_203 = tpu.memref_slice %arg6[%add3A_202] : memref<1605632xi32, #tpu.memory_space<hbm>> -> memref<512xi32, #tpu.memory_space<hbm>>
          %dma_wait3A_204 = tpu.memref_slice %arg6[%add3A_202] : memref<1605632xi32, #tpu.memory_space<hbm>> -> memref<512xi32, #tpu.memory_space<hbm>>
          tpu.wait_dma2 semaphore(%arg31 : memref<!tpu.dma_semaphore, #tpu.memory_space<semaphore_mem>>) src(%dma_wait3A_204 : memref<512xi32, #tpu.memory_space<hbm>>) dst(%arg17 : memref<512xi32, #tpu.memory_space<vmem>>)
          %dma_wait3A_205 = tpu.memref_slice %arg7[%add3A_202] : memref<1605632xi32, #tpu.memory_space<hbm>> -> memref<512xi32, #tpu.memory_space<hbm>>
          %dma_wait3A_206 = tpu.memref_slice %arg7[%add3A_202] : memref<1605632xi32, #tpu.memory_space<hbm>> -> memref<512xi32, #tpu.memory_space<hbm>>
          tpu.wait_dma2 semaphore(%arg31 : memref<!tpu.dma_semaphore, #tpu.memory_space<semaphore_mem>>) src(%dma_wait3A_206 : memref<512xi32, #tpu.memory_space<hbm>>) dst(%arg21 : memref<512xi32, #tpu.memory_space<vmem>>)
          %dma_start3A_207 = arith.constant 0 : i32
          %dma_start3A_208 = arith.constant 0 : i32
          %dma_start3A_209 = tpu.memref_slice %arg2[%dma_start3A_207, %dma_start3A_208] : memref<100352x16xf32, #tpu.memory_space<hbm>> -> memref<100352x16xf32, #tpu.memory_space<hbm>>
          tpu.enqueue_indirect_dma source(%dma_start3A_209 : memref<100352x16xf32, #tpu.memory_space<hbm>>) target(%arg25 : memref<512x16xf32, #tpu.memory_space<vmem>>) offsets(%arg17 : memref<512xi32, #tpu.memory_space<vmem>>) semaphore(%arg27 : memref<!tpu.dma_semaphore, #tpu.memory_space<semaphore_mem>>)
        } else {
        }
        %mul3A_111 = arith.constant 4 : i32
        %mul3A_112 = arith.muli %scan3A_83, %mul3A_111 : i32
        %add3A_113 = arith.constant 1 : i32
        %add3A_114 = arith.addi %mul3A_112, %add3A_113 : i32
        %add3A_115 = arith.constant 2 : i32
        %add3A_116 = arith.addi %add3A_114, %add3A_115 : i32
        %lt3A_117 = arith.constant 196 : i32
        %lt3A_118 = arith.cmpi slt, %add3A_116, %lt3A_117 : i32
        %convert_element_type3A_119 = arith.extui %lt3A_118 : i1 to i32
        %cond3A_120 = arith.constant 0 : i32
        %cond3A_121 = arith.cmpi ne, %convert_element_type3A_119, %cond3A_120 : i32
        scf.if %cond3A_121 {
          %add3A_198 = arith.constant 2 : i32
          %add3A_199 = arith.addi %add3A_114, %add3A_198 : i32
          %mul3A_200 = arith.constant 512 : i32
          %mul3A_201 = arith.muli %add3A_199, %mul3A_200 : i32
          %add3A_202 = arith.addi %mul3A_9, %mul3A_201 : i32
          %dma_start3A_203 = tpu.memref_slice %arg6[%add3A_202] : memref<1605632xi32, #tpu.memory_space<hbm>> -> memref<512xi32, #tpu.memory_space<hbm>>
          %dma_start3A_204 = tpu.memref_slice %arg6[%add3A_202] : memref<1605632xi32, #tpu.memory_space<hbm>> -> memref<512xi32, #tpu.memory_space<hbm>>
          tpu.enqueue_dma source(%dma_start3A_204 : memref<512xi32, #tpu.memory_space<hbm>>) target(%arg19 : memref<512xi32, #tpu.memory_space<vmem>>) target_semaphore(%arg33 : memref<!tpu.dma_semaphore, #tpu.memory_space<semaphore_mem>>)
          %dma_start3A_205 = tpu.memref_slice %arg7[%add3A_202] : memref<1605632xi32, #tpu.memory_space<hbm>> -> memref<512xi32, #tpu.memory_space<hbm>>
          %dma_start3A_206 = tpu.memref_slice %arg7[%add3A_202] : memref<1605632xi32, #tpu.memory_space<hbm>> -> memref<512xi32, #tpu.memory_space<hbm>>
          tpu.enqueue_dma source(%dma_start3A_206 : memref<512xi32, #tpu.memory_space<hbm>>) target(%arg23 : memref<512xi32, #tpu.memory_space<vmem>>) target_semaphore(%arg33 : memref<!tpu.dma_semaphore, #tpu.memory_space<semaphore_mem>>)
        } else {
        }
        %dma_wait3A_122 = arith.constant 0 : i32
        %dma_wait3A_123 = arith.constant 0 : i32
        %dma_wait3A_124 = tpu.memref_slice %arg2[%dma_wait3A_122, %dma_wait3A_123] : memref<100352x16xf32, #tpu.memory_space<hbm>> -> memref<100352x16xf32, #tpu.memory_space<hbm>>
        tpu.wait_indirect_dma semaphore(%arg27 : memref<!tpu.dma_semaphore, #tpu.memory_space<semaphore_mem>>) src(%dma_wait3A_124 : memref<100352x16xf32, #tpu.memory_space<hbm>>) dst(%arg25 : memref<512x16xf32, #tpu.memory_space<vmem>>)
        %dma_start3A_125 = arith.constant 0 : i32
        %dma_start3A_126 = arith.constant 0 : i32
        %dma_start3A_127 = tpu.memref_slice %arg15[%dma_start3A_125, %dma_start3A_126] : memref<100352x16xf32, #tpu.memory_space<vmem_shared>> -> memref<100352x16xf32, #tpu.memory_space<vmem_shared>>
        tpu.enqueue_indirect_dma source(%arg25 : memref<512x16xf32, #tpu.memory_space<vmem>>) target(%dma_start3A_127 : memref<100352x16xf32, #tpu.memory_space<vmem_shared>>) offsets(%arg21 : memref<512xi32, #tpu.memory_space<vmem>>) semaphore(%arg29 : memref<!tpu.dma_semaphore, #tpu.memory_space<semaphore_mem>>) {add = true}
        %gt3A_128 = arith.constant 0 : i32
        %gt3A_129 = arith.cmpi sgt, %add3A_114, %gt3A_128 : i32
        %convert_element_type3A_130 = arith.extui %gt3A_129 : i1 to i32
        %cond3A_131 = arith.constant 0 : i32
        %cond3A_132 = arith.cmpi ne, %convert_element_type3A_130, %cond3A_131 : i32
        scf.if %cond3A_132 {
          %dma_wait3A_198 = arith.constant 0 : i32
          %dma_wait3A_199 = arith.constant 0 : i32
          %dma_wait3A_200 = tpu.memref_slice %arg15[%dma_wait3A_198, %dma_wait3A_199] : memref<100352x16xf32, #tpu.memory_space<vmem_shared>> -> memref<100352x16xf32, #tpu.memory_space<vmem_shared>>
          tpu.wait_indirect_dma semaphore(%arg28 : memref<!tpu.dma_semaphore, #tpu.memory_space<semaphore_mem>>) src(%arg24 : memref<512x16xf32, #tpu.memory_space<vmem>>) dst(%dma_wait3A_200 : memref<100352x16xf32, #tpu.memory_space<vmem_shared>>)
        } else {
        }
        %add3A_133 = arith.constant 1 : i32
        %add3A_134 = arith.addi %add3A_114, %add3A_133 : i32
        %lt3A_135 = arith.constant 196 : i32
        %lt3A_136 = arith.cmpi slt, %add3A_134, %lt3A_135 : i32
        %convert_element_type3A_137 = arith.extui %lt3A_136 : i1 to i32
        %cond3A_138 = arith.constant 0 : i32
        %cond3A_139 = arith.cmpi ne, %convert_element_type3A_137, %cond3A_138 : i32
        scf.if %cond3A_139 {
          %add3A_198 = arith.constant 1 : i32
          %add3A_199 = arith.addi %add3A_114, %add3A_198 : i32
          %mul3A_200 = arith.constant 512 : i32
          %mul3A_201 = arith.muli %add3A_199, %mul3A_200 : i32
          %add3A_202 = arith.addi %mul3A_9, %mul3A_201 : i32
          %dma_wait3A_203 = tpu.memref_slice %arg6[%add3A_202] : memref<1605632xi32, #tpu.memory_space<hbm>> -> memref<512xi32, #tpu.memory_space<hbm>>
          %dma_wait3A_204 = tpu.memref_slice %arg6[%add3A_202] : memref<1605632xi32, #tpu.memory_space<hbm>> -> memref<512xi32, #tpu.memory_space<hbm>>
          tpu.wait_dma2 semaphore(%arg32 : memref<!tpu.dma_semaphore, #tpu.memory_space<semaphore_mem>>) src(%dma_wait3A_204 : memref<512xi32, #tpu.memory_space<hbm>>) dst(%arg18 : memref<512xi32, #tpu.memory_space<vmem>>)
          %dma_wait3A_205 = tpu.memref_slice %arg7[%add3A_202] : memref<1605632xi32, #tpu.memory_space<hbm>> -> memref<512xi32, #tpu.memory_space<hbm>>
          %dma_wait3A_206 = tpu.memref_slice %arg7[%add3A_202] : memref<1605632xi32, #tpu.memory_space<hbm>> -> memref<512xi32, #tpu.memory_space<hbm>>
          tpu.wait_dma2 semaphore(%arg32 : memref<!tpu.dma_semaphore, #tpu.memory_space<semaphore_mem>>) src(%dma_wait3A_206 : memref<512xi32, #tpu.memory_space<hbm>>) dst(%arg22 : memref<512xi32, #tpu.memory_space<vmem>>)
          %dma_start3A_207 = arith.constant 0 : i32
          %dma_start3A_208 = arith.constant 0 : i32
          %dma_start3A_209 = tpu.memref_slice %arg2[%dma_start3A_207, %dma_start3A_208] : memref<100352x16xf32, #tpu.memory_space<hbm>> -> memref<100352x16xf32, #tpu.memory_space<hbm>>
          tpu.enqueue_indirect_dma source(%dma_start3A_209 : memref<100352x16xf32, #tpu.memory_space<hbm>>) target(%arg24 : memref<512x16xf32, #tpu.memory_space<vmem>>) offsets(%arg18 : memref<512xi32, #tpu.memory_space<vmem>>) semaphore(%arg26 : memref<!tpu.dma_semaphore, #tpu.memory_space<semaphore_mem>>)
        } else {
        }
        %mul3A_140 = arith.constant 4 : i32
        %mul3A_141 = arith.muli %scan3A_83, %mul3A_140 : i32
        %add3A_142 = arith.constant 2 : i32
        %add3A_143 = arith.addi %mul3A_141, %add3A_142 : i32
        %add3A_144 = arith.constant 2 : i32
        %add3A_145 = arith.addi %add3A_143, %add3A_144 : i32
        %lt3A_146 = arith.constant 196 : i32
        %lt3A_147 = arith.cmpi slt, %add3A_145, %lt3A_146 : i32
        %convert_element_type3A_148 = arith.extui %lt3A_147 : i1 to i32
        %cond3A_149 = arith.constant 0 : i32
        %cond3A_150 = arith.cmpi ne, %convert_element_type3A_148, %cond3A_149 : i32
        scf.if %cond3A_150 {
          %add3A_198 = arith.constant 2 : i32
          %add3A_199 = arith.addi %add3A_143, %add3A_198 : i32
          %mul3A_200 = arith.constant 512 : i32
          %mul3A_201 = arith.muli %add3A_199, %mul3A_200 : i32
          %add3A_202 = arith.addi %mul3A_9, %mul3A_201 : i32
          %dma_start3A_203 = tpu.memref_slice %arg6[%add3A_202] : memref<1605632xi32, #tpu.memory_space<hbm>> -> memref<512xi32, #tpu.memory_space<hbm>>
          %dma_start3A_204 = tpu.memref_slice %arg6[%add3A_202] : memref<1605632xi32, #tpu.memory_space<hbm>> -> memref<512xi32, #tpu.memory_space<hbm>>
          tpu.enqueue_dma source(%dma_start3A_204 : memref<512xi32, #tpu.memory_space<hbm>>) target(%arg16 : memref<512xi32, #tpu.memory_space<vmem>>) target_semaphore(%arg30 : memref<!tpu.dma_semaphore, #tpu.memory_space<semaphore_mem>>)
          %dma_start3A_205 = tpu.memref_slice %arg7[%add3A_202] : memref<1605632xi32, #tpu.memory_space<hbm>> -> memref<512xi32, #tpu.memory_space<hbm>>
          %dma_start3A_206 = tpu.memref_slice %arg7[%add3A_202] : memref<1605632xi32, #tpu.memory_space<hbm>> -> memref<512xi32, #tpu.memory_space<hbm>>
          tpu.enqueue_dma source(%dma_start3A_206 : memref<512xi32, #tpu.memory_space<hbm>>) target(%arg20 : memref<512xi32, #tpu.memory_space<vmem>>) target_semaphore(%arg30 : memref<!tpu.dma_semaphore, #tpu.memory_space<semaphore_mem>>)
        } else {
        }
        %dma_wait3A_151 = arith.constant 0 : i32
        %dma_wait3A_152 = arith.constant 0 : i32
        %dma_wait3A_153 = tpu.memref_slice %arg2[%dma_wait3A_151, %dma_wait3A_152] : memref<100352x16xf32, #tpu.memory_space<hbm>> -> memref<100352x16xf32, #tpu.memory_space<hbm>>
        tpu.wait_indirect_dma semaphore(%arg26 : memref<!tpu.dma_semaphore, #tpu.memory_space<semaphore_mem>>) src(%dma_wait3A_153 : memref<100352x16xf32, #tpu.memory_space<hbm>>) dst(%arg24 : memref<512x16xf32, #tpu.memory_space<vmem>>)
        %dma_start3A_154 = arith.constant 0 : i32
        %dma_start3A_155 = arith.constant 0 : i32
        %dma_start3A_156 = tpu.memref_slice %arg15[%dma_start3A_154, %dma_start3A_155] : memref<100352x16xf32, #tpu.memory_space<vmem_shared>> -> memref<100352x16xf32, #tpu.memory_space<vmem_shared>>
        tpu.enqueue_indirect_dma source(%arg24 : memref<512x16xf32, #tpu.memory_space<vmem>>) target(%dma_start3A_156 : memref<100352x16xf32, #tpu.memory_space<vmem_shared>>) offsets(%arg22 : memref<512xi32, #tpu.memory_space<vmem>>) semaphore(%arg28 : memref<!tpu.dma_semaphore, #tpu.memory_space<semaphore_mem>>) {add = true}
        %gt3A_157 = arith.constant 0 : i32
        %gt3A_158 = arith.cmpi sgt, %add3A_143, %gt3A_157 : i32
        %convert_element_type3A_159 = arith.extui %gt3A_158 : i1 to i32
        %cond3A_160 = arith.constant 0 : i32
        %cond3A_161 = arith.cmpi ne, %convert_element_type3A_159, %cond3A_160 : i32
        scf.if %cond3A_161 {
          %dma_wait3A_198 = arith.constant 0 : i32
          %dma_wait3A_199 = arith.constant 0 : i32
          %dma_wait3A_200 = tpu.memref_slice %arg15[%dma_wait3A_198, %dma_wait3A_199] : memref<100352x16xf32, #tpu.memory_space<vmem_shared>> -> memref<100352x16xf32, #tpu.memory_space<vmem_shared>>
          tpu.wait_indirect_dma semaphore(%arg29 : memref<!tpu.dma_semaphore, #tpu.memory_space<semaphore_mem>>) src(%arg25 : memref<512x16xf32, #tpu.memory_space<vmem>>) dst(%dma_wait3A_200 : memref<100352x16xf32, #tpu.memory_space<vmem_shared>>)
        } else {
        }
        %add3A_162 = arith.constant 1 : i32
        %add3A_163 = arith.addi %add3A_143, %add3A_162 : i32
        %lt3A_164 = arith.constant 196 : i32
        %lt3A_165 = arith.cmpi slt, %add3A_163, %lt3A_164 : i32
        %convert_element_type3A_166 = arith.extui %lt3A_165 : i1 to i32
        %cond3A_167 = arith.constant 0 : i32
        %cond3A_168 = arith.cmpi ne, %convert_element_type3A_166, %cond3A_167 : i32
        scf.if %cond3A_168 {
          %add3A_198 = arith.constant 1 : i32
          %add3A_199 = arith.addi %add3A_143, %add3A_198 : i32
          %mul3A_200 = arith.constant 512 : i32
          %mul3A_201 = arith.muli %add3A_199, %mul3A_200 : i32
          %add3A_202 = arith.addi %mul3A_9, %mul3A_201 : i32
          %dma_wait3A_203 = tpu.memref_slice %arg6[%add3A_202] : memref<1605632xi32, #tpu.memory_space<hbm>> -> memref<512xi32, #tpu.memory_space<hbm>>
          %dma_wait3A_204 = tpu.memref_slice %arg6[%add3A_202] : memref<1605632xi32, #tpu.memory_space<hbm>> -> memref<512xi32, #tpu.memory_space<hbm>>
          tpu.wait_dma2 semaphore(%arg33 : memref<!tpu.dma_semaphore, #tpu.memory_space<semaphore_mem>>) src(%dma_wait3A_204 : memref<512xi32, #tpu.memory_space<hbm>>) dst(%arg19 : memref<512xi32, #tpu.memory_space<vmem>>)
          %dma_wait3A_205 = tpu.memref_slice %arg7[%add3A_202] : memref<1605632xi32, #tpu.memory_space<hbm>> -> memref<512xi32, #tpu.memory_space<hbm>>
          %dma_wait3A_206 = tpu.memref_slice %arg7[%add3A_202] : memref<1605632xi32, #tpu.memory_space<hbm>> -> memref<512xi32, #tpu.memory_space<hbm>>
          tpu.wait_dma2 semaphore(%arg33 : memref<!tpu.dma_semaphore, #tpu.memory_space<semaphore_mem>>) src(%dma_wait3A_206 : memref<512xi32, #tpu.memory_space<hbm>>) dst(%arg23 : memref<512xi32, #tpu.memory_space<vmem>>)
          %dma_start3A_207 = arith.constant 0 : i32
          %dma_start3A_208 = arith.constant 0 : i32
          %dma_start3A_209 = tpu.memref_slice %arg2[%dma_start3A_207, %dma_start3A_208] : memref<100352x16xf32, #tpu.memory_space<hbm>> -> memref<100352x16xf32, #tpu.memory_space<hbm>>
          tpu.enqueue_indirect_dma source(%dma_start3A_209 : memref<100352x16xf32, #tpu.memory_space<hbm>>) target(%arg25 : memref<512x16xf32, #tpu.memory_space<vmem>>) offsets(%arg19 : memref<512xi32, #tpu.memory_space<vmem>>) semaphore(%arg27 : memref<!tpu.dma_semaphore, #tpu.memory_space<semaphore_mem>>)
        } else {
        }
        %mul3A_169 = arith.constant 4 : i32
        %mul3A_170 = arith.muli %scan3A_83, %mul3A_169 : i32
        %add3A_171 = arith.constant 3 : i32
        %add3A_172 = arith.addi %mul3A_170, %add3A_171 : i32
        %add3A_173 = arith.constant 2 : i32
        %add3A_174 = arith.addi %add3A_172, %add3A_173 : i32
        %lt3A_175 = arith.constant 196 : i32
        %lt3A_176 = arith.cmpi slt, %add3A_174, %lt3A_175 : i32
        %convert_element_type3A_177 = arith.extui %lt3A_176 : i1 to i32
        %cond3A_178 = arith.constant 0 : i32
        %cond3A_179 = arith.cmpi ne, %convert_element_type3A_177, %cond3A_178 : i32
        scf.if %cond3A_179 {
          %add3A_198 = arith.constant 2 : i32
          %add3A_199 = arith.addi %add3A_172, %add3A_198 : i32
          %mul3A_200 = arith.constant 512 : i32
          %mul3A_201 = arith.muli %add3A_199, %mul3A_200 : i32
          %add3A_202 = arith.addi %mul3A_9, %mul3A_201 : i32
          %dma_start3A_203 = tpu.memref_slice %arg6[%add3A_202] : memref<1605632xi32, #tpu.memory_space<hbm>> -> memref<512xi32, #tpu.memory_space<hbm>>
          %dma_start3A_204 = tpu.memref_slice %arg6[%add3A_202] : memref<1605632xi32, #tpu.memory_space<hbm>> -> memref<512xi32, #tpu.memory_space<hbm>>
          tpu.enqueue_dma source(%dma_start3A_204 : memref<512xi32, #tpu.memory_space<hbm>>) target(%arg17 : memref<512xi32, #tpu.memory_space<vmem>>) target_semaphore(%arg31 : memref<!tpu.dma_semaphore, #tpu.memory_space<semaphore_mem>>)
          %dma_start3A_205 = tpu.memref_slice %arg7[%add3A_202] : memref<1605632xi32, #tpu.memory_space<hbm>> -> memref<512xi32, #tpu.memory_space<hbm>>
          %dma_start3A_206 = tpu.memref_slice %arg7[%add3A_202] : memref<1605632xi32, #tpu.memory_space<hbm>> -> memref<512xi32, #tpu.memory_space<hbm>>
          tpu.enqueue_dma source(%dma_start3A_206 : memref<512xi32, #tpu.memory_space<hbm>>) target(%arg21 : memref<512xi32, #tpu.memory_space<vmem>>) target_semaphore(%arg31 : memref<!tpu.dma_semaphore, #tpu.memory_space<semaphore_mem>>)
        } else {
        }
        %dma_wait3A_180 = arith.constant 0 : i32
        %dma_wait3A_181 = arith.constant 0 : i32
        %dma_wait3A_182 = tpu.memref_slice %arg2[%dma_wait3A_180, %dma_wait3A_181] : memref<100352x16xf32, #tpu.memory_space<hbm>> -> memref<100352x16xf32, #tpu.memory_space<hbm>>
        tpu.wait_indirect_dma semaphore(%arg27 : memref<!tpu.dma_semaphore, #tpu.memory_space<semaphore_mem>>) src(%dma_wait3A_182 : memref<100352x16xf32, #tpu.memory_space<hbm>>) dst(%arg25 : memref<512x16xf32, #tpu.memory_space<vmem>>)
        %dma_start3A_183 = arith.constant 0 : i32
        %dma_start3A_184 = arith.constant 0 : i32
        %dma_start3A_185 = tpu.memref_slice %arg15[%dma_start3A_183, %dma_start3A_184] : memref<100352x16xf32, #tpu.memory_space<vmem_shared>> -> memref<100352x16xf32, #tpu.memory_space<vmem_shared>>
        tpu.enqueue_indirect_dma source(%arg25 : memref<512x16xf32, #tpu.memory_space<vmem>>) target(%dma_start3A_185 : memref<100352x16xf32, #tpu.memory_space<vmem_shared>>) offsets(%arg23 : memref<512xi32, #tpu.memory_space<vmem>>) semaphore(%arg29 : memref<!tpu.dma_semaphore, #tpu.memory_space<semaphore_mem>>) {add = true}
        %gt3A_186 = arith.constant 0 : i32
        %gt3A_187 = arith.cmpi sgt, %add3A_172, %gt3A_186 : i32
        %convert_element_type3A_188 = arith.extui %gt3A_187 : i1 to i32
        %cond3A_189 = arith.constant 0 : i32
        %cond3A_190 = arith.cmpi ne, %convert_element_type3A_188, %cond3A_189 : i32
        scf.if %cond3A_190 {
          %dma_wait3A_198 = arith.constant 0 : i32
          %dma_wait3A_199 = arith.constant 0 : i32
          %dma_wait3A_200 = tpu.memref_slice %arg15[%dma_wait3A_198, %dma_wait3A_199] : memref<100352x16xf32, #tpu.memory_space<vmem_shared>> -> memref<100352x16xf32, #tpu.memory_space<vmem_shared>>
          tpu.wait_indirect_dma semaphore(%arg28 : memref<!tpu.dma_semaphore, #tpu.memory_space<semaphore_mem>>) src(%arg24 : memref<512x16xf32, #tpu.memory_space<vmem>>) dst(%dma_wait3A_200 : memref<100352x16xf32, #tpu.memory_space<vmem_shared>>)
        } else {
        }
        %add3A_191 = arith.constant 1 : i32
        %add3A_192 = arith.addi %add3A_172, %add3A_191 : i32
        %lt3A_193 = arith.constant 196 : i32
        %lt3A_194 = arith.cmpi slt, %add3A_192, %lt3A_193 : i32
        %convert_element_type3A_195 = arith.extui %lt3A_194 : i1 to i32
        %cond3A_196 = arith.constant 0 : i32
        %cond3A_197 = arith.cmpi ne, %convert_element_type3A_195, %cond3A_196 : i32
        scf.if %cond3A_197 {
          %add3A_198 = arith.constant 1 : i32
          %add3A_199 = arith.addi %add3A_172, %add3A_198 : i32
          %mul3A_200 = arith.constant 512 : i32
          %mul3A_201 = arith.muli %add3A_199, %mul3A_200 : i32
          %add3A_202 = arith.addi %mul3A_9, %mul3A_201 : i32
          %dma_wait3A_203 = tpu.memref_slice %arg6[%add3A_202] : memref<1605632xi32, #tpu.memory_space<hbm>> -> memref<512xi32, #tpu.memory_space<hbm>>
          %dma_wait3A_204 = tpu.memref_slice %arg6[%add3A_202] : memref<1605632xi32, #tpu.memory_space<hbm>> -> memref<512xi32, #tpu.memory_space<hbm>>
          tpu.wait_dma2 semaphore(%arg30 : memref<!tpu.dma_semaphore, #tpu.memory_space<semaphore_mem>>) src(%dma_wait3A_204 : memref<512xi32, #tpu.memory_space<hbm>>) dst(%arg16 : memref<512xi32, #tpu.memory_space<vmem>>)
          %dma_wait3A_205 = tpu.memref_slice %arg7[%add3A_202] : memref<1605632xi32, #tpu.memory_space<hbm>> -> memref<512xi32, #tpu.memory_space<hbm>>
          %dma_wait3A_206 = tpu.memref_slice %arg7[%add3A_202] : memref<1605632xi32, #tpu.memory_space<hbm>> -> memref<512xi32, #tpu.memory_space<hbm>>
          tpu.wait_dma2 semaphore(%arg30 : memref<!tpu.dma_semaphore, #tpu.memory_space<semaphore_mem>>) src(%dma_wait3A_206 : memref<512xi32, #tpu.memory_space<hbm>>) dst(%arg20 : memref<512xi32, #tpu.memory_space<vmem>>)
          %dma_start3A_207 = arith.constant 0 : i32
          %dma_start3A_208 = arith.constant 0 : i32
          %dma_start3A_209 = tpu.memref_slice %arg2[%dma_start3A_207, %dma_start3A_208] : memref<100352x16xf32, #tpu.memory_space<hbm>> -> memref<100352x16xf32, #tpu.memory_space<hbm>>
          tpu.enqueue_indirect_dma source(%dma_start3A_209 : memref<100352x16xf32, #tpu.memory_space<hbm>>) target(%arg24 : memref<512x16xf32, #tpu.memory_space<vmem>>) offsets(%arg16 : memref<512xi32, #tpu.memory_space<vmem>>) semaphore(%arg26 : memref<!tpu.dma_semaphore, #tpu.memory_space<semaphore_mem>>)
        } else {
        }
      }
      %scan3A_32 = arith.constant 49 : i32
      %dma_wait3A_33 = arith.constant 0 : i32
      %dma_wait3A_34 = arith.constant 0 : i32
      %dma_wait3A_35 = tpu.memref_slice %arg15[%dma_wait3A_33, %dma_wait3A_34] : memref<100352x16xf32, #tpu.memory_space<vmem_shared>> -> memref<100352x16xf32, #tpu.memory_space<vmem_shared>>
      tpu.wait_indirect_dma semaphore(%arg29 : memref<!tpu.dma_semaphore, #tpu.memory_space<semaphore_mem>>) src(%arg25 : memref<512x16xf32, #tpu.memory_space<vmem>>) dst(%dma_wait3A_35 : memref<100352x16xf32, #tpu.memory_space<vmem_shared>>)
      %barrier3A_36 = arith.constant 0 : index
      tpu.barrier barrier_id(%barrier3A_36)
      %mul3A_37 = arith.constant 6272 : i32
      %mul3A_38 = arith.muli %arg1, %mul3A_37 : i32
      %mul3A_39 = arith.constant 6272 : i32
      %mul3A_40 = arith.muli %arg1, %mul3A_39 : i32
      "tpu.region"() ({
        %run_scoped3A = tpu.sem_alloc : memref<!tpu.dma_semaphore, #tpu.memory_space<semaphore_mem>>
        %dma_start3A_83 = arith.constant 0 : i32
        %dma_start3A_84 = tpu.memref_slice %arg11[%mul3A_40, %dma_start3A_83] : memref<100352x16xf32, #tpu.memory_space<hbm>> -> memref<6272x16xf32, #tpu.memory_space<hbm>>
        %dma_start3A_85 = arith.constant 0 : i32
        %dma_start3A_86 = tpu.memref_slice %arg15[%mul3A_38, %dma_start3A_85] : memref<100352x16xf32, #tpu.memory_space<vmem_shared>> -> memref<6272x16xf32, #tpu.memory_space<vmem_shared>>
        tpu.enqueue_dma source(%dma_start3A_86 : memref<6272x16xf32, #tpu.memory_space<vmem_shared>>) target(%dma_start3A_84 : memref<6272x16xf32, #tpu.memory_space<hbm>>) target_semaphore(%run_scoped3A : memref<!tpu.dma_semaphore, #tpu.memory_space<semaphore_mem>>)
        %dma_wait3A_87 = arith.constant 0 : i32
        %dma_wait3A_88 = tpu.memref_slice %arg11[%mul3A_40, %dma_wait3A_87] : memref<100352x16xf32, #tpu.memory_space<hbm>> -> memref<6272x16xf32, #tpu.memory_space<hbm>>
        %dma_wait3A_89 = arith.constant 0 : i32
        %dma_wait3A_90 = tpu.memref_slice %arg15[%mul3A_38, %dma_wait3A_89] : memref<100352x16xf32, #tpu.memory_space<vmem_shared>> -> memref<6272x16xf32, #tpu.memory_space<vmem_shared>>
        tpu.wait_dma2 semaphore(%run_scoped3A : memref<!tpu.dma_semaphore, #tpu.memory_space<semaphore_mem>>) src(%dma_wait3A_90 : memref<6272x16xf32, #tpu.memory_space<vmem_shared>>) dst(%dma_wait3A_88 : memref<6272x16xf32, #tpu.memory_space<hbm>>)
        tpu.yield
      }) : () -> ()
      %barrier3A_41 = arith.constant 0 : index
      tpu.barrier barrier_id(%barrier3A_41)
      %mul3A_42 = arith.constant 6272 : i32
      %mul3A_43 = arith.muli %arg1, %mul3A_42 : i32
      "tpu.region"() ({
        %run_scoped3A = tpu.sem_alloc : memref<!tpu.dma_semaphore, #tpu.memory_space<semaphore_mem>>
        %dma_start3A_83 = arith.constant 0 : i32
        %dma_start3A_84 = tpu.memref_slice %arg15[%mul3A_43, %dma_start3A_83] : memref<100352x16xf32, #tpu.memory_space<vmem_shared>> -> memref<6272x16xf32, #tpu.memory_space<vmem_shared>>
        tpu.enqueue_dma source(%arg10 : memref<6272x16xf32, #tpu.memory_space<hbm>>) target(%dma_start3A_84 : memref<6272x16xf32, #tpu.memory_space<vmem_shared>>) target_semaphore(%run_scoped3A : memref<!tpu.dma_semaphore, #tpu.memory_space<semaphore_mem>>)
        %dma_wait3A_85 = arith.constant 0 : i32
        %dma_wait3A_86 = tpu.memref_slice %arg15[%mul3A_43, %dma_wait3A_85] : memref<100352x16xf32, #tpu.memory_space<vmem_shared>> -> memref<6272x16xf32, #tpu.memory_space<vmem_shared>>
        tpu.wait_dma2 semaphore(%run_scoped3A : memref<!tpu.dma_semaphore, #tpu.memory_space<semaphore_mem>>) src(%arg10 : memref<6272x16xf32, #tpu.memory_space<hbm>>) dst(%dma_wait3A_86 : memref<6272x16xf32, #tpu.memory_space<vmem_shared>>)
        tpu.yield
      }) : () -> ()
      %barrier3A_44 = arith.constant 0 : index
      tpu.barrier barrier_id(%barrier3A_44)
      %mul3A_45 = arith.constant 100352 : i32
      %mul3A_46 = arith.muli %arg1, %mul3A_45 : i32
      %add3A_47 = arith.constant 0 : i32
      %add3A_48 = arith.addi %mul3A_46, %add3A_47 : i32
      %dma_start3A_49 = tpu.memref_slice %arg8[%add3A_48] : memref<1605632xi32, #tpu.memory_space<hbm>> -> memref<512xi32, #tpu.memory_space<hbm>>
      %dma_start3A_50 = tpu.memref_slice %arg8[%add3A_48] : memref<1605632xi32, #tpu.memory_space<hbm>> -> memref<512xi32, #tpu.memory_space<hbm>>
      tpu.enqueue_dma source(%dma_start3A_50 : memref<512xi32, #tpu.memory_space<hbm>>) target(%arg16 : memref<512xi32, #tpu.memory_space<vmem>>) target_semaphore(%arg30 : memref<!tpu.dma_semaphore, #tpu.memory_space<semaphore_mem>>)
      %dma_start3A_51 = tpu.memref_slice %arg9[%add3A_48] : memref<1605632xi32, #tpu.memory_space<hbm>> -> memref<512xi32, #tpu.memory_space<hbm>>
      %dma_start3A_52 = tpu.memref_slice %arg9[%add3A_48] : memref<1605632xi32, #tpu.memory_space<hbm>> -> memref<512xi32, #tpu.memory_space<hbm>>
      tpu.enqueue_dma source(%dma_start3A_52 : memref<512xi32, #tpu.memory_space<hbm>>) target(%arg20 : memref<512xi32, #tpu.memory_space<vmem>>) target_semaphore(%arg30 : memref<!tpu.dma_semaphore, #tpu.memory_space<semaphore_mem>>)
      %add3A_53 = arith.constant 512 : i32
      %add3A_54 = arith.addi %mul3A_46, %add3A_53 : i32
      %dma_start3A_55 = tpu.memref_slice %arg8[%add3A_54] : memref<1605632xi32, #tpu.memory_space<hbm>> -> memref<512xi32, #tpu.memory_space<hbm>>
      %dma_start3A_56 = tpu.memref_slice %arg8[%add3A_54] : memref<1605632xi32, #tpu.memory_space<hbm>> -> memref<512xi32, #tpu.memory_space<hbm>>
      tpu.enqueue_dma source(%dma_start3A_56 : memref<512xi32, #tpu.memory_space<hbm>>) target(%arg17 : memref<512xi32, #tpu.memory_space<vmem>>) target_semaphore(%arg31 : memref<!tpu.dma_semaphore, #tpu.memory_space<semaphore_mem>>)
      %dma_start3A_57 = tpu.memref_slice %arg9[%add3A_54] : memref<1605632xi32, #tpu.memory_space<hbm>> -> memref<512xi32, #tpu.memory_space<hbm>>
      %dma_start3A_58 = tpu.memref_slice %arg9[%add3A_54] : memref<1605632xi32, #tpu.memory_space<hbm>> -> memref<512xi32, #tpu.memory_space<hbm>>
      tpu.enqueue_dma source(%dma_start3A_58 : memref<512xi32, #tpu.memory_space<hbm>>) target(%arg21 : memref<512xi32, #tpu.memory_space<vmem>>) target_semaphore(%arg31 : memref<!tpu.dma_semaphore, #tpu.memory_space<semaphore_mem>>)
      %add3A_59 = arith.constant 0 : i32
      %add3A_60 = arith.addi %mul3A_46, %add3A_59 : i32
      %dma_wait3A_61 = tpu.memref_slice %arg8[%add3A_60] : memref<1605632xi32, #tpu.memory_space<hbm>> -> memref<512xi32, #tpu.memory_space<hbm>>
      %dma_wait3A_62 = tpu.memref_slice %arg8[%add3A_60] : memref<1605632xi32, #tpu.memory_space<hbm>> -> memref<512xi32, #tpu.memory_space<hbm>>
      tpu.wait_dma2 semaphore(%arg30 : memref<!tpu.dma_semaphore, #tpu.memory_space<semaphore_mem>>) src(%dma_wait3A_62 : memref<512xi32, #tpu.memory_space<hbm>>) dst(%arg16 : memref<512xi32, #tpu.memory_space<vmem>>)
      %dma_wait3A_63 = tpu.memref_slice %arg9[%add3A_60] : memref<1605632xi32, #tpu.memory_space<hbm>> -> memref<512xi32, #tpu.memory_space<hbm>>
      %dma_wait3A_64 = tpu.memref_slice %arg9[%add3A_60] : memref<1605632xi32, #tpu.memory_space<hbm>> -> memref<512xi32, #tpu.memory_space<hbm>>
      tpu.wait_dma2 semaphore(%arg30 : memref<!tpu.dma_semaphore, #tpu.memory_space<semaphore_mem>>) src(%dma_wait3A_64 : memref<512xi32, #tpu.memory_space<hbm>>) dst(%arg20 : memref<512xi32, #tpu.memory_space<vmem>>)
      %dma_start3A_65 = arith.constant 0 : i32
      %dma_start3A_66 = arith.constant 0 : i32
      %dma_start3A_67 = tpu.memref_slice %arg4[%dma_start3A_65, %dma_start3A_66] : memref<100352x16xf32, #tpu.memory_space<hbm>> -> memref<100352x16xf32, #tpu.memory_space<hbm>>
      tpu.enqueue_indirect_dma source(%dma_start3A_67 : memref<100352x16xf32, #tpu.memory_space<hbm>>) target(%arg24 : memref<512x16xf32, #tpu.memory_space<vmem>>) offsets(%arg16 : memref<512xi32, #tpu.memory_space<vmem>>) semaphore(%arg26 : memref<!tpu.dma_semaphore, #tpu.memory_space<semaphore_mem>>)
      %scan3A_68 = arith.constant 0 : i32
      %scan3A_69 = arith.constant 0 : i32
      %scan3A_70 = arith.constant 49 : i32
      %scan3A_71 = arith.addi %scan3A_69, %scan3A_70 : i32
      %scan3A_72 = arith.constant 1 : i32
      scf.for %scan3A_83 = %scan3A_69 to %scan3A_71 step %scan3A_72  : i32 {
        %mul3A_84 = arith.constant 4 : i32
        %mul3A_85 = arith.muli %scan3A_83, %mul3A_84 : i32
        %add3A_86 = arith.constant 0 : i32
        %add3A_87 = arith.addi %mul3A_85, %add3A_86 : i32
        %add3A_88 = arith.constant 2 : i32
        %add3A_89 = arith.addi %add3A_87, %add3A_88 : i32
        %lt3A = arith.constant 196 : i32
        %lt3A_90 = arith.cmpi slt, %add3A_89, %lt3A : i32
        %convert_element_type3A_91 = arith.extui %lt3A_90 : i1 to i32
        %cond3A_92 = arith.constant 0 : i32
        %cond3A_93 = arith.cmpi ne, %convert_element_type3A_91, %cond3A_92 : i32
        scf.if %cond3A_93 {
          %add3A_198 = arith.constant 2 : i32
          %add3A_199 = arith.addi %add3A_87, %add3A_198 : i32
          %mul3A_200 = arith.constant 512 : i32
          %mul3A_201 = arith.muli %add3A_199, %mul3A_200 : i32
          %add3A_202 = arith.addi %mul3A_46, %mul3A_201 : i32
          %dma_start3A_203 = tpu.memref_slice %arg8[%add3A_202] : memref<1605632xi32, #tpu.memory_space<hbm>> -> memref<512xi32, #tpu.memory_space<hbm>>
          %dma_start3A_204 = tpu.memref_slice %arg8[%add3A_202] : memref<1605632xi32, #tpu.memory_space<hbm>> -> memref<512xi32, #tpu.memory_space<hbm>>
          tpu.enqueue_dma source(%dma_start3A_204 : memref<512xi32, #tpu.memory_space<hbm>>) target(%arg18 : memref<512xi32, #tpu.memory_space<vmem>>) target_semaphore(%arg32 : memref<!tpu.dma_semaphore, #tpu.memory_space<semaphore_mem>>)
          %dma_start3A_205 = tpu.memref_slice %arg9[%add3A_202] : memref<1605632xi32, #tpu.memory_space<hbm>> -> memref<512xi32, #tpu.memory_space<hbm>>
          %dma_start3A_206 = tpu.memref_slice %arg9[%add3A_202] : memref<1605632xi32, #tpu.memory_space<hbm>> -> memref<512xi32, #tpu.memory_space<hbm>>
          tpu.enqueue_dma source(%dma_start3A_206 : memref<512xi32, #tpu.memory_space<hbm>>) target(%arg22 : memref<512xi32, #tpu.memory_space<vmem>>) target_semaphore(%arg32 : memref<!tpu.dma_semaphore, #tpu.memory_space<semaphore_mem>>)
        } else {
        }
        %dma_wait3A_94 = arith.constant 0 : i32
        %dma_wait3A_95 = arith.constant 0 : i32
        %dma_wait3A_96 = tpu.memref_slice %arg4[%dma_wait3A_94, %dma_wait3A_95] : memref<100352x16xf32, #tpu.memory_space<hbm>> -> memref<100352x16xf32, #tpu.memory_space<hbm>>
        tpu.wait_indirect_dma semaphore(%arg26 : memref<!tpu.dma_semaphore, #tpu.memory_space<semaphore_mem>>) src(%dma_wait3A_96 : memref<100352x16xf32, #tpu.memory_space<hbm>>) dst(%arg24 : memref<512x16xf32, #tpu.memory_space<vmem>>)
        %dma_start3A_97 = arith.constant 0 : i32
        %dma_start3A_98 = arith.constant 0 : i32
        %dma_start3A_99 = tpu.memref_slice %arg15[%dma_start3A_97, %dma_start3A_98] : memref<100352x16xf32, #tpu.memory_space<vmem_shared>> -> memref<100352x16xf32, #tpu.memory_space<vmem_shared>>
        tpu.enqueue_indirect_dma source(%arg24 : memref<512x16xf32, #tpu.memory_space<vmem>>) target(%dma_start3A_99 : memref<100352x16xf32, #tpu.memory_space<vmem_shared>>) offsets(%arg20 : memref<512xi32, #tpu.memory_space<vmem>>) semaphore(%arg28 : memref<!tpu.dma_semaphore, #tpu.memory_space<semaphore_mem>>) {add = true}
        %gt3A = arith.constant 0 : i32
        %gt3A_100 = arith.cmpi sgt, %add3A_87, %gt3A : i32
        %convert_element_type3A_101 = arith.extui %gt3A_100 : i1 to i32
        %cond3A_102 = arith.constant 0 : i32
        %cond3A_103 = arith.cmpi ne, %convert_element_type3A_101, %cond3A_102 : i32
        scf.if %cond3A_103 {
          %dma_wait3A_198 = arith.constant 0 : i32
          %dma_wait3A_199 = arith.constant 0 : i32
          %dma_wait3A_200 = tpu.memref_slice %arg15[%dma_wait3A_198, %dma_wait3A_199] : memref<100352x16xf32, #tpu.memory_space<vmem_shared>> -> memref<100352x16xf32, #tpu.memory_space<vmem_shared>>
          tpu.wait_indirect_dma semaphore(%arg29 : memref<!tpu.dma_semaphore, #tpu.memory_space<semaphore_mem>>) src(%arg25 : memref<512x16xf32, #tpu.memory_space<vmem>>) dst(%dma_wait3A_200 : memref<100352x16xf32, #tpu.memory_space<vmem_shared>>)
        } else {
        }
        %add3A_104 = arith.constant 1 : i32
        %add3A_105 = arith.addi %add3A_87, %add3A_104 : i32
        %lt3A_106 = arith.constant 196 : i32
        %lt3A_107 = arith.cmpi slt, %add3A_105, %lt3A_106 : i32
        %convert_element_type3A_108 = arith.extui %lt3A_107 : i1 to i32
        %cond3A_109 = arith.constant 0 : i32
        %cond3A_110 = arith.cmpi ne, %convert_element_type3A_108, %cond3A_109 : i32
        scf.if %cond3A_110 {
          %add3A_198 = arith.constant 1 : i32
          %add3A_199 = arith.addi %add3A_87, %add3A_198 : i32
          %mul3A_200 = arith.constant 512 : i32
          %mul3A_201 = arith.muli %add3A_199, %mul3A_200 : i32
          %add3A_202 = arith.addi %mul3A_46, %mul3A_201 : i32
          %dma_wait3A_203 = tpu.memref_slice %arg8[%add3A_202] : memref<1605632xi32, #tpu.memory_space<hbm>> -> memref<512xi32, #tpu.memory_space<hbm>>
          %dma_wait3A_204 = tpu.memref_slice %arg8[%add3A_202] : memref<1605632xi32, #tpu.memory_space<hbm>> -> memref<512xi32, #tpu.memory_space<hbm>>
          tpu.wait_dma2 semaphore(%arg31 : memref<!tpu.dma_semaphore, #tpu.memory_space<semaphore_mem>>) src(%dma_wait3A_204 : memref<512xi32, #tpu.memory_space<hbm>>) dst(%arg17 : memref<512xi32, #tpu.memory_space<vmem>>)
          %dma_wait3A_205 = tpu.memref_slice %arg9[%add3A_202] : memref<1605632xi32, #tpu.memory_space<hbm>> -> memref<512xi32, #tpu.memory_space<hbm>>
          %dma_wait3A_206 = tpu.memref_slice %arg9[%add3A_202] : memref<1605632xi32, #tpu.memory_space<hbm>> -> memref<512xi32, #tpu.memory_space<hbm>>
          tpu.wait_dma2 semaphore(%arg31 : memref<!tpu.dma_semaphore, #tpu.memory_space<semaphore_mem>>) src(%dma_wait3A_206 : memref<512xi32, #tpu.memory_space<hbm>>) dst(%arg21 : memref<512xi32, #tpu.memory_space<vmem>>)
          %dma_start3A_207 = arith.constant 0 : i32
          %dma_start3A_208 = arith.constant 0 : i32
          %dma_start3A_209 = tpu.memref_slice %arg4[%dma_start3A_207, %dma_start3A_208] : memref<100352x16xf32, #tpu.memory_space<hbm>> -> memref<100352x16xf32, #tpu.memory_space<hbm>>
          tpu.enqueue_indirect_dma source(%dma_start3A_209 : memref<100352x16xf32, #tpu.memory_space<hbm>>) target(%arg25 : memref<512x16xf32, #tpu.memory_space<vmem>>) offsets(%arg17 : memref<512xi32, #tpu.memory_space<vmem>>) semaphore(%arg27 : memref<!tpu.dma_semaphore, #tpu.memory_space<semaphore_mem>>)
        } else {
        }
        %mul3A_111 = arith.constant 4 : i32
        %mul3A_112 = arith.muli %scan3A_83, %mul3A_111 : i32
        %add3A_113 = arith.constant 1 : i32
        %add3A_114 = arith.addi %mul3A_112, %add3A_113 : i32
        %add3A_115 = arith.constant 2 : i32
        %add3A_116 = arith.addi %add3A_114, %add3A_115 : i32
        %lt3A_117 = arith.constant 196 : i32
        %lt3A_118 = arith.cmpi slt, %add3A_116, %lt3A_117 : i32
        %convert_element_type3A_119 = arith.extui %lt3A_118 : i1 to i32
        %cond3A_120 = arith.constant 0 : i32
        %cond3A_121 = arith.cmpi ne, %convert_element_type3A_119, %cond3A_120 : i32
        scf.if %cond3A_121 {
          %add3A_198 = arith.constant 2 : i32
          %add3A_199 = arith.addi %add3A_114, %add3A_198 : i32
          %mul3A_200 = arith.constant 512 : i32
          %mul3A_201 = arith.muli %add3A_199, %mul3A_200 : i32
          %add3A_202 = arith.addi %mul3A_46, %mul3A_201 : i32
          %dma_start3A_203 = tpu.memref_slice %arg8[%add3A_202] : memref<1605632xi32, #tpu.memory_space<hbm>> -> memref<512xi32, #tpu.memory_space<hbm>>
          %dma_start3A_204 = tpu.memref_slice %arg8[%add3A_202] : memref<1605632xi32, #tpu.memory_space<hbm>> -> memref<512xi32, #tpu.memory_space<hbm>>
          tpu.enqueue_dma source(%dma_start3A_204 : memref<512xi32, #tpu.memory_space<hbm>>) target(%arg19 : memref<512xi32, #tpu.memory_space<vmem>>) target_semaphore(%arg33 : memref<!tpu.dma_semaphore, #tpu.memory_space<semaphore_mem>>)
          %dma_start3A_205 = tpu.memref_slice %arg9[%add3A_202] : memref<1605632xi32, #tpu.memory_space<hbm>> -> memref<512xi32, #tpu.memory_space<hbm>>
          %dma_start3A_206 = tpu.memref_slice %arg9[%add3A_202] : memref<1605632xi32, #tpu.memory_space<hbm>> -> memref<512xi32, #tpu.memory_space<hbm>>
          tpu.enqueue_dma source(%dma_start3A_206 : memref<512xi32, #tpu.memory_space<hbm>>) target(%arg23 : memref<512xi32, #tpu.memory_space<vmem>>) target_semaphore(%arg33 : memref<!tpu.dma_semaphore, #tpu.memory_space<semaphore_mem>>)
        } else {
        }
        %dma_wait3A_122 = arith.constant 0 : i32
        %dma_wait3A_123 = arith.constant 0 : i32
        %dma_wait3A_124 = tpu.memref_slice %arg4[%dma_wait3A_122, %dma_wait3A_123] : memref<100352x16xf32, #tpu.memory_space<hbm>> -> memref<100352x16xf32, #tpu.memory_space<hbm>>
        tpu.wait_indirect_dma semaphore(%arg27 : memref<!tpu.dma_semaphore, #tpu.memory_space<semaphore_mem>>) src(%dma_wait3A_124 : memref<100352x16xf32, #tpu.memory_space<hbm>>) dst(%arg25 : memref<512x16xf32, #tpu.memory_space<vmem>>)
        %dma_start3A_125 = arith.constant 0 : i32
        %dma_start3A_126 = arith.constant 0 : i32
        %dma_start3A_127 = tpu.memref_slice %arg15[%dma_start3A_125, %dma_start3A_126] : memref<100352x16xf32, #tpu.memory_space<vmem_shared>> -> memref<100352x16xf32, #tpu.memory_space<vmem_shared>>
        tpu.enqueue_indirect_dma source(%arg25 : memref<512x16xf32, #tpu.memory_space<vmem>>) target(%dma_start3A_127 : memref<100352x16xf32, #tpu.memory_space<vmem_shared>>) offsets(%arg21 : memref<512xi32, #tpu.memory_space<vmem>>) semaphore(%arg29 : memref<!tpu.dma_semaphore, #tpu.memory_space<semaphore_mem>>) {add = true}
        %gt3A_128 = arith.constant 0 : i32
        %gt3A_129 = arith.cmpi sgt, %add3A_114, %gt3A_128 : i32
        %convert_element_type3A_130 = arith.extui %gt3A_129 : i1 to i32
        %cond3A_131 = arith.constant 0 : i32
        %cond3A_132 = arith.cmpi ne, %convert_element_type3A_130, %cond3A_131 : i32
        scf.if %cond3A_132 {
          %dma_wait3A_198 = arith.constant 0 : i32
          %dma_wait3A_199 = arith.constant 0 : i32
          %dma_wait3A_200 = tpu.memref_slice %arg15[%dma_wait3A_198, %dma_wait3A_199] : memref<100352x16xf32, #tpu.memory_space<vmem_shared>> -> memref<100352x16xf32, #tpu.memory_space<vmem_shared>>
          tpu.wait_indirect_dma semaphore(%arg28 : memref<!tpu.dma_semaphore, #tpu.memory_space<semaphore_mem>>) src(%arg24 : memref<512x16xf32, #tpu.memory_space<vmem>>) dst(%dma_wait3A_200 : memref<100352x16xf32, #tpu.memory_space<vmem_shared>>)
        } else {
        }
        %add3A_133 = arith.constant 1 : i32
        %add3A_134 = arith.addi %add3A_114, %add3A_133 : i32
        %lt3A_135 = arith.constant 196 : i32
        %lt3A_136 = arith.cmpi slt, %add3A_134, %lt3A_135 : i32
        %convert_element_type3A_137 = arith.extui %lt3A_136 : i1 to i32
        %cond3A_138 = arith.constant 0 : i32
        %cond3A_139 = arith.cmpi ne, %convert_element_type3A_137, %cond3A_138 : i32
        scf.if %cond3A_139 {
          %add3A_198 = arith.constant 1 : i32
          %add3A_199 = arith.addi %add3A_114, %add3A_198 : i32
          %mul3A_200 = arith.constant 512 : i32
          %mul3A_201 = arith.muli %add3A_199, %mul3A_200 : i32
          %add3A_202 = arith.addi %mul3A_46, %mul3A_201 : i32
          %dma_wait3A_203 = tpu.memref_slice %arg8[%add3A_202] : memref<1605632xi32, #tpu.memory_space<hbm>> -> memref<512xi32, #tpu.memory_space<hbm>>
          %dma_wait3A_204 = tpu.memref_slice %arg8[%add3A_202] : memref<1605632xi32, #tpu.memory_space<hbm>> -> memref<512xi32, #tpu.memory_space<hbm>>
          tpu.wait_dma2 semaphore(%arg32 : memref<!tpu.dma_semaphore, #tpu.memory_space<semaphore_mem>>) src(%dma_wait3A_204 : memref<512xi32, #tpu.memory_space<hbm>>) dst(%arg18 : memref<512xi32, #tpu.memory_space<vmem>>)
          %dma_wait3A_205 = tpu.memref_slice %arg9[%add3A_202] : memref<1605632xi32, #tpu.memory_space<hbm>> -> memref<512xi32, #tpu.memory_space<hbm>>
          %dma_wait3A_206 = tpu.memref_slice %arg9[%add3A_202] : memref<1605632xi32, #tpu.memory_space<hbm>> -> memref<512xi32, #tpu.memory_space<hbm>>
          tpu.wait_dma2 semaphore(%arg32 : memref<!tpu.dma_semaphore, #tpu.memory_space<semaphore_mem>>) src(%dma_wait3A_206 : memref<512xi32, #tpu.memory_space<hbm>>) dst(%arg22 : memref<512xi32, #tpu.memory_space<vmem>>)
          %dma_start3A_207 = arith.constant 0 : i32
          %dma_start3A_208 = arith.constant 0 : i32
          %dma_start3A_209 = tpu.memref_slice %arg4[%dma_start3A_207, %dma_start3A_208] : memref<100352x16xf32, #tpu.memory_space<hbm>> -> memref<100352x16xf32, #tpu.memory_space<hbm>>
          tpu.enqueue_indirect_dma source(%dma_start3A_209 : memref<100352x16xf32, #tpu.memory_space<hbm>>) target(%arg24 : memref<512x16xf32, #tpu.memory_space<vmem>>) offsets(%arg18 : memref<512xi32, #tpu.memory_space<vmem>>) semaphore(%arg26 : memref<!tpu.dma_semaphore, #tpu.memory_space<semaphore_mem>>)
        } else {
        }
        %mul3A_140 = arith.constant 4 : i32
        %mul3A_141 = arith.muli %scan3A_83, %mul3A_140 : i32
        %add3A_142 = arith.constant 2 : i32
        %add3A_143 = arith.addi %mul3A_141, %add3A_142 : i32
        %add3A_144 = arith.constant 2 : i32
        %add3A_145 = arith.addi %add3A_143, %add3A_144 : i32
        %lt3A_146 = arith.constant 196 : i32
        %lt3A_147 = arith.cmpi slt, %add3A_145, %lt3A_146 : i32
        %convert_element_type3A_148 = arith.extui %lt3A_147 : i1 to i32
        %cond3A_149 = arith.constant 0 : i32
        %cond3A_150 = arith.cmpi ne, %convert_element_type3A_148, %cond3A_149 : i32
        scf.if %cond3A_150 {
          %add3A_198 = arith.constant 2 : i32
          %add3A_199 = arith.addi %add3A_143, %add3A_198 : i32
          %mul3A_200 = arith.constant 512 : i32
          %mul3A_201 = arith.muli %add3A_199, %mul3A_200 : i32
          %add3A_202 = arith.addi %mul3A_46, %mul3A_201 : i32
          %dma_start3A_203 = tpu.memref_slice %arg8[%add3A_202] : memref<1605632xi32, #tpu.memory_space<hbm>> -> memref<512xi32, #tpu.memory_space<hbm>>
          %dma_start3A_204 = tpu.memref_slice %arg8[%add3A_202] : memref<1605632xi32, #tpu.memory_space<hbm>> -> memref<512xi32, #tpu.memory_space<hbm>>
          tpu.enqueue_dma source(%dma_start3A_204 : memref<512xi32, #tpu.memory_space<hbm>>) target(%arg16 : memref<512xi32, #tpu.memory_space<vmem>>) target_semaphore(%arg30 : memref<!tpu.dma_semaphore, #tpu.memory_space<semaphore_mem>>)
          %dma_start3A_205 = tpu.memref_slice %arg9[%add3A_202] : memref<1605632xi32, #tpu.memory_space<hbm>> -> memref<512xi32, #tpu.memory_space<hbm>>
          %dma_start3A_206 = tpu.memref_slice %arg9[%add3A_202] : memref<1605632xi32, #tpu.memory_space<hbm>> -> memref<512xi32, #tpu.memory_space<hbm>>
          tpu.enqueue_dma source(%dma_start3A_206 : memref<512xi32, #tpu.memory_space<hbm>>) target(%arg20 : memref<512xi32, #tpu.memory_space<vmem>>) target_semaphore(%arg30 : memref<!tpu.dma_semaphore, #tpu.memory_space<semaphore_mem>>)
        } else {
        }
        %dma_wait3A_151 = arith.constant 0 : i32
        %dma_wait3A_152 = arith.constant 0 : i32
        %dma_wait3A_153 = tpu.memref_slice %arg4[%dma_wait3A_151, %dma_wait3A_152] : memref<100352x16xf32, #tpu.memory_space<hbm>> -> memref<100352x16xf32, #tpu.memory_space<hbm>>
        tpu.wait_indirect_dma semaphore(%arg26 : memref<!tpu.dma_semaphore, #tpu.memory_space<semaphore_mem>>) src(%dma_wait3A_153 : memref<100352x16xf32, #tpu.memory_space<hbm>>) dst(%arg24 : memref<512x16xf32, #tpu.memory_space<vmem>>)
        %dma_start3A_154 = arith.constant 0 : i32
        %dma_start3A_155 = arith.constant 0 : i32
        %dma_start3A_156 = tpu.memref_slice %arg15[%dma_start3A_154, %dma_start3A_155] : memref<100352x16xf32, #tpu.memory_space<vmem_shared>> -> memref<100352x16xf32, #tpu.memory_space<vmem_shared>>
        tpu.enqueue_indirect_dma source(%arg24 : memref<512x16xf32, #tpu.memory_space<vmem>>) target(%dma_start3A_156 : memref<100352x16xf32, #tpu.memory_space<vmem_shared>>) offsets(%arg22 : memref<512xi32, #tpu.memory_space<vmem>>) semaphore(%arg28 : memref<!tpu.dma_semaphore, #tpu.memory_space<semaphore_mem>>) {add = true}
        %gt3A_157 = arith.constant 0 : i32
        %gt3A_158 = arith.cmpi sgt, %add3A_143, %gt3A_157 : i32
        %convert_element_type3A_159 = arith.extui %gt3A_158 : i1 to i32
        %cond3A_160 = arith.constant 0 : i32
        %cond3A_161 = arith.cmpi ne, %convert_element_type3A_159, %cond3A_160 : i32
        scf.if %cond3A_161 {
          %dma_wait3A_198 = arith.constant 0 : i32
          %dma_wait3A_199 = arith.constant 0 : i32
          %dma_wait3A_200 = tpu.memref_slice %arg15[%dma_wait3A_198, %dma_wait3A_199] : memref<100352x16xf32, #tpu.memory_space<vmem_shared>> -> memref<100352x16xf32, #tpu.memory_space<vmem_shared>>
          tpu.wait_indirect_dma semaphore(%arg29 : memref<!tpu.dma_semaphore, #tpu.memory_space<semaphore_mem>>) src(%arg25 : memref<512x16xf32, #tpu.memory_space<vmem>>) dst(%dma_wait3A_200 : memref<100352x16xf32, #tpu.memory_space<vmem_shared>>)
        } else {
        }
        %add3A_162 = arith.constant 1 : i32
        %add3A_163 = arith.addi %add3A_143, %add3A_162 : i32
        %lt3A_164 = arith.constant 196 : i32
        %lt3A_165 = arith.cmpi slt, %add3A_163, %lt3A_164 : i32
        %convert_element_type3A_166 = arith.extui %lt3A_165 : i1 to i32
        %cond3A_167 = arith.constant 0 : i32
        %cond3A_168 = arith.cmpi ne, %convert_element_type3A_166, %cond3A_167 : i32
        scf.if %cond3A_168 {
          %add3A_198 = arith.constant 1 : i32
          %add3A_199 = arith.addi %add3A_143, %add3A_198 : i32
          %mul3A_200 = arith.constant 512 : i32
          %mul3A_201 = arith.muli %add3A_199, %mul3A_200 : i32
          %add3A_202 = arith.addi %mul3A_46, %mul3A_201 : i32
          %dma_wait3A_203 = tpu.memref_slice %arg8[%add3A_202] : memref<1605632xi32, #tpu.memory_space<hbm>> -> memref<512xi32, #tpu.memory_space<hbm>>
          %dma_wait3A_204 = tpu.memref_slice %arg8[%add3A_202] : memref<1605632xi32, #tpu.memory_space<hbm>> -> memref<512xi32, #tpu.memory_space<hbm>>
          tpu.wait_dma2 semaphore(%arg33 : memref<!tpu.dma_semaphore, #tpu.memory_space<semaphore_mem>>) src(%dma_wait3A_204 : memref<512xi32, #tpu.memory_space<hbm>>) dst(%arg19 : memref<512xi32, #tpu.memory_space<vmem>>)
          %dma_wait3A_205 = tpu.memref_slice %arg9[%add3A_202] : memref<1605632xi32, #tpu.memory_space<hbm>> -> memref<512xi32, #tpu.memory_space<hbm>>
          %dma_wait3A_206 = tpu.memref_slice %arg9[%add3A_202] : memref<1605632xi32, #tpu.memory_space<hbm>> -> memref<512xi32, #tpu.memory_space<hbm>>
          tpu.wait_dma2 semaphore(%arg33 : memref<!tpu.dma_semaphore, #tpu.memory_space<semaphore_mem>>) src(%dma_wait3A_206 : memref<512xi32, #tpu.memory_space<hbm>>) dst(%arg23 : memref<512xi32, #tpu.memory_space<vmem>>)
          %dma_start3A_207 = arith.constant 0 : i32
          %dma_start3A_208 = arith.constant 0 : i32
          %dma_start3A_209 = tpu.memref_slice %arg4[%dma_start3A_207, %dma_start3A_208] : memref<100352x16xf32, #tpu.memory_space<hbm>> -> memref<100352x16xf32, #tpu.memory_space<hbm>>
          tpu.enqueue_indirect_dma source(%dma_start3A_209 : memref<100352x16xf32, #tpu.memory_space<hbm>>) target(%arg25 : memref<512x16xf32, #tpu.memory_space<vmem>>) offsets(%arg19 : memref<512xi32, #tpu.memory_space<vmem>>) semaphore(%arg27 : memref<!tpu.dma_semaphore, #tpu.memory_space<semaphore_mem>>)
        } else {
        }
        %mul3A_169 = arith.constant 4 : i32
        %mul3A_170 = arith.muli %scan3A_83, %mul3A_169 : i32
        %add3A_171 = arith.constant 3 : i32
        %add3A_172 = arith.addi %mul3A_170, %add3A_171 : i32
        %add3A_173 = arith.constant 2 : i32
        %add3A_174 = arith.addi %add3A_172, %add3A_173 : i32
        %lt3A_175 = arith.constant 196 : i32
        %lt3A_176 = arith.cmpi slt, %add3A_174, %lt3A_175 : i32
        %convert_element_type3A_177 = arith.extui %lt3A_176 : i1 to i32
        %cond3A_178 = arith.constant 0 : i32
        %cond3A_179 = arith.cmpi ne, %convert_element_type3A_177, %cond3A_178 : i32
        scf.if %cond3A_179 {
          %add3A_198 = arith.constant 2 : i32
          %add3A_199 = arith.addi %add3A_172, %add3A_198 : i32
          %mul3A_200 = arith.constant 512 : i32
          %mul3A_201 = arith.muli %add3A_199, %mul3A_200 : i32
          %add3A_202 = arith.addi %mul3A_46, %mul3A_201 : i32
          %dma_start3A_203 = tpu.memref_slice %arg8[%add3A_202] : memref<1605632xi32, #tpu.memory_space<hbm>> -> memref<512xi32, #tpu.memory_space<hbm>>
          %dma_start3A_204 = tpu.memref_slice %arg8[%add3A_202] : memref<1605632xi32, #tpu.memory_space<hbm>> -> memref<512xi32, #tpu.memory_space<hbm>>
          tpu.enqueue_dma source(%dma_start3A_204 : memref<512xi32, #tpu.memory_space<hbm>>) target(%arg17 : memref<512xi32, #tpu.memory_space<vmem>>) target_semaphore(%arg31 : memref<!tpu.dma_semaphore, #tpu.memory_space<semaphore_mem>>)
          %dma_start3A_205 = tpu.memref_slice %arg9[%add3A_202] : memref<1605632xi32, #tpu.memory_space<hbm>> -> memref<512xi32, #tpu.memory_space<hbm>>
          %dma_start3A_206 = tpu.memref_slice %arg9[%add3A_202] : memref<1605632xi32, #tpu.memory_space<hbm>> -> memref<512xi32, #tpu.memory_space<hbm>>
          tpu.enqueue_dma source(%dma_start3A_206 : memref<512xi32, #tpu.memory_space<hbm>>) target(%arg21 : memref<512xi32, #tpu.memory_space<vmem>>) target_semaphore(%arg31 : memref<!tpu.dma_semaphore, #tpu.memory_space<semaphore_mem>>)
        } else {
        }
        %dma_wait3A_180 = arith.constant 0 : i32
        %dma_wait3A_181 = arith.constant 0 : i32
        %dma_wait3A_182 = tpu.memref_slice %arg4[%dma_wait3A_180, %dma_wait3A_181] : memref<100352x16xf32, #tpu.memory_space<hbm>> -> memref<100352x16xf32, #tpu.memory_space<hbm>>
        tpu.wait_indirect_dma semaphore(%arg27 : memref<!tpu.dma_semaphore, #tpu.memory_space<semaphore_mem>>) src(%dma_wait3A_182 : memref<100352x16xf32, #tpu.memory_space<hbm>>) dst(%arg25 : memref<512x16xf32, #tpu.memory_space<vmem>>)
        %dma_start3A_183 = arith.constant 0 : i32
        %dma_start3A_184 = arith.constant 0 : i32
        %dma_start3A_185 = tpu.memref_slice %arg15[%dma_start3A_183, %dma_start3A_184] : memref<100352x16xf32, #tpu.memory_space<vmem_shared>> -> memref<100352x16xf32, #tpu.memory_space<vmem_shared>>
        tpu.enqueue_indirect_dma source(%arg25 : memref<512x16xf32, #tpu.memory_space<vmem>>) target(%dma_start3A_185 : memref<100352x16xf32, #tpu.memory_space<vmem_shared>>) offsets(%arg23 : memref<512xi32, #tpu.memory_space<vmem>>) semaphore(%arg29 : memref<!tpu.dma_semaphore, #tpu.memory_space<semaphore_mem>>) {add = true}
        %gt3A_186 = arith.constant 0 : i32
        %gt3A_187 = arith.cmpi sgt, %add3A_172, %gt3A_186 : i32
        %convert_element_type3A_188 = arith.extui %gt3A_187 : i1 to i32
        %cond3A_189 = arith.constant 0 : i32
        %cond3A_190 = arith.cmpi ne, %convert_element_type3A_188, %cond3A_189 : i32
        scf.if %cond3A_190 {
          %dma_wait3A_198 = arith.constant 0 : i32
          %dma_wait3A_199 = arith.constant 0 : i32
          %dma_wait3A_200 = tpu.memref_slice %arg15[%dma_wait3A_198, %dma_wait3A_199] : memref<100352x16xf32, #tpu.memory_space<vmem_shared>> -> memref<100352x16xf32, #tpu.memory_space<vmem_shared>>
          tpu.wait_indirect_dma semaphore(%arg28 : memref<!tpu.dma_semaphore, #tpu.memory_space<semaphore_mem>>) src(%arg24 : memref<512x16xf32, #tpu.memory_space<vmem>>) dst(%dma_wait3A_200 : memref<100352x16xf32, #tpu.memory_space<vmem_shared>>)
        } else {
        }
        %add3A_191 = arith.constant 1 : i32
        %add3A_192 = arith.addi %add3A_172, %add3A_191 : i32
        %lt3A_193 = arith.constant 196 : i32
        %lt3A_194 = arith.cmpi slt, %add3A_192, %lt3A_193 : i32
        %convert_element_type3A_195 = arith.extui %lt3A_194 : i1 to i32
        %cond3A_196 = arith.constant 0 : i32
        %cond3A_197 = arith.cmpi ne, %convert_element_type3A_195, %cond3A_196 : i32
        scf.if %cond3A_197 {
          %add3A_198 = arith.constant 1 : i32
          %add3A_199 = arith.addi %add3A_172, %add3A_198 : i32
          %mul3A_200 = arith.constant 512 : i32
          %mul3A_201 = arith.muli %add3A_199, %mul3A_200 : i32
          %add3A_202 = arith.addi %mul3A_46, %mul3A_201 : i32
          %dma_wait3A_203 = tpu.memref_slice %arg8[%add3A_202] : memref<1605632xi32, #tpu.memory_space<hbm>> -> memref<512xi32, #tpu.memory_space<hbm>>
          %dma_wait3A_204 = tpu.memref_slice %arg8[%add3A_202] : memref<1605632xi32, #tpu.memory_space<hbm>> -> memref<512xi32, #tpu.memory_space<hbm>>
          tpu.wait_dma2 semaphore(%arg30 : memref<!tpu.dma_semaphore, #tpu.memory_space<semaphore_mem>>) src(%dma_wait3A_204 : memref<512xi32, #tpu.memory_space<hbm>>) dst(%arg16 : memref<512xi32, #tpu.memory_space<vmem>>)
          %dma_wait3A_205 = tpu.memref_slice %arg9[%add3A_202] : memref<1605632xi32, #tpu.memory_space<hbm>> -> memref<512xi32, #tpu.memory_space<hbm>>
          %dma_wait3A_206 = tpu.memref_slice %arg9[%add3A_202] : memref<1605632xi32, #tpu.memory_space<hbm>> -> memref<512xi32, #tpu.memory_space<hbm>>
          tpu.wait_dma2 semaphore(%arg30 : memref<!tpu.dma_semaphore, #tpu.memory_space<semaphore_mem>>) src(%dma_wait3A_206 : memref<512xi32, #tpu.memory_space<hbm>>) dst(%arg20 : memref<512xi32, #tpu.memory_space<vmem>>)
          %dma_start3A_207 = arith.constant 0 : i32
          %dma_start3A_208 = arith.constant 0 : i32
          %dma_start3A_209 = tpu.memref_slice %arg4[%dma_start3A_207, %dma_start3A_208] : memref<100352x16xf32, #tpu.memory_space<hbm>> -> memref<100352x16xf32, #tpu.memory_space<hbm>>
          tpu.enqueue_indirect_dma source(%dma_start3A_209 : memref<100352x16xf32, #tpu.memory_space<hbm>>) target(%arg24 : memref<512x16xf32, #tpu.memory_space<vmem>>) offsets(%arg16 : memref<512xi32, #tpu.memory_space<vmem>>) semaphore(%arg26 : memref<!tpu.dma_semaphore, #tpu.memory_space<semaphore_mem>>)
        } else {
        }
      }
      %scan3A_73 = arith.constant 49 : i32
      %dma_wait3A_74 = arith.constant 0 : i32
      %dma_wait3A_75 = arith.constant 0 : i32
      %dma_wait3A_76 = tpu.memref_slice %arg15[%dma_wait3A_74, %dma_wait3A_75] : memref<100352x16xf32, #tpu.memory_space<vmem_shared>> -> memref<100352x16xf32, #tpu.memory_space<vmem_shared>>
      tpu.wait_indirect_dma semaphore(%arg29 : memref<!tpu.dma_semaphore, #tpu.memory_space<semaphore_mem>>) src(%arg25 : memref<512x16xf32, #tpu.memory_space<vmem>>) dst(%dma_wait3A_76 : memref<100352x16xf32, #tpu.memory_space<vmem_shared>>)
      %barrier3A_77 = arith.constant 0 : index
      tpu.barrier barrier_id(%barrier3A_77)
      %mul3A_78 = arith.constant 6272 : i32
      %mul3A_79 = arith.muli %arg1, %mul3A_78 : i32
      %mul3A_80 = arith.constant 6272 : i32
      %mul3A_81 = arith.muli %arg1, %mul3A_80 : i32
      "tpu.region"() ({
        %run_scoped3A = tpu.sem_alloc : memref<!tpu.dma_semaphore, #tpu.memory_space<semaphore_mem>>
        %dma_start3A_83 = arith.constant 0 : i32
        %dma_start3A_84 = tpu.memref_slice %arg13[%mul3A_81, %dma_start3A_83] : memref<100352x16xf32, #tpu.memory_space<hbm>> -> memref<6272x16xf32, #tpu.memory_space<hbm>>
        %dma_start3A_85 = arith.constant 0 : i32
        %dma_start3A_86 = tpu.memref_slice %arg15[%mul3A_79, %dma_start3A_85] : memref<100352x16xf32, #tpu.memory_space<vmem_shared>> -> memref<6272x16xf32, #tpu.memory_space<vmem_shared>>
        tpu.enqueue_dma source(%dma_start3A_86 : memref<6272x16xf32, #tpu.memory_space<vmem_shared>>) target(%dma_start3A_84 : memref<6272x16xf32, #tpu.memory_space<hbm>>) target_semaphore(%run_scoped3A : memref<!tpu.dma_semaphore, #tpu.memory_space<semaphore_mem>>)
        %dma_wait3A_87 = arith.constant 0 : i32
        %dma_wait3A_88 = tpu.memref_slice %arg13[%mul3A_81, %dma_wait3A_87] : memref<100352x16xf32, #tpu.memory_space<hbm>> -> memref<6272x16xf32, #tpu.memory_space<hbm>>
        %dma_wait3A_89 = arith.constant 0 : i32
        %dma_wait3A_90 = tpu.memref_slice %arg15[%mul3A_79, %dma_wait3A_89] : memref<100352x16xf32, #tpu.memory_space<vmem_shared>> -> memref<6272x16xf32, #tpu.memory_space<vmem_shared>>
        tpu.wait_dma2 semaphore(%run_scoped3A : memref<!tpu.dma_semaphore, #tpu.memory_space<semaphore_mem>>) src(%dma_wait3A_90 : memref<6272x16xf32, #tpu.memory_space<vmem_shared>>) dst(%dma_wait3A_88 : memref<6272x16xf32, #tpu.memory_space<hbm>>)
        tpu.yield
      }) : () -> ()
      %barrier3A_82 = arith.constant 0 : index
      tpu.barrier barrier_id(%barrier3A_82)
    } else {
    }
    %eq3A_2 = arith.constant 1 : i32
    %eq3A_3 = arith.cmpi eq, %arg0, %eq3A_2 : i32
    %convert_element_type3A_4 = arith.extui %eq3A_3 : i1 to i32
    %cond3A_5 = arith.constant 0 : i32
    %cond3A_6 = arith.cmpi ne, %convert_element_type3A_4, %cond3A_5 : i32
    scf.if %cond3A_6 {
      %mul3A = arith.constant 6272 : i32
      %mul3A_7 = arith.muli %arg1, %mul3A : i32
      "tpu.region"() ({
        %run_scoped3A = tpu.sem_alloc : memref<!tpu.dma_semaphore, #tpu.memory_space<semaphore_mem>>
        %dma_start3A_83 = arith.constant 0 : i32
        %dma_start3A_84 = tpu.memref_slice %arg15[%mul3A_7, %dma_start3A_83] : memref<100352x16xf32, #tpu.memory_space<vmem_shared>> -> memref<6272x16xf32, #tpu.memory_space<vmem_shared>>
        tpu.enqueue_dma source(%arg10 : memref<6272x16xf32, #tpu.memory_space<hbm>>) target(%dma_start3A_84 : memref<6272x16xf32, #tpu.memory_space<vmem_shared>>) target_semaphore(%run_scoped3A : memref<!tpu.dma_semaphore, #tpu.memory_space<semaphore_mem>>)
        %dma_wait3A_85 = arith.constant 0 : i32
        %dma_wait3A_86 = tpu.memref_slice %arg15[%mul3A_7, %dma_wait3A_85] : memref<100352x16xf32, #tpu.memory_space<vmem_shared>> -> memref<6272x16xf32, #tpu.memory_space<vmem_shared>>
        tpu.wait_dma2 semaphore(%run_scoped3A : memref<!tpu.dma_semaphore, #tpu.memory_space<semaphore_mem>>) src(%arg10 : memref<6272x16xf32, #tpu.memory_space<hbm>>) dst(%dma_wait3A_86 : memref<6272x16xf32, #tpu.memory_space<vmem_shared>>)
        tpu.yield
      }) : () -> ()
      %barrier3A = arith.constant 0 : index
      tpu.barrier barrier_id(%barrier3A)
      %mul3A_8 = arith.constant 100352 : i32
      %mul3A_9 = arith.muli %arg1, %mul3A_8 : i32
      %add3A = arith.constant 0 : i32
      %add3A_10 = arith.addi %mul3A_9, %add3A : i32
      %dma_start3A = tpu.memref_slice %arg6[%add3A_10] : memref<1605632xi32, #tpu.memory_space<hbm>> -> memref<512xi32, #tpu.memory_space<hbm>>
      %dma_start3A_11 = tpu.memref_slice %arg6[%add3A_10] : memref<1605632xi32, #tpu.memory_space<hbm>> -> memref<512xi32, #tpu.memory_space<hbm>>
      tpu.enqueue_dma source(%dma_start3A_11 : memref<512xi32, #tpu.memory_space<hbm>>) target(%arg16 : memref<512xi32, #tpu.memory_space<vmem>>) target_semaphore(%arg30 : memref<!tpu.dma_semaphore, #tpu.memory_space<semaphore_mem>>)
      %dma_start3A_12 = tpu.memref_slice %arg7[%add3A_10] : memref<1605632xi32, #tpu.memory_space<hbm>> -> memref<512xi32, #tpu.memory_space<hbm>>
      %dma_start3A_13 = tpu.memref_slice %arg7[%add3A_10] : memref<1605632xi32, #tpu.memory_space<hbm>> -> memref<512xi32, #tpu.memory_space<hbm>>
      tpu.enqueue_dma source(%dma_start3A_13 : memref<512xi32, #tpu.memory_space<hbm>>) target(%arg20 : memref<512xi32, #tpu.memory_space<vmem>>) target_semaphore(%arg30 : memref<!tpu.dma_semaphore, #tpu.memory_space<semaphore_mem>>)
      %add3A_14 = arith.constant 512 : i32
      %add3A_15 = arith.addi %mul3A_9, %add3A_14 : i32
      %dma_start3A_16 = tpu.memref_slice %arg6[%add3A_15] : memref<1605632xi32, #tpu.memory_space<hbm>> -> memref<512xi32, #tpu.memory_space<hbm>>
      %dma_start3A_17 = tpu.memref_slice %arg6[%add3A_15] : memref<1605632xi32, #tpu.memory_space<hbm>> -> memref<512xi32, #tpu.memory_space<hbm>>
      tpu.enqueue_dma source(%dma_start3A_17 : memref<512xi32, #tpu.memory_space<hbm>>) target(%arg17 : memref<512xi32, #tpu.memory_space<vmem>>) target_semaphore(%arg31 : memref<!tpu.dma_semaphore, #tpu.memory_space<semaphore_mem>>)
      %dma_start3A_18 = tpu.memref_slice %arg7[%add3A_15] : memref<1605632xi32, #tpu.memory_space<hbm>> -> memref<512xi32, #tpu.memory_space<hbm>>
      %dma_start3A_19 = tpu.memref_slice %arg7[%add3A_15] : memref<1605632xi32, #tpu.memory_space<hbm>> -> memref<512xi32, #tpu.memory_space<hbm>>
      tpu.enqueue_dma source(%dma_start3A_19 : memref<512xi32, #tpu.memory_space<hbm>>) target(%arg21 : memref<512xi32, #tpu.memory_space<vmem>>) target_semaphore(%arg31 : memref<!tpu.dma_semaphore, #tpu.memory_space<semaphore_mem>>)
      %add3A_20 = arith.constant 0 : i32
      %add3A_21 = arith.addi %mul3A_9, %add3A_20 : i32
      %dma_wait3A = tpu.memref_slice %arg6[%add3A_21] : memref<1605632xi32, #tpu.memory_space<hbm>> -> memref<512xi32, #tpu.memory_space<hbm>>
      %dma_wait3A_22 = tpu.memref_slice %arg6[%add3A_21] : memref<1605632xi32, #tpu.memory_space<hbm>> -> memref<512xi32, #tpu.memory_space<hbm>>
      tpu.wait_dma2 semaphore(%arg30 : memref<!tpu.dma_semaphore, #tpu.memory_space<semaphore_mem>>) src(%dma_wait3A_22 : memref<512xi32, #tpu.memory_space<hbm>>) dst(%arg16 : memref<512xi32, #tpu.memory_space<vmem>>)
      %dma_wait3A_23 = tpu.memref_slice %arg7[%add3A_21] : memref<1605632xi32, #tpu.memory_space<hbm>> -> memref<512xi32, #tpu.memory_space<hbm>>
      %dma_wait3A_24 = tpu.memref_slice %arg7[%add3A_21] : memref<1605632xi32, #tpu.memory_space<hbm>> -> memref<512xi32, #tpu.memory_space<hbm>>
      tpu.wait_dma2 semaphore(%arg30 : memref<!tpu.dma_semaphore, #tpu.memory_space<semaphore_mem>>) src(%dma_wait3A_24 : memref<512xi32, #tpu.memory_space<hbm>>) dst(%arg20 : memref<512xi32, #tpu.memory_space<vmem>>)
      %dma_start3A_25 = arith.constant 0 : i32
      %dma_start3A_26 = arith.constant 0 : i32
      %dma_start3A_27 = tpu.memref_slice %arg3[%dma_start3A_25, %dma_start3A_26] : memref<100352x16xf32, #tpu.memory_space<hbm>> -> memref<100352x16xf32, #tpu.memory_space<hbm>>
      tpu.enqueue_indirect_dma source(%dma_start3A_27 : memref<100352x16xf32, #tpu.memory_space<hbm>>) target(%arg24 : memref<512x16xf32, #tpu.memory_space<vmem>>) offsets(%arg16 : memref<512xi32, #tpu.memory_space<vmem>>) semaphore(%arg26 : memref<!tpu.dma_semaphore, #tpu.memory_space<semaphore_mem>>)
      %scan3A = arith.constant 0 : i32
      %scan3A_28 = arith.constant 0 : i32
      %scan3A_29 = arith.constant 49 : i32
      %scan3A_30 = arith.addi %scan3A_28, %scan3A_29 : i32
      %scan3A_31 = arith.constant 1 : i32
      scf.for %scan3A_83 = %scan3A_28 to %scan3A_30 step %scan3A_31  : i32 {
        %mul3A_84 = arith.constant 4 : i32
        %mul3A_85 = arith.muli %scan3A_83, %mul3A_84 : i32
        %add3A_86 = arith.constant 0 : i32
        %add3A_87 = arith.addi %mul3A_85, %add3A_86 : i32
        %add3A_88 = arith.constant 2 : i32
        %add3A_89 = arith.addi %add3A_87, %add3A_88 : i32
        %lt3A = arith.constant 196 : i32
        %lt3A_90 = arith.cmpi slt, %add3A_89, %lt3A : i32
        %convert_element_type3A_91 = arith.extui %lt3A_90 : i1 to i32
        %cond3A_92 = arith.constant 0 : i32
        %cond3A_93 = arith.cmpi ne, %convert_element_type3A_91, %cond3A_92 : i32
        scf.if %cond3A_93 {
          %add3A_198 = arith.constant 2 : i32
          %add3A_199 = arith.addi %add3A_87, %add3A_198 : i32
          %mul3A_200 = arith.constant 512 : i32
          %mul3A_201 = arith.muli %add3A_199, %mul3A_200 : i32
          %add3A_202 = arith.addi %mul3A_9, %mul3A_201 : i32
          %dma_start3A_203 = tpu.memref_slice %arg6[%add3A_202] : memref<1605632xi32, #tpu.memory_space<hbm>> -> memref<512xi32, #tpu.memory_space<hbm>>
          %dma_start3A_204 = tpu.memref_slice %arg6[%add3A_202] : memref<1605632xi32, #tpu.memory_space<hbm>> -> memref<512xi32, #tpu.memory_space<hbm>>
          tpu.enqueue_dma source(%dma_start3A_204 : memref<512xi32, #tpu.memory_space<hbm>>) target(%arg18 : memref<512xi32, #tpu.memory_space<vmem>>) target_semaphore(%arg32 : memref<!tpu.dma_semaphore, #tpu.memory_space<semaphore_mem>>)
          %dma_start3A_205 = tpu.memref_slice %arg7[%add3A_202] : memref<1605632xi32, #tpu.memory_space<hbm>> -> memref<512xi32, #tpu.memory_space<hbm>>
          %dma_start3A_206 = tpu.memref_slice %arg7[%add3A_202] : memref<1605632xi32, #tpu.memory_space<hbm>> -> memref<512xi32, #tpu.memory_space<hbm>>
          tpu.enqueue_dma source(%dma_start3A_206 : memref<512xi32, #tpu.memory_space<hbm>>) target(%arg22 : memref<512xi32, #tpu.memory_space<vmem>>) target_semaphore(%arg32 : memref<!tpu.dma_semaphore, #tpu.memory_space<semaphore_mem>>)
        } else {
        }
        %dma_wait3A_94 = arith.constant 0 : i32
        %dma_wait3A_95 = arith.constant 0 : i32
        %dma_wait3A_96 = tpu.memref_slice %arg3[%dma_wait3A_94, %dma_wait3A_95] : memref<100352x16xf32, #tpu.memory_space<hbm>> -> memref<100352x16xf32, #tpu.memory_space<hbm>>
        tpu.wait_indirect_dma semaphore(%arg26 : memref<!tpu.dma_semaphore, #tpu.memory_space<semaphore_mem>>) src(%dma_wait3A_96 : memref<100352x16xf32, #tpu.memory_space<hbm>>) dst(%arg24 : memref<512x16xf32, #tpu.memory_space<vmem>>)
        %dma_start3A_97 = arith.constant 0 : i32
        %dma_start3A_98 = arith.constant 0 : i32
        %dma_start3A_99 = tpu.memref_slice %arg15[%dma_start3A_97, %dma_start3A_98] : memref<100352x16xf32, #tpu.memory_space<vmem_shared>> -> memref<100352x16xf32, #tpu.memory_space<vmem_shared>>
        tpu.enqueue_indirect_dma source(%arg24 : memref<512x16xf32, #tpu.memory_space<vmem>>) target(%dma_start3A_99 : memref<100352x16xf32, #tpu.memory_space<vmem_shared>>) offsets(%arg20 : memref<512xi32, #tpu.memory_space<vmem>>) semaphore(%arg28 : memref<!tpu.dma_semaphore, #tpu.memory_space<semaphore_mem>>) {add = true}
        %gt3A = arith.constant 0 : i32
        %gt3A_100 = arith.cmpi sgt, %add3A_87, %gt3A : i32
        %convert_element_type3A_101 = arith.extui %gt3A_100 : i1 to i32
        %cond3A_102 = arith.constant 0 : i32
        %cond3A_103 = arith.cmpi ne, %convert_element_type3A_101, %cond3A_102 : i32
        scf.if %cond3A_103 {
          %dma_wait3A_198 = arith.constant 0 : i32
          %dma_wait3A_199 = arith.constant 0 : i32
          %dma_wait3A_200 = tpu.memref_slice %arg15[%dma_wait3A_198, %dma_wait3A_199] : memref<100352x16xf32, #tpu.memory_space<vmem_shared>> -> memref<100352x16xf32, #tpu.memory_space<vmem_shared>>
          tpu.wait_indirect_dma semaphore(%arg29 : memref<!tpu.dma_semaphore, #tpu.memory_space<semaphore_mem>>) src(%arg25 : memref<512x16xf32, #tpu.memory_space<vmem>>) dst(%dma_wait3A_200 : memref<100352x16xf32, #tpu.memory_space<vmem_shared>>)
        } else {
        }
        %add3A_104 = arith.constant 1 : i32
        %add3A_105 = arith.addi %add3A_87, %add3A_104 : i32
        %lt3A_106 = arith.constant 196 : i32
        %lt3A_107 = arith.cmpi slt, %add3A_105, %lt3A_106 : i32
        %convert_element_type3A_108 = arith.extui %lt3A_107 : i1 to i32
        %cond3A_109 = arith.constant 0 : i32
        %cond3A_110 = arith.cmpi ne, %convert_element_type3A_108, %cond3A_109 : i32
        scf.if %cond3A_110 {
          %add3A_198 = arith.constant 1 : i32
          %add3A_199 = arith.addi %add3A_87, %add3A_198 : i32
          %mul3A_200 = arith.constant 512 : i32
          %mul3A_201 = arith.muli %add3A_199, %mul3A_200 : i32
          %add3A_202 = arith.addi %mul3A_9, %mul3A_201 : i32
          %dma_wait3A_203 = tpu.memref_slice %arg6[%add3A_202] : memref<1605632xi32, #tpu.memory_space<hbm>> -> memref<512xi32, #tpu.memory_space<hbm>>
          %dma_wait3A_204 = tpu.memref_slice %arg6[%add3A_202] : memref<1605632xi32, #tpu.memory_space<hbm>> -> memref<512xi32, #tpu.memory_space<hbm>>
          tpu.wait_dma2 semaphore(%arg31 : memref<!tpu.dma_semaphore, #tpu.memory_space<semaphore_mem>>) src(%dma_wait3A_204 : memref<512xi32, #tpu.memory_space<hbm>>) dst(%arg17 : memref<512xi32, #tpu.memory_space<vmem>>)
          %dma_wait3A_205 = tpu.memref_slice %arg7[%add3A_202] : memref<1605632xi32, #tpu.memory_space<hbm>> -> memref<512xi32, #tpu.memory_space<hbm>>
          %dma_wait3A_206 = tpu.memref_slice %arg7[%add3A_202] : memref<1605632xi32, #tpu.memory_space<hbm>> -> memref<512xi32, #tpu.memory_space<hbm>>
          tpu.wait_dma2 semaphore(%arg31 : memref<!tpu.dma_semaphore, #tpu.memory_space<semaphore_mem>>) src(%dma_wait3A_206 : memref<512xi32, #tpu.memory_space<hbm>>) dst(%arg21 : memref<512xi32, #tpu.memory_space<vmem>>)
          %dma_start3A_207 = arith.constant 0 : i32
          %dma_start3A_208 = arith.constant 0 : i32
          %dma_start3A_209 = tpu.memref_slice %arg3[%dma_start3A_207, %dma_start3A_208] : memref<100352x16xf32, #tpu.memory_space<hbm>> -> memref<100352x16xf32, #tpu.memory_space<hbm>>
          tpu.enqueue_indirect_dma source(%dma_start3A_209 : memref<100352x16xf32, #tpu.memory_space<hbm>>) target(%arg25 : memref<512x16xf32, #tpu.memory_space<vmem>>) offsets(%arg17 : memref<512xi32, #tpu.memory_space<vmem>>) semaphore(%arg27 : memref<!tpu.dma_semaphore, #tpu.memory_space<semaphore_mem>>)
        } else {
        }
        %mul3A_111 = arith.constant 4 : i32
        %mul3A_112 = arith.muli %scan3A_83, %mul3A_111 : i32
        %add3A_113 = arith.constant 1 : i32
        %add3A_114 = arith.addi %mul3A_112, %add3A_113 : i32
        %add3A_115 = arith.constant 2 : i32
        %add3A_116 = arith.addi %add3A_114, %add3A_115 : i32
        %lt3A_117 = arith.constant 196 : i32
        %lt3A_118 = arith.cmpi slt, %add3A_116, %lt3A_117 : i32
        %convert_element_type3A_119 = arith.extui %lt3A_118 : i1 to i32
        %cond3A_120 = arith.constant 0 : i32
        %cond3A_121 = arith.cmpi ne, %convert_element_type3A_119, %cond3A_120 : i32
        scf.if %cond3A_121 {
          %add3A_198 = arith.constant 2 : i32
          %add3A_199 = arith.addi %add3A_114, %add3A_198 : i32
          %mul3A_200 = arith.constant 512 : i32
          %mul3A_201 = arith.muli %add3A_199, %mul3A_200 : i32
          %add3A_202 = arith.addi %mul3A_9, %mul3A_201 : i32
          %dma_start3A_203 = tpu.memref_slice %arg6[%add3A_202] : memref<1605632xi32, #tpu.memory_space<hbm>> -> memref<512xi32, #tpu.memory_space<hbm>>
          %dma_start3A_204 = tpu.memref_slice %arg6[%add3A_202] : memref<1605632xi32, #tpu.memory_space<hbm>> -> memref<512xi32, #tpu.memory_space<hbm>>
          tpu.enqueue_dma source(%dma_start3A_204 : memref<512xi32, #tpu.memory_space<hbm>>) target(%arg19 : memref<512xi32, #tpu.memory_space<vmem>>) target_semaphore(%arg33 : memref<!tpu.dma_semaphore, #tpu.memory_space<semaphore_mem>>)
          %dma_start3A_205 = tpu.memref_slice %arg7[%add3A_202] : memref<1605632xi32, #tpu.memory_space<hbm>> -> memref<512xi32, #tpu.memory_space<hbm>>
          %dma_start3A_206 = tpu.memref_slice %arg7[%add3A_202] : memref<1605632xi32, #tpu.memory_space<hbm>> -> memref<512xi32, #tpu.memory_space<hbm>>
          tpu.enqueue_dma source(%dma_start3A_206 : memref<512xi32, #tpu.memory_space<hbm>>) target(%arg23 : memref<512xi32, #tpu.memory_space<vmem>>) target_semaphore(%arg33 : memref<!tpu.dma_semaphore, #tpu.memory_space<semaphore_mem>>)
        } else {
        }
        %dma_wait3A_122 = arith.constant 0 : i32
        %dma_wait3A_123 = arith.constant 0 : i32
        %dma_wait3A_124 = tpu.memref_slice %arg3[%dma_wait3A_122, %dma_wait3A_123] : memref<100352x16xf32, #tpu.memory_space<hbm>> -> memref<100352x16xf32, #tpu.memory_space<hbm>>
        tpu.wait_indirect_dma semaphore(%arg27 : memref<!tpu.dma_semaphore, #tpu.memory_space<semaphore_mem>>) src(%dma_wait3A_124 : memref<100352x16xf32, #tpu.memory_space<hbm>>) dst(%arg25 : memref<512x16xf32, #tpu.memory_space<vmem>>)
        %dma_start3A_125 = arith.constant 0 : i32
        %dma_start3A_126 = arith.constant 0 : i32
        %dma_start3A_127 = tpu.memref_slice %arg15[%dma_start3A_125, %dma_start3A_126] : memref<100352x16xf32, #tpu.memory_space<vmem_shared>> -> memref<100352x16xf32, #tpu.memory_space<vmem_shared>>
        tpu.enqueue_indirect_dma source(%arg25 : memref<512x16xf32, #tpu.memory_space<vmem>>) target(%dma_start3A_127 : memref<100352x16xf32, #tpu.memory_space<vmem_shared>>) offsets(%arg21 : memref<512xi32, #tpu.memory_space<vmem>>) semaphore(%arg29 : memref<!tpu.dma_semaphore, #tpu.memory_space<semaphore_mem>>) {add = true}
        %gt3A_128 = arith.constant 0 : i32
        %gt3A_129 = arith.cmpi sgt, %add3A_114, %gt3A_128 : i32
        %convert_element_type3A_130 = arith.extui %gt3A_129 : i1 to i32
        %cond3A_131 = arith.constant 0 : i32
        %cond3A_132 = arith.cmpi ne, %convert_element_type3A_130, %cond3A_131 : i32
        scf.if %cond3A_132 {
          %dma_wait3A_198 = arith.constant 0 : i32
          %dma_wait3A_199 = arith.constant 0 : i32
          %dma_wait3A_200 = tpu.memref_slice %arg15[%dma_wait3A_198, %dma_wait3A_199] : memref<100352x16xf32, #tpu.memory_space<vmem_shared>> -> memref<100352x16xf32, #tpu.memory_space<vmem_shared>>
          tpu.wait_indirect_dma semaphore(%arg28 : memref<!tpu.dma_semaphore, #tpu.memory_space<semaphore_mem>>) src(%arg24 : memref<512x16xf32, #tpu.memory_space<vmem>>) dst(%dma_wait3A_200 : memref<100352x16xf32, #tpu.memory_space<vmem_shared>>)
        } else {
        }
        %add3A_133 = arith.constant 1 : i32
        %add3A_134 = arith.addi %add3A_114, %add3A_133 : i32
        %lt3A_135 = arith.constant 196 : i32
        %lt3A_136 = arith.cmpi slt, %add3A_134, %lt3A_135 : i32
        %convert_element_type3A_137 = arith.extui %lt3A_136 : i1 to i32
        %cond3A_138 = arith.constant 0 : i32
        %cond3A_139 = arith.cmpi ne, %convert_element_type3A_137, %cond3A_138 : i32
        scf.if %cond3A_139 {
          %add3A_198 = arith.constant 1 : i32
          %add3A_199 = arith.addi %add3A_114, %add3A_198 : i32
          %mul3A_200 = arith.constant 512 : i32
          %mul3A_201 = arith.muli %add3A_199, %mul3A_200 : i32
          %add3A_202 = arith.addi %mul3A_9, %mul3A_201 : i32
          %dma_wait3A_203 = tpu.memref_slice %arg6[%add3A_202] : memref<1605632xi32, #tpu.memory_space<hbm>> -> memref<512xi32, #tpu.memory_space<hbm>>
          %dma_wait3A_204 = tpu.memref_slice %arg6[%add3A_202] : memref<1605632xi32, #tpu.memory_space<hbm>> -> memref<512xi32, #tpu.memory_space<hbm>>
          tpu.wait_dma2 semaphore(%arg32 : memref<!tpu.dma_semaphore, #tpu.memory_space<semaphore_mem>>) src(%dma_wait3A_204 : memref<512xi32, #tpu.memory_space<hbm>>) dst(%arg18 : memref<512xi32, #tpu.memory_space<vmem>>)
          %dma_wait3A_205 = tpu.memref_slice %arg7[%add3A_202] : memref<1605632xi32, #tpu.memory_space<hbm>> -> memref<512xi32, #tpu.memory_space<hbm>>
          %dma_wait3A_206 = tpu.memref_slice %arg7[%add3A_202] : memref<1605632xi32, #tpu.memory_space<hbm>> -> memref<512xi32, #tpu.memory_space<hbm>>
          tpu.wait_dma2 semaphore(%arg32 : memref<!tpu.dma_semaphore, #tpu.memory_space<semaphore_mem>>) src(%dma_wait3A_206 : memref<512xi32, #tpu.memory_space<hbm>>) dst(%arg22 : memref<512xi32, #tpu.memory_space<vmem>>)
          %dma_start3A_207 = arith.constant 0 : i32
          %dma_start3A_208 = arith.constant 0 : i32
          %dma_start3A_209 = tpu.memref_slice %arg3[%dma_start3A_207, %dma_start3A_208] : memref<100352x16xf32, #tpu.memory_space<hbm>> -> memref<100352x16xf32, #tpu.memory_space<hbm>>
          tpu.enqueue_indirect_dma source(%dma_start3A_209 : memref<100352x16xf32, #tpu.memory_space<hbm>>) target(%arg24 : memref<512x16xf32, #tpu.memory_space<vmem>>) offsets(%arg18 : memref<512xi32, #tpu.memory_space<vmem>>) semaphore(%arg26 : memref<!tpu.dma_semaphore, #tpu.memory_space<semaphore_mem>>)
        } else {
        }
        %mul3A_140 = arith.constant 4 : i32
        %mul3A_141 = arith.muli %scan3A_83, %mul3A_140 : i32
        %add3A_142 = arith.constant 2 : i32
        %add3A_143 = arith.addi %mul3A_141, %add3A_142 : i32
        %add3A_144 = arith.constant 2 : i32
        %add3A_145 = arith.addi %add3A_143, %add3A_144 : i32
        %lt3A_146 = arith.constant 196 : i32
        %lt3A_147 = arith.cmpi slt, %add3A_145, %lt3A_146 : i32
        %convert_element_type3A_148 = arith.extui %lt3A_147 : i1 to i32
        %cond3A_149 = arith.constant 0 : i32
        %cond3A_150 = arith.cmpi ne, %convert_element_type3A_148, %cond3A_149 : i32
        scf.if %cond3A_150 {
          %add3A_198 = arith.constant 2 : i32
          %add3A_199 = arith.addi %add3A_143, %add3A_198 : i32
          %mul3A_200 = arith.constant 512 : i32
          %mul3A_201 = arith.muli %add3A_199, %mul3A_200 : i32
          %add3A_202 = arith.addi %mul3A_9, %mul3A_201 : i32
          %dma_start3A_203 = tpu.memref_slice %arg6[%add3A_202] : memref<1605632xi32, #tpu.memory_space<hbm>> -> memref<512xi32, #tpu.memory_space<hbm>>
          %dma_start3A_204 = tpu.memref_slice %arg6[%add3A_202] : memref<1605632xi32, #tpu.memory_space<hbm>> -> memref<512xi32, #tpu.memory_space<hbm>>
          tpu.enqueue_dma source(%dma_start3A_204 : memref<512xi32, #tpu.memory_space<hbm>>) target(%arg16 : memref<512xi32, #tpu.memory_space<vmem>>) target_semaphore(%arg30 : memref<!tpu.dma_semaphore, #tpu.memory_space<semaphore_mem>>)
          %dma_start3A_205 = tpu.memref_slice %arg7[%add3A_202] : memref<1605632xi32, #tpu.memory_space<hbm>> -> memref<512xi32, #tpu.memory_space<hbm>>
          %dma_start3A_206 = tpu.memref_slice %arg7[%add3A_202] : memref<1605632xi32, #tpu.memory_space<hbm>> -> memref<512xi32, #tpu.memory_space<hbm>>
          tpu.enqueue_dma source(%dma_start3A_206 : memref<512xi32, #tpu.memory_space<hbm>>) target(%arg20 : memref<512xi32, #tpu.memory_space<vmem>>) target_semaphore(%arg30 : memref<!tpu.dma_semaphore, #tpu.memory_space<semaphore_mem>>)
        } else {
        }
        %dma_wait3A_151 = arith.constant 0 : i32
        %dma_wait3A_152 = arith.constant 0 : i32
        %dma_wait3A_153 = tpu.memref_slice %arg3[%dma_wait3A_151, %dma_wait3A_152] : memref<100352x16xf32, #tpu.memory_space<hbm>> -> memref<100352x16xf32, #tpu.memory_space<hbm>>
        tpu.wait_indirect_dma semaphore(%arg26 : memref<!tpu.dma_semaphore, #tpu.memory_space<semaphore_mem>>) src(%dma_wait3A_153 : memref<100352x16xf32, #tpu.memory_space<hbm>>) dst(%arg24 : memref<512x16xf32, #tpu.memory_space<vmem>>)
        %dma_start3A_154 = arith.constant 0 : i32
        %dma_start3A_155 = arith.constant 0 : i32
        %dma_start3A_156 = tpu.memref_slice %arg15[%dma_start3A_154, %dma_start3A_155] : memref<100352x16xf32, #tpu.memory_space<vmem_shared>> -> memref<100352x16xf32, #tpu.memory_space<vmem_shared>>
        tpu.enqueue_indirect_dma source(%arg24 : memref<512x16xf32, #tpu.memory_space<vmem>>) target(%dma_start3A_156 : memref<100352x16xf32, #tpu.memory_space<vmem_shared>>) offsets(%arg22 : memref<512xi32, #tpu.memory_space<vmem>>) semaphore(%arg28 : memref<!tpu.dma_semaphore, #tpu.memory_space<semaphore_mem>>) {add = true}
        %gt3A_157 = arith.constant 0 : i32
        %gt3A_158 = arith.cmpi sgt, %add3A_143, %gt3A_157 : i32
        %convert_element_type3A_159 = arith.extui %gt3A_158 : i1 to i32
        %cond3A_160 = arith.constant 0 : i32
        %cond3A_161 = arith.cmpi ne, %convert_element_type3A_159, %cond3A_160 : i32
        scf.if %cond3A_161 {
          %dma_wait3A_198 = arith.constant 0 : i32
          %dma_wait3A_199 = arith.constant 0 : i32
          %dma_wait3A_200 = tpu.memref_slice %arg15[%dma_wait3A_198, %dma_wait3A_199] : memref<100352x16xf32, #tpu.memory_space<vmem_shared>> -> memref<100352x16xf32, #tpu.memory_space<vmem_shared>>
          tpu.wait_indirect_dma semaphore(%arg29 : memref<!tpu.dma_semaphore, #tpu.memory_space<semaphore_mem>>) src(%arg25 : memref<512x16xf32, #tpu.memory_space<vmem>>) dst(%dma_wait3A_200 : memref<100352x16xf32, #tpu.memory_space<vmem_shared>>)
        } else {
        }
        %add3A_162 = arith.constant 1 : i32
        %add3A_163 = arith.addi %add3A_143, %add3A_162 : i32
        %lt3A_164 = arith.constant 196 : i32
        %lt3A_165 = arith.cmpi slt, %add3A_163, %lt3A_164 : i32
        %convert_element_type3A_166 = arith.extui %lt3A_165 : i1 to i32
        %cond3A_167 = arith.constant 0 : i32
        %cond3A_168 = arith.cmpi ne, %convert_element_type3A_166, %cond3A_167 : i32
        scf.if %cond3A_168 {
          %add3A_198 = arith.constant 1 : i32
          %add3A_199 = arith.addi %add3A_143, %add3A_198 : i32
          %mul3A_200 = arith.constant 512 : i32
          %mul3A_201 = arith.muli %add3A_199, %mul3A_200 : i32
          %add3A_202 = arith.addi %mul3A_9, %mul3A_201 : i32
          %dma_wait3A_203 = tpu.memref_slice %arg6[%add3A_202] : memref<1605632xi32, #tpu.memory_space<hbm>> -> memref<512xi32, #tpu.memory_space<hbm>>
          %dma_wait3A_204 = tpu.memref_slice %arg6[%add3A_202] : memref<1605632xi32, #tpu.memory_space<hbm>> -> memref<512xi32, #tpu.memory_space<hbm>>
          tpu.wait_dma2 semaphore(%arg33 : memref<!tpu.dma_semaphore, #tpu.memory_space<semaphore_mem>>) src(%dma_wait3A_204 : memref<512xi32, #tpu.memory_space<hbm>>) dst(%arg19 : memref<512xi32, #tpu.memory_space<vmem>>)
          %dma_wait3A_205 = tpu.memref_slice %arg7[%add3A_202] : memref<1605632xi32, #tpu.memory_space<hbm>> -> memref<512xi32, #tpu.memory_space<hbm>>
          %dma_wait3A_206 = tpu.memref_slice %arg7[%add3A_202] : memref<1605632xi32, #tpu.memory_space<hbm>> -> memref<512xi32, #tpu.memory_space<hbm>>
          tpu.wait_dma2 semaphore(%arg33 : memref<!tpu.dma_semaphore, #tpu.memory_space<semaphore_mem>>) src(%dma_wait3A_206 : memref<512xi32, #tpu.memory_space<hbm>>) dst(%arg23 : memref<512xi32, #tpu.memory_space<vmem>>)
          %dma_start3A_207 = arith.constant 0 : i32
          %dma_start3A_208 = arith.constant 0 : i32
          %dma_start3A_209 = tpu.memref_slice %arg3[%dma_start3A_207, %dma_start3A_208] : memref<100352x16xf32, #tpu.memory_space<hbm>> -> memref<100352x16xf32, #tpu.memory_space<hbm>>
          tpu.enqueue_indirect_dma source(%dma_start3A_209 : memref<100352x16xf32, #tpu.memory_space<hbm>>) target(%arg25 : memref<512x16xf32, #tpu.memory_space<vmem>>) offsets(%arg19 : memref<512xi32, #tpu.memory_space<vmem>>) semaphore(%arg27 : memref<!tpu.dma_semaphore, #tpu.memory_space<semaphore_mem>>)
        } else {
        }
        %mul3A_169 = arith.constant 4 : i32
        %mul3A_170 = arith.muli %scan3A_83, %mul3A_169 : i32
        %add3A_171 = arith.constant 3 : i32
        %add3A_172 = arith.addi %mul3A_170, %add3A_171 : i32
        %add3A_173 = arith.constant 2 : i32
        %add3A_174 = arith.addi %add3A_172, %add3A_173 : i32
        %lt3A_175 = arith.constant 196 : i32
        %lt3A_176 = arith.cmpi slt, %add3A_174, %lt3A_175 : i32
        %convert_element_type3A_177 = arith.extui %lt3A_176 : i1 to i32
        %cond3A_178 = arith.constant 0 : i32
        %cond3A_179 = arith.cmpi ne, %convert_element_type3A_177, %cond3A_178 : i32
        scf.if %cond3A_179 {
          %add3A_198 = arith.constant 2 : i32
          %add3A_199 = arith.addi %add3A_172, %add3A_198 : i32
          %mul3A_200 = arith.constant 512 : i32
          %mul3A_201 = arith.muli %add3A_199, %mul3A_200 : i32
          %add3A_202 = arith.addi %mul3A_9, %mul3A_201 : i32
          %dma_start3A_203 = tpu.memref_slice %arg6[%add3A_202] : memref<1605632xi32, #tpu.memory_space<hbm>> -> memref<512xi32, #tpu.memory_space<hbm>>
          %dma_start3A_204 = tpu.memref_slice %arg6[%add3A_202] : memref<1605632xi32, #tpu.memory_space<hbm>> -> memref<512xi32, #tpu.memory_space<hbm>>
          tpu.enqueue_dma source(%dma_start3A_204 : memref<512xi32, #tpu.memory_space<hbm>>) target(%arg17 : memref<512xi32, #tpu.memory_space<vmem>>) target_semaphore(%arg31 : memref<!tpu.dma_semaphore, #tpu.memory_space<semaphore_mem>>)
          %dma_start3A_205 = tpu.memref_slice %arg7[%add3A_202] : memref<1605632xi32, #tpu.memory_space<hbm>> -> memref<512xi32, #tpu.memory_space<hbm>>
          %dma_start3A_206 = tpu.memref_slice %arg7[%add3A_202] : memref<1605632xi32, #tpu.memory_space<hbm>> -> memref<512xi32, #tpu.memory_space<hbm>>
          tpu.enqueue_dma source(%dma_start3A_206 : memref<512xi32, #tpu.memory_space<hbm>>) target(%arg21 : memref<512xi32, #tpu.memory_space<vmem>>) target_semaphore(%arg31 : memref<!tpu.dma_semaphore, #tpu.memory_space<semaphore_mem>>)
        } else {
        }
        %dma_wait3A_180 = arith.constant 0 : i32
        %dma_wait3A_181 = arith.constant 0 : i32
        %dma_wait3A_182 = tpu.memref_slice %arg3[%dma_wait3A_180, %dma_wait3A_181] : memref<100352x16xf32, #tpu.memory_space<hbm>> -> memref<100352x16xf32, #tpu.memory_space<hbm>>
        tpu.wait_indirect_dma semaphore(%arg27 : memref<!tpu.dma_semaphore, #tpu.memory_space<semaphore_mem>>) src(%dma_wait3A_182 : memref<100352x16xf32, #tpu.memory_space<hbm>>) dst(%arg25 : memref<512x16xf32, #tpu.memory_space<vmem>>)
        %dma_start3A_183 = arith.constant 0 : i32
        %dma_start3A_184 = arith.constant 0 : i32
        %dma_start3A_185 = tpu.memref_slice %arg15[%dma_start3A_183, %dma_start3A_184] : memref<100352x16xf32, #tpu.memory_space<vmem_shared>> -> memref<100352x16xf32, #tpu.memory_space<vmem_shared>>
        tpu.enqueue_indirect_dma source(%arg25 : memref<512x16xf32, #tpu.memory_space<vmem>>) target(%dma_start3A_185 : memref<100352x16xf32, #tpu.memory_space<vmem_shared>>) offsets(%arg23 : memref<512xi32, #tpu.memory_space<vmem>>) semaphore(%arg29 : memref<!tpu.dma_semaphore, #tpu.memory_space<semaphore_mem>>) {add = true}
        %gt3A_186 = arith.constant 0 : i32
        %gt3A_187 = arith.cmpi sgt, %add3A_172, %gt3A_186 : i32
        %convert_element_type3A_188 = arith.extui %gt3A_187 : i1 to i32
        %cond3A_189 = arith.constant 0 : i32
        %cond3A_190 = arith.cmpi ne, %convert_element_type3A_188, %cond3A_189 : i32
        scf.if %cond3A_190 {
          %dma_wait3A_198 = arith.constant 0 : i32
          %dma_wait3A_199 = arith.constant 0 : i32
          %dma_wait3A_200 = tpu.memref_slice %arg15[%dma_wait3A_198, %dma_wait3A_199] : memref<100352x16xf32, #tpu.memory_space<vmem_shared>> -> memref<100352x16xf32, #tpu.memory_space<vmem_shared>>
          tpu.wait_indirect_dma semaphore(%arg28 : memref<!tpu.dma_semaphore, #tpu.memory_space<semaphore_mem>>) src(%arg24 : memref<512x16xf32, #tpu.memory_space<vmem>>) dst(%dma_wait3A_200 : memref<100352x16xf32, #tpu.memory_space<vmem_shared>>)
        } else {
        }
        %add3A_191 = arith.constant 1 : i32
        %add3A_192 = arith.addi %add3A_172, %add3A_191 : i32
        %lt3A_193 = arith.constant 196 : i32
        %lt3A_194 = arith.cmpi slt, %add3A_192, %lt3A_193 : i32
        %convert_element_type3A_195 = arith.extui %lt3A_194 : i1 to i32
        %cond3A_196 = arith.constant 0 : i32
        %cond3A_197 = arith.cmpi ne, %convert_element_type3A_195, %cond3A_196 : i32
        scf.if %cond3A_197 {
          %add3A_198 = arith.constant 1 : i32
          %add3A_199 = arith.addi %add3A_172, %add3A_198 : i32
          %mul3A_200 = arith.constant 512 : i32
          %mul3A_201 = arith.muli %add3A_199, %mul3A_200 : i32
          %add3A_202 = arith.addi %mul3A_9, %mul3A_201 : i32
          %dma_wait3A_203 = tpu.memref_slice %arg6[%add3A_202] : memref<1605632xi32, #tpu.memory_space<hbm>> -> memref<512xi32, #tpu.memory_space<hbm>>
          %dma_wait3A_204 = tpu.memref_slice %arg6[%add3A_202] : memref<1605632xi32, #tpu.memory_space<hbm>> -> memref<512xi32, #tpu.memory_space<hbm>>
          tpu.wait_dma2 semaphore(%arg30 : memref<!tpu.dma_semaphore, #tpu.memory_space<semaphore_mem>>) src(%dma_wait3A_204 : memref<512xi32, #tpu.memory_space<hbm>>) dst(%arg16 : memref<512xi32, #tpu.memory_space<vmem>>)
          %dma_wait3A_205 = tpu.memref_slice %arg7[%add3A_202] : memref<1605632xi32, #tpu.memory_space<hbm>> -> memref<512xi32, #tpu.memory_space<hbm>>
          %dma_wait3A_206 = tpu.memref_slice %arg7[%add3A_202] : memref<1605632xi32, #tpu.memory_space<hbm>> -> memref<512xi32, #tpu.memory_space<hbm>>
          tpu.wait_dma2 semaphore(%arg30 : memref<!tpu.dma_semaphore, #tpu.memory_space<semaphore_mem>>) src(%dma_wait3A_206 : memref<512xi32, #tpu.memory_space<hbm>>) dst(%arg20 : memref<512xi32, #tpu.memory_space<vmem>>)
          %dma_start3A_207 = arith.constant 0 : i32
          %dma_start3A_208 = arith.constant 0 : i32
          %dma_start3A_209 = tpu.memref_slice %arg3[%dma_start3A_207, %dma_start3A_208] : memref<100352x16xf32, #tpu.memory_space<hbm>> -> memref<100352x16xf32, #tpu.memory_space<hbm>>
          tpu.enqueue_indirect_dma source(%dma_start3A_209 : memref<100352x16xf32, #tpu.memory_space<hbm>>) target(%arg24 : memref<512x16xf32, #tpu.memory_space<vmem>>) offsets(%arg16 : memref<512xi32, #tpu.memory_space<vmem>>) semaphore(%arg26 : memref<!tpu.dma_semaphore, #tpu.memory_space<semaphore_mem>>)
        } else {
        }
      }
      %scan3A_32 = arith.constant 49 : i32
      %dma_wait3A_33 = arith.constant 0 : i32
      %dma_wait3A_34 = arith.constant 0 : i32
      %dma_wait3A_35 = tpu.memref_slice %arg15[%dma_wait3A_33, %dma_wait3A_34] : memref<100352x16xf32, #tpu.memory_space<vmem_shared>> -> memref<100352x16xf32, #tpu.memory_space<vmem_shared>>
      tpu.wait_indirect_dma semaphore(%arg29 : memref<!tpu.dma_semaphore, #tpu.memory_space<semaphore_mem>>) src(%arg25 : memref<512x16xf32, #tpu.memory_space<vmem>>) dst(%dma_wait3A_35 : memref<100352x16xf32, #tpu.memory_space<vmem_shared>>)
      %barrier3A_36 = arith.constant 0 : index
      tpu.barrier barrier_id(%barrier3A_36)
      %mul3A_37 = arith.constant 6272 : i32
      %mul3A_38 = arith.muli %arg1, %mul3A_37 : i32
      %mul3A_39 = arith.constant 6272 : i32
      %mul3A_40 = arith.muli %arg1, %mul3A_39 : i32
      "tpu.region"() ({
        %run_scoped3A = tpu.sem_alloc : memref<!tpu.dma_semaphore, #tpu.memory_space<semaphore_mem>>
        %dma_start3A_83 = arith.constant 0 : i32
        %dma_start3A_84 = tpu.memref_slice %arg12[%mul3A_40, %dma_start3A_83] : memref<100352x16xf32, #tpu.memory_space<hbm>> -> memref<6272x16xf32, #tpu.memory_space<hbm>>
        %dma_start3A_85 = arith.constant 0 : i32
        %dma_start3A_86 = tpu.memref_slice %arg15[%mul3A_38, %dma_start3A_85] : memref<100352x16xf32, #tpu.memory_space<vmem_shared>> -> memref<6272x16xf32, #tpu.memory_space<vmem_shared>>
        tpu.enqueue_dma source(%dma_start3A_86 : memref<6272x16xf32, #tpu.memory_space<vmem_shared>>) target(%dma_start3A_84 : memref<6272x16xf32, #tpu.memory_space<hbm>>) target_semaphore(%run_scoped3A : memref<!tpu.dma_semaphore, #tpu.memory_space<semaphore_mem>>)
        %dma_wait3A_87 = arith.constant 0 : i32
        %dma_wait3A_88 = tpu.memref_slice %arg12[%mul3A_40, %dma_wait3A_87] : memref<100352x16xf32, #tpu.memory_space<hbm>> -> memref<6272x16xf32, #tpu.memory_space<hbm>>
        %dma_wait3A_89 = arith.constant 0 : i32
        %dma_wait3A_90 = tpu.memref_slice %arg15[%mul3A_38, %dma_wait3A_89] : memref<100352x16xf32, #tpu.memory_space<vmem_shared>> -> memref<6272x16xf32, #tpu.memory_space<vmem_shared>>
        tpu.wait_dma2 semaphore(%run_scoped3A : memref<!tpu.dma_semaphore, #tpu.memory_space<semaphore_mem>>) src(%dma_wait3A_90 : memref<6272x16xf32, #tpu.memory_space<vmem_shared>>) dst(%dma_wait3A_88 : memref<6272x16xf32, #tpu.memory_space<hbm>>)
        tpu.yield
      }) : () -> ()
      %barrier3A_41 = arith.constant 0 : index
      tpu.barrier barrier_id(%barrier3A_41)
      %mul3A_42 = arith.constant 6272 : i32
      %mul3A_43 = arith.muli %arg1, %mul3A_42 : i32
      "tpu.region"() ({
        %run_scoped3A = tpu.sem_alloc : memref<!tpu.dma_semaphore, #tpu.memory_space<semaphore_mem>>
        %dma_start3A_83 = arith.constant 0 : i32
        %dma_start3A_84 = tpu.memref_slice %arg15[%mul3A_43, %dma_start3A_83] : memref<100352x16xf32, #tpu.memory_space<vmem_shared>> -> memref<6272x16xf32, #tpu.memory_space<vmem_shared>>
        tpu.enqueue_dma source(%arg10 : memref<6272x16xf32, #tpu.memory_space<hbm>>) target(%dma_start3A_84 : memref<6272x16xf32, #tpu.memory_space<vmem_shared>>) target_semaphore(%run_scoped3A : memref<!tpu.dma_semaphore, #tpu.memory_space<semaphore_mem>>)
        %dma_wait3A_85 = arith.constant 0 : i32
        %dma_wait3A_86 = tpu.memref_slice %arg15[%mul3A_43, %dma_wait3A_85] : memref<100352x16xf32, #tpu.memory_space<vmem_shared>> -> memref<6272x16xf32, #tpu.memory_space<vmem_shared>>
        tpu.wait_dma2 semaphore(%run_scoped3A : memref<!tpu.dma_semaphore, #tpu.memory_space<semaphore_mem>>) src(%arg10 : memref<6272x16xf32, #tpu.memory_space<hbm>>) dst(%dma_wait3A_86 : memref<6272x16xf32, #tpu.memory_space<vmem_shared>>)
        tpu.yield
      }) : () -> ()
      %barrier3A_44 = arith.constant 0 : index
      tpu.barrier barrier_id(%barrier3A_44)
      %mul3A_45 = arith.constant 100352 : i32
      %mul3A_46 = arith.muli %arg1, %mul3A_45 : i32
      %add3A_47 = arith.constant 0 : i32
      %add3A_48 = arith.addi %mul3A_46, %add3A_47 : i32
      %dma_start3A_49 = tpu.memref_slice %arg8[%add3A_48] : memref<1605632xi32, #tpu.memory_space<hbm>> -> memref<512xi32, #tpu.memory_space<hbm>>
      %dma_start3A_50 = tpu.memref_slice %arg8[%add3A_48] : memref<1605632xi32, #tpu.memory_space<hbm>> -> memref<512xi32, #tpu.memory_space<hbm>>
      tpu.enqueue_dma source(%dma_start3A_50 : memref<512xi32, #tpu.memory_space<hbm>>) target(%arg16 : memref<512xi32, #tpu.memory_space<vmem>>) target_semaphore(%arg30 : memref<!tpu.dma_semaphore, #tpu.memory_space<semaphore_mem>>)
      %dma_start3A_51 = tpu.memref_slice %arg9[%add3A_48] : memref<1605632xi32, #tpu.memory_space<hbm>> -> memref<512xi32, #tpu.memory_space<hbm>>
      %dma_start3A_52 = tpu.memref_slice %arg9[%add3A_48] : memref<1605632xi32, #tpu.memory_space<hbm>> -> memref<512xi32, #tpu.memory_space<hbm>>
      tpu.enqueue_dma source(%dma_start3A_52 : memref<512xi32, #tpu.memory_space<hbm>>) target(%arg20 : memref<512xi32, #tpu.memory_space<vmem>>) target_semaphore(%arg30 : memref<!tpu.dma_semaphore, #tpu.memory_space<semaphore_mem>>)
      %add3A_53 = arith.constant 512 : i32
      %add3A_54 = arith.addi %mul3A_46, %add3A_53 : i32
      %dma_start3A_55 = tpu.memref_slice %arg8[%add3A_54] : memref<1605632xi32, #tpu.memory_space<hbm>> -> memref<512xi32, #tpu.memory_space<hbm>>
      %dma_start3A_56 = tpu.memref_slice %arg8[%add3A_54] : memref<1605632xi32, #tpu.memory_space<hbm>> -> memref<512xi32, #tpu.memory_space<hbm>>
      tpu.enqueue_dma source(%dma_start3A_56 : memref<512xi32, #tpu.memory_space<hbm>>) target(%arg17 : memref<512xi32, #tpu.memory_space<vmem>>) target_semaphore(%arg31 : memref<!tpu.dma_semaphore, #tpu.memory_space<semaphore_mem>>)
      %dma_start3A_57 = tpu.memref_slice %arg9[%add3A_54] : memref<1605632xi32, #tpu.memory_space<hbm>> -> memref<512xi32, #tpu.memory_space<hbm>>
      %dma_start3A_58 = tpu.memref_slice %arg9[%add3A_54] : memref<1605632xi32, #tpu.memory_space<hbm>> -> memref<512xi32, #tpu.memory_space<hbm>>
      tpu.enqueue_dma source(%dma_start3A_58 : memref<512xi32, #tpu.memory_space<hbm>>) target(%arg21 : memref<512xi32, #tpu.memory_space<vmem>>) target_semaphore(%arg31 : memref<!tpu.dma_semaphore, #tpu.memory_space<semaphore_mem>>)
      %add3A_59 = arith.constant 0 : i32
      %add3A_60 = arith.addi %mul3A_46, %add3A_59 : i32
      %dma_wait3A_61 = tpu.memref_slice %arg8[%add3A_60] : memref<1605632xi32, #tpu.memory_space<hbm>> -> memref<512xi32, #tpu.memory_space<hbm>>
      %dma_wait3A_62 = tpu.memref_slice %arg8[%add3A_60] : memref<1605632xi32, #tpu.memory_space<hbm>> -> memref<512xi32, #tpu.memory_space<hbm>>
      tpu.wait_dma2 semaphore(%arg30 : memref<!tpu.dma_semaphore, #tpu.memory_space<semaphore_mem>>) src(%dma_wait3A_62 : memref<512xi32, #tpu.memory_space<hbm>>) dst(%arg16 : memref<512xi32, #tpu.memory_space<vmem>>)
      %dma_wait3A_63 = tpu.memref_slice %arg9[%add3A_60] : memref<1605632xi32, #tpu.memory_space<hbm>> -> memref<512xi32, #tpu.memory_space<hbm>>
      %dma_wait3A_64 = tpu.memref_slice %arg9[%add3A_60] : memref<1605632xi32, #tpu.memory_space<hbm>> -> memref<512xi32, #tpu.memory_space<hbm>>
      tpu.wait_dma2 semaphore(%arg30 : memref<!tpu.dma_semaphore, #tpu.memory_space<semaphore_mem>>) src(%dma_wait3A_64 : memref<512xi32, #tpu.memory_space<hbm>>) dst(%arg20 : memref<512xi32, #tpu.memory_space<vmem>>)
      %dma_start3A_65 = arith.constant 0 : i32
      %dma_start3A_66 = arith.constant 0 : i32
      %dma_start3A_67 = tpu.memref_slice %arg5[%dma_start3A_65, %dma_start3A_66] : memref<100352x16xf32, #tpu.memory_space<hbm>> -> memref<100352x16xf32, #tpu.memory_space<hbm>>
      tpu.enqueue_indirect_dma source(%dma_start3A_67 : memref<100352x16xf32, #tpu.memory_space<hbm>>) target(%arg24 : memref<512x16xf32, #tpu.memory_space<vmem>>) offsets(%arg16 : memref<512xi32, #tpu.memory_space<vmem>>) semaphore(%arg26 : memref<!tpu.dma_semaphore, #tpu.memory_space<semaphore_mem>>)
      %scan3A_68 = arith.constant 0 : i32
      %scan3A_69 = arith.constant 0 : i32
      %scan3A_70 = arith.constant 49 : i32
      %scan3A_71 = arith.addi %scan3A_69, %scan3A_70 : i32
      %scan3A_72 = arith.constant 1 : i32
      scf.for %scan3A_83 = %scan3A_69 to %scan3A_71 step %scan3A_72  : i32 {
        %mul3A_84 = arith.constant 4 : i32
        %mul3A_85 = arith.muli %scan3A_83, %mul3A_84 : i32
        %add3A_86 = arith.constant 0 : i32
        %add3A_87 = arith.addi %mul3A_85, %add3A_86 : i32
        %add3A_88 = arith.constant 2 : i32
        %add3A_89 = arith.addi %add3A_87, %add3A_88 : i32
        %lt3A = arith.constant 196 : i32
        %lt3A_90 = arith.cmpi slt, %add3A_89, %lt3A : i32
        %convert_element_type3A_91 = arith.extui %lt3A_90 : i1 to i32
        %cond3A_92 = arith.constant 0 : i32
        %cond3A_93 = arith.cmpi ne, %convert_element_type3A_91, %cond3A_92 : i32
        scf.if %cond3A_93 {
          %add3A_198 = arith.constant 2 : i32
          %add3A_199 = arith.addi %add3A_87, %add3A_198 : i32
          %mul3A_200 = arith.constant 512 : i32
          %mul3A_201 = arith.muli %add3A_199, %mul3A_200 : i32
          %add3A_202 = arith.addi %mul3A_46, %mul3A_201 : i32
          %dma_start3A_203 = tpu.memref_slice %arg8[%add3A_202] : memref<1605632xi32, #tpu.memory_space<hbm>> -> memref<512xi32, #tpu.memory_space<hbm>>
          %dma_start3A_204 = tpu.memref_slice %arg8[%add3A_202] : memref<1605632xi32, #tpu.memory_space<hbm>> -> memref<512xi32, #tpu.memory_space<hbm>>
          tpu.enqueue_dma source(%dma_start3A_204 : memref<512xi32, #tpu.memory_space<hbm>>) target(%arg18 : memref<512xi32, #tpu.memory_space<vmem>>) target_semaphore(%arg32 : memref<!tpu.dma_semaphore, #tpu.memory_space<semaphore_mem>>)
          %dma_start3A_205 = tpu.memref_slice %arg9[%add3A_202] : memref<1605632xi32, #tpu.memory_space<hbm>> -> memref<512xi32, #tpu.memory_space<hbm>>
          %dma_start3A_206 = tpu.memref_slice %arg9[%add3A_202] : memref<1605632xi32, #tpu.memory_space<hbm>> -> memref<512xi32, #tpu.memory_space<hbm>>
          tpu.enqueue_dma source(%dma_start3A_206 : memref<512xi32, #tpu.memory_space<hbm>>) target(%arg22 : memref<512xi32, #tpu.memory_space<vmem>>) target_semaphore(%arg32 : memref<!tpu.dma_semaphore, #tpu.memory_space<semaphore_mem>>)
        } else {
        }
        %dma_wait3A_94 = arith.constant 0 : i32
        %dma_wait3A_95 = arith.constant 0 : i32
        %dma_wait3A_96 = tpu.memref_slice %arg5[%dma_wait3A_94, %dma_wait3A_95] : memref<100352x16xf32, #tpu.memory_space<hbm>> -> memref<100352x16xf32, #tpu.memory_space<hbm>>
        tpu.wait_indirect_dma semaphore(%arg26 : memref<!tpu.dma_semaphore, #tpu.memory_space<semaphore_mem>>) src(%dma_wait3A_96 : memref<100352x16xf32, #tpu.memory_space<hbm>>) dst(%arg24 : memref<512x16xf32, #tpu.memory_space<vmem>>)
        %dma_start3A_97 = arith.constant 0 : i32
        %dma_start3A_98 = arith.constant 0 : i32
        %dma_start3A_99 = tpu.memref_slice %arg15[%dma_start3A_97, %dma_start3A_98] : memref<100352x16xf32, #tpu.memory_space<vmem_shared>> -> memref<100352x16xf32, #tpu.memory_space<vmem_shared>>
        tpu.enqueue_indirect_dma source(%arg24 : memref<512x16xf32, #tpu.memory_space<vmem>>) target(%dma_start3A_99 : memref<100352x16xf32, #tpu.memory_space<vmem_shared>>) offsets(%arg20 : memref<512xi32, #tpu.memory_space<vmem>>) semaphore(%arg28 : memref<!tpu.dma_semaphore, #tpu.memory_space<semaphore_mem>>) {add = true}
        %gt3A = arith.constant 0 : i32
        %gt3A_100 = arith.cmpi sgt, %add3A_87, %gt3A : i32
        %convert_element_type3A_101 = arith.extui %gt3A_100 : i1 to i32
        %cond3A_102 = arith.constant 0 : i32
        %cond3A_103 = arith.cmpi ne, %convert_element_type3A_101, %cond3A_102 : i32
        scf.if %cond3A_103 {
          %dma_wait3A_198 = arith.constant 0 : i32
          %dma_wait3A_199 = arith.constant 0 : i32
          %dma_wait3A_200 = tpu.memref_slice %arg15[%dma_wait3A_198, %dma_wait3A_199] : memref<100352x16xf32, #tpu.memory_space<vmem_shared>> -> memref<100352x16xf32, #tpu.memory_space<vmem_shared>>
          tpu.wait_indirect_dma semaphore(%arg29 : memref<!tpu.dma_semaphore, #tpu.memory_space<semaphore_mem>>) src(%arg25 : memref<512x16xf32, #tpu.memory_space<vmem>>) dst(%dma_wait3A_200 : memref<100352x16xf32, #tpu.memory_space<vmem_shared>>)
        } else {
        }
        %add3A_104 = arith.constant 1 : i32
        %add3A_105 = arith.addi %add3A_87, %add3A_104 : i32
        %lt3A_106 = arith.constant 196 : i32
        %lt3A_107 = arith.cmpi slt, %add3A_105, %lt3A_106 : i32
        %convert_element_type3A_108 = arith.extui %lt3A_107 : i1 to i32
        %cond3A_109 = arith.constant 0 : i32
        %cond3A_110 = arith.cmpi ne, %convert_element_type3A_108, %cond3A_109 : i32
        scf.if %cond3A_110 {
          %add3A_198 = arith.constant 1 : i32
          %add3A_199 = arith.addi %add3A_87, %add3A_198 : i32
          %mul3A_200 = arith.constant 512 : i32
          %mul3A_201 = arith.muli %add3A_199, %mul3A_200 : i32
          %add3A_202 = arith.addi %mul3A_46, %mul3A_201 : i32
          %dma_wait3A_203 = tpu.memref_slice %arg8[%add3A_202] : memref<1605632xi32, #tpu.memory_space<hbm>> -> memref<512xi32, #tpu.memory_space<hbm>>
          %dma_wait3A_204 = tpu.memref_slice %arg8[%add3A_202] : memref<1605632xi32, #tpu.memory_space<hbm>> -> memref<512xi32, #tpu.memory_space<hbm>>
          tpu.wait_dma2 semaphore(%arg31 : memref<!tpu.dma_semaphore, #tpu.memory_space<semaphore_mem>>) src(%dma_wait3A_204 : memref<512xi32, #tpu.memory_space<hbm>>) dst(%arg17 : memref<512xi32, #tpu.memory_space<vmem>>)
          %dma_wait3A_205 = tpu.memref_slice %arg9[%add3A_202] : memref<1605632xi32, #tpu.memory_space<hbm>> -> memref<512xi32, #tpu.memory_space<hbm>>
          %dma_wait3A_206 = tpu.memref_slice %arg9[%add3A_202] : memref<1605632xi32, #tpu.memory_space<hbm>> -> memref<512xi32, #tpu.memory_space<hbm>>
          tpu.wait_dma2 semaphore(%arg31 : memref<!tpu.dma_semaphore, #tpu.memory_space<semaphore_mem>>) src(%dma_wait3A_206 : memref<512xi32, #tpu.memory_space<hbm>>) dst(%arg21 : memref<512xi32, #tpu.memory_space<vmem>>)
          %dma_start3A_207 = arith.constant 0 : i32
          %dma_start3A_208 = arith.constant 0 : i32
          %dma_start3A_209 = tpu.memref_slice %arg5[%dma_start3A_207, %dma_start3A_208] : memref<100352x16xf32, #tpu.memory_space<hbm>> -> memref<100352x16xf32, #tpu.memory_space<hbm>>
          tpu.enqueue_indirect_dma source(%dma_start3A_209 : memref<100352x16xf32, #tpu.memory_space<hbm>>) target(%arg25 : memref<512x16xf32, #tpu.memory_space<vmem>>) offsets(%arg17 : memref<512xi32, #tpu.memory_space<vmem>>) semaphore(%arg27 : memref<!tpu.dma_semaphore, #tpu.memory_space<semaphore_mem>>)
        } else {
        }
        %mul3A_111 = arith.constant 4 : i32
        %mul3A_112 = arith.muli %scan3A_83, %mul3A_111 : i32
        %add3A_113 = arith.constant 1 : i32
        %add3A_114 = arith.addi %mul3A_112, %add3A_113 : i32
        %add3A_115 = arith.constant 2 : i32
        %add3A_116 = arith.addi %add3A_114, %add3A_115 : i32
        %lt3A_117 = arith.constant 196 : i32
        %lt3A_118 = arith.cmpi slt, %add3A_116, %lt3A_117 : i32
        %convert_element_type3A_119 = arith.extui %lt3A_118 : i1 to i32
        %cond3A_120 = arith.constant 0 : i32
        %cond3A_121 = arith.cmpi ne, %convert_element_type3A_119, %cond3A_120 : i32
        scf.if %cond3A_121 {
          %add3A_198 = arith.constant 2 : i32
          %add3A_199 = arith.addi %add3A_114, %add3A_198 : i32
          %mul3A_200 = arith.constant 512 : i32
          %mul3A_201 = arith.muli %add3A_199, %mul3A_200 : i32
          %add3A_202 = arith.addi %mul3A_46, %mul3A_201 : i32
          %dma_start3A_203 = tpu.memref_slice %arg8[%add3A_202] : memref<1605632xi32, #tpu.memory_space<hbm>> -> memref<512xi32, #tpu.memory_space<hbm>>
          %dma_start3A_204 = tpu.memref_slice %arg8[%add3A_202] : memref<1605632xi32, #tpu.memory_space<hbm>> -> memref<512xi32, #tpu.memory_space<hbm>>
          tpu.enqueue_dma source(%dma_start3A_204 : memref<512xi32, #tpu.memory_space<hbm>>) target(%arg19 : memref<512xi32, #tpu.memory_space<vmem>>) target_semaphore(%arg33 : memref<!tpu.dma_semaphore, #tpu.memory_space<semaphore_mem>>)
          %dma_start3A_205 = tpu.memref_slice %arg9[%add3A_202] : memref<1605632xi32, #tpu.memory_space<hbm>> -> memref<512xi32, #tpu.memory_space<hbm>>
          %dma_start3A_206 = tpu.memref_slice %arg9[%add3A_202] : memref<1605632xi32, #tpu.memory_space<hbm>> -> memref<512xi32, #tpu.memory_space<hbm>>
          tpu.enqueue_dma source(%dma_start3A_206 : memref<512xi32, #tpu.memory_space<hbm>>) target(%arg23 : memref<512xi32, #tpu.memory_space<vmem>>) target_semaphore(%arg33 : memref<!tpu.dma_semaphore, #tpu.memory_space<semaphore_mem>>)
        } else {
        }
        %dma_wait3A_122 = arith.constant 0 : i32
        %dma_wait3A_123 = arith.constant 0 : i32
        %dma_wait3A_124 = tpu.memref_slice %arg5[%dma_wait3A_122, %dma_wait3A_123] : memref<100352x16xf32, #tpu.memory_space<hbm>> -> memref<100352x16xf32, #tpu.memory_space<hbm>>
        tpu.wait_indirect_dma semaphore(%arg27 : memref<!tpu.dma_semaphore, #tpu.memory_space<semaphore_mem>>) src(%dma_wait3A_124 : memref<100352x16xf32, #tpu.memory_space<hbm>>) dst(%arg25 : memref<512x16xf32, #tpu.memory_space<vmem>>)
        %dma_start3A_125 = arith.constant 0 : i32
        %dma_start3A_126 = arith.constant 0 : i32
        %dma_start3A_127 = tpu.memref_slice %arg15[%dma_start3A_125, %dma_start3A_126] : memref<100352x16xf32, #tpu.memory_space<vmem_shared>> -> memref<100352x16xf32, #tpu.memory_space<vmem_shared>>
        tpu.enqueue_indirect_dma source(%arg25 : memref<512x16xf32, #tpu.memory_space<vmem>>) target(%dma_start3A_127 : memref<100352x16xf32, #tpu.memory_space<vmem_shared>>) offsets(%arg21 : memref<512xi32, #tpu.memory_space<vmem>>) semaphore(%arg29 : memref<!tpu.dma_semaphore, #tpu.memory_space<semaphore_mem>>) {add = true}
        %gt3A_128 = arith.constant 0 : i32
        %gt3A_129 = arith.cmpi sgt, %add3A_114, %gt3A_128 : i32
        %convert_element_type3A_130 = arith.extui %gt3A_129 : i1 to i32
        %cond3A_131 = arith.constant 0 : i32
        %cond3A_132 = arith.cmpi ne, %convert_element_type3A_130, %cond3A_131 : i32
        scf.if %cond3A_132 {
          %dma_wait3A_198 = arith.constant 0 : i32
          %dma_wait3A_199 = arith.constant 0 : i32
          %dma_wait3A_200 = tpu.memref_slice %arg15[%dma_wait3A_198, %dma_wait3A_199] : memref<100352x16xf32, #tpu.memory_space<vmem_shared>> -> memref<100352x16xf32, #tpu.memory_space<vmem_shared>>
          tpu.wait_indirect_dma semaphore(%arg28 : memref<!tpu.dma_semaphore, #tpu.memory_space<semaphore_mem>>) src(%arg24 : memref<512x16xf32, #tpu.memory_space<vmem>>) dst(%dma_wait3A_200 : memref<100352x16xf32, #tpu.memory_space<vmem_shared>>)
        } else {
        }
        %add3A_133 = arith.constant 1 : i32
        %add3A_134 = arith.addi %add3A_114, %add3A_133 : i32
        %lt3A_135 = arith.constant 196 : i32
        %lt3A_136 = arith.cmpi slt, %add3A_134, %lt3A_135 : i32
        %convert_element_type3A_137 = arith.extui %lt3A_136 : i1 to i32
        %cond3A_138 = arith.constant 0 : i32
        %cond3A_139 = arith.cmpi ne, %convert_element_type3A_137, %cond3A_138 : i32
        scf.if %cond3A_139 {
          %add3A_198 = arith.constant 1 : i32
          %add3A_199 = arith.addi %add3A_114, %add3A_198 : i32
          %mul3A_200 = arith.constant 512 : i32
          %mul3A_201 = arith.muli %add3A_199, %mul3A_200 : i32
          %add3A_202 = arith.addi %mul3A_46, %mul3A_201 : i32
          %dma_wait3A_203 = tpu.memref_slice %arg8[%add3A_202] : memref<1605632xi32, #tpu.memory_space<hbm>> -> memref<512xi32, #tpu.memory_space<hbm>>
          %dma_wait3A_204 = tpu.memref_slice %arg8[%add3A_202] : memref<1605632xi32, #tpu.memory_space<hbm>> -> memref<512xi32, #tpu.memory_space<hbm>>
          tpu.wait_dma2 semaphore(%arg32 : memref<!tpu.dma_semaphore, #tpu.memory_space<semaphore_mem>>) src(%dma_wait3A_204 : memref<512xi32, #tpu.memory_space<hbm>>) dst(%arg18 : memref<512xi32, #tpu.memory_space<vmem>>)
          %dma_wait3A_205 = tpu.memref_slice %arg9[%add3A_202] : memref<1605632xi32, #tpu.memory_space<hbm>> -> memref<512xi32, #tpu.memory_space<hbm>>
          %dma_wait3A_206 = tpu.memref_slice %arg9[%add3A_202] : memref<1605632xi32, #tpu.memory_space<hbm>> -> memref<512xi32, #tpu.memory_space<hbm>>
          tpu.wait_dma2 semaphore(%arg32 : memref<!tpu.dma_semaphore, #tpu.memory_space<semaphore_mem>>) src(%dma_wait3A_206 : memref<512xi32, #tpu.memory_space<hbm>>) dst(%arg22 : memref<512xi32, #tpu.memory_space<vmem>>)
          %dma_start3A_207 = arith.constant 0 : i32
          %dma_start3A_208 = arith.constant 0 : i32
          %dma_start3A_209 = tpu.memref_slice %arg5[%dma_start3A_207, %dma_start3A_208] : memref<100352x16xf32, #tpu.memory_space<hbm>> -> memref<100352x16xf32, #tpu.memory_space<hbm>>
          tpu.enqueue_indirect_dma source(%dma_start3A_209 : memref<100352x16xf32, #tpu.memory_space<hbm>>) target(%arg24 : memref<512x16xf32, #tpu.memory_space<vmem>>) offsets(%arg18 : memref<512xi32, #tpu.memory_space<vmem>>) semaphore(%arg26 : memref<!tpu.dma_semaphore, #tpu.memory_space<semaphore_mem>>)
        } else {
        }
        %mul3A_140 = arith.constant 4 : i32
        %mul3A_141 = arith.muli %scan3A_83, %mul3A_140 : i32
        %add3A_142 = arith.constant 2 : i32
        %add3A_143 = arith.addi %mul3A_141, %add3A_142 : i32
        %add3A_144 = arith.constant 2 : i32
        %add3A_145 = arith.addi %add3A_143, %add3A_144 : i32
        %lt3A_146 = arith.constant 196 : i32
        %lt3A_147 = arith.cmpi slt, %add3A_145, %lt3A_146 : i32
        %convert_element_type3A_148 = arith.extui %lt3A_147 : i1 to i32
        %cond3A_149 = arith.constant 0 : i32
        %cond3A_150 = arith.cmpi ne, %convert_element_type3A_148, %cond3A_149 : i32
        scf.if %cond3A_150 {
          %add3A_198 = arith.constant 2 : i32
          %add3A_199 = arith.addi %add3A_143, %add3A_198 : i32
          %mul3A_200 = arith.constant 512 : i32
          %mul3A_201 = arith.muli %add3A_199, %mul3A_200 : i32
          %add3A_202 = arith.addi %mul3A_46, %mul3A_201 : i32
          %dma_start3A_203 = tpu.memref_slice %arg8[%add3A_202] : memref<1605632xi32, #tpu.memory_space<hbm>> -> memref<512xi32, #tpu.memory_space<hbm>>
          %dma_start3A_204 = tpu.memref_slice %arg8[%add3A_202] : memref<1605632xi32, #tpu.memory_space<hbm>> -> memref<512xi32, #tpu.memory_space<hbm>>
          tpu.enqueue_dma source(%dma_start3A_204 : memref<512xi32, #tpu.memory_space<hbm>>) target(%arg16 : memref<512xi32, #tpu.memory_space<vmem>>) target_semaphore(%arg30 : memref<!tpu.dma_semaphore, #tpu.memory_space<semaphore_mem>>)
          %dma_start3A_205 = tpu.memref_slice %arg9[%add3A_202] : memref<1605632xi32, #tpu.memory_space<hbm>> -> memref<512xi32, #tpu.memory_space<hbm>>
          %dma_start3A_206 = tpu.memref_slice %arg9[%add3A_202] : memref<1605632xi32, #tpu.memory_space<hbm>> -> memref<512xi32, #tpu.memory_space<hbm>>
          tpu.enqueue_dma source(%dma_start3A_206 : memref<512xi32, #tpu.memory_space<hbm>>) target(%arg20 : memref<512xi32, #tpu.memory_space<vmem>>) target_semaphore(%arg30 : memref<!tpu.dma_semaphore, #tpu.memory_space<semaphore_mem>>)
        } else {
        }
        %dma_wait3A_151 = arith.constant 0 : i32
        %dma_wait3A_152 = arith.constant 0 : i32
        %dma_wait3A_153 = tpu.memref_slice %arg5[%dma_wait3A_151, %dma_wait3A_152] : memref<100352x16xf32, #tpu.memory_space<hbm>> -> memref<100352x16xf32, #tpu.memory_space<hbm>>
        tpu.wait_indirect_dma semaphore(%arg26 : memref<!tpu.dma_semaphore, #tpu.memory_space<semaphore_mem>>) src(%dma_wait3A_153 : memref<100352x16xf32, #tpu.memory_space<hbm>>) dst(%arg24 : memref<512x16xf32, #tpu.memory_space<vmem>>)
        %dma_start3A_154 = arith.constant 0 : i32
        %dma_start3A_155 = arith.constant 0 : i32
        %dma_start3A_156 = tpu.memref_slice %arg15[%dma_start3A_154, %dma_start3A_155] : memref<100352x16xf32, #tpu.memory_space<vmem_shared>> -> memref<100352x16xf32, #tpu.memory_space<vmem_shared>>
        tpu.enqueue_indirect_dma source(%arg24 : memref<512x16xf32, #tpu.memory_space<vmem>>) target(%dma_start3A_156 : memref<100352x16xf32, #tpu.memory_space<vmem_shared>>) offsets(%arg22 : memref<512xi32, #tpu.memory_space<vmem>>) semaphore(%arg28 : memref<!tpu.dma_semaphore, #tpu.memory_space<semaphore_mem>>) {add = true}
        %gt3A_157 = arith.constant 0 : i32
        %gt3A_158 = arith.cmpi sgt, %add3A_143, %gt3A_157 : i32
        %convert_element_type3A_159 = arith.extui %gt3A_158 : i1 to i32
        %cond3A_160 = arith.constant 0 : i32
        %cond3A_161 = arith.cmpi ne, %convert_element_type3A_159, %cond3A_160 : i32
        scf.if %cond3A_161 {
          %dma_wait3A_198 = arith.constant 0 : i32
          %dma_wait3A_199 = arith.constant 0 : i32
          %dma_wait3A_200 = tpu.memref_slice %arg15[%dma_wait3A_198, %dma_wait3A_199] : memref<100352x16xf32, #tpu.memory_space<vmem_shared>> -> memref<100352x16xf32, #tpu.memory_space<vmem_shared>>
          tpu.wait_indirect_dma semaphore(%arg29 : memref<!tpu.dma_semaphore, #tpu.memory_space<semaphore_mem>>) src(%arg25 : memref<512x16xf32, #tpu.memory_space<vmem>>) dst(%dma_wait3A_200 : memref<100352x16xf32, #tpu.memory_space<vmem_shared>>)
        } else {
        }
        %add3A_162 = arith.constant 1 : i32
        %add3A_163 = arith.addi %add3A_143, %add3A_162 : i32
        %lt3A_164 = arith.constant 196 : i32
        %lt3A_165 = arith.cmpi slt, %add3A_163, %lt3A_164 : i32
        %convert_element_type3A_166 = arith.extui %lt3A_165 : i1 to i32
        %cond3A_167 = arith.constant 0 : i32
        %cond3A_168 = arith.cmpi ne, %convert_element_type3A_166, %cond3A_167 : i32
        scf.if %cond3A_168 {
          %add3A_198 = arith.constant 1 : i32
          %add3A_199 = arith.addi %add3A_143, %add3A_198 : i32
          %mul3A_200 = arith.constant 512 : i32
          %mul3A_201 = arith.muli %add3A_199, %mul3A_200 : i32
          %add3A_202 = arith.addi %mul3A_46, %mul3A_201 : i32
          %dma_wait3A_203 = tpu.memref_slice %arg8[%add3A_202] : memref<1605632xi32, #tpu.memory_space<hbm>> -> memref<512xi32, #tpu.memory_space<hbm>>
          %dma_wait3A_204 = tpu.memref_slice %arg8[%add3A_202] : memref<1605632xi32, #tpu.memory_space<hbm>> -> memref<512xi32, #tpu.memory_space<hbm>>
          tpu.wait_dma2 semaphore(%arg33 : memref<!tpu.dma_semaphore, #tpu.memory_space<semaphore_mem>>) src(%dma_wait3A_204 : memref<512xi32, #tpu.memory_space<hbm>>) dst(%arg19 : memref<512xi32, #tpu.memory_space<vmem>>)
          %dma_wait3A_205 = tpu.memref_slice %arg9[%add3A_202] : memref<1605632xi32, #tpu.memory_space<hbm>> -> memref<512xi32, #tpu.memory_space<hbm>>
          %dma_wait3A_206 = tpu.memref_slice %arg9[%add3A_202] : memref<1605632xi32, #tpu.memory_space<hbm>> -> memref<512xi32, #tpu.memory_space<hbm>>
          tpu.wait_dma2 semaphore(%arg33 : memref<!tpu.dma_semaphore, #tpu.memory_space<semaphore_mem>>) src(%dma_wait3A_206 : memref<512xi32, #tpu.memory_space<hbm>>) dst(%arg23 : memref<512xi32, #tpu.memory_space<vmem>>)
          %dma_start3A_207 = arith.constant 0 : i32
          %dma_start3A_208 = arith.constant 0 : i32
          %dma_start3A_209 = tpu.memref_slice %arg5[%dma_start3A_207, %dma_start3A_208] : memref<100352x16xf32, #tpu.memory_space<hbm>> -> memref<100352x16xf32, #tpu.memory_space<hbm>>
          tpu.enqueue_indirect_dma source(%dma_start3A_209 : memref<100352x16xf32, #tpu.memory_space<hbm>>) target(%arg25 : memref<512x16xf32, #tpu.memory_space<vmem>>) offsets(%arg19 : memref<512xi32, #tpu.memory_space<vmem>>) semaphore(%arg27 : memref<!tpu.dma_semaphore, #tpu.memory_space<semaphore_mem>>)
        } else {
        }
        %mul3A_169 = arith.constant 4 : i32
        %mul3A_170 = arith.muli %scan3A_83, %mul3A_169 : i32
        %add3A_171 = arith.constant 3 : i32
        %add3A_172 = arith.addi %mul3A_170, %add3A_171 : i32
        %add3A_173 = arith.constant 2 : i32
        %add3A_174 = arith.addi %add3A_172, %add3A_173 : i32
        %lt3A_175 = arith.constant 196 : i32
        %lt3A_176 = arith.cmpi slt, %add3A_174, %lt3A_175 : i32
        %convert_element_type3A_177 = arith.extui %lt3A_176 : i1 to i32
        %cond3A_178 = arith.constant 0 : i32
        %cond3A_179 = arith.cmpi ne, %convert_element_type3A_177, %cond3A_178 : i32
        scf.if %cond3A_179 {
          %add3A_198 = arith.constant 2 : i32
          %add3A_199 = arith.addi %add3A_172, %add3A_198 : i32
          %mul3A_200 = arith.constant 512 : i32
          %mul3A_201 = arith.muli %add3A_199, %mul3A_200 : i32
          %add3A_202 = arith.addi %mul3A_46, %mul3A_201 : i32
          %dma_start3A_203 = tpu.memref_slice %arg8[%add3A_202] : memref<1605632xi32, #tpu.memory_space<hbm>> -> memref<512xi32, #tpu.memory_space<hbm>>
          %dma_start3A_204 = tpu.memref_slice %arg8[%add3A_202] : memref<1605632xi32, #tpu.memory_space<hbm>> -> memref<512xi32, #tpu.memory_space<hbm>>
          tpu.enqueue_dma source(%dma_start3A_204 : memref<512xi32, #tpu.memory_space<hbm>>) target(%arg17 : memref<512xi32, #tpu.memory_space<vmem>>) target_semaphore(%arg31 : memref<!tpu.dma_semaphore, #tpu.memory_space<semaphore_mem>>)
          %dma_start3A_205 = tpu.memref_slice %arg9[%add3A_202] : memref<1605632xi32, #tpu.memory_space<hbm>> -> memref<512xi32, #tpu.memory_space<hbm>>
          %dma_start3A_206 = tpu.memref_slice %arg9[%add3A_202] : memref<1605632xi32, #tpu.memory_space<hbm>> -> memref<512xi32, #tpu.memory_space<hbm>>
          tpu.enqueue_dma source(%dma_start3A_206 : memref<512xi32, #tpu.memory_space<hbm>>) target(%arg21 : memref<512xi32, #tpu.memory_space<vmem>>) target_semaphore(%arg31 : memref<!tpu.dma_semaphore, #tpu.memory_space<semaphore_mem>>)
        } else {
        }
        %dma_wait3A_180 = arith.constant 0 : i32
        %dma_wait3A_181 = arith.constant 0 : i32
        %dma_wait3A_182 = tpu.memref_slice %arg5[%dma_wait3A_180, %dma_wait3A_181] : memref<100352x16xf32, #tpu.memory_space<hbm>> -> memref<100352x16xf32, #tpu.memory_space<hbm>>
        tpu.wait_indirect_dma semaphore(%arg27 : memref<!tpu.dma_semaphore, #tpu.memory_space<semaphore_mem>>) src(%dma_wait3A_182 : memref<100352x16xf32, #tpu.memory_space<hbm>>) dst(%arg25 : memref<512x16xf32, #tpu.memory_space<vmem>>)
        %dma_start3A_183 = arith.constant 0 : i32
        %dma_start3A_184 = arith.constant 0 : i32
        %dma_start3A_185 = tpu.memref_slice %arg15[%dma_start3A_183, %dma_start3A_184] : memref<100352x16xf32, #tpu.memory_space<vmem_shared>> -> memref<100352x16xf32, #tpu.memory_space<vmem_shared>>
        tpu.enqueue_indirect_dma source(%arg25 : memref<512x16xf32, #tpu.memory_space<vmem>>) target(%dma_start3A_185 : memref<100352x16xf32, #tpu.memory_space<vmem_shared>>) offsets(%arg23 : memref<512xi32, #tpu.memory_space<vmem>>) semaphore(%arg29 : memref<!tpu.dma_semaphore, #tpu.memory_space<semaphore_mem>>) {add = true}
        %gt3A_186 = arith.constant 0 : i32
        %gt3A_187 = arith.cmpi sgt, %add3A_172, %gt3A_186 : i32
        %convert_element_type3A_188 = arith.extui %gt3A_187 : i1 to i32
        %cond3A_189 = arith.constant 0 : i32
        %cond3A_190 = arith.cmpi ne, %convert_element_type3A_188, %cond3A_189 : i32
        scf.if %cond3A_190 {
          %dma_wait3A_198 = arith.constant 0 : i32
          %dma_wait3A_199 = arith.constant 0 : i32
          %dma_wait3A_200 = tpu.memref_slice %arg15[%dma_wait3A_198, %dma_wait3A_199] : memref<100352x16xf32, #tpu.memory_space<vmem_shared>> -> memref<100352x16xf32, #tpu.memory_space<vmem_shared>>
          tpu.wait_indirect_dma semaphore(%arg28 : memref<!tpu.dma_semaphore, #tpu.memory_space<semaphore_mem>>) src(%arg24 : memref<512x16xf32, #tpu.memory_space<vmem>>) dst(%dma_wait3A_200 : memref<100352x16xf32, #tpu.memory_space<vmem_shared>>)
        } else {
        }
        %add3A_191 = arith.constant 1 : i32
        %add3A_192 = arith.addi %add3A_172, %add3A_191 : i32
        %lt3A_193 = arith.constant 196 : i32
        %lt3A_194 = arith.cmpi slt, %add3A_192, %lt3A_193 : i32
        %convert_element_type3A_195 = arith.extui %lt3A_194 : i1 to i32
        %cond3A_196 = arith.constant 0 : i32
        %cond3A_197 = arith.cmpi ne, %convert_element_type3A_195, %cond3A_196 : i32
        scf.if %cond3A_197 {
          %add3A_198 = arith.constant 1 : i32
          %add3A_199 = arith.addi %add3A_172, %add3A_198 : i32
          %mul3A_200 = arith.constant 512 : i32
          %mul3A_201 = arith.muli %add3A_199, %mul3A_200 : i32
          %add3A_202 = arith.addi %mul3A_46, %mul3A_201 : i32
          %dma_wait3A_203 = tpu.memref_slice %arg8[%add3A_202] : memref<1605632xi32, #tpu.memory_space<hbm>> -> memref<512xi32, #tpu.memory_space<hbm>>
          %dma_wait3A_204 = tpu.memref_slice %arg8[%add3A_202] : memref<1605632xi32, #tpu.memory_space<hbm>> -> memref<512xi32, #tpu.memory_space<hbm>>
          tpu.wait_dma2 semaphore(%arg30 : memref<!tpu.dma_semaphore, #tpu.memory_space<semaphore_mem>>) src(%dma_wait3A_204 : memref<512xi32, #tpu.memory_space<hbm>>) dst(%arg16 : memref<512xi32, #tpu.memory_space<vmem>>)
          %dma_wait3A_205 = tpu.memref_slice %arg9[%add3A_202] : memref<1605632xi32, #tpu.memory_space<hbm>> -> memref<512xi32, #tpu.memory_space<hbm>>
          %dma_wait3A_206 = tpu.memref_slice %arg9[%add3A_202] : memref<1605632xi32, #tpu.memory_space<hbm>> -> memref<512xi32, #tpu.memory_space<hbm>>
          tpu.wait_dma2 semaphore(%arg30 : memref<!tpu.dma_semaphore, #tpu.memory_space<semaphore_mem>>) src(%dma_wait3A_206 : memref<512xi32, #tpu.memory_space<hbm>>) dst(%arg20 : memref<512xi32, #tpu.memory_space<vmem>>)
          %dma_start3A_207 = arith.constant 0 : i32
          %dma_start3A_208 = arith.constant 0 : i32
          %dma_start3A_209 = tpu.memref_slice %arg5[%dma_start3A_207, %dma_start3A_208] : memref<100352x16xf32, #tpu.memory_space<hbm>> -> memref<100352x16xf32, #tpu.memory_space<hbm>>
          tpu.enqueue_indirect_dma source(%dma_start3A_209 : memref<100352x16xf32, #tpu.memory_space<hbm>>) target(%arg24 : memref<512x16xf32, #tpu.memory_space<vmem>>) offsets(%arg16 : memref<512xi32, #tpu.memory_space<vmem>>) semaphore(%arg26 : memref<!tpu.dma_semaphore, #tpu.memory_space<semaphore_mem>>)
        } else {
        }
      }
      %scan3A_73 = arith.constant 49 : i32
      %dma_wait3A_74 = arith.constant 0 : i32
      %dma_wait3A_75 = arith.constant 0 : i32
      %dma_wait3A_76 = tpu.memref_slice %arg15[%dma_wait3A_74, %dma_wait3A_75] : memref<100352x16xf32, #tpu.memory_space<vmem_shared>> -> memref<100352x16xf32, #tpu.memory_space<vmem_shared>>
      tpu.wait_indirect_dma semaphore(%arg29 : memref<!tpu.dma_semaphore, #tpu.memory_space<semaphore_mem>>) src(%arg25 : memref<512x16xf32, #tpu.memory_space<vmem>>) dst(%dma_wait3A_76 : memref<100352x16xf32, #tpu.memory_space<vmem_shared>>)
      %barrier3A_77 = arith.constant 0 : index
      tpu.barrier barrier_id(%barrier3A_77)
      %mul3A_78 = arith.constant 6272 : i32
      %mul3A_79 = arith.muli %arg1, %mul3A_78 : i32
      %mul3A_80 = arith.constant 6272 : i32
      %mul3A_81 = arith.muli %arg1, %mul3A_80 : i32
      "tpu.region"() ({
        %run_scoped3A = tpu.sem_alloc : memref<!tpu.dma_semaphore, #tpu.memory_space<semaphore_mem>>
        %dma_start3A_83 = arith.constant 0 : i32
        %dma_start3A_84 = tpu.memref_slice %arg14[%mul3A_81, %dma_start3A_83] : memref<100352x16xf32, #tpu.memory_space<hbm>> -> memref<6272x16xf32, #tpu.memory_space<hbm>>
        %dma_start3A_85 = arith.constant 0 : i32
        %dma_start3A_86 = tpu.memref_slice %arg15[%mul3A_79, %dma_start3A_85] : memref<100352x16xf32, #tpu.memory_space<vmem_shared>> -> memref<6272x16xf32, #tpu.memory_space<vmem_shared>>
        tpu.enqueue_dma source(%dma_start3A_86 : memref<6272x16xf32, #tpu.memory_space<vmem_shared>>) target(%dma_start3A_84 : memref<6272x16xf32, #tpu.memory_space<hbm>>) target_semaphore(%run_scoped3A : memref<!tpu.dma_semaphore, #tpu.memory_space<semaphore_mem>>)
        %dma_wait3A_87 = arith.constant 0 : i32
        %dma_wait3A_88 = tpu.memref_slice %arg14[%mul3A_81, %dma_wait3A_87] : memref<100352x16xf32, #tpu.memory_space<hbm>> -> memref<6272x16xf32, #tpu.memory_space<hbm>>
        %dma_wait3A_89 = arith.constant 0 : i32
        %dma_wait3A_90 = tpu.memref_slice %arg15[%mul3A_79, %dma_wait3A_89] : memref<100352x16xf32, #tpu.memory_space<vmem_shared>> -> memref<6272x16xf32, #tpu.memory_space<vmem_shared>>
        tpu.wait_dma2 semaphore(%run_scoped3A : memref<!tpu.dma_semaphore, #tpu.memory_space<semaphore_mem>>) src(%dma_wait3A_90 : memref<6272x16xf32, #tpu.memory_space<vmem_shared>>) dst(%dma_wait3A_88 : memref<6272x16xf32, #tpu.memory_space<hbm>>)
        tpu.yield
      }) : () -> ()
      %barrier3A_82 = arith.constant 0 : index
      tpu.barrier barrier_id(%barrier3A_82)
    } else {
    }
    return
  }
}

#map = affine_map<(d0, d1) -> (0, 0)>
#map1 = affine_map<(d0, d1) -> (0)>
module attributes {stable_mosaic.version = 14 : i64} {
  func.func @_sc_agg(%arg0: i32, %arg1: i32, %arg2: memref<100352x16xf32, #tpu.memory_space<hbm>>, %arg3: memref<100352x16xf32, #tpu.memory_space<hbm>>, %arg4: memref<100352x16xf32, #tpu.memory_space<hbm>>, %arg5: memref<100352x16xf32, #tpu.memory_space<hbm>>, %arg6: memref<1605632xi32, #tpu.memory_space<hbm>>, %arg7: memref<1605632xi32, #tpu.memory_space<hbm>>, %arg8: memref<1605632xi32, #tpu.memory_space<hbm>>, %arg9: memref<1605632xi32, #tpu.memory_space<hbm>>, %arg10: memref<6272x16xf32, #tpu.memory_space<hbm>>, %arg11: memref<100352x16xf32, #tpu.memory_space<hbm>>, %arg12: memref<100352x16xf32, #tpu.memory_space<hbm>>, %arg13: memref<100352x16xf32, #tpu.memory_space<hbm>>, %arg14: memref<100352x16xf32, #tpu.memory_space<hbm>>, %arg15: memref<100352x16xf32, #tpu.memory_space<vmem_shared>>, %arg16: memref<512xi32, #tpu.memory_space<vmem>>, %arg17: memref<512xi32, #tpu.memory_space<vmem>>, %arg18: memref<512xi32, #tpu.memory_space<vmem>>, %arg19: memref<512xi32, #tpu.memory_space<vmem>>, %arg20: memref<512xi32, #tpu.memory_space<vmem>>, %arg21: memref<512xi32, #tpu.memory_space<vmem>>, %arg22: memref<512xi32, #tpu.memory_space<vmem>>, %arg23: memref<512xi32, #tpu.memory_space<vmem>>, %arg24: memref<512x16xf32, #tpu.memory_space<vmem>>, %arg25: memref<512x16xf32, #tpu.memory_space<vmem>>, %arg26: memref<!tpu.dma_semaphore, #tpu.memory_space<semaphore_mem>>, %arg27: memref<!tpu.dma_semaphore, #tpu.memory_space<semaphore_mem>>, %arg28: memref<!tpu.dma_semaphore, #tpu.memory_space<semaphore_mem>>, %arg29: memref<!tpu.dma_semaphore, #tpu.memory_space<semaphore_mem>>, %arg30: memref<!tpu.dma_semaphore, #tpu.memory_space<semaphore_mem>>, %arg31: memref<!tpu.dma_semaphore, #tpu.memory_space<semaphore_mem>>, %arg32: memref<!tpu.dma_semaphore, #tpu.memory_space<semaphore_mem>>, %arg33: memref<!tpu.dma_semaphore, #tpu.memory_space<semaphore_mem>>) attributes {dimension_semantics = [#tpu.dimension_semantics<core_parallel>, #tpu.dimension_semantics<subcore_parallel>], iteration_bounds = array<i64: 2, 16>, scalar_prefetch = 0 : i64, scratch_operands = 19 : i64, tpu.core_type = #tpu.core_type<sc_vector_subcore>, window_params = [{transform_indices = #map}, {transform_indices = #map}, {transform_indices = #map}, {transform_indices = #map}, {transform_indices = #map1}, {transform_indices = #map1}, {transform_indices = #map1}, {transform_indices = #map1}, {transform_indices = #map}, {transform_indices = #map}, {transform_indices = #map}, {transform_indices = #map}, {transform_indices = #map}]} {
    %eq3A = arith.constant 0 : i32
    %eq3A_0 = arith.cmpi eq, %arg0, %eq3A : i32
    %convert_element_type3A = arith.extui %eq3A_0 : i1 to i32
    %cond3A = arith.constant 0 : i32
    %cond3A_1 = arith.cmpi ne, %convert_element_type3A, %cond3A : i32
    scf.if %cond3A_1 {
      %mul3A = arith.constant 6272 : i32
      %mul3A_7 = arith.muli %arg1, %mul3A : i32
      "tpu.region"() ({
        %run_scoped3A = tpu.sem_alloc : memref<!tpu.dma_semaphore, #tpu.memory_space<semaphore_mem>>
        %dma_start3A_83 = arith.constant 0 : i32
        %dma_start3A_84 = tpu.memref_slice %arg15[%mul3A_7, %dma_start3A_83] : memref<100352x16xf32, #tpu.memory_space<vmem_shared>> -> memref<6272x16xf32, #tpu.memory_space<vmem_shared>>
        tpu.enqueue_dma source(%arg10 : memref<6272x16xf32, #tpu.memory_space<hbm>>) target(%dma_start3A_84 : memref<6272x16xf32, #tpu.memory_space<vmem_shared>>) target_semaphore(%run_scoped3A : memref<!tpu.dma_semaphore, #tpu.memory_space<semaphore_mem>>)
        %dma_wait3A_85 = arith.constant 0 : i32
        %dma_wait3A_86 = tpu.memref_slice %arg15[%mul3A_7, %dma_wait3A_85] : memref<100352x16xf32, #tpu.memory_space<vmem_shared>> -> memref<6272x16xf32, #tpu.memory_space<vmem_shared>>
        tpu.wait_dma2 semaphore(%run_scoped3A : memref<!tpu.dma_semaphore, #tpu.memory_space<semaphore_mem>>) src(%arg10 : memref<6272x16xf32, #tpu.memory_space<hbm>>) dst(%dma_wait3A_86 : memref<6272x16xf32, #tpu.memory_space<vmem_shared>>)
        tpu.yield
      }) : () -> ()
      %barrier3A = arith.constant 0 : index
      tpu.barrier barrier_id(%barrier3A)
      %mul3A_8 = arith.constant 100352 : i32
      %mul3A_9 = arith.muli %arg1, %mul3A_8 : i32
      %add3A = arith.constant 0 : i32
      %add3A_10 = arith.addi %mul3A_9, %add3A : i32
      %dma_start3A = tpu.memref_slice %arg6[%add3A_10] : memref<1605632xi32, #tpu.memory_space<hbm>> -> memref<512xi32, #tpu.memory_space<hbm>>
      %dma_start3A_11 = tpu.memref_slice %arg6[%add3A_10] : memref<1605632xi32, #tpu.memory_space<hbm>> -> memref<512xi32, #tpu.memory_space<hbm>>
      tpu.enqueue_dma source(%dma_start3A_11 : memref<512xi32, #tpu.memory_space<hbm>>) target(%arg16 : memref<512xi32, #tpu.memory_space<vmem>>) target_semaphore(%arg30 : memref<!tpu.dma_semaphore, #tpu.memory_space<semaphore_mem>>)
      %dma_start3A_12 = tpu.memref_slice %arg7[%add3A_10] : memref<1605632xi32, #tpu.memory_space<hbm>> -> memref<512xi32, #tpu.memory_space<hbm>>
      %dma_start3A_13 = tpu.memref_slice %arg7[%add3A_10] : memref<1605632xi32, #tpu.memory_space<hbm>> -> memref<512xi32, #tpu.memory_space<hbm>>
      tpu.enqueue_dma source(%dma_start3A_13 : memref<512xi32, #tpu.memory_space<hbm>>) target(%arg20 : memref<512xi32, #tpu.memory_space<vmem>>) target_semaphore(%arg30 : memref<!tpu.dma_semaphore, #tpu.memory_space<semaphore_mem>>)
      %add3A_14 = arith.constant 512 : i32
      %add3A_15 = arith.addi %mul3A_9, %add3A_14 : i32
      %dma_start3A_16 = tpu.memref_slice %arg6[%add3A_15] : memref<1605632xi32, #tpu.memory_space<hbm>> -> memref<512xi32, #tpu.memory_space<hbm>>
      %dma_start3A_17 = tpu.memref_slice %arg6[%add3A_15] : memref<1605632xi32, #tpu.memory_space<hbm>> -> memref<512xi32, #tpu.memory_space<hbm>>
      tpu.enqueue_dma source(%dma_start3A_17 : memref<512xi32, #tpu.memory_space<hbm>>) target(%arg17 : memref<512xi32, #tpu.memory_space<vmem>>) target_semaphore(%arg31 : memref<!tpu.dma_semaphore, #tpu.memory_space<semaphore_mem>>)
      %dma_start3A_18 = tpu.memref_slice %arg7[%add3A_15] : memref<1605632xi32, #tpu.memory_space<hbm>> -> memref<512xi32, #tpu.memory_space<hbm>>
      %dma_start3A_19 = tpu.memref_slice %arg7[%add3A_15] : memref<1605632xi32, #tpu.memory_space<hbm>> -> memref<512xi32, #tpu.memory_space<hbm>>
      tpu.enqueue_dma source(%dma_start3A_19 : memref<512xi32, #tpu.memory_space<hbm>>) target(%arg21 : memref<512xi32, #tpu.memory_space<vmem>>) target_semaphore(%arg31 : memref<!tpu.dma_semaphore, #tpu.memory_space<semaphore_mem>>)
      %add3A_20 = arith.constant 0 : i32
      %add3A_21 = arith.addi %mul3A_9, %add3A_20 : i32
      %dma_wait3A = tpu.memref_slice %arg6[%add3A_21] : memref<1605632xi32, #tpu.memory_space<hbm>> -> memref<512xi32, #tpu.memory_space<hbm>>
      %dma_wait3A_22 = tpu.memref_slice %arg6[%add3A_21] : memref<1605632xi32, #tpu.memory_space<hbm>> -> memref<512xi32, #tpu.memory_space<hbm>>
      tpu.wait_dma2 semaphore(%arg30 : memref<!tpu.dma_semaphore, #tpu.memory_space<semaphore_mem>>) src(%dma_wait3A_22 : memref<512xi32, #tpu.memory_space<hbm>>) dst(%arg16 : memref<512xi32, #tpu.memory_space<vmem>>)
      %dma_wait3A_23 = tpu.memref_slice %arg7[%add3A_21] : memref<1605632xi32, #tpu.memory_space<hbm>> -> memref<512xi32, #tpu.memory_space<hbm>>
      %dma_wait3A_24 = tpu.memref_slice %arg7[%add3A_21] : memref<1605632xi32, #tpu.memory_space<hbm>> -> memref<512xi32, #tpu.memory_space<hbm>>
      tpu.wait_dma2 semaphore(%arg30 : memref<!tpu.dma_semaphore, #tpu.memory_space<semaphore_mem>>) src(%dma_wait3A_24 : memref<512xi32, #tpu.memory_space<hbm>>) dst(%arg20 : memref<512xi32, #tpu.memory_space<vmem>>)
      %dma_start3A_25 = arith.constant 0 : i32
      %dma_start3A_26 = arith.constant 0 : i32
      %dma_start3A_27 = tpu.memref_slice %arg2[%dma_start3A_25, %dma_start3A_26] : memref<100352x16xf32, #tpu.memory_space<hbm>> -> memref<100352x16xf32, #tpu.memory_space<hbm>>
      tpu.enqueue_indirect_dma source(%dma_start3A_27 : memref<100352x16xf32, #tpu.memory_space<hbm>>) target(%arg24 : memref<512x16xf32, #tpu.memory_space<vmem>>) offsets(%arg16 : memref<512xi32, #tpu.memory_space<vmem>>) semaphore(%arg26 : memref<!tpu.dma_semaphore, #tpu.memory_space<semaphore_mem>>)
      %scan3A = arith.constant 0 : i32
      %scan3A_28 = arith.constant 0 : i32
      %scan3A_29 = arith.constant 49 : i32
      %scan3A_30 = arith.addi %scan3A_28, %scan3A_29 : i32
      %scan3A_31 = arith.constant 1 : i32
      scf.for %scan3A_83 = %scan3A_28 to %scan3A_30 step %scan3A_31  : i32 {
        %mul3A_84 = arith.constant 4 : i32
        %mul3A_85 = arith.muli %scan3A_83, %mul3A_84 : i32
        %add3A_86 = arith.constant 0 : i32
        %add3A_87 = arith.addi %mul3A_85, %add3A_86 : i32
        %add3A_88 = arith.constant 2 : i32
        %add3A_89 = arith.addi %add3A_87, %add3A_88 : i32
        %lt3A = arith.constant 196 : i32
        %lt3A_90 = arith.cmpi slt, %add3A_89, %lt3A : i32
        %convert_element_type3A_91 = arith.extui %lt3A_90 : i1 to i32
        %cond3A_92 = arith.constant 0 : i32
        %cond3A_93 = arith.cmpi ne, %convert_element_type3A_91, %cond3A_92 : i32
        scf.if %cond3A_93 {
          %add3A_198 = arith.constant 2 : i32
          %add3A_199 = arith.addi %add3A_87, %add3A_198 : i32
          %mul3A_200 = arith.constant 512 : i32
          %mul3A_201 = arith.muli %add3A_199, %mul3A_200 : i32
          %add3A_202 = arith.addi %mul3A_9, %mul3A_201 : i32
          %dma_start3A_203 = tpu.memref_slice %arg6[%add3A_202] : memref<1605632xi32, #tpu.memory_space<hbm>> -> memref<512xi32, #tpu.memory_space<hbm>>
          %dma_start3A_204 = tpu.memref_slice %arg6[%add3A_202] : memref<1605632xi32, #tpu.memory_space<hbm>> -> memref<512xi32, #tpu.memory_space<hbm>>
          tpu.enqueue_dma source(%dma_start3A_204 : memref<512xi32, #tpu.memory_space<hbm>>) target(%arg18 : memref<512xi32, #tpu.memory_space<vmem>>) target_semaphore(%arg32 : memref<!tpu.dma_semaphore, #tpu.memory_space<semaphore_mem>>)
          %dma_start3A_205 = tpu.memref_slice %arg7[%add3A_202] : memref<1605632xi32, #tpu.memory_space<hbm>> -> memref<512xi32, #tpu.memory_space<hbm>>
          %dma_start3A_206 = tpu.memref_slice %arg7[%add3A_202] : memref<1605632xi32, #tpu.memory_space<hbm>> -> memref<512xi32, #tpu.memory_space<hbm>>
          tpu.enqueue_dma source(%dma_start3A_206 : memref<512xi32, #tpu.memory_space<hbm>>) target(%arg22 : memref<512xi32, #tpu.memory_space<vmem>>) target_semaphore(%arg32 : memref<!tpu.dma_semaphore, #tpu.memory_space<semaphore_mem>>)
        } else {
        }
        %dma_wait3A_94 = arith.constant 0 : i32
        %dma_wait3A_95 = arith.constant 0 : i32
        %dma_wait3A_96 = tpu.memref_slice %arg2[%dma_wait3A_94, %dma_wait3A_95] : memref<100352x16xf32, #tpu.memory_space<hbm>> -> memref<100352x16xf32, #tpu.memory_space<hbm>>
        tpu.wait_indirect_dma semaphore(%arg26 : memref<!tpu.dma_semaphore, #tpu.memory_space<semaphore_mem>>) src(%dma_wait3A_96 : memref<100352x16xf32, #tpu.memory_space<hbm>>) dst(%arg24 : memref<512x16xf32, #tpu.memory_space<vmem>>)
        %dma_start3A_97 = arith.constant 0 : i32
        %dma_start3A_98 = arith.constant 0 : i32
        %dma_start3A_99 = tpu.memref_slice %arg15[%dma_start3A_97, %dma_start3A_98] : memref<100352x16xf32, #tpu.memory_space<vmem_shared>> -> memref<100352x16xf32, #tpu.memory_space<vmem_shared>>
        tpu.enqueue_indirect_dma source(%arg24 : memref<512x16xf32, #tpu.memory_space<vmem>>) target(%dma_start3A_99 : memref<100352x16xf32, #tpu.memory_space<vmem_shared>>) offsets(%arg20 : memref<512xi32, #tpu.memory_space<vmem>>) semaphore(%arg28 : memref<!tpu.dma_semaphore, #tpu.memory_space<semaphore_mem>>) {add = true}
        %gt3A = arith.constant 0 : i32
        %gt3A_100 = arith.cmpi sgt, %add3A_87, %gt3A : i32
        %convert_element_type3A_101 = arith.extui %gt3A_100 : i1 to i32
        %cond3A_102 = arith.constant 0 : i32
        %cond3A_103 = arith.cmpi ne, %convert_element_type3A_101, %cond3A_102 : i32
        scf.if %cond3A_103 {
          %dma_wait3A_198 = arith.constant 0 : i32
          %dma_wait3A_199 = arith.constant 0 : i32
          %dma_wait3A_200 = tpu.memref_slice %arg15[%dma_wait3A_198, %dma_wait3A_199] : memref<100352x16xf32, #tpu.memory_space<vmem_shared>> -> memref<100352x16xf32, #tpu.memory_space<vmem_shared>>
          tpu.wait_indirect_dma semaphore(%arg29 : memref<!tpu.dma_semaphore, #tpu.memory_space<semaphore_mem>>) src(%arg25 : memref<512x16xf32, #tpu.memory_space<vmem>>) dst(%dma_wait3A_200 : memref<100352x16xf32, #tpu.memory_space<vmem_shared>>)
        } else {
        }
        %add3A_104 = arith.constant 1 : i32
        %add3A_105 = arith.addi %add3A_87, %add3A_104 : i32
        %lt3A_106 = arith.constant 196 : i32
        %lt3A_107 = arith.cmpi slt, %add3A_105, %lt3A_106 : i32
        %convert_element_type3A_108 = arith.extui %lt3A_107 : i1 to i32
        %cond3A_109 = arith.constant 0 : i32
        %cond3A_110 = arith.cmpi ne, %convert_element_type3A_108, %cond3A_109 : i32
        scf.if %cond3A_110 {
          %add3A_198 = arith.constant 1 : i32
          %add3A_199 = arith.addi %add3A_87, %add3A_198 : i32
          %mul3A_200 = arith.constant 512 : i32
          %mul3A_201 = arith.muli %add3A_199, %mul3A_200 : i32
          %add3A_202 = arith.addi %mul3A_9, %mul3A_201 : i32
          %dma_wait3A_203 = tpu.memref_slice %arg6[%add3A_202] : memref<1605632xi32, #tpu.memory_space<hbm>> -> memref<512xi32, #tpu.memory_space<hbm>>
          %dma_wait3A_204 = tpu.memref_slice %arg6[%add3A_202] : memref<1605632xi32, #tpu.memory_space<hbm>> -> memref<512xi32, #tpu.memory_space<hbm>>
          tpu.wait_dma2 semaphore(%arg31 : memref<!tpu.dma_semaphore, #tpu.memory_space<semaphore_mem>>) src(%dma_wait3A_204 : memref<512xi32, #tpu.memory_space<hbm>>) dst(%arg17 : memref<512xi32, #tpu.memory_space<vmem>>)
          %dma_wait3A_205 = tpu.memref_slice %arg7[%add3A_202] : memref<1605632xi32, #tpu.memory_space<hbm>> -> memref<512xi32, #tpu.memory_space<hbm>>
          %dma_wait3A_206 = tpu.memref_slice %arg7[%add3A_202] : memref<1605632xi32, #tpu.memory_space<hbm>> -> memref<512xi32, #tpu.memory_space<hbm>>
          tpu.wait_dma2 semaphore(%arg31 : memref<!tpu.dma_semaphore, #tpu.memory_space<semaphore_mem>>) src(%dma_wait3A_206 : memref<512xi32, #tpu.memory_space<hbm>>) dst(%arg21 : memref<512xi32, #tpu.memory_space<vmem>>)
          %dma_start3A_207 = arith.constant 0 : i32
          %dma_start3A_208 = arith.constant 0 : i32
          %dma_start3A_209 = tpu.memref_slice %arg2[%dma_start3A_207, %dma_start3A_208] : memref<100352x16xf32, #tpu.memory_space<hbm>> -> memref<100352x16xf32, #tpu.memory_space<hbm>>
          tpu.enqueue_indirect_dma source(%dma_start3A_209 : memref<100352x16xf32, #tpu.memory_space<hbm>>) target(%arg25 : memref<512x16xf32, #tpu.memory_space<vmem>>) offsets(%arg17 : memref<512xi32, #tpu.memory_space<vmem>>) semaphore(%arg27 : memref<!tpu.dma_semaphore, #tpu.memory_space<semaphore_mem>>)
        } else {
        }
        %mul3A_111 = arith.constant 4 : i32
        %mul3A_112 = arith.muli %scan3A_83, %mul3A_111 : i32
        %add3A_113 = arith.constant 1 : i32
        %add3A_114 = arith.addi %mul3A_112, %add3A_113 : i32
        %add3A_115 = arith.constant 2 : i32
        %add3A_116 = arith.addi %add3A_114, %add3A_115 : i32
        %lt3A_117 = arith.constant 196 : i32
        %lt3A_118 = arith.cmpi slt, %add3A_116, %lt3A_117 : i32
        %convert_element_type3A_119 = arith.extui %lt3A_118 : i1 to i32
        %cond3A_120 = arith.constant 0 : i32
        %cond3A_121 = arith.cmpi ne, %convert_element_type3A_119, %cond3A_120 : i32
        scf.if %cond3A_121 {
          %add3A_198 = arith.constant 2 : i32
          %add3A_199 = arith.addi %add3A_114, %add3A_198 : i32
          %mul3A_200 = arith.constant 512 : i32
          %mul3A_201 = arith.muli %add3A_199, %mul3A_200 : i32
          %add3A_202 = arith.addi %mul3A_9, %mul3A_201 : i32
          %dma_start3A_203 = tpu.memref_slice %arg6[%add3A_202] : memref<1605632xi32, #tpu.memory_space<hbm>> -> memref<512xi32, #tpu.memory_space<hbm>>
          %dma_start3A_204 = tpu.memref_slice %arg6[%add3A_202] : memref<1605632xi32, #tpu.memory_space<hbm>> -> memref<512xi32, #tpu.memory_space<hbm>>
          tpu.enqueue_dma source(%dma_start3A_204 : memref<512xi32, #tpu.memory_space<hbm>>) target(%arg19 : memref<512xi32, #tpu.memory_space<vmem>>) target_semaphore(%arg33 : memref<!tpu.dma_semaphore, #tpu.memory_space<semaphore_mem>>)
          %dma_start3A_205 = tpu.memref_slice %arg7[%add3A_202] : memref<1605632xi32, #tpu.memory_space<hbm>> -> memref<512xi32, #tpu.memory_space<hbm>>
          %dma_start3A_206 = tpu.memref_slice %arg7[%add3A_202] : memref<1605632xi32, #tpu.memory_space<hbm>> -> memref<512xi32, #tpu.memory_space<hbm>>
          tpu.enqueue_dma source(%dma_start3A_206 : memref<512xi32, #tpu.memory_space<hbm>>) target(%arg23 : memref<512xi32, #tpu.memory_space<vmem>>) target_semaphore(%arg33 : memref<!tpu.dma_semaphore, #tpu.memory_space<semaphore_mem>>)
        } else {
        }
        %dma_wait3A_122 = arith.constant 0 : i32
        %dma_wait3A_123 = arith.constant 0 : i32
        %dma_wait3A_124 = tpu.memref_slice %arg2[%dma_wait3A_122, %dma_wait3A_123] : memref<100352x16xf32, #tpu.memory_space<hbm>> -> memref<100352x16xf32, #tpu.memory_space<hbm>>
        tpu.wait_indirect_dma semaphore(%arg27 : memref<!tpu.dma_semaphore, #tpu.memory_space<semaphore_mem>>) src(%dma_wait3A_124 : memref<100352x16xf32, #tpu.memory_space<hbm>>) dst(%arg25 : memref<512x16xf32, #tpu.memory_space<vmem>>)
        %dma_start3A_125 = arith.constant 0 : i32
        %dma_start3A_126 = arith.constant 0 : i32
        %dma_start3A_127 = tpu.memref_slice %arg15[%dma_start3A_125, %dma_start3A_126] : memref<100352x16xf32, #tpu.memory_space<vmem_shared>> -> memref<100352x16xf32, #tpu.memory_space<vmem_shared>>
        tpu.enqueue_indirect_dma source(%arg25 : memref<512x16xf32, #tpu.memory_space<vmem>>) target(%dma_start3A_127 : memref<100352x16xf32, #tpu.memory_space<vmem_shared>>) offsets(%arg21 : memref<512xi32, #tpu.memory_space<vmem>>) semaphore(%arg29 : memref<!tpu.dma_semaphore, #tpu.memory_space<semaphore_mem>>) {add = true}
        %gt3A_128 = arith.constant 0 : i32
        %gt3A_129 = arith.cmpi sgt, %add3A_114, %gt3A_128 : i32
        %convert_element_type3A_130 = arith.extui %gt3A_129 : i1 to i32
        %cond3A_131 = arith.constant 0 : i32
        %cond3A_132 = arith.cmpi ne, %convert_element_type3A_130, %cond3A_131 : i32
        scf.if %cond3A_132 {
          %dma_wait3A_198 = arith.constant 0 : i32
          %dma_wait3A_199 = arith.constant 0 : i32
          %dma_wait3A_200 = tpu.memref_slice %arg15[%dma_wait3A_198, %dma_wait3A_199] : memref<100352x16xf32, #tpu.memory_space<vmem_shared>> -> memref<100352x16xf32, #tpu.memory_space<vmem_shared>>
          tpu.wait_indirect_dma semaphore(%arg28 : memref<!tpu.dma_semaphore, #tpu.memory_space<semaphore_mem>>) src(%arg24 : memref<512x16xf32, #tpu.memory_space<vmem>>) dst(%dma_wait3A_200 : memref<100352x16xf32, #tpu.memory_space<vmem_shared>>)
        } else {
        }
        %add3A_133 = arith.constant 1 : i32
        %add3A_134 = arith.addi %add3A_114, %add3A_133 : i32
        %lt3A_135 = arith.constant 196 : i32
        %lt3A_136 = arith.cmpi slt, %add3A_134, %lt3A_135 : i32
        %convert_element_type3A_137 = arith.extui %lt3A_136 : i1 to i32
        %cond3A_138 = arith.constant 0 : i32
        %cond3A_139 = arith.cmpi ne, %convert_element_type3A_137, %cond3A_138 : i32
        scf.if %cond3A_139 {
          %add3A_198 = arith.constant 1 : i32
          %add3A_199 = arith.addi %add3A_114, %add3A_198 : i32
          %mul3A_200 = arith.constant 512 : i32
          %mul3A_201 = arith.muli %add3A_199, %mul3A_200 : i32
          %add3A_202 = arith.addi %mul3A_9, %mul3A_201 : i32
          %dma_wait3A_203 = tpu.memref_slice %arg6[%add3A_202] : memref<1605632xi32, #tpu.memory_space<hbm>> -> memref<512xi32, #tpu.memory_space<hbm>>
          %dma_wait3A_204 = tpu.memref_slice %arg6[%add3A_202] : memref<1605632xi32, #tpu.memory_space<hbm>> -> memref<512xi32, #tpu.memory_space<hbm>>
          tpu.wait_dma2 semaphore(%arg32 : memref<!tpu.dma_semaphore, #tpu.memory_space<semaphore_mem>>) src(%dma_wait3A_204 : memref<512xi32, #tpu.memory_space<hbm>>) dst(%arg18 : memref<512xi32, #tpu.memory_space<vmem>>)
          %dma_wait3A_205 = tpu.memref_slice %arg7[%add3A_202] : memref<1605632xi32, #tpu.memory_space<hbm>> -> memref<512xi32, #tpu.memory_space<hbm>>
          %dma_wait3A_206 = tpu.memref_slice %arg7[%add3A_202] : memref<1605632xi32, #tpu.memory_space<hbm>> -> memref<512xi32, #tpu.memory_space<hbm>>
          tpu.wait_dma2 semaphore(%arg32 : memref<!tpu.dma_semaphore, #tpu.memory_space<semaphore_mem>>) src(%dma_wait3A_206 : memref<512xi32, #tpu.memory_space<hbm>>) dst(%arg22 : memref<512xi32, #tpu.memory_space<vmem>>)
          %dma_start3A_207 = arith.constant 0 : i32
          %dma_start3A_208 = arith.constant 0 : i32
          %dma_start3A_209 = tpu.memref_slice %arg2[%dma_start3A_207, %dma_start3A_208] : memref<100352x16xf32, #tpu.memory_space<hbm>> -> memref<100352x16xf32, #tpu.memory_space<hbm>>
          tpu.enqueue_indirect_dma source(%dma_start3A_209 : memref<100352x16xf32, #tpu.memory_space<hbm>>) target(%arg24 : memref<512x16xf32, #tpu.memory_space<vmem>>) offsets(%arg18 : memref<512xi32, #tpu.memory_space<vmem>>) semaphore(%arg26 : memref<!tpu.dma_semaphore, #tpu.memory_space<semaphore_mem>>)
        } else {
        }
        %mul3A_140 = arith.constant 4 : i32
        %mul3A_141 = arith.muli %scan3A_83, %mul3A_140 : i32
        %add3A_142 = arith.constant 2 : i32
        %add3A_143 = arith.addi %mul3A_141, %add3A_142 : i32
        %add3A_144 = arith.constant 2 : i32
        %add3A_145 = arith.addi %add3A_143, %add3A_144 : i32
        %lt3A_146 = arith.constant 196 : i32
        %lt3A_147 = arith.cmpi slt, %add3A_145, %lt3A_146 : i32
        %convert_element_type3A_148 = arith.extui %lt3A_147 : i1 to i32
        %cond3A_149 = arith.constant 0 : i32
        %cond3A_150 = arith.cmpi ne, %convert_element_type3A_148, %cond3A_149 : i32
        scf.if %cond3A_150 {
          %add3A_198 = arith.constant 2 : i32
          %add3A_199 = arith.addi %add3A_143, %add3A_198 : i32
          %mul3A_200 = arith.constant 512 : i32
          %mul3A_201 = arith.muli %add3A_199, %mul3A_200 : i32
          %add3A_202 = arith.addi %mul3A_9, %mul3A_201 : i32
          %dma_start3A_203 = tpu.memref_slice %arg6[%add3A_202] : memref<1605632xi32, #tpu.memory_space<hbm>> -> memref<512xi32, #tpu.memory_space<hbm>>
          %dma_start3A_204 = tpu.memref_slice %arg6[%add3A_202] : memref<1605632xi32, #tpu.memory_space<hbm>> -> memref<512xi32, #tpu.memory_space<hbm>>
          tpu.enqueue_dma source(%dma_start3A_204 : memref<512xi32, #tpu.memory_space<hbm>>) target(%arg16 : memref<512xi32, #tpu.memory_space<vmem>>) target_semaphore(%arg30 : memref<!tpu.dma_semaphore, #tpu.memory_space<semaphore_mem>>)
          %dma_start3A_205 = tpu.memref_slice %arg7[%add3A_202] : memref<1605632xi32, #tpu.memory_space<hbm>> -> memref<512xi32, #tpu.memory_space<hbm>>
          %dma_start3A_206 = tpu.memref_slice %arg7[%add3A_202] : memref<1605632xi32, #tpu.memory_space<hbm>> -> memref<512xi32, #tpu.memory_space<hbm>>
          tpu.enqueue_dma source(%dma_start3A_206 : memref<512xi32, #tpu.memory_space<hbm>>) target(%arg20 : memref<512xi32, #tpu.memory_space<vmem>>) target_semaphore(%arg30 : memref<!tpu.dma_semaphore, #tpu.memory_space<semaphore_mem>>)
        } else {
        }
        %dma_wait3A_151 = arith.constant 0 : i32
        %dma_wait3A_152 = arith.constant 0 : i32
        %dma_wait3A_153 = tpu.memref_slice %arg2[%dma_wait3A_151, %dma_wait3A_152] : memref<100352x16xf32, #tpu.memory_space<hbm>> -> memref<100352x16xf32, #tpu.memory_space<hbm>>
        tpu.wait_indirect_dma semaphore(%arg26 : memref<!tpu.dma_semaphore, #tpu.memory_space<semaphore_mem>>) src(%dma_wait3A_153 : memref<100352x16xf32, #tpu.memory_space<hbm>>) dst(%arg24 : memref<512x16xf32, #tpu.memory_space<vmem>>)
        %dma_start3A_154 = arith.constant 0 : i32
        %dma_start3A_155 = arith.constant 0 : i32
        %dma_start3A_156 = tpu.memref_slice %arg15[%dma_start3A_154, %dma_start3A_155] : memref<100352x16xf32, #tpu.memory_space<vmem_shared>> -> memref<100352x16xf32, #tpu.memory_space<vmem_shared>>
        tpu.enqueue_indirect_dma source(%arg24 : memref<512x16xf32, #tpu.memory_space<vmem>>) target(%dma_start3A_156 : memref<100352x16xf32, #tpu.memory_space<vmem_shared>>) offsets(%arg22 : memref<512xi32, #tpu.memory_space<vmem>>) semaphore(%arg28 : memref<!tpu.dma_semaphore, #tpu.memory_space<semaphore_mem>>) {add = true}
        %gt3A_157 = arith.constant 0 : i32
        %gt3A_158 = arith.cmpi sgt, %add3A_143, %gt3A_157 : i32
        %convert_element_type3A_159 = arith.extui %gt3A_158 : i1 to i32
        %cond3A_160 = arith.constant 0 : i32
        %cond3A_161 = arith.cmpi ne, %convert_element_type3A_159, %cond3A_160 : i32
        scf.if %cond3A_161 {
          %dma_wait3A_198 = arith.constant 0 : i32
          %dma_wait3A_199 = arith.constant 0 : i32
          %dma_wait3A_200 = tpu.memref_slice %arg15[%dma_wait3A_198, %dma_wait3A_199] : memref<100352x16xf32, #tpu.memory_space<vmem_shared>> -> memref<100352x16xf32, #tpu.memory_space<vmem_shared>>
          tpu.wait_indirect_dma semaphore(%arg29 : memref<!tpu.dma_semaphore, #tpu.memory_space<semaphore_mem>>) src(%arg25 : memref<512x16xf32, #tpu.memory_space<vmem>>) dst(%dma_wait3A_200 : memref<100352x16xf32, #tpu.memory_space<vmem_shared>>)
        } else {
        }
        %add3A_162 = arith.constant 1 : i32
        %add3A_163 = arith.addi %add3A_143, %add3A_162 : i32
        %lt3A_164 = arith.constant 196 : i32
        %lt3A_165 = arith.cmpi slt, %add3A_163, %lt3A_164 : i32
        %convert_element_type3A_166 = arith.extui %lt3A_165 : i1 to i32
        %cond3A_167 = arith.constant 0 : i32
        %cond3A_168 = arith.cmpi ne, %convert_element_type3A_166, %cond3A_167 : i32
        scf.if %cond3A_168 {
          %add3A_198 = arith.constant 1 : i32
          %add3A_199 = arith.addi %add3A_143, %add3A_198 : i32
          %mul3A_200 = arith.constant 512 : i32
          %mul3A_201 = arith.muli %add3A_199, %mul3A_200 : i32
          %add3A_202 = arith.addi %mul3A_9, %mul3A_201 : i32
          %dma_wait3A_203 = tpu.memref_slice %arg6[%add3A_202] : memref<1605632xi32, #tpu.memory_space<hbm>> -> memref<512xi32, #tpu.memory_space<hbm>>
          %dma_wait3A_204 = tpu.memref_slice %arg6[%add3A_202] : memref<1605632xi32, #tpu.memory_space<hbm>> -> memref<512xi32, #tpu.memory_space<hbm>>
          tpu.wait_dma2 semaphore(%arg33 : memref<!tpu.dma_semaphore, #tpu.memory_space<semaphore_mem>>) src(%dma_wait3A_204 : memref<512xi32, #tpu.memory_space<hbm>>) dst(%arg19 : memref<512xi32, #tpu.memory_space<vmem>>)
          %dma_wait3A_205 = tpu.memref_slice %arg7[%add3A_202] : memref<1605632xi32, #tpu.memory_space<hbm>> -> memref<512xi32, #tpu.memory_space<hbm>>
          %dma_wait3A_206 = tpu.memref_slice %arg7[%add3A_202] : memref<1605632xi32, #tpu.memory_space<hbm>> -> memref<512xi32, #tpu.memory_space<hbm>>
          tpu.wait_dma2 semaphore(%arg33 : memref<!tpu.dma_semaphore, #tpu.memory_space<semaphore_mem>>) src(%dma_wait3A_206 : memref<512xi32, #tpu.memory_space<hbm>>) dst(%arg23 : memref<512xi32, #tpu.memory_space<vmem>>)
          %dma_start3A_207 = arith.constant 0 : i32
          %dma_start3A_208 = arith.constant 0 : i32
          %dma_start3A_209 = tpu.memref_slice %arg2[%dma_start3A_207, %dma_start3A_208] : memref<100352x16xf32, #tpu.memory_space<hbm>> -> memref<100352x16xf32, #tpu.memory_space<hbm>>
          tpu.enqueue_indirect_dma source(%dma_start3A_209 : memref<100352x16xf32, #tpu.memory_space<hbm>>) target(%arg25 : memref<512x16xf32, #tpu.memory_space<vmem>>) offsets(%arg19 : memref<512xi32, #tpu.memory_space<vmem>>) semaphore(%arg27 : memref<!tpu.dma_semaphore, #tpu.memory_space<semaphore_mem>>)
        } else {
        }
        %mul3A_169 = arith.constant 4 : i32
        %mul3A_170 = arith.muli %scan3A_83, %mul3A_169 : i32
        %add3A_171 = arith.constant 3 : i32
        %add3A_172 = arith.addi %mul3A_170, %add3A_171 : i32
        %add3A_173 = arith.constant 2 : i32
        %add3A_174 = arith.addi %add3A_172, %add3A_173 : i32
        %lt3A_175 = arith.constant 196 : i32
        %lt3A_176 = arith.cmpi slt, %add3A_174, %lt3A_175 : i32
        %convert_element_type3A_177 = arith.extui %lt3A_176 : i1 to i32
        %cond3A_178 = arith.constant 0 : i32
        %cond3A_179 = arith.cmpi ne, %convert_element_type3A_177, %cond3A_178 : i32
        scf.if %cond3A_179 {
          %add3A_198 = arith.constant 2 : i32
          %add3A_199 = arith.addi %add3A_172, %add3A_198 : i32
          %mul3A_200 = arith.constant 512 : i32
          %mul3A_201 = arith.muli %add3A_199, %mul3A_200 : i32
          %add3A_202 = arith.addi %mul3A_9, %mul3A_201 : i32
          %dma_start3A_203 = tpu.memref_slice %arg6[%add3A_202] : memref<1605632xi32, #tpu.memory_space<hbm>> -> memref<512xi32, #tpu.memory_space<hbm>>
          %dma_start3A_204 = tpu.memref_slice %arg6[%add3A_202] : memref<1605632xi32, #tpu.memory_space<hbm>> -> memref<512xi32, #tpu.memory_space<hbm>>
          tpu.enqueue_dma source(%dma_start3A_204 : memref<512xi32, #tpu.memory_space<hbm>>) target(%arg17 : memref<512xi32, #tpu.memory_space<vmem>>) target_semaphore(%arg31 : memref<!tpu.dma_semaphore, #tpu.memory_space<semaphore_mem>>)
          %dma_start3A_205 = tpu.memref_slice %arg7[%add3A_202] : memref<1605632xi32, #tpu.memory_space<hbm>> -> memref<512xi32, #tpu.memory_space<hbm>>
          %dma_start3A_206 = tpu.memref_slice %arg7[%add3A_202] : memref<1605632xi32, #tpu.memory_space<hbm>> -> memref<512xi32, #tpu.memory_space<hbm>>
          tpu.enqueue_dma source(%dma_start3A_206 : memref<512xi32, #tpu.memory_space<hbm>>) target(%arg21 : memref<512xi32, #tpu.memory_space<vmem>>) target_semaphore(%arg31 : memref<!tpu.dma_semaphore, #tpu.memory_space<semaphore_mem>>)
        } else {
        }
        %dma_wait3A_180 = arith.constant 0 : i32
        %dma_wait3A_181 = arith.constant 0 : i32
        %dma_wait3A_182 = tpu.memref_slice %arg2[%dma_wait3A_180, %dma_wait3A_181] : memref<100352x16xf32, #tpu.memory_space<hbm>> -> memref<100352x16xf32, #tpu.memory_space<hbm>>
        tpu.wait_indirect_dma semaphore(%arg27 : memref<!tpu.dma_semaphore, #tpu.memory_space<semaphore_mem>>) src(%dma_wait3A_182 : memref<100352x16xf32, #tpu.memory_space<hbm>>) dst(%arg25 : memref<512x16xf32, #tpu.memory_space<vmem>>)
        %dma_start3A_183 = arith.constant 0 : i32
        %dma_start3A_184 = arith.constant 0 : i32
        %dma_start3A_185 = tpu.memref_slice %arg15[%dma_start3A_183, %dma_start3A_184] : memref<100352x16xf32, #tpu.memory_space<vmem_shared>> -> memref<100352x16xf32, #tpu.memory_space<vmem_shared>>
        tpu.enqueue_indirect_dma source(%arg25 : memref<512x16xf32, #tpu.memory_space<vmem>>) target(%dma_start3A_185 : memref<100352x16xf32, #tpu.memory_space<vmem_shared>>) offsets(%arg23 : memref<512xi32, #tpu.memory_space<vmem>>) semaphore(%arg29 : memref<!tpu.dma_semaphore, #tpu.memory_space<semaphore_mem>>) {add = true}
        %gt3A_186 = arith.constant 0 : i32
        %gt3A_187 = arith.cmpi sgt, %add3A_172, %gt3A_186 : i32
        %convert_element_type3A_188 = arith.extui %gt3A_187 : i1 to i32
        %cond3A_189 = arith.constant 0 : i32
        %cond3A_190 = arith.cmpi ne, %convert_element_type3A_188, %cond3A_189 : i32
        scf.if %cond3A_190 {
          %dma_wait3A_198 = arith.constant 0 : i32
          %dma_wait3A_199 = arith.constant 0 : i32
          %dma_wait3A_200 = tpu.memref_slice %arg15[%dma_wait3A_198, %dma_wait3A_199] : memref<100352x16xf32, #tpu.memory_space<vmem_shared>> -> memref<100352x16xf32, #tpu.memory_space<vmem_shared>>
          tpu.wait_indirect_dma semaphore(%arg28 : memref<!tpu.dma_semaphore, #tpu.memory_space<semaphore_mem>>) src(%arg24 : memref<512x16xf32, #tpu.memory_space<vmem>>) dst(%dma_wait3A_200 : memref<100352x16xf32, #tpu.memory_space<vmem_shared>>)
        } else {
        }
        %add3A_191 = arith.constant 1 : i32
        %add3A_192 = arith.addi %add3A_172, %add3A_191 : i32
        %lt3A_193 = arith.constant 196 : i32
        %lt3A_194 = arith.cmpi slt, %add3A_192, %lt3A_193 : i32
        %convert_element_type3A_195 = arith.extui %lt3A_194 : i1 to i32
        %cond3A_196 = arith.constant 0 : i32
        %cond3A_197 = arith.cmpi ne, %convert_element_type3A_195, %cond3A_196 : i32
        scf.if %cond3A_197 {
          %add3A_198 = arith.constant 1 : i32
          %add3A_199 = arith.addi %add3A_172, %add3A_198 : i32
          %mul3A_200 = arith.constant 512 : i32
          %mul3A_201 = arith.muli %add3A_199, %mul3A_200 : i32
          %add3A_202 = arith.addi %mul3A_9, %mul3A_201 : i32
          %dma_wait3A_203 = tpu.memref_slice %arg6[%add3A_202] : memref<1605632xi32, #tpu.memory_space<hbm>> -> memref<512xi32, #tpu.memory_space<hbm>>
          %dma_wait3A_204 = tpu.memref_slice %arg6[%add3A_202] : memref<1605632xi32, #tpu.memory_space<hbm>> -> memref<512xi32, #tpu.memory_space<hbm>>
          tpu.wait_dma2 semaphore(%arg30 : memref<!tpu.dma_semaphore, #tpu.memory_space<semaphore_mem>>) src(%dma_wait3A_204 : memref<512xi32, #tpu.memory_space<hbm>>) dst(%arg16 : memref<512xi32, #tpu.memory_space<vmem>>)
          %dma_wait3A_205 = tpu.memref_slice %arg7[%add3A_202] : memref<1605632xi32, #tpu.memory_space<hbm>> -> memref<512xi32, #tpu.memory_space<hbm>>
          %dma_wait3A_206 = tpu.memref_slice %arg7[%add3A_202] : memref<1605632xi32, #tpu.memory_space<hbm>> -> memref<512xi32, #tpu.memory_space<hbm>>
          tpu.wait_dma2 semaphore(%arg30 : memref<!tpu.dma_semaphore, #tpu.memory_space<semaphore_mem>>) src(%dma_wait3A_206 : memref<512xi32, #tpu.memory_space<hbm>>) dst(%arg20 : memref<512xi32, #tpu.memory_space<vmem>>)
          %dma_start3A_207 = arith.constant 0 : i32
          %dma_start3A_208 = arith.constant 0 : i32
          %dma_start3A_209 = tpu.memref_slice %arg2[%dma_start3A_207, %dma_start3A_208] : memref<100352x16xf32, #tpu.memory_space<hbm>> -> memref<100352x16xf32, #tpu.memory_space<hbm>>
          tpu.enqueue_indirect_dma source(%dma_start3A_209 : memref<100352x16xf32, #tpu.memory_space<hbm>>) target(%arg24 : memref<512x16xf32, #tpu.memory_space<vmem>>) offsets(%arg16 : memref<512xi32, #tpu.memory_space<vmem>>) semaphore(%arg26 : memref<!tpu.dma_semaphore, #tpu.memory_space<semaphore_mem>>)
        } else {
        }
      }
      %scan3A_32 = arith.constant 49 : i32
      %dma_wait3A_33 = arith.constant 0 : i32
      %dma_wait3A_34 = arith.constant 0 : i32
      %dma_wait3A_35 = tpu.memref_slice %arg15[%dma_wait3A_33, %dma_wait3A_34] : memref<100352x16xf32, #tpu.memory_space<vmem_shared>> -> memref<100352x16xf32, #tpu.memory_space<vmem_shared>>
      tpu.wait_indirect_dma semaphore(%arg29 : memref<!tpu.dma_semaphore, #tpu.memory_space<semaphore_mem>>) src(%arg25 : memref<512x16xf32, #tpu.memory_space<vmem>>) dst(%dma_wait3A_35 : memref<100352x16xf32, #tpu.memory_space<vmem_shared>>)
      %barrier3A_36 = arith.constant 0 : index
      tpu.barrier barrier_id(%barrier3A_36)
      %mul3A_37 = arith.constant 6272 : i32
      %mul3A_38 = arith.muli %arg1, %mul3A_37 : i32
      %mul3A_39 = arith.constant 6272 : i32
      %mul3A_40 = arith.muli %arg1, %mul3A_39 : i32
      "tpu.region"() ({
        %run_scoped3A = tpu.sem_alloc : memref<!tpu.dma_semaphore, #tpu.memory_space<semaphore_mem>>
        %dma_start3A_83 = arith.constant 0 : i32
        %dma_start3A_84 = tpu.memref_slice %arg11[%mul3A_40, %dma_start3A_83] : memref<100352x16xf32, #tpu.memory_space<hbm>> -> memref<6272x16xf32, #tpu.memory_space<hbm>>
        %dma_start3A_85 = arith.constant 0 : i32
        %dma_start3A_86 = tpu.memref_slice %arg15[%mul3A_38, %dma_start3A_85] : memref<100352x16xf32, #tpu.memory_space<vmem_shared>> -> memref<6272x16xf32, #tpu.memory_space<vmem_shared>>
        tpu.enqueue_dma source(%dma_start3A_86 : memref<6272x16xf32, #tpu.memory_space<vmem_shared>>) target(%dma_start3A_84 : memref<6272x16xf32, #tpu.memory_space<hbm>>) target_semaphore(%run_scoped3A : memref<!tpu.dma_semaphore, #tpu.memory_space<semaphore_mem>>)
        %dma_wait3A_87 = arith.constant 0 : i32
        %dma_wait3A_88 = tpu.memref_slice %arg11[%mul3A_40, %dma_wait3A_87] : memref<100352x16xf32, #tpu.memory_space<hbm>> -> memref<6272x16xf32, #tpu.memory_space<hbm>>
        %dma_wait3A_89 = arith.constant 0 : i32
        %dma_wait3A_90 = tpu.memref_slice %arg15[%mul3A_38, %dma_wait3A_89] : memref<100352x16xf32, #tpu.memory_space<vmem_shared>> -> memref<6272x16xf32, #tpu.memory_space<vmem_shared>>
        tpu.wait_dma2 semaphore(%run_scoped3A : memref<!tpu.dma_semaphore, #tpu.memory_space<semaphore_mem>>) src(%dma_wait3A_90 : memref<6272x16xf32, #tpu.memory_space<vmem_shared>>) dst(%dma_wait3A_88 : memref<6272x16xf32, #tpu.memory_space<hbm>>)
        tpu.yield
      }) : () -> ()
      %barrier3A_41 = arith.constant 0 : index
      tpu.barrier barrier_id(%barrier3A_41)
      %mul3A_42 = arith.constant 6272 : i32
      %mul3A_43 = arith.muli %arg1, %mul3A_42 : i32
      "tpu.region"() ({
        %run_scoped3A = tpu.sem_alloc : memref<!tpu.dma_semaphore, #tpu.memory_space<semaphore_mem>>
        %dma_start3A_83 = arith.constant 0 : i32
        %dma_start3A_84 = tpu.memref_slice %arg15[%mul3A_43, %dma_start3A_83] : memref<100352x16xf32, #tpu.memory_space<vmem_shared>> -> memref<6272x16xf32, #tpu.memory_space<vmem_shared>>
        tpu.enqueue_dma source(%arg10 : memref<6272x16xf32, #tpu.memory_space<hbm>>) target(%dma_start3A_84 : memref<6272x16xf32, #tpu.memory_space<vmem_shared>>) target_semaphore(%run_scoped3A : memref<!tpu.dma_semaphore, #tpu.memory_space<semaphore_mem>>)
        %dma_wait3A_85 = arith.constant 0 : i32
        %dma_wait3A_86 = tpu.memref_slice %arg15[%mul3A_43, %dma_wait3A_85] : memref<100352x16xf32, #tpu.memory_space<vmem_shared>> -> memref<6272x16xf32, #tpu.memory_space<vmem_shared>>
        tpu.wait_dma2 semaphore(%run_scoped3A : memref<!tpu.dma_semaphore, #tpu.memory_space<semaphore_mem>>) src(%arg10 : memref<6272x16xf32, #tpu.memory_space<hbm>>) dst(%dma_wait3A_86 : memref<6272x16xf32, #tpu.memory_space<vmem_shared>>)
        tpu.yield
      }) : () -> ()
      %barrier3A_44 = arith.constant 0 : index
      tpu.barrier barrier_id(%barrier3A_44)
      %mul3A_45 = arith.constant 100352 : i32
      %mul3A_46 = arith.muli %arg1, %mul3A_45 : i32
      %add3A_47 = arith.constant 0 : i32
      %add3A_48 = arith.addi %mul3A_46, %add3A_47 : i32
      %dma_start3A_49 = tpu.memref_slice %arg8[%add3A_48] : memref<1605632xi32, #tpu.memory_space<hbm>> -> memref<512xi32, #tpu.memory_space<hbm>>
      %dma_start3A_50 = tpu.memref_slice %arg8[%add3A_48] : memref<1605632xi32, #tpu.memory_space<hbm>> -> memref<512xi32, #tpu.memory_space<hbm>>
      tpu.enqueue_dma source(%dma_start3A_50 : memref<512xi32, #tpu.memory_space<hbm>>) target(%arg16 : memref<512xi32, #tpu.memory_space<vmem>>) target_semaphore(%arg30 : memref<!tpu.dma_semaphore, #tpu.memory_space<semaphore_mem>>)
      %dma_start3A_51 = tpu.memref_slice %arg9[%add3A_48] : memref<1605632xi32, #tpu.memory_space<hbm>> -> memref<512xi32, #tpu.memory_space<hbm>>
      %dma_start3A_52 = tpu.memref_slice %arg9[%add3A_48] : memref<1605632xi32, #tpu.memory_space<hbm>> -> memref<512xi32, #tpu.memory_space<hbm>>
      tpu.enqueue_dma source(%dma_start3A_52 : memref<512xi32, #tpu.memory_space<hbm>>) target(%arg20 : memref<512xi32, #tpu.memory_space<vmem>>) target_semaphore(%arg30 : memref<!tpu.dma_semaphore, #tpu.memory_space<semaphore_mem>>)
      %add3A_53 = arith.constant 512 : i32
      %add3A_54 = arith.addi %mul3A_46, %add3A_53 : i32
      %dma_start3A_55 = tpu.memref_slice %arg8[%add3A_54] : memref<1605632xi32, #tpu.memory_space<hbm>> -> memref<512xi32, #tpu.memory_space<hbm>>
      %dma_start3A_56 = tpu.memref_slice %arg8[%add3A_54] : memref<1605632xi32, #tpu.memory_space<hbm>> -> memref<512xi32, #tpu.memory_space<hbm>>
      tpu.enqueue_dma source(%dma_start3A_56 : memref<512xi32, #tpu.memory_space<hbm>>) target(%arg17 : memref<512xi32, #tpu.memory_space<vmem>>) target_semaphore(%arg31 : memref<!tpu.dma_semaphore, #tpu.memory_space<semaphore_mem>>)
      %dma_start3A_57 = tpu.memref_slice %arg9[%add3A_54] : memref<1605632xi32, #tpu.memory_space<hbm>> -> memref<512xi32, #tpu.memory_space<hbm>>
      %dma_start3A_58 = tpu.memref_slice %arg9[%add3A_54] : memref<1605632xi32, #tpu.memory_space<hbm>> -> memref<512xi32, #tpu.memory_space<hbm>>
      tpu.enqueue_dma source(%dma_start3A_58 : memref<512xi32, #tpu.memory_space<hbm>>) target(%arg21 : memref<512xi32, #tpu.memory_space<vmem>>) target_semaphore(%arg31 : memref<!tpu.dma_semaphore, #tpu.memory_space<semaphore_mem>>)
      %add3A_59 = arith.constant 0 : i32
      %add3A_60 = arith.addi %mul3A_46, %add3A_59 : i32
      %dma_wait3A_61 = tpu.memref_slice %arg8[%add3A_60] : memref<1605632xi32, #tpu.memory_space<hbm>> -> memref<512xi32, #tpu.memory_space<hbm>>
      %dma_wait3A_62 = tpu.memref_slice %arg8[%add3A_60] : memref<1605632xi32, #tpu.memory_space<hbm>> -> memref<512xi32, #tpu.memory_space<hbm>>
      tpu.wait_dma2 semaphore(%arg30 : memref<!tpu.dma_semaphore, #tpu.memory_space<semaphore_mem>>) src(%dma_wait3A_62 : memref<512xi32, #tpu.memory_space<hbm>>) dst(%arg16 : memref<512xi32, #tpu.memory_space<vmem>>)
      %dma_wait3A_63 = tpu.memref_slice %arg9[%add3A_60] : memref<1605632xi32, #tpu.memory_space<hbm>> -> memref<512xi32, #tpu.memory_space<hbm>>
      %dma_wait3A_64 = tpu.memref_slice %arg9[%add3A_60] : memref<1605632xi32, #tpu.memory_space<hbm>> -> memref<512xi32, #tpu.memory_space<hbm>>
      tpu.wait_dma2 semaphore(%arg30 : memref<!tpu.dma_semaphore, #tpu.memory_space<semaphore_mem>>) src(%dma_wait3A_64 : memref<512xi32, #tpu.memory_space<hbm>>) dst(%arg20 : memref<512xi32, #tpu.memory_space<vmem>>)
      %dma_start3A_65 = arith.constant 0 : i32
      %dma_start3A_66 = arith.constant 0 : i32
      %dma_start3A_67 = tpu.memref_slice %arg4[%dma_start3A_65, %dma_start3A_66] : memref<100352x16xf32, #tpu.memory_space<hbm>> -> memref<100352x16xf32, #tpu.memory_space<hbm>>
      tpu.enqueue_indirect_dma source(%dma_start3A_67 : memref<100352x16xf32, #tpu.memory_space<hbm>>) target(%arg24 : memref<512x16xf32, #tpu.memory_space<vmem>>) offsets(%arg16 : memref<512xi32, #tpu.memory_space<vmem>>) semaphore(%arg26 : memref<!tpu.dma_semaphore, #tpu.memory_space<semaphore_mem>>)
      %scan3A_68 = arith.constant 0 : i32
      %scan3A_69 = arith.constant 0 : i32
      %scan3A_70 = arith.constant 49 : i32
      %scan3A_71 = arith.addi %scan3A_69, %scan3A_70 : i32
      %scan3A_72 = arith.constant 1 : i32
      scf.for %scan3A_83 = %scan3A_69 to %scan3A_71 step %scan3A_72  : i32 {
        %mul3A_84 = arith.constant 4 : i32
        %mul3A_85 = arith.muli %scan3A_83, %mul3A_84 : i32
        %add3A_86 = arith.constant 0 : i32
        %add3A_87 = arith.addi %mul3A_85, %add3A_86 : i32
        %add3A_88 = arith.constant 2 : i32
        %add3A_89 = arith.addi %add3A_87, %add3A_88 : i32
        %lt3A = arith.constant 196 : i32
        %lt3A_90 = arith.cmpi slt, %add3A_89, %lt3A : i32
        %convert_element_type3A_91 = arith.extui %lt3A_90 : i1 to i32
        %cond3A_92 = arith.constant 0 : i32
        %cond3A_93 = arith.cmpi ne, %convert_element_type3A_91, %cond3A_92 : i32
        scf.if %cond3A_93 {
          %add3A_198 = arith.constant 2 : i32
          %add3A_199 = arith.addi %add3A_87, %add3A_198 : i32
          %mul3A_200 = arith.constant 512 : i32
          %mul3A_201 = arith.muli %add3A_199, %mul3A_200 : i32
          %add3A_202 = arith.addi %mul3A_46, %mul3A_201 : i32
          %dma_start3A_203 = tpu.memref_slice %arg8[%add3A_202] : memref<1605632xi32, #tpu.memory_space<hbm>> -> memref<512xi32, #tpu.memory_space<hbm>>
          %dma_start3A_204 = tpu.memref_slice %arg8[%add3A_202] : memref<1605632xi32, #tpu.memory_space<hbm>> -> memref<512xi32, #tpu.memory_space<hbm>>
          tpu.enqueue_dma source(%dma_start3A_204 : memref<512xi32, #tpu.memory_space<hbm>>) target(%arg18 : memref<512xi32, #tpu.memory_space<vmem>>) target_semaphore(%arg32 : memref<!tpu.dma_semaphore, #tpu.memory_space<semaphore_mem>>)
          %dma_start3A_205 = tpu.memref_slice %arg9[%add3A_202] : memref<1605632xi32, #tpu.memory_space<hbm>> -> memref<512xi32, #tpu.memory_space<hbm>>
          %dma_start3A_206 = tpu.memref_slice %arg9[%add3A_202] : memref<1605632xi32, #tpu.memory_space<hbm>> -> memref<512xi32, #tpu.memory_space<hbm>>
          tpu.enqueue_dma source(%dma_start3A_206 : memref<512xi32, #tpu.memory_space<hbm>>) target(%arg22 : memref<512xi32, #tpu.memory_space<vmem>>) target_semaphore(%arg32 : memref<!tpu.dma_semaphore, #tpu.memory_space<semaphore_mem>>)
        } else {
        }
        %dma_wait3A_94 = arith.constant 0 : i32
        %dma_wait3A_95 = arith.constant 0 : i32
        %dma_wait3A_96 = tpu.memref_slice %arg4[%dma_wait3A_94, %dma_wait3A_95] : memref<100352x16xf32, #tpu.memory_space<hbm>> -> memref<100352x16xf32, #tpu.memory_space<hbm>>
        tpu.wait_indirect_dma semaphore(%arg26 : memref<!tpu.dma_semaphore, #tpu.memory_space<semaphore_mem>>) src(%dma_wait3A_96 : memref<100352x16xf32, #tpu.memory_space<hbm>>) dst(%arg24 : memref<512x16xf32, #tpu.memory_space<vmem>>)
        %dma_start3A_97 = arith.constant 0 : i32
        %dma_start3A_98 = arith.constant 0 : i32
        %dma_start3A_99 = tpu.memref_slice %arg15[%dma_start3A_97, %dma_start3A_98] : memref<100352x16xf32, #tpu.memory_space<vmem_shared>> -> memref<100352x16xf32, #tpu.memory_space<vmem_shared>>
        tpu.enqueue_indirect_dma source(%arg24 : memref<512x16xf32, #tpu.memory_space<vmem>>) target(%dma_start3A_99 : memref<100352x16xf32, #tpu.memory_space<vmem_shared>>) offsets(%arg20 : memref<512xi32, #tpu.memory_space<vmem>>) semaphore(%arg28 : memref<!tpu.dma_semaphore, #tpu.memory_space<semaphore_mem>>) {add = true}
        %gt3A = arith.constant 0 : i32
        %gt3A_100 = arith.cmpi sgt, %add3A_87, %gt3A : i32
        %convert_element_type3A_101 = arith.extui %gt3A_100 : i1 to i32
        %cond3A_102 = arith.constant 0 : i32
        %cond3A_103 = arith.cmpi ne, %convert_element_type3A_101, %cond3A_102 : i32
        scf.if %cond3A_103 {
          %dma_wait3A_198 = arith.constant 0 : i32
          %dma_wait3A_199 = arith.constant 0 : i32
          %dma_wait3A_200 = tpu.memref_slice %arg15[%dma_wait3A_198, %dma_wait3A_199] : memref<100352x16xf32, #tpu.memory_space<vmem_shared>> -> memref<100352x16xf32, #tpu.memory_space<vmem_shared>>
          tpu.wait_indirect_dma semaphore(%arg29 : memref<!tpu.dma_semaphore, #tpu.memory_space<semaphore_mem>>) src(%arg25 : memref<512x16xf32, #tpu.memory_space<vmem>>) dst(%dma_wait3A_200 : memref<100352x16xf32, #tpu.memory_space<vmem_shared>>)
        } else {
        }
        %add3A_104 = arith.constant 1 : i32
        %add3A_105 = arith.addi %add3A_87, %add3A_104 : i32
        %lt3A_106 = arith.constant 196 : i32
        %lt3A_107 = arith.cmpi slt, %add3A_105, %lt3A_106 : i32
        %convert_element_type3A_108 = arith.extui %lt3A_107 : i1 to i32
        %cond3A_109 = arith.constant 0 : i32
        %cond3A_110 = arith.cmpi ne, %convert_element_type3A_108, %cond3A_109 : i32
        scf.if %cond3A_110 {
          %add3A_198 = arith.constant 1 : i32
          %add3A_199 = arith.addi %add3A_87, %add3A_198 : i32
          %mul3A_200 = arith.constant 512 : i32
          %mul3A_201 = arith.muli %add3A_199, %mul3A_200 : i32
          %add3A_202 = arith.addi %mul3A_46, %mul3A_201 : i32
          %dma_wait3A_203 = tpu.memref_slice %arg8[%add3A_202] : memref<1605632xi32, #tpu.memory_space<hbm>> -> memref<512xi32, #tpu.memory_space<hbm>>
          %dma_wait3A_204 = tpu.memref_slice %arg8[%add3A_202] : memref<1605632xi32, #tpu.memory_space<hbm>> -> memref<512xi32, #tpu.memory_space<hbm>>
          tpu.wait_dma2 semaphore(%arg31 : memref<!tpu.dma_semaphore, #tpu.memory_space<semaphore_mem>>) src(%dma_wait3A_204 : memref<512xi32, #tpu.memory_space<hbm>>) dst(%arg17 : memref<512xi32, #tpu.memory_space<vmem>>)
          %dma_wait3A_205 = tpu.memref_slice %arg9[%add3A_202] : memref<1605632xi32, #tpu.memory_space<hbm>> -> memref<512xi32, #tpu.memory_space<hbm>>
          %dma_wait3A_206 = tpu.memref_slice %arg9[%add3A_202] : memref<1605632xi32, #tpu.memory_space<hbm>> -> memref<512xi32, #tpu.memory_space<hbm>>
          tpu.wait_dma2 semaphore(%arg31 : memref<!tpu.dma_semaphore, #tpu.memory_space<semaphore_mem>>) src(%dma_wait3A_206 : memref<512xi32, #tpu.memory_space<hbm>>) dst(%arg21 : memref<512xi32, #tpu.memory_space<vmem>>)
          %dma_start3A_207 = arith.constant 0 : i32
          %dma_start3A_208 = arith.constant 0 : i32
          %dma_start3A_209 = tpu.memref_slice %arg4[%dma_start3A_207, %dma_start3A_208] : memref<100352x16xf32, #tpu.memory_space<hbm>> -> memref<100352x16xf32, #tpu.memory_space<hbm>>
          tpu.enqueue_indirect_dma source(%dma_start3A_209 : memref<100352x16xf32, #tpu.memory_space<hbm>>) target(%arg25 : memref<512x16xf32, #tpu.memory_space<vmem>>) offsets(%arg17 : memref<512xi32, #tpu.memory_space<vmem>>) semaphore(%arg27 : memref<!tpu.dma_semaphore, #tpu.memory_space<semaphore_mem>>)
        } else {
        }
        %mul3A_111 = arith.constant 4 : i32
        %mul3A_112 = arith.muli %scan3A_83, %mul3A_111 : i32
        %add3A_113 = arith.constant 1 : i32
        %add3A_114 = arith.addi %mul3A_112, %add3A_113 : i32
        %add3A_115 = arith.constant 2 : i32
        %add3A_116 = arith.addi %add3A_114, %add3A_115 : i32
        %lt3A_117 = arith.constant 196 : i32
        %lt3A_118 = arith.cmpi slt, %add3A_116, %lt3A_117 : i32
        %convert_element_type3A_119 = arith.extui %lt3A_118 : i1 to i32
        %cond3A_120 = arith.constant 0 : i32
        %cond3A_121 = arith.cmpi ne, %convert_element_type3A_119, %cond3A_120 : i32
        scf.if %cond3A_121 {
          %add3A_198 = arith.constant 2 : i32
          %add3A_199 = arith.addi %add3A_114, %add3A_198 : i32
          %mul3A_200 = arith.constant 512 : i32
          %mul3A_201 = arith.muli %add3A_199, %mul3A_200 : i32
          %add3A_202 = arith.addi %mul3A_46, %mul3A_201 : i32
          %dma_start3A_203 = tpu.memref_slice %arg8[%add3A_202] : memref<1605632xi32, #tpu.memory_space<hbm>> -> memref<512xi32, #tpu.memory_space<hbm>>
          %dma_start3A_204 = tpu.memref_slice %arg8[%add3A_202] : memref<1605632xi32, #tpu.memory_space<hbm>> -> memref<512xi32, #tpu.memory_space<hbm>>
          tpu.enqueue_dma source(%dma_start3A_204 : memref<512xi32, #tpu.memory_space<hbm>>) target(%arg19 : memref<512xi32, #tpu.memory_space<vmem>>) target_semaphore(%arg33 : memref<!tpu.dma_semaphore, #tpu.memory_space<semaphore_mem>>)
          %dma_start3A_205 = tpu.memref_slice %arg9[%add3A_202] : memref<1605632xi32, #tpu.memory_space<hbm>> -> memref<512xi32, #tpu.memory_space<hbm>>
          %dma_start3A_206 = tpu.memref_slice %arg9[%add3A_202] : memref<1605632xi32, #tpu.memory_space<hbm>> -> memref<512xi32, #tpu.memory_space<hbm>>
          tpu.enqueue_dma source(%dma_start3A_206 : memref<512xi32, #tpu.memory_space<hbm>>) target(%arg23 : memref<512xi32, #tpu.memory_space<vmem>>) target_semaphore(%arg33 : memref<!tpu.dma_semaphore, #tpu.memory_space<semaphore_mem>>)
        } else {
        }
        %dma_wait3A_122 = arith.constant 0 : i32
        %dma_wait3A_123 = arith.constant 0 : i32
        %dma_wait3A_124 = tpu.memref_slice %arg4[%dma_wait3A_122, %dma_wait3A_123] : memref<100352x16xf32, #tpu.memory_space<hbm>> -> memref<100352x16xf32, #tpu.memory_space<hbm>>
        tpu.wait_indirect_dma semaphore(%arg27 : memref<!tpu.dma_semaphore, #tpu.memory_space<semaphore_mem>>) src(%dma_wait3A_124 : memref<100352x16xf32, #tpu.memory_space<hbm>>) dst(%arg25 : memref<512x16xf32, #tpu.memory_space<vmem>>)
        %dma_start3A_125 = arith.constant 0 : i32
        %dma_start3A_126 = arith.constant 0 : i32
        %dma_start3A_127 = tpu.memref_slice %arg15[%dma_start3A_125, %dma_start3A_126] : memref<100352x16xf32, #tpu.memory_space<vmem_shared>> -> memref<100352x16xf32, #tpu.memory_space<vmem_shared>>
        tpu.enqueue_indirect_dma source(%arg25 : memref<512x16xf32, #tpu.memory_space<vmem>>) target(%dma_start3A_127 : memref<100352x16xf32, #tpu.memory_space<vmem_shared>>) offsets(%arg21 : memref<512xi32, #tpu.memory_space<vmem>>) semaphore(%arg29 : memref<!tpu.dma_semaphore, #tpu.memory_space<semaphore_mem>>) {add = true}
        %gt3A_128 = arith.constant 0 : i32
        %gt3A_129 = arith.cmpi sgt, %add3A_114, %gt3A_128 : i32
        %convert_element_type3A_130 = arith.extui %gt3A_129 : i1 to i32
        %cond3A_131 = arith.constant 0 : i32
        %cond3A_132 = arith.cmpi ne, %convert_element_type3A_130, %cond3A_131 : i32
        scf.if %cond3A_132 {
          %dma_wait3A_198 = arith.constant 0 : i32
          %dma_wait3A_199 = arith.constant 0 : i32
          %dma_wait3A_200 = tpu.memref_slice %arg15[%dma_wait3A_198, %dma_wait3A_199] : memref<100352x16xf32, #tpu.memory_space<vmem_shared>> -> memref<100352x16xf32, #tpu.memory_space<vmem_shared>>
          tpu.wait_indirect_dma semaphore(%arg28 : memref<!tpu.dma_semaphore, #tpu.memory_space<semaphore_mem>>) src(%arg24 : memref<512x16xf32, #tpu.memory_space<vmem>>) dst(%dma_wait3A_200 : memref<100352x16xf32, #tpu.memory_space<vmem_shared>>)
        } else {
        }
        %add3A_133 = arith.constant 1 : i32
        %add3A_134 = arith.addi %add3A_114, %add3A_133 : i32
        %lt3A_135 = arith.constant 196 : i32
        %lt3A_136 = arith.cmpi slt, %add3A_134, %lt3A_135 : i32
        %convert_element_type3A_137 = arith.extui %lt3A_136 : i1 to i32
        %cond3A_138 = arith.constant 0 : i32
        %cond3A_139 = arith.cmpi ne, %convert_element_type3A_137, %cond3A_138 : i32
        scf.if %cond3A_139 {
          %add3A_198 = arith.constant 1 : i32
          %add3A_199 = arith.addi %add3A_114, %add3A_198 : i32
          %mul3A_200 = arith.constant 512 : i32
          %mul3A_201 = arith.muli %add3A_199, %mul3A_200 : i32
          %add3A_202 = arith.addi %mul3A_46, %mul3A_201 : i32
          %dma_wait3A_203 = tpu.memref_slice %arg8[%add3A_202] : memref<1605632xi32, #tpu.memory_space<hbm>> -> memref<512xi32, #tpu.memory_space<hbm>>
          %dma_wait3A_204 = tpu.memref_slice %arg8[%add3A_202] : memref<1605632xi32, #tpu.memory_space<hbm>> -> memref<512xi32, #tpu.memory_space<hbm>>
          tpu.wait_dma2 semaphore(%arg32 : memref<!tpu.dma_semaphore, #tpu.memory_space<semaphore_mem>>) src(%dma_wait3A_204 : memref<512xi32, #tpu.memory_space<hbm>>) dst(%arg18 : memref<512xi32, #tpu.memory_space<vmem>>)
          %dma_wait3A_205 = tpu.memref_slice %arg9[%add3A_202] : memref<1605632xi32, #tpu.memory_space<hbm>> -> memref<512xi32, #tpu.memory_space<hbm>>
          %dma_wait3A_206 = tpu.memref_slice %arg9[%add3A_202] : memref<1605632xi32, #tpu.memory_space<hbm>> -> memref<512xi32, #tpu.memory_space<hbm>>
          tpu.wait_dma2 semaphore(%arg32 : memref<!tpu.dma_semaphore, #tpu.memory_space<semaphore_mem>>) src(%dma_wait3A_206 : memref<512xi32, #tpu.memory_space<hbm>>) dst(%arg22 : memref<512xi32, #tpu.memory_space<vmem>>)
          %dma_start3A_207 = arith.constant 0 : i32
          %dma_start3A_208 = arith.constant 0 : i32
          %dma_start3A_209 = tpu.memref_slice %arg4[%dma_start3A_207, %dma_start3A_208] : memref<100352x16xf32, #tpu.memory_space<hbm>> -> memref<100352x16xf32, #tpu.memory_space<hbm>>
          tpu.enqueue_indirect_dma source(%dma_start3A_209 : memref<100352x16xf32, #tpu.memory_space<hbm>>) target(%arg24 : memref<512x16xf32, #tpu.memory_space<vmem>>) offsets(%arg18 : memref<512xi32, #tpu.memory_space<vmem>>) semaphore(%arg26 : memref<!tpu.dma_semaphore, #tpu.memory_space<semaphore_mem>>)
        } else {
        }
        %mul3A_140 = arith.constant 4 : i32
        %mul3A_141 = arith.muli %scan3A_83, %mul3A_140 : i32
        %add3A_142 = arith.constant 2 : i32
        %add3A_143 = arith.addi %mul3A_141, %add3A_142 : i32
        %add3A_144 = arith.constant 2 : i32
        %add3A_145 = arith.addi %add3A_143, %add3A_144 : i32
        %lt3A_146 = arith.constant 196 : i32
        %lt3A_147 = arith.cmpi slt, %add3A_145, %lt3A_146 : i32
        %convert_element_type3A_148 = arith.extui %lt3A_147 : i1 to i32
        %cond3A_149 = arith.constant 0 : i32
        %cond3A_150 = arith.cmpi ne, %convert_element_type3A_148, %cond3A_149 : i32
        scf.if %cond3A_150 {
          %add3A_198 = arith.constant 2 : i32
          %add3A_199 = arith.addi %add3A_143, %add3A_198 : i32
          %mul3A_200 = arith.constant 512 : i32
          %mul3A_201 = arith.muli %add3A_199, %mul3A_200 : i32
          %add3A_202 = arith.addi %mul3A_46, %mul3A_201 : i32
          %dma_start3A_203 = tpu.memref_slice %arg8[%add3A_202] : memref<1605632xi32, #tpu.memory_space<hbm>> -> memref<512xi32, #tpu.memory_space<hbm>>
          %dma_start3A_204 = tpu.memref_slice %arg8[%add3A_202] : memref<1605632xi32, #tpu.memory_space<hbm>> -> memref<512xi32, #tpu.memory_space<hbm>>
          tpu.enqueue_dma source(%dma_start3A_204 : memref<512xi32, #tpu.memory_space<hbm>>) target(%arg16 : memref<512xi32, #tpu.memory_space<vmem>>) target_semaphore(%arg30 : memref<!tpu.dma_semaphore, #tpu.memory_space<semaphore_mem>>)
          %dma_start3A_205 = tpu.memref_slice %arg9[%add3A_202] : memref<1605632xi32, #tpu.memory_space<hbm>> -> memref<512xi32, #tpu.memory_space<hbm>>
          %dma_start3A_206 = tpu.memref_slice %arg9[%add3A_202] : memref<1605632xi32, #tpu.memory_space<hbm>> -> memref<512xi32, #tpu.memory_space<hbm>>
          tpu.enqueue_dma source(%dma_start3A_206 : memref<512xi32, #tpu.memory_space<hbm>>) target(%arg20 : memref<512xi32, #tpu.memory_space<vmem>>) target_semaphore(%arg30 : memref<!tpu.dma_semaphore, #tpu.memory_space<semaphore_mem>>)
        } else {
        }
        %dma_wait3A_151 = arith.constant 0 : i32
        %dma_wait3A_152 = arith.constant 0 : i32
        %dma_wait3A_153 = tpu.memref_slice %arg4[%dma_wait3A_151, %dma_wait3A_152] : memref<100352x16xf32, #tpu.memory_space<hbm>> -> memref<100352x16xf32, #tpu.memory_space<hbm>>
        tpu.wait_indirect_dma semaphore(%arg26 : memref<!tpu.dma_semaphore, #tpu.memory_space<semaphore_mem>>) src(%dma_wait3A_153 : memref<100352x16xf32, #tpu.memory_space<hbm>>) dst(%arg24 : memref<512x16xf32, #tpu.memory_space<vmem>>)
        %dma_start3A_154 = arith.constant 0 : i32
        %dma_start3A_155 = arith.constant 0 : i32
        %dma_start3A_156 = tpu.memref_slice %arg15[%dma_start3A_154, %dma_start3A_155] : memref<100352x16xf32, #tpu.memory_space<vmem_shared>> -> memref<100352x16xf32, #tpu.memory_space<vmem_shared>>
        tpu.enqueue_indirect_dma source(%arg24 : memref<512x16xf32, #tpu.memory_space<vmem>>) target(%dma_start3A_156 : memref<100352x16xf32, #tpu.memory_space<vmem_shared>>) offsets(%arg22 : memref<512xi32, #tpu.memory_space<vmem>>) semaphore(%arg28 : memref<!tpu.dma_semaphore, #tpu.memory_space<semaphore_mem>>) {add = true}
        %gt3A_157 = arith.constant 0 : i32
        %gt3A_158 = arith.cmpi sgt, %add3A_143, %gt3A_157 : i32
        %convert_element_type3A_159 = arith.extui %gt3A_158 : i1 to i32
        %cond3A_160 = arith.constant 0 : i32
        %cond3A_161 = arith.cmpi ne, %convert_element_type3A_159, %cond3A_160 : i32
        scf.if %cond3A_161 {
          %dma_wait3A_198 = arith.constant 0 : i32
          %dma_wait3A_199 = arith.constant 0 : i32
          %dma_wait3A_200 = tpu.memref_slice %arg15[%dma_wait3A_198, %dma_wait3A_199] : memref<100352x16xf32, #tpu.memory_space<vmem_shared>> -> memref<100352x16xf32, #tpu.memory_space<vmem_shared>>
          tpu.wait_indirect_dma semaphore(%arg29 : memref<!tpu.dma_semaphore, #tpu.memory_space<semaphore_mem>>) src(%arg25 : memref<512x16xf32, #tpu.memory_space<vmem>>) dst(%dma_wait3A_200 : memref<100352x16xf32, #tpu.memory_space<vmem_shared>>)
        } else {
        }
        %add3A_162 = arith.constant 1 : i32
        %add3A_163 = arith.addi %add3A_143, %add3A_162 : i32
        %lt3A_164 = arith.constant 196 : i32
        %lt3A_165 = arith.cmpi slt, %add3A_163, %lt3A_164 : i32
        %convert_element_type3A_166 = arith.extui %lt3A_165 : i1 to i32
        %cond3A_167 = arith.constant 0 : i32
        %cond3A_168 = arith.cmpi ne, %convert_element_type3A_166, %cond3A_167 : i32
        scf.if %cond3A_168 {
          %add3A_198 = arith.constant 1 : i32
          %add3A_199 = arith.addi %add3A_143, %add3A_198 : i32
          %mul3A_200 = arith.constant 512 : i32
          %mul3A_201 = arith.muli %add3A_199, %mul3A_200 : i32
          %add3A_202 = arith.addi %mul3A_46, %mul3A_201 : i32
          %dma_wait3A_203 = tpu.memref_slice %arg8[%add3A_202] : memref<1605632xi32, #tpu.memory_space<hbm>> -> memref<512xi32, #tpu.memory_space<hbm>>
          %dma_wait3A_204 = tpu.memref_slice %arg8[%add3A_202] : memref<1605632xi32, #tpu.memory_space<hbm>> -> memref<512xi32, #tpu.memory_space<hbm>>
          tpu.wait_dma2 semaphore(%arg33 : memref<!tpu.dma_semaphore, #tpu.memory_space<semaphore_mem>>) src(%dma_wait3A_204 : memref<512xi32, #tpu.memory_space<hbm>>) dst(%arg19 : memref<512xi32, #tpu.memory_space<vmem>>)
          %dma_wait3A_205 = tpu.memref_slice %arg9[%add3A_202] : memref<1605632xi32, #tpu.memory_space<hbm>> -> memref<512xi32, #tpu.memory_space<hbm>>
          %dma_wait3A_206 = tpu.memref_slice %arg9[%add3A_202] : memref<1605632xi32, #tpu.memory_space<hbm>> -> memref<512xi32, #tpu.memory_space<hbm>>
          tpu.wait_dma2 semaphore(%arg33 : memref<!tpu.dma_semaphore, #tpu.memory_space<semaphore_mem>>) src(%dma_wait3A_206 : memref<512xi32, #tpu.memory_space<hbm>>) dst(%arg23 : memref<512xi32, #tpu.memory_space<vmem>>)
          %dma_start3A_207 = arith.constant 0 : i32
          %dma_start3A_208 = arith.constant 0 : i32
          %dma_start3A_209 = tpu.memref_slice %arg4[%dma_start3A_207, %dma_start3A_208] : memref<100352x16xf32, #tpu.memory_space<hbm>> -> memref<100352x16xf32, #tpu.memory_space<hbm>>
          tpu.enqueue_indirect_dma source(%dma_start3A_209 : memref<100352x16xf32, #tpu.memory_space<hbm>>) target(%arg25 : memref<512x16xf32, #tpu.memory_space<vmem>>) offsets(%arg19 : memref<512xi32, #tpu.memory_space<vmem>>) semaphore(%arg27 : memref<!tpu.dma_semaphore, #tpu.memory_space<semaphore_mem>>)
        } else {
        }
        %mul3A_169 = arith.constant 4 : i32
        %mul3A_170 = arith.muli %scan3A_83, %mul3A_169 : i32
        %add3A_171 = arith.constant 3 : i32
        %add3A_172 = arith.addi %mul3A_170, %add3A_171 : i32
        %add3A_173 = arith.constant 2 : i32
        %add3A_174 = arith.addi %add3A_172, %add3A_173 : i32
        %lt3A_175 = arith.constant 196 : i32
        %lt3A_176 = arith.cmpi slt, %add3A_174, %lt3A_175 : i32
        %convert_element_type3A_177 = arith.extui %lt3A_176 : i1 to i32
        %cond3A_178 = arith.constant 0 : i32
        %cond3A_179 = arith.cmpi ne, %convert_element_type3A_177, %cond3A_178 : i32
        scf.if %cond3A_179 {
          %add3A_198 = arith.constant 2 : i32
          %add3A_199 = arith.addi %add3A_172, %add3A_198 : i32
          %mul3A_200 = arith.constant 512 : i32
          %mul3A_201 = arith.muli %add3A_199, %mul3A_200 : i32
          %add3A_202 = arith.addi %mul3A_46, %mul3A_201 : i32
          %dma_start3A_203 = tpu.memref_slice %arg8[%add3A_202] : memref<1605632xi32, #tpu.memory_space<hbm>> -> memref<512xi32, #tpu.memory_space<hbm>>
          %dma_start3A_204 = tpu.memref_slice %arg8[%add3A_202] : memref<1605632xi32, #tpu.memory_space<hbm>> -> memref<512xi32, #tpu.memory_space<hbm>>
          tpu.enqueue_dma source(%dma_start3A_204 : memref<512xi32, #tpu.memory_space<hbm>>) target(%arg17 : memref<512xi32, #tpu.memory_space<vmem>>) target_semaphore(%arg31 : memref<!tpu.dma_semaphore, #tpu.memory_space<semaphore_mem>>)
          %dma_start3A_205 = tpu.memref_slice %arg9[%add3A_202] : memref<1605632xi32, #tpu.memory_space<hbm>> -> memref<512xi32, #tpu.memory_space<hbm>>
          %dma_start3A_206 = tpu.memref_slice %arg9[%add3A_202] : memref<1605632xi32, #tpu.memory_space<hbm>> -> memref<512xi32, #tpu.memory_space<hbm>>
          tpu.enqueue_dma source(%dma_start3A_206 : memref<512xi32, #tpu.memory_space<hbm>>) target(%arg21 : memref<512xi32, #tpu.memory_space<vmem>>) target_semaphore(%arg31 : memref<!tpu.dma_semaphore, #tpu.memory_space<semaphore_mem>>)
        } else {
        }
        %dma_wait3A_180 = arith.constant 0 : i32
        %dma_wait3A_181 = arith.constant 0 : i32
        %dma_wait3A_182 = tpu.memref_slice %arg4[%dma_wait3A_180, %dma_wait3A_181] : memref<100352x16xf32, #tpu.memory_space<hbm>> -> memref<100352x16xf32, #tpu.memory_space<hbm>>
        tpu.wait_indirect_dma semaphore(%arg27 : memref<!tpu.dma_semaphore, #tpu.memory_space<semaphore_mem>>) src(%dma_wait3A_182 : memref<100352x16xf32, #tpu.memory_space<hbm>>) dst(%arg25 : memref<512x16xf32, #tpu.memory_space<vmem>>)
        %dma_start3A_183 = arith.constant 0 : i32
        %dma_start3A_184 = arith.constant 0 : i32
        %dma_start3A_185 = tpu.memref_slice %arg15[%dma_start3A_183, %dma_start3A_184] : memref<100352x16xf32, #tpu.memory_space<vmem_shared>> -> memref<100352x16xf32, #tpu.memory_space<vmem_shared>>
        tpu.enqueue_indirect_dma source(%arg25 : memref<512x16xf32, #tpu.memory_space<vmem>>) target(%dma_start3A_185 : memref<100352x16xf32, #tpu.memory_space<vmem_shared>>) offsets(%arg23 : memref<512xi32, #tpu.memory_space<vmem>>) semaphore(%arg29 : memref<!tpu.dma_semaphore, #tpu.memory_space<semaphore_mem>>) {add = true}
        %gt3A_186 = arith.constant 0 : i32
        %gt3A_187 = arith.cmpi sgt, %add3A_172, %gt3A_186 : i32
        %convert_element_type3A_188 = arith.extui %gt3A_187 : i1 to i32
        %cond3A_189 = arith.constant 0 : i32
        %cond3A_190 = arith.cmpi ne, %convert_element_type3A_188, %cond3A_189 : i32
        scf.if %cond3A_190 {
          %dma_wait3A_198 = arith.constant 0 : i32
          %dma_wait3A_199 = arith.constant 0 : i32
          %dma_wait3A_200 = tpu.memref_slice %arg15[%dma_wait3A_198, %dma_wait3A_199] : memref<100352x16xf32, #tpu.memory_space<vmem_shared>> -> memref<100352x16xf32, #tpu.memory_space<vmem_shared>>
          tpu.wait_indirect_dma semaphore(%arg28 : memref<!tpu.dma_semaphore, #tpu.memory_space<semaphore_mem>>) src(%arg24 : memref<512x16xf32, #tpu.memory_space<vmem>>) dst(%dma_wait3A_200 : memref<100352x16xf32, #tpu.memory_space<vmem_shared>>)
        } else {
        }
        %add3A_191 = arith.constant 1 : i32
        %add3A_192 = arith.addi %add3A_172, %add3A_191 : i32
        %lt3A_193 = arith.constant 196 : i32
        %lt3A_194 = arith.cmpi slt, %add3A_192, %lt3A_193 : i32
        %convert_element_type3A_195 = arith.extui %lt3A_194 : i1 to i32
        %cond3A_196 = arith.constant 0 : i32
        %cond3A_197 = arith.cmpi ne, %convert_element_type3A_195, %cond3A_196 : i32
        scf.if %cond3A_197 {
          %add3A_198 = arith.constant 1 : i32
          %add3A_199 = arith.addi %add3A_172, %add3A_198 : i32
          %mul3A_200 = arith.constant 512 : i32
          %mul3A_201 = arith.muli %add3A_199, %mul3A_200 : i32
          %add3A_202 = arith.addi %mul3A_46, %mul3A_201 : i32
          %dma_wait3A_203 = tpu.memref_slice %arg8[%add3A_202] : memref<1605632xi32, #tpu.memory_space<hbm>> -> memref<512xi32, #tpu.memory_space<hbm>>
          %dma_wait3A_204 = tpu.memref_slice %arg8[%add3A_202] : memref<1605632xi32, #tpu.memory_space<hbm>> -> memref<512xi32, #tpu.memory_space<hbm>>
          tpu.wait_dma2 semaphore(%arg30 : memref<!tpu.dma_semaphore, #tpu.memory_space<semaphore_mem>>) src(%dma_wait3A_204 : memref<512xi32, #tpu.memory_space<hbm>>) dst(%arg16 : memref<512xi32, #tpu.memory_space<vmem>>)
          %dma_wait3A_205 = tpu.memref_slice %arg9[%add3A_202] : memref<1605632xi32, #tpu.memory_space<hbm>> -> memref<512xi32, #tpu.memory_space<hbm>>
          %dma_wait3A_206 = tpu.memref_slice %arg9[%add3A_202] : memref<1605632xi32, #tpu.memory_space<hbm>> -> memref<512xi32, #tpu.memory_space<hbm>>
          tpu.wait_dma2 semaphore(%arg30 : memref<!tpu.dma_semaphore, #tpu.memory_space<semaphore_mem>>) src(%dma_wait3A_206 : memref<512xi32, #tpu.memory_space<hbm>>) dst(%arg20 : memref<512xi32, #tpu.memory_space<vmem>>)
          %dma_start3A_207 = arith.constant 0 : i32
          %dma_start3A_208 = arith.constant 0 : i32
          %dma_start3A_209 = tpu.memref_slice %arg4[%dma_start3A_207, %dma_start3A_208] : memref<100352x16xf32, #tpu.memory_space<hbm>> -> memref<100352x16xf32, #tpu.memory_space<hbm>>
          tpu.enqueue_indirect_dma source(%dma_start3A_209 : memref<100352x16xf32, #tpu.memory_space<hbm>>) target(%arg24 : memref<512x16xf32, #tpu.memory_space<vmem>>) offsets(%arg16 : memref<512xi32, #tpu.memory_space<vmem>>) semaphore(%arg26 : memref<!tpu.dma_semaphore, #tpu.memory_space<semaphore_mem>>)
        } else {
        }
      }
      %scan3A_73 = arith.constant 49 : i32
      %dma_wait3A_74 = arith.constant 0 : i32
      %dma_wait3A_75 = arith.constant 0 : i32
      %dma_wait3A_76 = tpu.memref_slice %arg15[%dma_wait3A_74, %dma_wait3A_75] : memref<100352x16xf32, #tpu.memory_space<vmem_shared>> -> memref<100352x16xf32, #tpu.memory_space<vmem_shared>>
      tpu.wait_indirect_dma semaphore(%arg29 : memref<!tpu.dma_semaphore, #tpu.memory_space<semaphore_mem>>) src(%arg25 : memref<512x16xf32, #tpu.memory_space<vmem>>) dst(%dma_wait3A_76 : memref<100352x16xf32, #tpu.memory_space<vmem_shared>>)
      %barrier3A_77 = arith.constant 0 : index
      tpu.barrier barrier_id(%barrier3A_77)
      %mul3A_78 = arith.constant 6272 : i32
      %mul3A_79 = arith.muli %arg1, %mul3A_78 : i32
      %mul3A_80 = arith.constant 6272 : i32
      %mul3A_81 = arith.muli %arg1, %mul3A_80 : i32
      "tpu.region"() ({
        %run_scoped3A = tpu.sem_alloc : memref<!tpu.dma_semaphore, #tpu.memory_space<semaphore_mem>>
        %dma_start3A_83 = arith.constant 0 : i32
        %dma_start3A_84 = tpu.memref_slice %arg13[%mul3A_81, %dma_start3A_83] : memref<100352x16xf32, #tpu.memory_space<hbm>> -> memref<6272x16xf32, #tpu.memory_space<hbm>>
        %dma_start3A_85 = arith.constant 0 : i32
        %dma_start3A_86 = tpu.memref_slice %arg15[%mul3A_79, %dma_start3A_85] : memref<100352x16xf32, #tpu.memory_space<vmem_shared>> -> memref<6272x16xf32, #tpu.memory_space<vmem_shared>>
        tpu.enqueue_dma source(%dma_start3A_86 : memref<6272x16xf32, #tpu.memory_space<vmem_shared>>) target(%dma_start3A_84 : memref<6272x16xf32, #tpu.memory_space<hbm>>) target_semaphore(%run_scoped3A : memref<!tpu.dma_semaphore, #tpu.memory_space<semaphore_mem>>)
        %dma_wait3A_87 = arith.constant 0 : i32
        %dma_wait3A_88 = tpu.memref_slice %arg13[%mul3A_81, %dma_wait3A_87] : memref<100352x16xf32, #tpu.memory_space<hbm>> -> memref<6272x16xf32, #tpu.memory_space<hbm>>
        %dma_wait3A_89 = arith.constant 0 : i32
        %dma_wait3A_90 = tpu.memref_slice %arg15[%mul3A_79, %dma_wait3A_89] : memref<100352x16xf32, #tpu.memory_space<vmem_shared>> -> memref<6272x16xf32, #tpu.memory_space<vmem_shared>>
        tpu.wait_dma2 semaphore(%run_scoped3A : memref<!tpu.dma_semaphore, #tpu.memory_space<semaphore_mem>>) src(%dma_wait3A_90 : memref<6272x16xf32, #tpu.memory_space<vmem_shared>>) dst(%dma_wait3A_88 : memref<6272x16xf32, #tpu.memory_space<hbm>>)
        tpu.yield
      }) : () -> ()
      %barrier3A_82 = arith.constant 0 : index
      tpu.barrier barrier_id(%barrier3A_82)
    } else {
    }
    %eq3A_2 = arith.constant 1 : i32
    %eq3A_3 = arith.cmpi eq, %arg0, %eq3A_2 : i32
    %convert_element_type3A_4 = arith.extui %eq3A_3 : i1 to i32
    %cond3A_5 = arith.constant 0 : i32
    %cond3A_6 = arith.cmpi ne, %convert_element_type3A_4, %cond3A_5 : i32
    scf.if %cond3A_6 {
      %mul3A = arith.constant 6272 : i32
      %mul3A_7 = arith.muli %arg1, %mul3A : i32
      "tpu.region"() ({
        %run_scoped3A = tpu.sem_alloc : memref<!tpu.dma_semaphore, #tpu.memory_space<semaphore_mem>>
        %dma_start3A_83 = arith.constant 0 : i32
        %dma_start3A_84 = tpu.memref_slice %arg15[%mul3A_7, %dma_start3A_83] : memref<100352x16xf32, #tpu.memory_space<vmem_shared>> -> memref<6272x16xf32, #tpu.memory_space<vmem_shared>>
        tpu.enqueue_dma source(%arg10 : memref<6272x16xf32, #tpu.memory_space<hbm>>) target(%dma_start3A_84 : memref<6272x16xf32, #tpu.memory_space<vmem_shared>>) target_semaphore(%run_scoped3A : memref<!tpu.dma_semaphore, #tpu.memory_space<semaphore_mem>>)
        %dma_wait3A_85 = arith.constant 0 : i32
        %dma_wait3A_86 = tpu.memref_slice %arg15[%mul3A_7, %dma_wait3A_85] : memref<100352x16xf32, #tpu.memory_space<vmem_shared>> -> memref<6272x16xf32, #tpu.memory_space<vmem_shared>>
        tpu.wait_dma2 semaphore(%run_scoped3A : memref<!tpu.dma_semaphore, #tpu.memory_space<semaphore_mem>>) src(%arg10 : memref<6272x16xf32, #tpu.memory_space<hbm>>) dst(%dma_wait3A_86 : memref<6272x16xf32, #tpu.memory_space<vmem_shared>>)
        tpu.yield
      }) : () -> ()
      %barrier3A = arith.constant 0 : index
      tpu.barrier barrier_id(%barrier3A)
      %mul3A_8 = arith.constant 100352 : i32
      %mul3A_9 = arith.muli %arg1, %mul3A_8 : i32
      %add3A = arith.constant 0 : i32
      %add3A_10 = arith.addi %mul3A_9, %add3A : i32
      %dma_start3A = tpu.memref_slice %arg6[%add3A_10] : memref<1605632xi32, #tpu.memory_space<hbm>> -> memref<512xi32, #tpu.memory_space<hbm>>
      %dma_start3A_11 = tpu.memref_slice %arg6[%add3A_10] : memref<1605632xi32, #tpu.memory_space<hbm>> -> memref<512xi32, #tpu.memory_space<hbm>>
      tpu.enqueue_dma source(%dma_start3A_11 : memref<512xi32, #tpu.memory_space<hbm>>) target(%arg16 : memref<512xi32, #tpu.memory_space<vmem>>) target_semaphore(%arg30 : memref<!tpu.dma_semaphore, #tpu.memory_space<semaphore_mem>>)
      %dma_start3A_12 = tpu.memref_slice %arg7[%add3A_10] : memref<1605632xi32, #tpu.memory_space<hbm>> -> memref<512xi32, #tpu.memory_space<hbm>>
      %dma_start3A_13 = tpu.memref_slice %arg7[%add3A_10] : memref<1605632xi32, #tpu.memory_space<hbm>> -> memref<512xi32, #tpu.memory_space<hbm>>
      tpu.enqueue_dma source(%dma_start3A_13 : memref<512xi32, #tpu.memory_space<hbm>>) target(%arg20 : memref<512xi32, #tpu.memory_space<vmem>>) target_semaphore(%arg30 : memref<!tpu.dma_semaphore, #tpu.memory_space<semaphore_mem>>)
      %add3A_14 = arith.constant 512 : i32
      %add3A_15 = arith.addi %mul3A_9, %add3A_14 : i32
      %dma_start3A_16 = tpu.memref_slice %arg6[%add3A_15] : memref<1605632xi32, #tpu.memory_space<hbm>> -> memref<512xi32, #tpu.memory_space<hbm>>
      %dma_start3A_17 = tpu.memref_slice %arg6[%add3A_15] : memref<1605632xi32, #tpu.memory_space<hbm>> -> memref<512xi32, #tpu.memory_space<hbm>>
      tpu.enqueue_dma source(%dma_start3A_17 : memref<512xi32, #tpu.memory_space<hbm>>) target(%arg17 : memref<512xi32, #tpu.memory_space<vmem>>) target_semaphore(%arg31 : memref<!tpu.dma_semaphore, #tpu.memory_space<semaphore_mem>>)
      %dma_start3A_18 = tpu.memref_slice %arg7[%add3A_15] : memref<1605632xi32, #tpu.memory_space<hbm>> -> memref<512xi32, #tpu.memory_space<hbm>>
      %dma_start3A_19 = tpu.memref_slice %arg7[%add3A_15] : memref<1605632xi32, #tpu.memory_space<hbm>> -> memref<512xi32, #tpu.memory_space<hbm>>
      tpu.enqueue_dma source(%dma_start3A_19 : memref<512xi32, #tpu.memory_space<hbm>>) target(%arg21 : memref<512xi32, #tpu.memory_space<vmem>>) target_semaphore(%arg31 : memref<!tpu.dma_semaphore, #tpu.memory_space<semaphore_mem>>)
      %add3A_20 = arith.constant 0 : i32
      %add3A_21 = arith.addi %mul3A_9, %add3A_20 : i32
      %dma_wait3A = tpu.memref_slice %arg6[%add3A_21] : memref<1605632xi32, #tpu.memory_space<hbm>> -> memref<512xi32, #tpu.memory_space<hbm>>
      %dma_wait3A_22 = tpu.memref_slice %arg6[%add3A_21] : memref<1605632xi32, #tpu.memory_space<hbm>> -> memref<512xi32, #tpu.memory_space<hbm>>
      tpu.wait_dma2 semaphore(%arg30 : memref<!tpu.dma_semaphore, #tpu.memory_space<semaphore_mem>>) src(%dma_wait3A_22 : memref<512xi32, #tpu.memory_space<hbm>>) dst(%arg16 : memref<512xi32, #tpu.memory_space<vmem>>)
      %dma_wait3A_23 = tpu.memref_slice %arg7[%add3A_21] : memref<1605632xi32, #tpu.memory_space<hbm>> -> memref<512xi32, #tpu.memory_space<hbm>>
      %dma_wait3A_24 = tpu.memref_slice %arg7[%add3A_21] : memref<1605632xi32, #tpu.memory_space<hbm>> -> memref<512xi32, #tpu.memory_space<hbm>>
      tpu.wait_dma2 semaphore(%arg30 : memref<!tpu.dma_semaphore, #tpu.memory_space<semaphore_mem>>) src(%dma_wait3A_24 : memref<512xi32, #tpu.memory_space<hbm>>) dst(%arg20 : memref<512xi32, #tpu.memory_space<vmem>>)
      %dma_start3A_25 = arith.constant 0 : i32
      %dma_start3A_26 = arith.constant 0 : i32
      %dma_start3A_27 = tpu.memref_slice %arg3[%dma_start3A_25, %dma_start3A_26] : memref<100352x16xf32, #tpu.memory_space<hbm>> -> memref<100352x16xf32, #tpu.memory_space<hbm>>
      tpu.enqueue_indirect_dma source(%dma_start3A_27 : memref<100352x16xf32, #tpu.memory_space<hbm>>) target(%arg24 : memref<512x16xf32, #tpu.memory_space<vmem>>) offsets(%arg16 : memref<512xi32, #tpu.memory_space<vmem>>) semaphore(%arg26 : memref<!tpu.dma_semaphore, #tpu.memory_space<semaphore_mem>>)
      %scan3A = arith.constant 0 : i32
      %scan3A_28 = arith.constant 0 : i32
      %scan3A_29 = arith.constant 49 : i32
      %scan3A_30 = arith.addi %scan3A_28, %scan3A_29 : i32
      %scan3A_31 = arith.constant 1 : i32
      scf.for %scan3A_83 = %scan3A_28 to %scan3A_30 step %scan3A_31  : i32 {
        %mul3A_84 = arith.constant 4 : i32
        %mul3A_85 = arith.muli %scan3A_83, %mul3A_84 : i32
        %add3A_86 = arith.constant 0 : i32
        %add3A_87 = arith.addi %mul3A_85, %add3A_86 : i32
        %add3A_88 = arith.constant 2 : i32
        %add3A_89 = arith.addi %add3A_87, %add3A_88 : i32
        %lt3A = arith.constant 196 : i32
        %lt3A_90 = arith.cmpi slt, %add3A_89, %lt3A : i32
        %convert_element_type3A_91 = arith.extui %lt3A_90 : i1 to i32
        %cond3A_92 = arith.constant 0 : i32
        %cond3A_93 = arith.cmpi ne, %convert_element_type3A_91, %cond3A_92 : i32
        scf.if %cond3A_93 {
          %add3A_198 = arith.constant 2 : i32
          %add3A_199 = arith.addi %add3A_87, %add3A_198 : i32
          %mul3A_200 = arith.constant 512 : i32
          %mul3A_201 = arith.muli %add3A_199, %mul3A_200 : i32
          %add3A_202 = arith.addi %mul3A_9, %mul3A_201 : i32
          %dma_start3A_203 = tpu.memref_slice %arg6[%add3A_202] : memref<1605632xi32, #tpu.memory_space<hbm>> -> memref<512xi32, #tpu.memory_space<hbm>>
          %dma_start3A_204 = tpu.memref_slice %arg6[%add3A_202] : memref<1605632xi32, #tpu.memory_space<hbm>> -> memref<512xi32, #tpu.memory_space<hbm>>
          tpu.enqueue_dma source(%dma_start3A_204 : memref<512xi32, #tpu.memory_space<hbm>>) target(%arg18 : memref<512xi32, #tpu.memory_space<vmem>>) target_semaphore(%arg32 : memref<!tpu.dma_semaphore, #tpu.memory_space<semaphore_mem>>)
          %dma_start3A_205 = tpu.memref_slice %arg7[%add3A_202] : memref<1605632xi32, #tpu.memory_space<hbm>> -> memref<512xi32, #tpu.memory_space<hbm>>
          %dma_start3A_206 = tpu.memref_slice %arg7[%add3A_202] : memref<1605632xi32, #tpu.memory_space<hbm>> -> memref<512xi32, #tpu.memory_space<hbm>>
          tpu.enqueue_dma source(%dma_start3A_206 : memref<512xi32, #tpu.memory_space<hbm>>) target(%arg22 : memref<512xi32, #tpu.memory_space<vmem>>) target_semaphore(%arg32 : memref<!tpu.dma_semaphore, #tpu.memory_space<semaphore_mem>>)
        } else {
        }
        %dma_wait3A_94 = arith.constant 0 : i32
        %dma_wait3A_95 = arith.constant 0 : i32
        %dma_wait3A_96 = tpu.memref_slice %arg3[%dma_wait3A_94, %dma_wait3A_95] : memref<100352x16xf32, #tpu.memory_space<hbm>> -> memref<100352x16xf32, #tpu.memory_space<hbm>>
        tpu.wait_indirect_dma semaphore(%arg26 : memref<!tpu.dma_semaphore, #tpu.memory_space<semaphore_mem>>) src(%dma_wait3A_96 : memref<100352x16xf32, #tpu.memory_space<hbm>>) dst(%arg24 : memref<512x16xf32, #tpu.memory_space<vmem>>)
        %dma_start3A_97 = arith.constant 0 : i32
        %dma_start3A_98 = arith.constant 0 : i32
        %dma_start3A_99 = tpu.memref_slice %arg15[%dma_start3A_97, %dma_start3A_98] : memref<100352x16xf32, #tpu.memory_space<vmem_shared>> -> memref<100352x16xf32, #tpu.memory_space<vmem_shared>>
        tpu.enqueue_indirect_dma source(%arg24 : memref<512x16xf32, #tpu.memory_space<vmem>>) target(%dma_start3A_99 : memref<100352x16xf32, #tpu.memory_space<vmem_shared>>) offsets(%arg20 : memref<512xi32, #tpu.memory_space<vmem>>) semaphore(%arg28 : memref<!tpu.dma_semaphore, #tpu.memory_space<semaphore_mem>>) {add = true}
        %gt3A = arith.constant 0 : i32
        %gt3A_100 = arith.cmpi sgt, %add3A_87, %gt3A : i32
        %convert_element_type3A_101 = arith.extui %gt3A_100 : i1 to i32
        %cond3A_102 = arith.constant 0 : i32
        %cond3A_103 = arith.cmpi ne, %convert_element_type3A_101, %cond3A_102 : i32
        scf.if %cond3A_103 {
          %dma_wait3A_198 = arith.constant 0 : i32
          %dma_wait3A_199 = arith.constant 0 : i32
          %dma_wait3A_200 = tpu.memref_slice %arg15[%dma_wait3A_198, %dma_wait3A_199] : memref<100352x16xf32, #tpu.memory_space<vmem_shared>> -> memref<100352x16xf32, #tpu.memory_space<vmem_shared>>
          tpu.wait_indirect_dma semaphore(%arg29 : memref<!tpu.dma_semaphore, #tpu.memory_space<semaphore_mem>>) src(%arg25 : memref<512x16xf32, #tpu.memory_space<vmem>>) dst(%dma_wait3A_200 : memref<100352x16xf32, #tpu.memory_space<vmem_shared>>)
        } else {
        }
        %add3A_104 = arith.constant 1 : i32
        %add3A_105 = arith.addi %add3A_87, %add3A_104 : i32
        %lt3A_106 = arith.constant 196 : i32
        %lt3A_107 = arith.cmpi slt, %add3A_105, %lt3A_106 : i32
        %convert_element_type3A_108 = arith.extui %lt3A_107 : i1 to i32
        %cond3A_109 = arith.constant 0 : i32
        %cond3A_110 = arith.cmpi ne, %convert_element_type3A_108, %cond3A_109 : i32
        scf.if %cond3A_110 {
          %add3A_198 = arith.constant 1 : i32
          %add3A_199 = arith.addi %add3A_87, %add3A_198 : i32
          %mul3A_200 = arith.constant 512 : i32
          %mul3A_201 = arith.muli %add3A_199, %mul3A_200 : i32
          %add3A_202 = arith.addi %mul3A_9, %mul3A_201 : i32
          %dma_wait3A_203 = tpu.memref_slice %arg6[%add3A_202] : memref<1605632xi32, #tpu.memory_space<hbm>> -> memref<512xi32, #tpu.memory_space<hbm>>
          %dma_wait3A_204 = tpu.memref_slice %arg6[%add3A_202] : memref<1605632xi32, #tpu.memory_space<hbm>> -> memref<512xi32, #tpu.memory_space<hbm>>
          tpu.wait_dma2 semaphore(%arg31 : memref<!tpu.dma_semaphore, #tpu.memory_space<semaphore_mem>>) src(%dma_wait3A_204 : memref<512xi32, #tpu.memory_space<hbm>>) dst(%arg17 : memref<512xi32, #tpu.memory_space<vmem>>)
          %dma_wait3A_205 = tpu.memref_slice %arg7[%add3A_202] : memref<1605632xi32, #tpu.memory_space<hbm>> -> memref<512xi32, #tpu.memory_space<hbm>>
          %dma_wait3A_206 = tpu.memref_slice %arg7[%add3A_202] : memref<1605632xi32, #tpu.memory_space<hbm>> -> memref<512xi32, #tpu.memory_space<hbm>>
          tpu.wait_dma2 semaphore(%arg31 : memref<!tpu.dma_semaphore, #tpu.memory_space<semaphore_mem>>) src(%dma_wait3A_206 : memref<512xi32, #tpu.memory_space<hbm>>) dst(%arg21 : memref<512xi32, #tpu.memory_space<vmem>>)
          %dma_start3A_207 = arith.constant 0 : i32
          %dma_start3A_208 = arith.constant 0 : i32
          %dma_start3A_209 = tpu.memref_slice %arg3[%dma_start3A_207, %dma_start3A_208] : memref<100352x16xf32, #tpu.memory_space<hbm>> -> memref<100352x16xf32, #tpu.memory_space<hbm>>
          tpu.enqueue_indirect_dma source(%dma_start3A_209 : memref<100352x16xf32, #tpu.memory_space<hbm>>) target(%arg25 : memref<512x16xf32, #tpu.memory_space<vmem>>) offsets(%arg17 : memref<512xi32, #tpu.memory_space<vmem>>) semaphore(%arg27 : memref<!tpu.dma_semaphore, #tpu.memory_space<semaphore_mem>>)
        } else {
        }
        %mul3A_111 = arith.constant 4 : i32
        %mul3A_112 = arith.muli %scan3A_83, %mul3A_111 : i32
        %add3A_113 = arith.constant 1 : i32
        %add3A_114 = arith.addi %mul3A_112, %add3A_113 : i32
        %add3A_115 = arith.constant 2 : i32
        %add3A_116 = arith.addi %add3A_114, %add3A_115 : i32
        %lt3A_117 = arith.constant 196 : i32
        %lt3A_118 = arith.cmpi slt, %add3A_116, %lt3A_117 : i32
        %convert_element_type3A_119 = arith.extui %lt3A_118 : i1 to i32
        %cond3A_120 = arith.constant 0 : i32
        %cond3A_121 = arith.cmpi ne, %convert_element_type3A_119, %cond3A_120 : i32
        scf.if %cond3A_121 {
          %add3A_198 = arith.constant 2 : i32
          %add3A_199 = arith.addi %add3A_114, %add3A_198 : i32
          %mul3A_200 = arith.constant 512 : i32
          %mul3A_201 = arith.muli %add3A_199, %mul3A_200 : i32
          %add3A_202 = arith.addi %mul3A_9, %mul3A_201 : i32
          %dma_start3A_203 = tpu.memref_slice %arg6[%add3A_202] : memref<1605632xi32, #tpu.memory_space<hbm>> -> memref<512xi32, #tpu.memory_space<hbm>>
          %dma_start3A_204 = tpu.memref_slice %arg6[%add3A_202] : memref<1605632xi32, #tpu.memory_space<hbm>> -> memref<512xi32, #tpu.memory_space<hbm>>
          tpu.enqueue_dma source(%dma_start3A_204 : memref<512xi32, #tpu.memory_space<hbm>>) target(%arg19 : memref<512xi32, #tpu.memory_space<vmem>>) target_semaphore(%arg33 : memref<!tpu.dma_semaphore, #tpu.memory_space<semaphore_mem>>)
          %dma_start3A_205 = tpu.memref_slice %arg7[%add3A_202] : memref<1605632xi32, #tpu.memory_space<hbm>> -> memref<512xi32, #tpu.memory_space<hbm>>
          %dma_start3A_206 = tpu.memref_slice %arg7[%add3A_202] : memref<1605632xi32, #tpu.memory_space<hbm>> -> memref<512xi32, #tpu.memory_space<hbm>>
          tpu.enqueue_dma source(%dma_start3A_206 : memref<512xi32, #tpu.memory_space<hbm>>) target(%arg23 : memref<512xi32, #tpu.memory_space<vmem>>) target_semaphore(%arg33 : memref<!tpu.dma_semaphore, #tpu.memory_space<semaphore_mem>>)
        } else {
        }
        %dma_wait3A_122 = arith.constant 0 : i32
        %dma_wait3A_123 = arith.constant 0 : i32
        %dma_wait3A_124 = tpu.memref_slice %arg3[%dma_wait3A_122, %dma_wait3A_123] : memref<100352x16xf32, #tpu.memory_space<hbm>> -> memref<100352x16xf32, #tpu.memory_space<hbm>>
        tpu.wait_indirect_dma semaphore(%arg27 : memref<!tpu.dma_semaphore, #tpu.memory_space<semaphore_mem>>) src(%dma_wait3A_124 : memref<100352x16xf32, #tpu.memory_space<hbm>>) dst(%arg25 : memref<512x16xf32, #tpu.memory_space<vmem>>)
        %dma_start3A_125 = arith.constant 0 : i32
        %dma_start3A_126 = arith.constant 0 : i32
        %dma_start3A_127 = tpu.memref_slice %arg15[%dma_start3A_125, %dma_start3A_126] : memref<100352x16xf32, #tpu.memory_space<vmem_shared>> -> memref<100352x16xf32, #tpu.memory_space<vmem_shared>>
        tpu.enqueue_indirect_dma source(%arg25 : memref<512x16xf32, #tpu.memory_space<vmem>>) target(%dma_start3A_127 : memref<100352x16xf32, #tpu.memory_space<vmem_shared>>) offsets(%arg21 : memref<512xi32, #tpu.memory_space<vmem>>) semaphore(%arg29 : memref<!tpu.dma_semaphore, #tpu.memory_space<semaphore_mem>>) {add = true}
        %gt3A_128 = arith.constant 0 : i32
        %gt3A_129 = arith.cmpi sgt, %add3A_114, %gt3A_128 : i32
        %convert_element_type3A_130 = arith.extui %gt3A_129 : i1 to i32
        %cond3A_131 = arith.constant 0 : i32
        %cond3A_132 = arith.cmpi ne, %convert_element_type3A_130, %cond3A_131 : i32
        scf.if %cond3A_132 {
          %dma_wait3A_198 = arith.constant 0 : i32
          %dma_wait3A_199 = arith.constant 0 : i32
          %dma_wait3A_200 = tpu.memref_slice %arg15[%dma_wait3A_198, %dma_wait3A_199] : memref<100352x16xf32, #tpu.memory_space<vmem_shared>> -> memref<100352x16xf32, #tpu.memory_space<vmem_shared>>
          tpu.wait_indirect_dma semaphore(%arg28 : memref<!tpu.dma_semaphore, #tpu.memory_space<semaphore_mem>>) src(%arg24 : memref<512x16xf32, #tpu.memory_space<vmem>>) dst(%dma_wait3A_200 : memref<100352x16xf32, #tpu.memory_space<vmem_shared>>)
        } else {
        }
        %add3A_133 = arith.constant 1 : i32
        %add3A_134 = arith.addi %add3A_114, %add3A_133 : i32
        %lt3A_135 = arith.constant 196 : i32
        %lt3A_136 = arith.cmpi slt, %add3A_134, %lt3A_135 : i32
        %convert_element_type3A_137 = arith.extui %lt3A_136 : i1 to i32
        %cond3A_138 = arith.constant 0 : i32
        %cond3A_139 = arith.cmpi ne, %convert_element_type3A_137, %cond3A_138 : i32
        scf.if %cond3A_139 {
          %add3A_198 = arith.constant 1 : i32
          %add3A_199 = arith.addi %add3A_114, %add3A_198 : i32
          %mul3A_200 = arith.constant 512 : i32
          %mul3A_201 = arith.muli %add3A_199, %mul3A_200 : i32
          %add3A_202 = arith.addi %mul3A_9, %mul3A_201 : i32
          %dma_wait3A_203 = tpu.memref_slice %arg6[%add3A_202] : memref<1605632xi32, #tpu.memory_space<hbm>> -> memref<512xi32, #tpu.memory_space<hbm>>
          %dma_wait3A_204 = tpu.memref_slice %arg6[%add3A_202] : memref<1605632xi32, #tpu.memory_space<hbm>> -> memref<512xi32, #tpu.memory_space<hbm>>
          tpu.wait_dma2 semaphore(%arg32 : memref<!tpu.dma_semaphore, #tpu.memory_space<semaphore_mem>>) src(%dma_wait3A_204 : memref<512xi32, #tpu.memory_space<hbm>>) dst(%arg18 : memref<512xi32, #tpu.memory_space<vmem>>)
          %dma_wait3A_205 = tpu.memref_slice %arg7[%add3A_202] : memref<1605632xi32, #tpu.memory_space<hbm>> -> memref<512xi32, #tpu.memory_space<hbm>>
          %dma_wait3A_206 = tpu.memref_slice %arg7[%add3A_202] : memref<1605632xi32, #tpu.memory_space<hbm>> -> memref<512xi32, #tpu.memory_space<hbm>>
          tpu.wait_dma2 semaphore(%arg32 : memref<!tpu.dma_semaphore, #tpu.memory_space<semaphore_mem>>) src(%dma_wait3A_206 : memref<512xi32, #tpu.memory_space<hbm>>) dst(%arg22 : memref<512xi32, #tpu.memory_space<vmem>>)
          %dma_start3A_207 = arith.constant 0 : i32
          %dma_start3A_208 = arith.constant 0 : i32
          %dma_start3A_209 = tpu.memref_slice %arg3[%dma_start3A_207, %dma_start3A_208] : memref<100352x16xf32, #tpu.memory_space<hbm>> -> memref<100352x16xf32, #tpu.memory_space<hbm>>
          tpu.enqueue_indirect_dma source(%dma_start3A_209 : memref<100352x16xf32, #tpu.memory_space<hbm>>) target(%arg24 : memref<512x16xf32, #tpu.memory_space<vmem>>) offsets(%arg18 : memref<512xi32, #tpu.memory_space<vmem>>) semaphore(%arg26 : memref<!tpu.dma_semaphore, #tpu.memory_space<semaphore_mem>>)
        } else {
        }
        %mul3A_140 = arith.constant 4 : i32
        %mul3A_141 = arith.muli %scan3A_83, %mul3A_140 : i32
        %add3A_142 = arith.constant 2 : i32
        %add3A_143 = arith.addi %mul3A_141, %add3A_142 : i32
        %add3A_144 = arith.constant 2 : i32
        %add3A_145 = arith.addi %add3A_143, %add3A_144 : i32
        %lt3A_146 = arith.constant 196 : i32
        %lt3A_147 = arith.cmpi slt, %add3A_145, %lt3A_146 : i32
        %convert_element_type3A_148 = arith.extui %lt3A_147 : i1 to i32
        %cond3A_149 = arith.constant 0 : i32
        %cond3A_150 = arith.cmpi ne, %convert_element_type3A_148, %cond3A_149 : i32
        scf.if %cond3A_150 {
          %add3A_198 = arith.constant 2 : i32
          %add3A_199 = arith.addi %add3A_143, %add3A_198 : i32
          %mul3A_200 = arith.constant 512 : i32
          %mul3A_201 = arith.muli %add3A_199, %mul3A_200 : i32
          %add3A_202 = arith.addi %mul3A_9, %mul3A_201 : i32
          %dma_start3A_203 = tpu.memref_slice %arg6[%add3A_202] : memref<1605632xi32, #tpu.memory_space<hbm>> -> memref<512xi32, #tpu.memory_space<hbm>>
          %dma_start3A_204 = tpu.memref_slice %arg6[%add3A_202] : memref<1605632xi32, #tpu.memory_space<hbm>> -> memref<512xi32, #tpu.memory_space<hbm>>
          tpu.enqueue_dma source(%dma_start3A_204 : memref<512xi32, #tpu.memory_space<hbm>>) target(%arg16 : memref<512xi32, #tpu.memory_space<vmem>>) target_semaphore(%arg30 : memref<!tpu.dma_semaphore, #tpu.memory_space<semaphore_mem>>)
          %dma_start3A_205 = tpu.memref_slice %arg7[%add3A_202] : memref<1605632xi32, #tpu.memory_space<hbm>> -> memref<512xi32, #tpu.memory_space<hbm>>
          %dma_start3A_206 = tpu.memref_slice %arg7[%add3A_202] : memref<1605632xi32, #tpu.memory_space<hbm>> -> memref<512xi32, #tpu.memory_space<hbm>>
          tpu.enqueue_dma source(%dma_start3A_206 : memref<512xi32, #tpu.memory_space<hbm>>) target(%arg20 : memref<512xi32, #tpu.memory_space<vmem>>) target_semaphore(%arg30 : memref<!tpu.dma_semaphore, #tpu.memory_space<semaphore_mem>>)
        } else {
        }
        %dma_wait3A_151 = arith.constant 0 : i32
        %dma_wait3A_152 = arith.constant 0 : i32
        %dma_wait3A_153 = tpu.memref_slice %arg3[%dma_wait3A_151, %dma_wait3A_152] : memref<100352x16xf32, #tpu.memory_space<hbm>> -> memref<100352x16xf32, #tpu.memory_space<hbm>>
        tpu.wait_indirect_dma semaphore(%arg26 : memref<!tpu.dma_semaphore, #tpu.memory_space<semaphore_mem>>) src(%dma_wait3A_153 : memref<100352x16xf32, #tpu.memory_space<hbm>>) dst(%arg24 : memref<512x16xf32, #tpu.memory_space<vmem>>)
        %dma_start3A_154 = arith.constant 0 : i32
        %dma_start3A_155 = arith.constant 0 : i32
        %dma_start3A_156 = tpu.memref_slice %arg15[%dma_start3A_154, %dma_start3A_155] : memref<100352x16xf32, #tpu.memory_space<vmem_shared>> -> memref<100352x16xf32, #tpu.memory_space<vmem_shared>>
        tpu.enqueue_indirect_dma source(%arg24 : memref<512x16xf32, #tpu.memory_space<vmem>>) target(%dma_start3A_156 : memref<100352x16xf32, #tpu.memory_space<vmem_shared>>) offsets(%arg22 : memref<512xi32, #tpu.memory_space<vmem>>) semaphore(%arg28 : memref<!tpu.dma_semaphore, #tpu.memory_space<semaphore_mem>>) {add = true}
        %gt3A_157 = arith.constant 0 : i32
        %gt3A_158 = arith.cmpi sgt, %add3A_143, %gt3A_157 : i32
        %convert_element_type3A_159 = arith.extui %gt3A_158 : i1 to i32
        %cond3A_160 = arith.constant 0 : i32
        %cond3A_161 = arith.cmpi ne, %convert_element_type3A_159, %cond3A_160 : i32
        scf.if %cond3A_161 {
          %dma_wait3A_198 = arith.constant 0 : i32
          %dma_wait3A_199 = arith.constant 0 : i32
          %dma_wait3A_200 = tpu.memref_slice %arg15[%dma_wait3A_198, %dma_wait3A_199] : memref<100352x16xf32, #tpu.memory_space<vmem_shared>> -> memref<100352x16xf32, #tpu.memory_space<vmem_shared>>
          tpu.wait_indirect_dma semaphore(%arg29 : memref<!tpu.dma_semaphore, #tpu.memory_space<semaphore_mem>>) src(%arg25 : memref<512x16xf32, #tpu.memory_space<vmem>>) dst(%dma_wait3A_200 : memref<100352x16xf32, #tpu.memory_space<vmem_shared>>)
        } else {
        }
        %add3A_162 = arith.constant 1 : i32
        %add3A_163 = arith.addi %add3A_143, %add3A_162 : i32
        %lt3A_164 = arith.constant 196 : i32
        %lt3A_165 = arith.cmpi slt, %add3A_163, %lt3A_164 : i32
        %convert_element_type3A_166 = arith.extui %lt3A_165 : i1 to i32
        %cond3A_167 = arith.constant 0 : i32
        %cond3A_168 = arith.cmpi ne, %convert_element_type3A_166, %cond3A_167 : i32
        scf.if %cond3A_168 {
          %add3A_198 = arith.constant 1 : i32
          %add3A_199 = arith.addi %add3A_143, %add3A_198 : i32
          %mul3A_200 = arith.constant 512 : i32
          %mul3A_201 = arith.muli %add3A_199, %mul3A_200 : i32
          %add3A_202 = arith.addi %mul3A_9, %mul3A_201 : i32
          %dma_wait3A_203 = tpu.memref_slice %arg6[%add3A_202] : memref<1605632xi32, #tpu.memory_space<hbm>> -> memref<512xi32, #tpu.memory_space<hbm>>
          %dma_wait3A_204 = tpu.memref_slice %arg6[%add3A_202] : memref<1605632xi32, #tpu.memory_space<hbm>> -> memref<512xi32, #tpu.memory_space<hbm>>
          tpu.wait_dma2 semaphore(%arg33 : memref<!tpu.dma_semaphore, #tpu.memory_space<semaphore_mem>>) src(%dma_wait3A_204 : memref<512xi32, #tpu.memory_space<hbm>>) dst(%arg19 : memref<512xi32, #tpu.memory_space<vmem>>)
          %dma_wait3A_205 = tpu.memref_slice %arg7[%add3A_202] : memref<1605632xi32, #tpu.memory_space<hbm>> -> memref<512xi32, #tpu.memory_space<hbm>>
          %dma_wait3A_206 = tpu.memref_slice %arg7[%add3A_202] : memref<1605632xi32, #tpu.memory_space<hbm>> -> memref<512xi32, #tpu.memory_space<hbm>>
          tpu.wait_dma2 semaphore(%arg33 : memref<!tpu.dma_semaphore, #tpu.memory_space<semaphore_mem>>) src(%dma_wait3A_206 : memref<512xi32, #tpu.memory_space<hbm>>) dst(%arg23 : memref<512xi32, #tpu.memory_space<vmem>>)
          %dma_start3A_207 = arith.constant 0 : i32
          %dma_start3A_208 = arith.constant 0 : i32
          %dma_start3A_209 = tpu.memref_slice %arg3[%dma_start3A_207, %dma_start3A_208] : memref<100352x16xf32, #tpu.memory_space<hbm>> -> memref<100352x16xf32, #tpu.memory_space<hbm>>
          tpu.enqueue_indirect_dma source(%dma_start3A_209 : memref<100352x16xf32, #tpu.memory_space<hbm>>) target(%arg25 : memref<512x16xf32, #tpu.memory_space<vmem>>) offsets(%arg19 : memref<512xi32, #tpu.memory_space<vmem>>) semaphore(%arg27 : memref<!tpu.dma_semaphore, #tpu.memory_space<semaphore_mem>>)
        } else {
        }
        %mul3A_169 = arith.constant 4 : i32
        %mul3A_170 = arith.muli %scan3A_83, %mul3A_169 : i32
        %add3A_171 = arith.constant 3 : i32
        %add3A_172 = arith.addi %mul3A_170, %add3A_171 : i32
        %add3A_173 = arith.constant 2 : i32
        %add3A_174 = arith.addi %add3A_172, %add3A_173 : i32
        %lt3A_175 = arith.constant 196 : i32
        %lt3A_176 = arith.cmpi slt, %add3A_174, %lt3A_175 : i32
        %convert_element_type3A_177 = arith.extui %lt3A_176 : i1 to i32
        %cond3A_178 = arith.constant 0 : i32
        %cond3A_179 = arith.cmpi ne, %convert_element_type3A_177, %cond3A_178 : i32
        scf.if %cond3A_179 {
          %add3A_198 = arith.constant 2 : i32
          %add3A_199 = arith.addi %add3A_172, %add3A_198 : i32
          %mul3A_200 = arith.constant 512 : i32
          %mul3A_201 = arith.muli %add3A_199, %mul3A_200 : i32
          %add3A_202 = arith.addi %mul3A_9, %mul3A_201 : i32
          %dma_start3A_203 = tpu.memref_slice %arg6[%add3A_202] : memref<1605632xi32, #tpu.memory_space<hbm>> -> memref<512xi32, #tpu.memory_space<hbm>>
          %dma_start3A_204 = tpu.memref_slice %arg6[%add3A_202] : memref<1605632xi32, #tpu.memory_space<hbm>> -> memref<512xi32, #tpu.memory_space<hbm>>
          tpu.enqueue_dma source(%dma_start3A_204 : memref<512xi32, #tpu.memory_space<hbm>>) target(%arg17 : memref<512xi32, #tpu.memory_space<vmem>>) target_semaphore(%arg31 : memref<!tpu.dma_semaphore, #tpu.memory_space<semaphore_mem>>)
          %dma_start3A_205 = tpu.memref_slice %arg7[%add3A_202] : memref<1605632xi32, #tpu.memory_space<hbm>> -> memref<512xi32, #tpu.memory_space<hbm>>
          %dma_start3A_206 = tpu.memref_slice %arg7[%add3A_202] : memref<1605632xi32, #tpu.memory_space<hbm>> -> memref<512xi32, #tpu.memory_space<hbm>>
          tpu.enqueue_dma source(%dma_start3A_206 : memref<512xi32, #tpu.memory_space<hbm>>) target(%arg21 : memref<512xi32, #tpu.memory_space<vmem>>) target_semaphore(%arg31 : memref<!tpu.dma_semaphore, #tpu.memory_space<semaphore_mem>>)
        } else {
        }
        %dma_wait3A_180 = arith.constant 0 : i32
        %dma_wait3A_181 = arith.constant 0 : i32
        %dma_wait3A_182 = tpu.memref_slice %arg3[%dma_wait3A_180, %dma_wait3A_181] : memref<100352x16xf32, #tpu.memory_space<hbm>> -> memref<100352x16xf32, #tpu.memory_space<hbm>>
        tpu.wait_indirect_dma semaphore(%arg27 : memref<!tpu.dma_semaphore, #tpu.memory_space<semaphore_mem>>) src(%dma_wait3A_182 : memref<100352x16xf32, #tpu.memory_space<hbm>>) dst(%arg25 : memref<512x16xf32, #tpu.memory_space<vmem>>)
        %dma_start3A_183 = arith.constant 0 : i32
        %dma_start3A_184 = arith.constant 0 : i32
        %dma_start3A_185 = tpu.memref_slice %arg15[%dma_start3A_183, %dma_start3A_184] : memref<100352x16xf32, #tpu.memory_space<vmem_shared>> -> memref<100352x16xf32, #tpu.memory_space<vmem_shared>>
        tpu.enqueue_indirect_dma source(%arg25 : memref<512x16xf32, #tpu.memory_space<vmem>>) target(%dma_start3A_185 : memref<100352x16xf32, #tpu.memory_space<vmem_shared>>) offsets(%arg23 : memref<512xi32, #tpu.memory_space<vmem>>) semaphore(%arg29 : memref<!tpu.dma_semaphore, #tpu.memory_space<semaphore_mem>>) {add = true}
        %gt3A_186 = arith.constant 0 : i32
        %gt3A_187 = arith.cmpi sgt, %add3A_172, %gt3A_186 : i32
        %convert_element_type3A_188 = arith.extui %gt3A_187 : i1 to i32
        %cond3A_189 = arith.constant 0 : i32
        %cond3A_190 = arith.cmpi ne, %convert_element_type3A_188, %cond3A_189 : i32
        scf.if %cond3A_190 {
          %dma_wait3A_198 = arith.constant 0 : i32
          %dma_wait3A_199 = arith.constant 0 : i32
          %dma_wait3A_200 = tpu.memref_slice %arg15[%dma_wait3A_198, %dma_wait3A_199] : memref<100352x16xf32, #tpu.memory_space<vmem_shared>> -> memref<100352x16xf32, #tpu.memory_space<vmem_shared>>
          tpu.wait_indirect_dma semaphore(%arg28 : memref<!tpu.dma_semaphore, #tpu.memory_space<semaphore_mem>>) src(%arg24 : memref<512x16xf32, #tpu.memory_space<vmem>>) dst(%dma_wait3A_200 : memref<100352x16xf32, #tpu.memory_space<vmem_shared>>)
        } else {
        }
        %add3A_191 = arith.constant 1 : i32
        %add3A_192 = arith.addi %add3A_172, %add3A_191 : i32
        %lt3A_193 = arith.constant 196 : i32
        %lt3A_194 = arith.cmpi slt, %add3A_192, %lt3A_193 : i32
        %convert_element_type3A_195 = arith.extui %lt3A_194 : i1 to i32
        %cond3A_196 = arith.constant 0 : i32
        %cond3A_197 = arith.cmpi ne, %convert_element_type3A_195, %cond3A_196 : i32
        scf.if %cond3A_197 {
          %add3A_198 = arith.constant 1 : i32
          %add3A_199 = arith.addi %add3A_172, %add3A_198 : i32
          %mul3A_200 = arith.constant 512 : i32
          %mul3A_201 = arith.muli %add3A_199, %mul3A_200 : i32
          %add3A_202 = arith.addi %mul3A_9, %mul3A_201 : i32
          %dma_wait3A_203 = tpu.memref_slice %arg6[%add3A_202] : memref<1605632xi32, #tpu.memory_space<hbm>> -> memref<512xi32, #tpu.memory_space<hbm>>
          %dma_wait3A_204 = tpu.memref_slice %arg6[%add3A_202] : memref<1605632xi32, #tpu.memory_space<hbm>> -> memref<512xi32, #tpu.memory_space<hbm>>
          tpu.wait_dma2 semaphore(%arg30 : memref<!tpu.dma_semaphore, #tpu.memory_space<semaphore_mem>>) src(%dma_wait3A_204 : memref<512xi32, #tpu.memory_space<hbm>>) dst(%arg16 : memref<512xi32, #tpu.memory_space<vmem>>)
          %dma_wait3A_205 = tpu.memref_slice %arg7[%add3A_202] : memref<1605632xi32, #tpu.memory_space<hbm>> -> memref<512xi32, #tpu.memory_space<hbm>>
          %dma_wait3A_206 = tpu.memref_slice %arg7[%add3A_202] : memref<1605632xi32, #tpu.memory_space<hbm>> -> memref<512xi32, #tpu.memory_space<hbm>>
          tpu.wait_dma2 semaphore(%arg30 : memref<!tpu.dma_semaphore, #tpu.memory_space<semaphore_mem>>) src(%dma_wait3A_206 : memref<512xi32, #tpu.memory_space<hbm>>) dst(%arg20 : memref<512xi32, #tpu.memory_space<vmem>>)
          %dma_start3A_207 = arith.constant 0 : i32
          %dma_start3A_208 = arith.constant 0 : i32
          %dma_start3A_209 = tpu.memref_slice %arg3[%dma_start3A_207, %dma_start3A_208] : memref<100352x16xf32, #tpu.memory_space<hbm>> -> memref<100352x16xf32, #tpu.memory_space<hbm>>
          tpu.enqueue_indirect_dma source(%dma_start3A_209 : memref<100352x16xf32, #tpu.memory_space<hbm>>) target(%arg24 : memref<512x16xf32, #tpu.memory_space<vmem>>) offsets(%arg16 : memref<512xi32, #tpu.memory_space<vmem>>) semaphore(%arg26 : memref<!tpu.dma_semaphore, #tpu.memory_space<semaphore_mem>>)
        } else {
        }
      }
      %scan3A_32 = arith.constant 49 : i32
      %dma_wait3A_33 = arith.constant 0 : i32
      %dma_wait3A_34 = arith.constant 0 : i32
      %dma_wait3A_35 = tpu.memref_slice %arg15[%dma_wait3A_33, %dma_wait3A_34] : memref<100352x16xf32, #tpu.memory_space<vmem_shared>> -> memref<100352x16xf32, #tpu.memory_space<vmem_shared>>
      tpu.wait_indirect_dma semaphore(%arg29 : memref<!tpu.dma_semaphore, #tpu.memory_space<semaphore_mem>>) src(%arg25 : memref<512x16xf32, #tpu.memory_space<vmem>>) dst(%dma_wait3A_35 : memref<100352x16xf32, #tpu.memory_space<vmem_shared>>)
      %barrier3A_36 = arith.constant 0 : index
      tpu.barrier barrier_id(%barrier3A_36)
      %mul3A_37 = arith.constant 6272 : i32
      %mul3A_38 = arith.muli %arg1, %mul3A_37 : i32
      %mul3A_39 = arith.constant 6272 : i32
      %mul3A_40 = arith.muli %arg1, %mul3A_39 : i32
      "tpu.region"() ({
        %run_scoped3A = tpu.sem_alloc : memref<!tpu.dma_semaphore, #tpu.memory_space<semaphore_mem>>
        %dma_start3A_83 = arith.constant 0 : i32
        %dma_start3A_84 = tpu.memref_slice %arg12[%mul3A_40, %dma_start3A_83] : memref<100352x16xf32, #tpu.memory_space<hbm>> -> memref<6272x16xf32, #tpu.memory_space<hbm>>
        %dma_start3A_85 = arith.constant 0 : i32
        %dma_start3A_86 = tpu.memref_slice %arg15[%mul3A_38, %dma_start3A_85] : memref<100352x16xf32, #tpu.memory_space<vmem_shared>> -> memref<6272x16xf32, #tpu.memory_space<vmem_shared>>
        tpu.enqueue_dma source(%dma_start3A_86 : memref<6272x16xf32, #tpu.memory_space<vmem_shared>>) target(%dma_start3A_84 : memref<6272x16xf32, #tpu.memory_space<hbm>>) target_semaphore(%run_scoped3A : memref<!tpu.dma_semaphore, #tpu.memory_space<semaphore_mem>>)
        %dma_wait3A_87 = arith.constant 0 : i32
        %dma_wait3A_88 = tpu.memref_slice %arg12[%mul3A_40, %dma_wait3A_87] : memref<100352x16xf32, #tpu.memory_space<hbm>> -> memref<6272x16xf32, #tpu.memory_space<hbm>>
        %dma_wait3A_89 = arith.constant 0 : i32
        %dma_wait3A_90 = tpu.memref_slice %arg15[%mul3A_38, %dma_wait3A_89] : memref<100352x16xf32, #tpu.memory_space<vmem_shared>> -> memref<6272x16xf32, #tpu.memory_space<vmem_shared>>
        tpu.wait_dma2 semaphore(%run_scoped3A : memref<!tpu.dma_semaphore, #tpu.memory_space<semaphore_mem>>) src(%dma_wait3A_90 : memref<6272x16xf32, #tpu.memory_space<vmem_shared>>) dst(%dma_wait3A_88 : memref<6272x16xf32, #tpu.memory_space<hbm>>)
        tpu.yield
      }) : () -> ()
      %barrier3A_41 = arith.constant 0 : index
      tpu.barrier barrier_id(%barrier3A_41)
      %mul3A_42 = arith.constant 6272 : i32
      %mul3A_43 = arith.muli %arg1, %mul3A_42 : i32
      "tpu.region"() ({
        %run_scoped3A = tpu.sem_alloc : memref<!tpu.dma_semaphore, #tpu.memory_space<semaphore_mem>>
        %dma_start3A_83 = arith.constant 0 : i32
        %dma_start3A_84 = tpu.memref_slice %arg15[%mul3A_43, %dma_start3A_83] : memref<100352x16xf32, #tpu.memory_space<vmem_shared>> -> memref<6272x16xf32, #tpu.memory_space<vmem_shared>>
        tpu.enqueue_dma source(%arg10 : memref<6272x16xf32, #tpu.memory_space<hbm>>) target(%dma_start3A_84 : memref<6272x16xf32, #tpu.memory_space<vmem_shared>>) target_semaphore(%run_scoped3A : memref<!tpu.dma_semaphore, #tpu.memory_space<semaphore_mem>>)
        %dma_wait3A_85 = arith.constant 0 : i32
        %dma_wait3A_86 = tpu.memref_slice %arg15[%mul3A_43, %dma_wait3A_85] : memref<100352x16xf32, #tpu.memory_space<vmem_shared>> -> memref<6272x16xf32, #tpu.memory_space<vmem_shared>>
        tpu.wait_dma2 semaphore(%run_scoped3A : memref<!tpu.dma_semaphore, #tpu.memory_space<semaphore_mem>>) src(%arg10 : memref<6272x16xf32, #tpu.memory_space<hbm>>) dst(%dma_wait3A_86 : memref<6272x16xf32, #tpu.memory_space<vmem_shared>>)
        tpu.yield
      }) : () -> ()
      %barrier3A_44 = arith.constant 0 : index
      tpu.barrier barrier_id(%barrier3A_44)
      %mul3A_45 = arith.constant 100352 : i32
      %mul3A_46 = arith.muli %arg1, %mul3A_45 : i32
      %add3A_47 = arith.constant 0 : i32
      %add3A_48 = arith.addi %mul3A_46, %add3A_47 : i32
      %dma_start3A_49 = tpu.memref_slice %arg8[%add3A_48] : memref<1605632xi32, #tpu.memory_space<hbm>> -> memref<512xi32, #tpu.memory_space<hbm>>
      %dma_start3A_50 = tpu.memref_slice %arg8[%add3A_48] : memref<1605632xi32, #tpu.memory_space<hbm>> -> memref<512xi32, #tpu.memory_space<hbm>>
      tpu.enqueue_dma source(%dma_start3A_50 : memref<512xi32, #tpu.memory_space<hbm>>) target(%arg16 : memref<512xi32, #tpu.memory_space<vmem>>) target_semaphore(%arg30 : memref<!tpu.dma_semaphore, #tpu.memory_space<semaphore_mem>>)
      %dma_start3A_51 = tpu.memref_slice %arg9[%add3A_48] : memref<1605632xi32, #tpu.memory_space<hbm>> -> memref<512xi32, #tpu.memory_space<hbm>>
      %dma_start3A_52 = tpu.memref_slice %arg9[%add3A_48] : memref<1605632xi32, #tpu.memory_space<hbm>> -> memref<512xi32, #tpu.memory_space<hbm>>
      tpu.enqueue_dma source(%dma_start3A_52 : memref<512xi32, #tpu.memory_space<hbm>>) target(%arg20 : memref<512xi32, #tpu.memory_space<vmem>>) target_semaphore(%arg30 : memref<!tpu.dma_semaphore, #tpu.memory_space<semaphore_mem>>)
      %add3A_53 = arith.constant 512 : i32
      %add3A_54 = arith.addi %mul3A_46, %add3A_53 : i32
      %dma_start3A_55 = tpu.memref_slice %arg8[%add3A_54] : memref<1605632xi32, #tpu.memory_space<hbm>> -> memref<512xi32, #tpu.memory_space<hbm>>
      %dma_start3A_56 = tpu.memref_slice %arg8[%add3A_54] : memref<1605632xi32, #tpu.memory_space<hbm>> -> memref<512xi32, #tpu.memory_space<hbm>>
      tpu.enqueue_dma source(%dma_start3A_56 : memref<512xi32, #tpu.memory_space<hbm>>) target(%arg17 : memref<512xi32, #tpu.memory_space<vmem>>) target_semaphore(%arg31 : memref<!tpu.dma_semaphore, #tpu.memory_space<semaphore_mem>>)
      %dma_start3A_57 = tpu.memref_slice %arg9[%add3A_54] : memref<1605632xi32, #tpu.memory_space<hbm>> -> memref<512xi32, #tpu.memory_space<hbm>>
      %dma_start3A_58 = tpu.memref_slice %arg9[%add3A_54] : memref<1605632xi32, #tpu.memory_space<hbm>> -> memref<512xi32, #tpu.memory_space<hbm>>
      tpu.enqueue_dma source(%dma_start3A_58 : memref<512xi32, #tpu.memory_space<hbm>>) target(%arg21 : memref<512xi32, #tpu.memory_space<vmem>>) target_semaphore(%arg31 : memref<!tpu.dma_semaphore, #tpu.memory_space<semaphore_mem>>)
      %add3A_59 = arith.constant 0 : i32
      %add3A_60 = arith.addi %mul3A_46, %add3A_59 : i32
      %dma_wait3A_61 = tpu.memref_slice %arg8[%add3A_60] : memref<1605632xi32, #tpu.memory_space<hbm>> -> memref<512xi32, #tpu.memory_space<hbm>>
      %dma_wait3A_62 = tpu.memref_slice %arg8[%add3A_60] : memref<1605632xi32, #tpu.memory_space<hbm>> -> memref<512xi32, #tpu.memory_space<hbm>>
      tpu.wait_dma2 semaphore(%arg30 : memref<!tpu.dma_semaphore, #tpu.memory_space<semaphore_mem>>) src(%dma_wait3A_62 : memref<512xi32, #tpu.memory_space<hbm>>) dst(%arg16 : memref<512xi32, #tpu.memory_space<vmem>>)
      %dma_wait3A_63 = tpu.memref_slice %arg9[%add3A_60] : memref<1605632xi32, #tpu.memory_space<hbm>> -> memref<512xi32, #tpu.memory_space<hbm>>
      %dma_wait3A_64 = tpu.memref_slice %arg9[%add3A_60] : memref<1605632xi32, #tpu.memory_space<hbm>> -> memref<512xi32, #tpu.memory_space<hbm>>
      tpu.wait_dma2 semaphore(%arg30 : memref<!tpu.dma_semaphore, #tpu.memory_space<semaphore_mem>>) src(%dma_wait3A_64 : memref<512xi32, #tpu.memory_space<hbm>>) dst(%arg20 : memref<512xi32, #tpu.memory_space<vmem>>)
      %dma_start3A_65 = arith.constant 0 : i32
      %dma_start3A_66 = arith.constant 0 : i32
      %dma_start3A_67 = tpu.memref_slice %arg5[%dma_start3A_65, %dma_start3A_66] : memref<100352x16xf32, #tpu.memory_space<hbm>> -> memref<100352x16xf32, #tpu.memory_space<hbm>>
      tpu.enqueue_indirect_dma source(%dma_start3A_67 : memref<100352x16xf32, #tpu.memory_space<hbm>>) target(%arg24 : memref<512x16xf32, #tpu.memory_space<vmem>>) offsets(%arg16 : memref<512xi32, #tpu.memory_space<vmem>>) semaphore(%arg26 : memref<!tpu.dma_semaphore, #tpu.memory_space<semaphore_mem>>)
      %scan3A_68 = arith.constant 0 : i32
      %scan3A_69 = arith.constant 0 : i32
      %scan3A_70 = arith.constant 49 : i32
      %scan3A_71 = arith.addi %scan3A_69, %scan3A_70 : i32
      %scan3A_72 = arith.constant 1 : i32
      scf.for %scan3A_83 = %scan3A_69 to %scan3A_71 step %scan3A_72  : i32 {
        %mul3A_84 = arith.constant 4 : i32
        %mul3A_85 = arith.muli %scan3A_83, %mul3A_84 : i32
        %add3A_86 = arith.constant 0 : i32
        %add3A_87 = arith.addi %mul3A_85, %add3A_86 : i32
        %add3A_88 = arith.constant 2 : i32
        %add3A_89 = arith.addi %add3A_87, %add3A_88 : i32
        %lt3A = arith.constant 196 : i32
        %lt3A_90 = arith.cmpi slt, %add3A_89, %lt3A : i32
        %convert_element_type3A_91 = arith.extui %lt3A_90 : i1 to i32
        %cond3A_92 = arith.constant 0 : i32
        %cond3A_93 = arith.cmpi ne, %convert_element_type3A_91, %cond3A_92 : i32
        scf.if %cond3A_93 {
          %add3A_198 = arith.constant 2 : i32
          %add3A_199 = arith.addi %add3A_87, %add3A_198 : i32
          %mul3A_200 = arith.constant 512 : i32
          %mul3A_201 = arith.muli %add3A_199, %mul3A_200 : i32
          %add3A_202 = arith.addi %mul3A_46, %mul3A_201 : i32
          %dma_start3A_203 = tpu.memref_slice %arg8[%add3A_202] : memref<1605632xi32, #tpu.memory_space<hbm>> -> memref<512xi32, #tpu.memory_space<hbm>>
          %dma_start3A_204 = tpu.memref_slice %arg8[%add3A_202] : memref<1605632xi32, #tpu.memory_space<hbm>> -> memref<512xi32, #tpu.memory_space<hbm>>
          tpu.enqueue_dma source(%dma_start3A_204 : memref<512xi32, #tpu.memory_space<hbm>>) target(%arg18 : memref<512xi32, #tpu.memory_space<vmem>>) target_semaphore(%arg32 : memref<!tpu.dma_semaphore, #tpu.memory_space<semaphore_mem>>)
          %dma_start3A_205 = tpu.memref_slice %arg9[%add3A_202] : memref<1605632xi32, #tpu.memory_space<hbm>> -> memref<512xi32, #tpu.memory_space<hbm>>
          %dma_start3A_206 = tpu.memref_slice %arg9[%add3A_202] : memref<1605632xi32, #tpu.memory_space<hbm>> -> memref<512xi32, #tpu.memory_space<hbm>>
          tpu.enqueue_dma source(%dma_start3A_206 : memref<512xi32, #tpu.memory_space<hbm>>) target(%arg22 : memref<512xi32, #tpu.memory_space<vmem>>) target_semaphore(%arg32 : memref<!tpu.dma_semaphore, #tpu.memory_space<semaphore_mem>>)
        } else {
        }
        %dma_wait3A_94 = arith.constant 0 : i32
        %dma_wait3A_95 = arith.constant 0 : i32
        %dma_wait3A_96 = tpu.memref_slice %arg5[%dma_wait3A_94, %dma_wait3A_95] : memref<100352x16xf32, #tpu.memory_space<hbm>> -> memref<100352x16xf32, #tpu.memory_space<hbm>>
        tpu.wait_indirect_dma semaphore(%arg26 : memref<!tpu.dma_semaphore, #tpu.memory_space<semaphore_mem>>) src(%dma_wait3A_96 : memref<100352x16xf32, #tpu.memory_space<hbm>>) dst(%arg24 : memref<512x16xf32, #tpu.memory_space<vmem>>)
        %dma_start3A_97 = arith.constant 0 : i32
        %dma_start3A_98 = arith.constant 0 : i32
        %dma_start3A_99 = tpu.memref_slice %arg15[%dma_start3A_97, %dma_start3A_98] : memref<100352x16xf32, #tpu.memory_space<vmem_shared>> -> memref<100352x16xf32, #tpu.memory_space<vmem_shared>>
        tpu.enqueue_indirect_dma source(%arg24 : memref<512x16xf32, #tpu.memory_space<vmem>>) target(%dma_start3A_99 : memref<100352x16xf32, #tpu.memory_space<vmem_shared>>) offsets(%arg20 : memref<512xi32, #tpu.memory_space<vmem>>) semaphore(%arg28 : memref<!tpu.dma_semaphore, #tpu.memory_space<semaphore_mem>>) {add = true}
        %gt3A = arith.constant 0 : i32
        %gt3A_100 = arith.cmpi sgt, %add3A_87, %gt3A : i32
        %convert_element_type3A_101 = arith.extui %gt3A_100 : i1 to i32
        %cond3A_102 = arith.constant 0 : i32
        %cond3A_103 = arith.cmpi ne, %convert_element_type3A_101, %cond3A_102 : i32
        scf.if %cond3A_103 {
          %dma_wait3A_198 = arith.constant 0 : i32
          %dma_wait3A_199 = arith.constant 0 : i32
          %dma_wait3A_200 = tpu.memref_slice %arg15[%dma_wait3A_198, %dma_wait3A_199] : memref<100352x16xf32, #tpu.memory_space<vmem_shared>> -> memref<100352x16xf32, #tpu.memory_space<vmem_shared>>
          tpu.wait_indirect_dma semaphore(%arg29 : memref<!tpu.dma_semaphore, #tpu.memory_space<semaphore_mem>>) src(%arg25 : memref<512x16xf32, #tpu.memory_space<vmem>>) dst(%dma_wait3A_200 : memref<100352x16xf32, #tpu.memory_space<vmem_shared>>)
        } else {
        }
        %add3A_104 = arith.constant 1 : i32
        %add3A_105 = arith.addi %add3A_87, %add3A_104 : i32
        %lt3A_106 = arith.constant 196 : i32
        %lt3A_107 = arith.cmpi slt, %add3A_105, %lt3A_106 : i32
        %convert_element_type3A_108 = arith.extui %lt3A_107 : i1 to i32
        %cond3A_109 = arith.constant 0 : i32
        %cond3A_110 = arith.cmpi ne, %convert_element_type3A_108, %cond3A_109 : i32
        scf.if %cond3A_110 {
          %add3A_198 = arith.constant 1 : i32
          %add3A_199 = arith.addi %add3A_87, %add3A_198 : i32
          %mul3A_200 = arith.constant 512 : i32
          %mul3A_201 = arith.muli %add3A_199, %mul3A_200 : i32
          %add3A_202 = arith.addi %mul3A_46, %mul3A_201 : i32
          %dma_wait3A_203 = tpu.memref_slice %arg8[%add3A_202] : memref<1605632xi32, #tpu.memory_space<hbm>> -> memref<512xi32, #tpu.memory_space<hbm>>
          %dma_wait3A_204 = tpu.memref_slice %arg8[%add3A_202] : memref<1605632xi32, #tpu.memory_space<hbm>> -> memref<512xi32, #tpu.memory_space<hbm>>
          tpu.wait_dma2 semaphore(%arg31 : memref<!tpu.dma_semaphore, #tpu.memory_space<semaphore_mem>>) src(%dma_wait3A_204 : memref<512xi32, #tpu.memory_space<hbm>>) dst(%arg17 : memref<512xi32, #tpu.memory_space<vmem>>)
          %dma_wait3A_205 = tpu.memref_slice %arg9[%add3A_202] : memref<1605632xi32, #tpu.memory_space<hbm>> -> memref<512xi32, #tpu.memory_space<hbm>>
          %dma_wait3A_206 = tpu.memref_slice %arg9[%add3A_202] : memref<1605632xi32, #tpu.memory_space<hbm>> -> memref<512xi32, #tpu.memory_space<hbm>>
          tpu.wait_dma2 semaphore(%arg31 : memref<!tpu.dma_semaphore, #tpu.memory_space<semaphore_mem>>) src(%dma_wait3A_206 : memref<512xi32, #tpu.memory_space<hbm>>) dst(%arg21 : memref<512xi32, #tpu.memory_space<vmem>>)
          %dma_start3A_207 = arith.constant 0 : i32
          %dma_start3A_208 = arith.constant 0 : i32
          %dma_start3A_209 = tpu.memref_slice %arg5[%dma_start3A_207, %dma_start3A_208] : memref<100352x16xf32, #tpu.memory_space<hbm>> -> memref<100352x16xf32, #tpu.memory_space<hbm>>
          tpu.enqueue_indirect_dma source(%dma_start3A_209 : memref<100352x16xf32, #tpu.memory_space<hbm>>) target(%arg25 : memref<512x16xf32, #tpu.memory_space<vmem>>) offsets(%arg17 : memref<512xi32, #tpu.memory_space<vmem>>) semaphore(%arg27 : memref<!tpu.dma_semaphore, #tpu.memory_space<semaphore_mem>>)
        } else {
        }
        %mul3A_111 = arith.constant 4 : i32
        %mul3A_112 = arith.muli %scan3A_83, %mul3A_111 : i32
        %add3A_113 = arith.constant 1 : i32
        %add3A_114 = arith.addi %mul3A_112, %add3A_113 : i32
        %add3A_115 = arith.constant 2 : i32
        %add3A_116 = arith.addi %add3A_114, %add3A_115 : i32
        %lt3A_117 = arith.constant 196 : i32
        %lt3A_118 = arith.cmpi slt, %add3A_116, %lt3A_117 : i32
        %convert_element_type3A_119 = arith.extui %lt3A_118 : i1 to i32
        %cond3A_120 = arith.constant 0 : i32
        %cond3A_121 = arith.cmpi ne, %convert_element_type3A_119, %cond3A_120 : i32
        scf.if %cond3A_121 {
          %add3A_198 = arith.constant 2 : i32
          %add3A_199 = arith.addi %add3A_114, %add3A_198 : i32
          %mul3A_200 = arith.constant 512 : i32
          %mul3A_201 = arith.muli %add3A_199, %mul3A_200 : i32
          %add3A_202 = arith.addi %mul3A_46, %mul3A_201 : i32
          %dma_start3A_203 = tpu.memref_slice %arg8[%add3A_202] : memref<1605632xi32, #tpu.memory_space<hbm>> -> memref<512xi32, #tpu.memory_space<hbm>>
          %dma_start3A_204 = tpu.memref_slice %arg8[%add3A_202] : memref<1605632xi32, #tpu.memory_space<hbm>> -> memref<512xi32, #tpu.memory_space<hbm>>
          tpu.enqueue_dma source(%dma_start3A_204 : memref<512xi32, #tpu.memory_space<hbm>>) target(%arg19 : memref<512xi32, #tpu.memory_space<vmem>>) target_semaphore(%arg33 : memref<!tpu.dma_semaphore, #tpu.memory_space<semaphore_mem>>)
          %dma_start3A_205 = tpu.memref_slice %arg9[%add3A_202] : memref<1605632xi32, #tpu.memory_space<hbm>> -> memref<512xi32, #tpu.memory_space<hbm>>
          %dma_start3A_206 = tpu.memref_slice %arg9[%add3A_202] : memref<1605632xi32, #tpu.memory_space<hbm>> -> memref<512xi32, #tpu.memory_space<hbm>>
          tpu.enqueue_dma source(%dma_start3A_206 : memref<512xi32, #tpu.memory_space<hbm>>) target(%arg23 : memref<512xi32, #tpu.memory_space<vmem>>) target_semaphore(%arg33 : memref<!tpu.dma_semaphore, #tpu.memory_space<semaphore_mem>>)
        } else {
        }
        %dma_wait3A_122 = arith.constant 0 : i32
        %dma_wait3A_123 = arith.constant 0 : i32
        %dma_wait3A_124 = tpu.memref_slice %arg5[%dma_wait3A_122, %dma_wait3A_123] : memref<100352x16xf32, #tpu.memory_space<hbm>> -> memref<100352x16xf32, #tpu.memory_space<hbm>>
        tpu.wait_indirect_dma semaphore(%arg27 : memref<!tpu.dma_semaphore, #tpu.memory_space<semaphore_mem>>) src(%dma_wait3A_124 : memref<100352x16xf32, #tpu.memory_space<hbm>>) dst(%arg25 : memref<512x16xf32, #tpu.memory_space<vmem>>)
        %dma_start3A_125 = arith.constant 0 : i32
        %dma_start3A_126 = arith.constant 0 : i32
        %dma_start3A_127 = tpu.memref_slice %arg15[%dma_start3A_125, %dma_start3A_126] : memref<100352x16xf32, #tpu.memory_space<vmem_shared>> -> memref<100352x16xf32, #tpu.memory_space<vmem_shared>>
        tpu.enqueue_indirect_dma source(%arg25 : memref<512x16xf32, #tpu.memory_space<vmem>>) target(%dma_start3A_127 : memref<100352x16xf32, #tpu.memory_space<vmem_shared>>) offsets(%arg21 : memref<512xi32, #tpu.memory_space<vmem>>) semaphore(%arg29 : memref<!tpu.dma_semaphore, #tpu.memory_space<semaphore_mem>>) {add = true}
        %gt3A_128 = arith.constant 0 : i32
        %gt3A_129 = arith.cmpi sgt, %add3A_114, %gt3A_128 : i32
        %convert_element_type3A_130 = arith.extui %gt3A_129 : i1 to i32
        %cond3A_131 = arith.constant 0 : i32
        %cond3A_132 = arith.cmpi ne, %convert_element_type3A_130, %cond3A_131 : i32
        scf.if %cond3A_132 {
          %dma_wait3A_198 = arith.constant 0 : i32
          %dma_wait3A_199 = arith.constant 0 : i32
          %dma_wait3A_200 = tpu.memref_slice %arg15[%dma_wait3A_198, %dma_wait3A_199] : memref<100352x16xf32, #tpu.memory_space<vmem_shared>> -> memref<100352x16xf32, #tpu.memory_space<vmem_shared>>
          tpu.wait_indirect_dma semaphore(%arg28 : memref<!tpu.dma_semaphore, #tpu.memory_space<semaphore_mem>>) src(%arg24 : memref<512x16xf32, #tpu.memory_space<vmem>>) dst(%dma_wait3A_200 : memref<100352x16xf32, #tpu.memory_space<vmem_shared>>)
        } else {
        }
        %add3A_133 = arith.constant 1 : i32
        %add3A_134 = arith.addi %add3A_114, %add3A_133 : i32
        %lt3A_135 = arith.constant 196 : i32
        %lt3A_136 = arith.cmpi slt, %add3A_134, %lt3A_135 : i32
        %convert_element_type3A_137 = arith.extui %lt3A_136 : i1 to i32
        %cond3A_138 = arith.constant 0 : i32
        %cond3A_139 = arith.cmpi ne, %convert_element_type3A_137, %cond3A_138 : i32
        scf.if %cond3A_139 {
          %add3A_198 = arith.constant 1 : i32
          %add3A_199 = arith.addi %add3A_114, %add3A_198 : i32
          %mul3A_200 = arith.constant 512 : i32
          %mul3A_201 = arith.muli %add3A_199, %mul3A_200 : i32
          %add3A_202 = arith.addi %mul3A_46, %mul3A_201 : i32
          %dma_wait3A_203 = tpu.memref_slice %arg8[%add3A_202] : memref<1605632xi32, #tpu.memory_space<hbm>> -> memref<512xi32, #tpu.memory_space<hbm>>
          %dma_wait3A_204 = tpu.memref_slice %arg8[%add3A_202] : memref<1605632xi32, #tpu.memory_space<hbm>> -> memref<512xi32, #tpu.memory_space<hbm>>
          tpu.wait_dma2 semaphore(%arg32 : memref<!tpu.dma_semaphore, #tpu.memory_space<semaphore_mem>>) src(%dma_wait3A_204 : memref<512xi32, #tpu.memory_space<hbm>>) dst(%arg18 : memref<512xi32, #tpu.memory_space<vmem>>)
          %dma_wait3A_205 = tpu.memref_slice %arg9[%add3A_202] : memref<1605632xi32, #tpu.memory_space<hbm>> -> memref<512xi32, #tpu.memory_space<hbm>>
          %dma_wait3A_206 = tpu.memref_slice %arg9[%add3A_202] : memref<1605632xi32, #tpu.memory_space<hbm>> -> memref<512xi32, #tpu.memory_space<hbm>>
          tpu.wait_dma2 semaphore(%arg32 : memref<!tpu.dma_semaphore, #tpu.memory_space<semaphore_mem>>) src(%dma_wait3A_206 : memref<512xi32, #tpu.memory_space<hbm>>) dst(%arg22 : memref<512xi32, #tpu.memory_space<vmem>>)
          %dma_start3A_207 = arith.constant 0 : i32
          %dma_start3A_208 = arith.constant 0 : i32
          %dma_start3A_209 = tpu.memref_slice %arg5[%dma_start3A_207, %dma_start3A_208] : memref<100352x16xf32, #tpu.memory_space<hbm>> -> memref<100352x16xf32, #tpu.memory_space<hbm>>
          tpu.enqueue_indirect_dma source(%dma_start3A_209 : memref<100352x16xf32, #tpu.memory_space<hbm>>) target(%arg24 : memref<512x16xf32, #tpu.memory_space<vmem>>) offsets(%arg18 : memref<512xi32, #tpu.memory_space<vmem>>) semaphore(%arg26 : memref<!tpu.dma_semaphore, #tpu.memory_space<semaphore_mem>>)
        } else {
        }
        %mul3A_140 = arith.constant 4 : i32
        %mul3A_141 = arith.muli %scan3A_83, %mul3A_140 : i32
        %add3A_142 = arith.constant 2 : i32
        %add3A_143 = arith.addi %mul3A_141, %add3A_142 : i32
        %add3A_144 = arith.constant 2 : i32
        %add3A_145 = arith.addi %add3A_143, %add3A_144 : i32
        %lt3A_146 = arith.constant 196 : i32
        %lt3A_147 = arith.cmpi slt, %add3A_145, %lt3A_146 : i32
        %convert_element_type3A_148 = arith.extui %lt3A_147 : i1 to i32
        %cond3A_149 = arith.constant 0 : i32
        %cond3A_150 = arith.cmpi ne, %convert_element_type3A_148, %cond3A_149 : i32
        scf.if %cond3A_150 {
          %add3A_198 = arith.constant 2 : i32
          %add3A_199 = arith.addi %add3A_143, %add3A_198 : i32
          %mul3A_200 = arith.constant 512 : i32
          %mul3A_201 = arith.muli %add3A_199, %mul3A_200 : i32
          %add3A_202 = arith.addi %mul3A_46, %mul3A_201 : i32
          %dma_start3A_203 = tpu.memref_slice %arg8[%add3A_202] : memref<1605632xi32, #tpu.memory_space<hbm>> -> memref<512xi32, #tpu.memory_space<hbm>>
          %dma_start3A_204 = tpu.memref_slice %arg8[%add3A_202] : memref<1605632xi32, #tpu.memory_space<hbm>> -> memref<512xi32, #tpu.memory_space<hbm>>
          tpu.enqueue_dma source(%dma_start3A_204 : memref<512xi32, #tpu.memory_space<hbm>>) target(%arg16 : memref<512xi32, #tpu.memory_space<vmem>>) target_semaphore(%arg30 : memref<!tpu.dma_semaphore, #tpu.memory_space<semaphore_mem>>)
          %dma_start3A_205 = tpu.memref_slice %arg9[%add3A_202] : memref<1605632xi32, #tpu.memory_space<hbm>> -> memref<512xi32, #tpu.memory_space<hbm>>
          %dma_start3A_206 = tpu.memref_slice %arg9[%add3A_202] : memref<1605632xi32, #tpu.memory_space<hbm>> -> memref<512xi32, #tpu.memory_space<hbm>>
          tpu.enqueue_dma source(%dma_start3A_206 : memref<512xi32, #tpu.memory_space<hbm>>) target(%arg20 : memref<512xi32, #tpu.memory_space<vmem>>) target_semaphore(%arg30 : memref<!tpu.dma_semaphore, #tpu.memory_space<semaphore_mem>>)
        } else {
        }
        %dma_wait3A_151 = arith.constant 0 : i32
        %dma_wait3A_152 = arith.constant 0 : i32
        %dma_wait3A_153 = tpu.memref_slice %arg5[%dma_wait3A_151, %dma_wait3A_152] : memref<100352x16xf32, #tpu.memory_space<hbm>> -> memref<100352x16xf32, #tpu.memory_space<hbm>>
        tpu.wait_indirect_dma semaphore(%arg26 : memref<!tpu.dma_semaphore, #tpu.memory_space<semaphore_mem>>) src(%dma_wait3A_153 : memref<100352x16xf32, #tpu.memory_space<hbm>>) dst(%arg24 : memref<512x16xf32, #tpu.memory_space<vmem>>)
        %dma_start3A_154 = arith.constant 0 : i32
        %dma_start3A_155 = arith.constant 0 : i32
        %dma_start3A_156 = tpu.memref_slice %arg15[%dma_start3A_154, %dma_start3A_155] : memref<100352x16xf32, #tpu.memory_space<vmem_shared>> -> memref<100352x16xf32, #tpu.memory_space<vmem_shared>>
        tpu.enqueue_indirect_dma source(%arg24 : memref<512x16xf32, #tpu.memory_space<vmem>>) target(%dma_start3A_156 : memref<100352x16xf32, #tpu.memory_space<vmem_shared>>) offsets(%arg22 : memref<512xi32, #tpu.memory_space<vmem>>) semaphore(%arg28 : memref<!tpu.dma_semaphore, #tpu.memory_space<semaphore_mem>>) {add = true}
        %gt3A_157 = arith.constant 0 : i32
        %gt3A_158 = arith.cmpi sgt, %add3A_143, %gt3A_157 : i32
        %convert_element_type3A_159 = arith.extui %gt3A_158 : i1 to i32
        %cond3A_160 = arith.constant 0 : i32
        %cond3A_161 = arith.cmpi ne, %convert_element_type3A_159, %cond3A_160 : i32
        scf.if %cond3A_161 {
          %dma_wait3A_198 = arith.constant 0 : i32
          %dma_wait3A_199 = arith.constant 0 : i32
          %dma_wait3A_200 = tpu.memref_slice %arg15[%dma_wait3A_198, %dma_wait3A_199] : memref<100352x16xf32, #tpu.memory_space<vmem_shared>> -> memref<100352x16xf32, #tpu.memory_space<vmem_shared>>
          tpu.wait_indirect_dma semaphore(%arg29 : memref<!tpu.dma_semaphore, #tpu.memory_space<semaphore_mem>>) src(%arg25 : memref<512x16xf32, #tpu.memory_space<vmem>>) dst(%dma_wait3A_200 : memref<100352x16xf32, #tpu.memory_space<vmem_shared>>)
        } else {
        }
        %add3A_162 = arith.constant 1 : i32
        %add3A_163 = arith.addi %add3A_143, %add3A_162 : i32
        %lt3A_164 = arith.constant 196 : i32
        %lt3A_165 = arith.cmpi slt, %add3A_163, %lt3A_164 : i32
        %convert_element_type3A_166 = arith.extui %lt3A_165 : i1 to i32
        %cond3A_167 = arith.constant 0 : i32
        %cond3A_168 = arith.cmpi ne, %convert_element_type3A_166, %cond3A_167 : i32
        scf.if %cond3A_168 {
          %add3A_198 = arith.constant 1 : i32
          %add3A_199 = arith.addi %add3A_143, %add3A_198 : i32
          %mul3A_200 = arith.constant 512 : i32
          %mul3A_201 = arith.muli %add3A_199, %mul3A_200 : i32
          %add3A_202 = arith.addi %mul3A_46, %mul3A_201 : i32
          %dma_wait3A_203 = tpu.memref_slice %arg8[%add3A_202] : memref<1605632xi32, #tpu.memory_space<hbm>> -> memref<512xi32, #tpu.memory_space<hbm>>
          %dma_wait3A_204 = tpu.memref_slice %arg8[%add3A_202] : memref<1605632xi32, #tpu.memory_space<hbm>> -> memref<512xi32, #tpu.memory_space<hbm>>
          tpu.wait_dma2 semaphore(%arg33 : memref<!tpu.dma_semaphore, #tpu.memory_space<semaphore_mem>>) src(%dma_wait3A_204 : memref<512xi32, #tpu.memory_space<hbm>>) dst(%arg19 : memref<512xi32, #tpu.memory_space<vmem>>)
          %dma_wait3A_205 = tpu.memref_slice %arg9[%add3A_202] : memref<1605632xi32, #tpu.memory_space<hbm>> -> memref<512xi32, #tpu.memory_space<hbm>>
          %dma_wait3A_206 = tpu.memref_slice %arg9[%add3A_202] : memref<1605632xi32, #tpu.memory_space<hbm>> -> memref<512xi32, #tpu.memory_space<hbm>>
          tpu.wait_dma2 semaphore(%arg33 : memref<!tpu.dma_semaphore, #tpu.memory_space<semaphore_mem>>) src(%dma_wait3A_206 : memref<512xi32, #tpu.memory_space<hbm>>) dst(%arg23 : memref<512xi32, #tpu.memory_space<vmem>>)
          %dma_start3A_207 = arith.constant 0 : i32
          %dma_start3A_208 = arith.constant 0 : i32
          %dma_start3A_209 = tpu.memref_slice %arg5[%dma_start3A_207, %dma_start3A_208] : memref<100352x16xf32, #tpu.memory_space<hbm>> -> memref<100352x16xf32, #tpu.memory_space<hbm>>
          tpu.enqueue_indirect_dma source(%dma_start3A_209 : memref<100352x16xf32, #tpu.memory_space<hbm>>) target(%arg25 : memref<512x16xf32, #tpu.memory_space<vmem>>) offsets(%arg19 : memref<512xi32, #tpu.memory_space<vmem>>) semaphore(%arg27 : memref<!tpu.dma_semaphore, #tpu.memory_space<semaphore_mem>>)
        } else {
        }
        %mul3A_169 = arith.constant 4 : i32
        %mul3A_170 = arith.muli %scan3A_83, %mul3A_169 : i32
        %add3A_171 = arith.constant 3 : i32
        %add3A_172 = arith.addi %mul3A_170, %add3A_171 : i32
        %add3A_173 = arith.constant 2 : i32
        %add3A_174 = arith.addi %add3A_172, %add3A_173 : i32
        %lt3A_175 = arith.constant 196 : i32
        %lt3A_176 = arith.cmpi slt, %add3A_174, %lt3A_175 : i32
        %convert_element_type3A_177 = arith.extui %lt3A_176 : i1 to i32
        %cond3A_178 = arith.constant 0 : i32
        %cond3A_179 = arith.cmpi ne, %convert_element_type3A_177, %cond3A_178 : i32
        scf.if %cond3A_179 {
          %add3A_198 = arith.constant 2 : i32
          %add3A_199 = arith.addi %add3A_172, %add3A_198 : i32
          %mul3A_200 = arith.constant 512 : i32
          %mul3A_201 = arith.muli %add3A_199, %mul3A_200 : i32
          %add3A_202 = arith.addi %mul3A_46, %mul3A_201 : i32
          %dma_start3A_203 = tpu.memref_slice %arg8[%add3A_202] : memref<1605632xi32, #tpu.memory_space<hbm>> -> memref<512xi32, #tpu.memory_space<hbm>>
          %dma_start3A_204 = tpu.memref_slice %arg8[%add3A_202] : memref<1605632xi32, #tpu.memory_space<hbm>> -> memref<512xi32, #tpu.memory_space<hbm>>
          tpu.enqueue_dma source(%dma_start3A_204 : memref<512xi32, #tpu.memory_space<hbm>>) target(%arg17 : memref<512xi32, #tpu.memory_space<vmem>>) target_semaphore(%arg31 : memref<!tpu.dma_semaphore, #tpu.memory_space<semaphore_mem>>)
          %dma_start3A_205 = tpu.memref_slice %arg9[%add3A_202] : memref<1605632xi32, #tpu.memory_space<hbm>> -> memref<512xi32, #tpu.memory_space<hbm>>
          %dma_start3A_206 = tpu.memref_slice %arg9[%add3A_202] : memref<1605632xi32, #tpu.memory_space<hbm>> -> memref<512xi32, #tpu.memory_space<hbm>>
          tpu.enqueue_dma source(%dma_start3A_206 : memref<512xi32, #tpu.memory_space<hbm>>) target(%arg21 : memref<512xi32, #tpu.memory_space<vmem>>) target_semaphore(%arg31 : memref<!tpu.dma_semaphore, #tpu.memory_space<semaphore_mem>>)
        } else {
        }
        %dma_wait3A_180 = arith.constant 0 : i32
        %dma_wait3A_181 = arith.constant 0 : i32
        %dma_wait3A_182 = tpu.memref_slice %arg5[%dma_wait3A_180, %dma_wait3A_181] : memref<100352x16xf32, #tpu.memory_space<hbm>> -> memref<100352x16xf32, #tpu.memory_space<hbm>>
        tpu.wait_indirect_dma semaphore(%arg27 : memref<!tpu.dma_semaphore, #tpu.memory_space<semaphore_mem>>) src(%dma_wait3A_182 : memref<100352x16xf32, #tpu.memory_space<hbm>>) dst(%arg25 : memref<512x16xf32, #tpu.memory_space<vmem>>)
        %dma_start3A_183 = arith.constant 0 : i32
        %dma_start3A_184 = arith.constant 0 : i32
        %dma_start3A_185 = tpu.memref_slice %arg15[%dma_start3A_183, %dma_start3A_184] : memref<100352x16xf32, #tpu.memory_space<vmem_shared>> -> memref<100352x16xf32, #tpu.memory_space<vmem_shared>>
        tpu.enqueue_indirect_dma source(%arg25 : memref<512x16xf32, #tpu.memory_space<vmem>>) target(%dma_start3A_185 : memref<100352x16xf32, #tpu.memory_space<vmem_shared>>) offsets(%arg23 : memref<512xi32, #tpu.memory_space<vmem>>) semaphore(%arg29 : memref<!tpu.dma_semaphore, #tpu.memory_space<semaphore_mem>>) {add = true}
        %gt3A_186 = arith.constant 0 : i32
        %gt3A_187 = arith.cmpi sgt, %add3A_172, %gt3A_186 : i32
        %convert_element_type3A_188 = arith.extui %gt3A_187 : i1 to i32
        %cond3A_189 = arith.constant 0 : i32
        %cond3A_190 = arith.cmpi ne, %convert_element_type3A_188, %cond3A_189 : i32
        scf.if %cond3A_190 {
          %dma_wait3A_198 = arith.constant 0 : i32
          %dma_wait3A_199 = arith.constant 0 : i32
          %dma_wait3A_200 = tpu.memref_slice %arg15[%dma_wait3A_198, %dma_wait3A_199] : memref<100352x16xf32, #tpu.memory_space<vmem_shared>> -> memref<100352x16xf32, #tpu.memory_space<vmem_shared>>
          tpu.wait_indirect_dma semaphore(%arg28 : memref<!tpu.dma_semaphore, #tpu.memory_space<semaphore_mem>>) src(%arg24 : memref<512x16xf32, #tpu.memory_space<vmem>>) dst(%dma_wait3A_200 : memref<100352x16xf32, #tpu.memory_space<vmem_shared>>)
        } else {
        }
        %add3A_191 = arith.constant 1 : i32
        %add3A_192 = arith.addi %add3A_172, %add3A_191 : i32
        %lt3A_193 = arith.constant 196 : i32
        %lt3A_194 = arith.cmpi slt, %add3A_192, %lt3A_193 : i32
        %convert_element_type3A_195 = arith.extui %lt3A_194 : i1 to i32
        %cond3A_196 = arith.constant 0 : i32
        %cond3A_197 = arith.cmpi ne, %convert_element_type3A_195, %cond3A_196 : i32
        scf.if %cond3A_197 {
          %add3A_198 = arith.constant 1 : i32
          %add3A_199 = arith.addi %add3A_172, %add3A_198 : i32
          %mul3A_200 = arith.constant 512 : i32
          %mul3A_201 = arith.muli %add3A_199, %mul3A_200 : i32
          %add3A_202 = arith.addi %mul3A_46, %mul3A_201 : i32
          %dma_wait3A_203 = tpu.memref_slice %arg8[%add3A_202] : memref<1605632xi32, #tpu.memory_space<hbm>> -> memref<512xi32, #tpu.memory_space<hbm>>
          %dma_wait3A_204 = tpu.memref_slice %arg8[%add3A_202] : memref<1605632xi32, #tpu.memory_space<hbm>> -> memref<512xi32, #tpu.memory_space<hbm>>
          tpu.wait_dma2 semaphore(%arg30 : memref<!tpu.dma_semaphore, #tpu.memory_space<semaphore_mem>>) src(%dma_wait3A_204 : memref<512xi32, #tpu.memory_space<hbm>>) dst(%arg16 : memref<512xi32, #tpu.memory_space<vmem>>)
          %dma_wait3A_205 = tpu.memref_slice %arg9[%add3A_202] : memref<1605632xi32, #tpu.memory_space<hbm>> -> memref<512xi32, #tpu.memory_space<hbm>>
          %dma_wait3A_206 = tpu.memref_slice %arg9[%add3A_202] : memref<1605632xi32, #tpu.memory_space<hbm>> -> memref<512xi32, #tpu.memory_space<hbm>>
          tpu.wait_dma2 semaphore(%arg30 : memref<!tpu.dma_semaphore, #tpu.memory_space<semaphore_mem>>) src(%dma_wait3A_206 : memref<512xi32, #tpu.memory_space<hbm>>) dst(%arg20 : memref<512xi32, #tpu.memory_space<vmem>>)
          %dma_start3A_207 = arith.constant 0 : i32
          %dma_start3A_208 = arith.constant 0 : i32
          %dma_start3A_209 = tpu.memref_slice %arg5[%dma_start3A_207, %dma_start3A_208] : memref<100352x16xf32, #tpu.memory_space<hbm>> -> memref<100352x16xf32, #tpu.memory_space<hbm>>
          tpu.enqueue_indirect_dma source(%dma_start3A_209 : memref<100352x16xf32, #tpu.memory_space<hbm>>) target(%arg24 : memref<512x16xf32, #tpu.memory_space<vmem>>) offsets(%arg16 : memref<512xi32, #tpu.memory_space<vmem>>) semaphore(%arg26 : memref<!tpu.dma_semaphore, #tpu.memory_space<semaphore_mem>>)
        } else {
        }
      }
      %scan3A_73 = arith.constant 49 : i32
      %dma_wait3A_74 = arith.constant 0 : i32
      %dma_wait3A_75 = arith.constant 0 : i32
      %dma_wait3A_76 = tpu.memref_slice %arg15[%dma_wait3A_74, %dma_wait3A_75] : memref<100352x16xf32, #tpu.memory_space<vmem_shared>> -> memref<100352x16xf32, #tpu.memory_space<vmem_shared>>
      tpu.wait_indirect_dma semaphore(%arg29 : memref<!tpu.dma_semaphore, #tpu.memory_space<semaphore_mem>>) src(%arg25 : memref<512x16xf32, #tpu.memory_space<vmem>>) dst(%dma_wait3A_76 : memref<100352x16xf32, #tpu.memory_space<vmem_shared>>)
      %barrier3A_77 = arith.constant 0 : index
      tpu.barrier barrier_id(%barrier3A_77)
      %mul3A_78 = arith.constant 6272 : i32
      %mul3A_79 = arith.muli %arg1, %mul3A_78 : i32
      %mul3A_80 = arith.constant 6272 : i32
      %mul3A_81 = arith.muli %arg1, %mul3A_80 : i32
      "tpu.region"() ({
        %run_scoped3A = tpu.sem_alloc : memref<!tpu.dma_semaphore, #tpu.memory_space<semaphore_mem>>
        %dma_start3A_83 = arith.constant 0 : i32
        %dma_start3A_84 = tpu.memref_slice %arg14[%mul3A_81, %dma_start3A_83] : memref<100352x16xf32, #tpu.memory_space<hbm>> -> memref<6272x16xf32, #tpu.memory_space<hbm>>
        %dma_start3A_85 = arith.constant 0 : i32
        %dma_start3A_86 = tpu.memref_slice %arg15[%mul3A_79, %dma_start3A_85] : memref<100352x16xf32, #tpu.memory_space<vmem_shared>> -> memref<6272x16xf32, #tpu.memory_space<vmem_shared>>
        tpu.enqueue_dma source(%dma_start3A_86 : memref<6272x16xf32, #tpu.memory_space<vmem_shared>>) target(%dma_start3A_84 : memref<6272x16xf32, #tpu.memory_space<hbm>>) target_semaphore(%run_scoped3A : memref<!tpu.dma_semaphore, #tpu.memory_space<semaphore_mem>>)
        %dma_wait3A_87 = arith.constant 0 : i32
        %dma_wait3A_88 = tpu.memref_slice %arg14[%mul3A_81, %dma_wait3A_87] : memref<100352x16xf32, #tpu.memory_space<hbm>> -> memref<6272x16xf32, #tpu.memory_space<hbm>>
        %dma_wait3A_89 = arith.constant 0 : i32
        %dma_wait3A_90 = tpu.memref_slice %arg15[%mul3A_79, %dma_wait3A_89] : memref<100352x16xf32, #tpu.memory_space<vmem_shared>> -> memref<6272x16xf32, #tpu.memory_space<vmem_shared>>
        tpu.wait_dma2 semaphore(%run_scoped3A : memref<!tpu.dma_semaphore, #tpu.memory_space<semaphore_mem>>) src(%dma_wait3A_90 : memref<6272x16xf32, #tpu.memory_space<vmem_shared>>) dst(%dma_wait3A_88 : memref<6272x16xf32, #tpu.memory_space<hbm>>)
        tpu.yield
      }) : () -> ()
      %barrier3A_82 = arith.constant 0 : index
      tpu.barrier barrier_id(%barrier3A_82)
    } else {
    }
    return
  }
}

#map = affine_map<(d0, d1) -> (0)>
#map1 = affine_map<(d0, d1) -> (0, 0)>
module attributes {stable_mosaic.version = 14 : i64} {
  func.func @_sc_deg(%arg0: i32, %arg1: i32, %arg2: memref<1605632xi32, #tpu.memory_space<hbm>>, %arg3: memref<1605632xi32, #tpu.memory_space<hbm>>, %arg4: memref<1024x16xf32, #tpu.memory_space<hbm>>, %arg5: memref<6272x16xf32, #tpu.memory_space<hbm>>, %arg6: memref<100352x16xf32, #tpu.memory_space<hbm>>, %arg7: memref<100352x16xf32, #tpu.memory_space<hbm>>, %arg8: memref<100352x16xf32, #tpu.memory_space<vmem_shared>>, %arg9: memref<1024xi32, #tpu.memory_space<vmem>>, %arg10: memref<1024x16xf32, #tpu.memory_space<vmem>>, %arg11: memref<!tpu.dma_semaphore, #tpu.memory_space<semaphore_mem>>) attributes {dimension_semantics = [#tpu.dimension_semantics<core_parallel>, #tpu.dimension_semantics<subcore_parallel>], iteration_bounds = array<i64: 2, 16>, scalar_prefetch = 0 : i64, scratch_operands = 4 : i64, tpu.core_type = #tpu.core_type<sc_vector_subcore>, window_params = [{transform_indices = #map}, {transform_indices = #map}, {transform_indices = #map1}, {transform_indices = #map1}, {transform_indices = #map1}, {transform_indices = #map1}]} {
    "tpu.region"() ({
      %run_scoped3A = tpu.sem_alloc : memref<!tpu.dma_semaphore, #tpu.memory_space<semaphore_mem>>
      tpu.enqueue_dma source(%arg4 : memref<1024x16xf32, #tpu.memory_space<hbm>>) target(%arg10 : memref<1024x16xf32, #tpu.memory_space<vmem>>) target_semaphore(%run_scoped3A : memref<!tpu.dma_semaphore, #tpu.memory_space<semaphore_mem>>)
      tpu.wait_dma2 semaphore(%run_scoped3A : memref<!tpu.dma_semaphore, #tpu.memory_space<semaphore_mem>>) src(%arg4 : memref<1024x16xf32, #tpu.memory_space<hbm>>) dst(%arg10 : memref<1024x16xf32, #tpu.memory_space<vmem>>)
      tpu.yield
    }) : () -> ()
    %eq3A = arith.constant 0 : i32
    %eq3A_0 = arith.cmpi eq, %arg0, %eq3A : i32
    %convert_element_type3A = arith.extui %eq3A_0 : i1 to i32
    %cond3A = arith.constant 0 : i32
    %cond3A_1 = arith.cmpi ne, %convert_element_type3A, %cond3A : i32
    scf.if %cond3A_1 {
      %mul3A = arith.constant 6272 : i32
      %mul3A_7 = arith.muli %arg1, %mul3A : i32
      "tpu.region"() ({
        %run_scoped3A = tpu.sem_alloc : memref<!tpu.dma_semaphore, #tpu.memory_space<semaphore_mem>>
        %dma_start3A = arith.constant 0 : i32
        %dma_start3A_20 = tpu.memref_slice %arg8[%mul3A_7, %dma_start3A] : memref<100352x16xf32, #tpu.memory_space<vmem_shared>> -> memref<6272x16xf32, #tpu.memory_space<vmem_shared>>
        tpu.enqueue_dma source(%arg5 : memref<6272x16xf32, #tpu.memory_space<hbm>>) target(%dma_start3A_20 : memref<6272x16xf32, #tpu.memory_space<vmem_shared>>) target_semaphore(%run_scoped3A : memref<!tpu.dma_semaphore, #tpu.memory_space<semaphore_mem>>)
        %dma_wait3A = arith.constant 0 : i32
        %dma_wait3A_21 = tpu.memref_slice %arg8[%mul3A_7, %dma_wait3A] : memref<100352x16xf32, #tpu.memory_space<vmem_shared>> -> memref<6272x16xf32, #tpu.memory_space<vmem_shared>>
        tpu.wait_dma2 semaphore(%run_scoped3A : memref<!tpu.dma_semaphore, #tpu.memory_space<semaphore_mem>>) src(%arg5 : memref<6272x16xf32, #tpu.memory_space<hbm>>) dst(%dma_wait3A_21 : memref<6272x16xf32, #tpu.memory_space<vmem_shared>>)
        tpu.yield
      }) : () -> ()
      %barrier3A = arith.constant 0 : index
      tpu.barrier barrier_id(%barrier3A)
      %mul3A_8 = arith.constant 100352 : i32
      %mul3A_9 = arith.muli %arg1, %mul3A_8 : i32
      %scan3A = arith.constant 0 : i32
      %scan3A_10 = arith.constant 0 : i32
      %scan3A_11 = arith.constant 98 : i32
      %scan3A_12 = arith.addi %scan3A_10, %scan3A_11 : i32
      %scan3A_13 = arith.constant 1 : i32
      scf.for %scan3A_20 = %scan3A_10 to %scan3A_12 step %scan3A_13  : i32 {
        %mul3A_21 = arith.constant 1024 : i32
        %mul3A_22 = arith.muli %scan3A_20, %mul3A_21 : i32
        %add3A = arith.addi %mul3A_9, %mul3A_22 : i32
        "tpu.region"() ({
          %run_scoped3A = tpu.sem_alloc : memref<!tpu.dma_semaphore, #tpu.memory_space<semaphore_mem>>
          %dma_start3A_27 = tpu.memref_slice %arg2[%add3A] : memref<1605632xi32, #tpu.memory_space<hbm>> -> memref<1024xi32, #tpu.memory_space<hbm>>
          %dma_start3A_28 = tpu.memref_slice %arg2[%add3A] : memref<1605632xi32, #tpu.memory_space<hbm>> -> memref<1024xi32, #tpu.memory_space<hbm>>
          tpu.enqueue_dma source(%dma_start3A_28 : memref<1024xi32, #tpu.memory_space<hbm>>) target(%arg9 : memref<1024xi32, #tpu.memory_space<vmem>>) target_semaphore(%run_scoped3A : memref<!tpu.dma_semaphore, #tpu.memory_space<semaphore_mem>>)
          %dma_wait3A_29 = tpu.memref_slice %arg2[%add3A] : memref<1605632xi32, #tpu.memory_space<hbm>> -> memref<1024xi32, #tpu.memory_space<hbm>>
          %dma_wait3A_30 = tpu.memref_slice %arg2[%add3A] : memref<1605632xi32, #tpu.memory_space<hbm>> -> memref<1024xi32, #tpu.memory_space<hbm>>
          tpu.wait_dma2 semaphore(%run_scoped3A : memref<!tpu.dma_semaphore, #tpu.memory_space<semaphore_mem>>) src(%dma_wait3A_30 : memref<1024xi32, #tpu.memory_space<hbm>>) dst(%arg9 : memref<1024xi32, #tpu.memory_space<vmem>>)
          tpu.yield
        }) : () -> ()
        %dma_start3A = arith.constant 0 : i32
        %dma_start3A_23 = arith.constant 0 : i32
        %dma_start3A_24 = tpu.memref_slice %arg8[%dma_start3A, %dma_start3A_23] : memref<100352x16xf32, #tpu.memory_space<vmem_shared>> -> memref<100352x16xf32, #tpu.memory_space<vmem_shared>>
        tpu.enqueue_indirect_dma source(%arg10 : memref<1024x16xf32, #tpu.memory_space<vmem>>) target(%dma_start3A_24 : memref<100352x16xf32, #tpu.memory_space<vmem_shared>>) offsets(%arg9 : memref<1024xi32, #tpu.memory_space<vmem>>) semaphore(%arg11 : memref<!tpu.dma_semaphore, #tpu.memory_space<semaphore_mem>>) {add = true}
        %dma_wait3A = arith.constant 0 : i32
        %dma_wait3A_25 = arith.constant 0 : i32
        %dma_wait3A_26 = tpu.memref_slice %arg8[%dma_wait3A, %dma_wait3A_25] : memref<100352x16xf32, #tpu.memory_space<vmem_shared>> -> memref<100352x16xf32, #tpu.memory_space<vmem_shared>>
        tpu.wait_indirect_dma semaphore(%arg11 : memref<!tpu.dma_semaphore, #tpu.memory_space<semaphore_mem>>) src(%arg10 : memref<1024x16xf32, #tpu.memory_space<vmem>>) dst(%dma_wait3A_26 : memref<100352x16xf32, #tpu.memory_space<vmem_shared>>)
      }
      %scan3A_14 = arith.constant 98 : i32
      %barrier3A_15 = arith.constant 0 : index
      tpu.barrier barrier_id(%barrier3A_15)
      %mul3A_16 = arith.constant 6272 : i32
      %mul3A_17 = arith.muli %arg1, %mul3A_16 : i32
      %mul3A_18 = arith.constant 6272 : i32
      %mul3A_19 = arith.muli %arg1, %mul3A_18 : i32
      "tpu.region"() ({
        %run_scoped3A = tpu.sem_alloc : memref<!tpu.dma_semaphore, #tpu.memory_space<semaphore_mem>>
        %dma_start3A = arith.constant 0 : i32
        %dma_start3A_20 = tpu.memref_slice %arg6[%mul3A_19, %dma_start3A] : memref<100352x16xf32, #tpu.memory_space<hbm>> -> memref<6272x16xf32, #tpu.memory_space<hbm>>
        %dma_start3A_21 = arith.constant 0 : i32
        %dma_start3A_22 = tpu.memref_slice %arg8[%mul3A_17, %dma_start3A_21] : memref<100352x16xf32, #tpu.memory_space<vmem_shared>> -> memref<6272x16xf32, #tpu.memory_space<vmem_shared>>
        tpu.enqueue_dma source(%dma_start3A_22 : memref<6272x16xf32, #tpu.memory_space<vmem_shared>>) target(%dma_start3A_20 : memref<6272x16xf32, #tpu.memory_space<hbm>>) target_semaphore(%run_scoped3A : memref<!tpu.dma_semaphore, #tpu.memory_space<semaphore_mem>>)
        %dma_wait3A = arith.constant 0 : i32
        %dma_wait3A_23 = tpu.memref_slice %arg6[%mul3A_19, %dma_wait3A] : memref<100352x16xf32, #tpu.memory_space<hbm>> -> memref<6272x16xf32, #tpu.memory_space<hbm>>
        %dma_wait3A_24 = arith.constant 0 : i32
        %dma_wait3A_25 = tpu.memref_slice %arg8[%mul3A_17, %dma_wait3A_24] : memref<100352x16xf32, #tpu.memory_space<vmem_shared>> -> memref<6272x16xf32, #tpu.memory_space<vmem_shared>>
        tpu.wait_dma2 semaphore(%run_scoped3A : memref<!tpu.dma_semaphore, #tpu.memory_space<semaphore_mem>>) src(%dma_wait3A_25 : memref<6272x16xf32, #tpu.memory_space<vmem_shared>>) dst(%dma_wait3A_23 : memref<6272x16xf32, #tpu.memory_space<hbm>>)
        tpu.yield
      }) : () -> ()
    } else {
    }
    %eq3A_2 = arith.constant 1 : i32
    %eq3A_3 = arith.cmpi eq, %arg0, %eq3A_2 : i32
    %convert_element_type3A_4 = arith.extui %eq3A_3 : i1 to i32
    %cond3A_5 = arith.constant 0 : i32
    %cond3A_6 = arith.cmpi ne, %convert_element_type3A_4, %cond3A_5 : i32
    scf.if %cond3A_6 {
      %mul3A = arith.constant 6272 : i32
      %mul3A_7 = arith.muli %arg1, %mul3A : i32
      "tpu.region"() ({
        %run_scoped3A = tpu.sem_alloc : memref<!tpu.dma_semaphore, #tpu.memory_space<semaphore_mem>>
        %dma_start3A = arith.constant 0 : i32
        %dma_start3A_20 = tpu.memref_slice %arg8[%mul3A_7, %dma_start3A] : memref<100352x16xf32, #tpu.memory_space<vmem_shared>> -> memref<6272x16xf32, #tpu.memory_space<vmem_shared>>
        tpu.enqueue_dma source(%arg5 : memref<6272x16xf32, #tpu.memory_space<hbm>>) target(%dma_start3A_20 : memref<6272x16xf32, #tpu.memory_space<vmem_shared>>) target_semaphore(%run_scoped3A : memref<!tpu.dma_semaphore, #tpu.memory_space<semaphore_mem>>)
        %dma_wait3A = arith.constant 0 : i32
        %dma_wait3A_21 = tpu.memref_slice %arg8[%mul3A_7, %dma_wait3A] : memref<100352x16xf32, #tpu.memory_space<vmem_shared>> -> memref<6272x16xf32, #tpu.memory_space<vmem_shared>>
        tpu.wait_dma2 semaphore(%run_scoped3A : memref<!tpu.dma_semaphore, #tpu.memory_space<semaphore_mem>>) src(%arg5 : memref<6272x16xf32, #tpu.memory_space<hbm>>) dst(%dma_wait3A_21 : memref<6272x16xf32, #tpu.memory_space<vmem_shared>>)
        tpu.yield
      }) : () -> ()
      %barrier3A = arith.constant 0 : index
      tpu.barrier barrier_id(%barrier3A)
      %mul3A_8 = arith.constant 100352 : i32
      %mul3A_9 = arith.muli %arg1, %mul3A_8 : i32
      %scan3A = arith.constant 0 : i32
      %scan3A_10 = arith.constant 0 : i32
      %scan3A_11 = arith.constant 98 : i32
      %scan3A_12 = arith.addi %scan3A_10, %scan3A_11 : i32
      %scan3A_13 = arith.constant 1 : i32
      scf.for %scan3A_20 = %scan3A_10 to %scan3A_12 step %scan3A_13  : i32 {
        %mul3A_21 = arith.constant 1024 : i32
        %mul3A_22 = arith.muli %scan3A_20, %mul3A_21 : i32
        %add3A = arith.addi %mul3A_9, %mul3A_22 : i32
        "tpu.region"() ({
          %run_scoped3A = tpu.sem_alloc : memref<!tpu.dma_semaphore, #tpu.memory_space<semaphore_mem>>
          %dma_start3A_27 = tpu.memref_slice %arg3[%add3A] : memref<1605632xi32, #tpu.memory_space<hbm>> -> memref<1024xi32, #tpu.memory_space<hbm>>
          %dma_start3A_28 = tpu.memref_slice %arg3[%add3A] : memref<1605632xi32, #tpu.memory_space<hbm>> -> memref<1024xi32, #tpu.memory_space<hbm>>
          tpu.enqueue_dma source(%dma_start3A_28 : memref<1024xi32, #tpu.memory_space<hbm>>) target(%arg9 : memref<1024xi32, #tpu.memory_space<vmem>>) target_semaphore(%run_scoped3A : memref<!tpu.dma_semaphore, #tpu.memory_space<semaphore_mem>>)
          %dma_wait3A_29 = tpu.memref_slice %arg3[%add3A] : memref<1605632xi32, #tpu.memory_space<hbm>> -> memref<1024xi32, #tpu.memory_space<hbm>>
          %dma_wait3A_30 = tpu.memref_slice %arg3[%add3A] : memref<1605632xi32, #tpu.memory_space<hbm>> -> memref<1024xi32, #tpu.memory_space<hbm>>
          tpu.wait_dma2 semaphore(%run_scoped3A : memref<!tpu.dma_semaphore, #tpu.memory_space<semaphore_mem>>) src(%dma_wait3A_30 : memref<1024xi32, #tpu.memory_space<hbm>>) dst(%arg9 : memref<1024xi32, #tpu.memory_space<vmem>>)
          tpu.yield
        }) : () -> ()
        %dma_start3A = arith.constant 0 : i32
        %dma_start3A_23 = arith.constant 0 : i32
        %dma_start3A_24 = tpu.memref_slice %arg8[%dma_start3A, %dma_start3A_23] : memref<100352x16xf32, #tpu.memory_space<vmem_shared>> -> memref<100352x16xf32, #tpu.memory_space<vmem_shared>>
        tpu.enqueue_indirect_dma source(%arg10 : memref<1024x16xf32, #tpu.memory_space<vmem>>) target(%dma_start3A_24 : memref<100352x16xf32, #tpu.memory_space<vmem_shared>>) offsets(%arg9 : memref<1024xi32, #tpu.memory_space<vmem>>) semaphore(%arg11 : memref<!tpu.dma_semaphore, #tpu.memory_space<semaphore_mem>>) {add = true}
        %dma_wait3A = arith.constant 0 : i32
        %dma_wait3A_25 = arith.constant 0 : i32
        %dma_wait3A_26 = tpu.memref_slice %arg8[%dma_wait3A, %dma_wait3A_25] : memref<100352x16xf32, #tpu.memory_space<vmem_shared>> -> memref<100352x16xf32, #tpu.memory_space<vmem_shared>>
        tpu.wait_indirect_dma semaphore(%arg11 : memref<!tpu.dma_semaphore, #tpu.memory_space<semaphore_mem>>) src(%arg10 : memref<1024x16xf32, #tpu.memory_space<vmem>>) dst(%dma_wait3A_26 : memref<100352x16xf32, #tpu.memory_space<vmem_shared>>)
      }
      %scan3A_14 = arith.constant 98 : i32
      %barrier3A_15 = arith.constant 0 : index
      tpu.barrier barrier_id(%barrier3A_15)
      %mul3A_16 = arith.constant 6272 : i32
      %mul3A_17 = arith.muli %arg1, %mul3A_16 : i32
      %mul3A_18 = arith.constant 6272 : i32
      %mul3A_19 = arith.muli %arg1, %mul3A_18 : i32
      "tpu.region"() ({
        %run_scoped3A = tpu.sem_alloc : memref<!tpu.dma_semaphore, #tpu.memory_space<semaphore_mem>>
        %dma_start3A = arith.constant 0 : i32
        %dma_start3A_20 = tpu.memref_slice %arg7[%mul3A_19, %dma_start3A] : memref<100352x16xf32, #tpu.memory_space<hbm>> -> memref<6272x16xf32, #tpu.memory_space<hbm>>
        %dma_start3A_21 = arith.constant 0 : i32
        %dma_start3A_22 = tpu.memref_slice %arg8[%mul3A_17, %dma_start3A_21] : memref<100352x16xf32, #tpu.memory_space<vmem_shared>> -> memref<6272x16xf32, #tpu.memory_space<vmem_shared>>
        tpu.enqueue_dma source(%dma_start3A_22 : memref<6272x16xf32, #tpu.memory_space<vmem_shared>>) target(%dma_start3A_20 : memref<6272x16xf32, #tpu.memory_space<hbm>>) target_semaphore(%run_scoped3A : memref<!tpu.dma_semaphore, #tpu.memory_space<semaphore_mem>>)
        %dma_wait3A = arith.constant 0 : i32
        %dma_wait3A_23 = tpu.memref_slice %arg7[%mul3A_19, %dma_wait3A] : memref<100352x16xf32, #tpu.memory_space<hbm>> -> memref<6272x16xf32, #tpu.memory_space<hbm>>
        %dma_wait3A_24 = arith.constant 0 : i32
        %dma_wait3A_25 = tpu.memref_slice %arg8[%mul3A_17, %dma_wait3A_24] : memref<100352x16xf32, #tpu.memory_space<vmem_shared>> -> memref<6272x16xf32, #tpu.memory_space<vmem_shared>>
        tpu.wait_dma2 semaphore(%run_scoped3A : memref<!tpu.dma_semaphore, #tpu.memory_space<semaphore_mem>>) src(%dma_wait3A_25 : memref<6272x16xf32, #tpu.memory_space<vmem_shared>>) dst(%dma_wait3A_23 : memref<6272x16xf32, #tpu.memory_space<hbm>>)
        tpu.yield
      }) : () -> ()
    } else {
    }
    return
  }
}

module attributes {stable_mosaic.version = 14 : i64} {
  func.func @_tcA_body(%arg0: i32, %arg1: memref<1568x256xf32, #tpu.memory_space<vmem>>, %arg2: memref<1568x256xf32, #tpu.memory_space<vmem>>, %arg3: memref<256x128xf32, #tpu.memory_space<vmem>>, %arg4: memref<256x128xf32, #tpu.memory_space<vmem>>, %arg5: memref<256x128xf32, #tpu.memory_space<vmem>>, %arg6: memref<256x128xf32, #tpu.memory_space<vmem>>, %arg7: memref<1568x128xf32, #tpu.memory_space<vmem>>, %arg8: memref<1568x128xf32, #tpu.memory_space<vmem>>, %arg9: memref<1568x128xf32, #tpu.memory_space<vmem>>, %arg10: memref<1568x128xf32, #tpu.memory_space<vmem>>) attributes {dimension_semantics = [#tpu.dimension_semantics<arbitrary>], iteration_bounds = array<i64: 8>, scalar_prefetch = 0 : i64, scratch_operands = 0 : i64, tpu.core_type = #tpu.core_type<tc>, window_params = [{transform_indices = @transform_0, window_bounds = array<i64: 1568, 256>}, {transform_indices = @transform_1, window_bounds = array<i64: 1568, 256>}, {pipeline_mode = #tpu.pipeline_mode<synchronous>, transform_indices = @transform_2, window_bounds = array<i64: 256, 128>}, {pipeline_mode = #tpu.pipeline_mode<synchronous>, transform_indices = @transform_3, window_bounds = array<i64: 256, 128>}, {pipeline_mode = #tpu.pipeline_mode<synchronous>, transform_indices = @transform_4, window_bounds = array<i64: 256, 128>}, {pipeline_mode = #tpu.pipeline_mode<synchronous>, transform_indices = @transform_5, window_bounds = array<i64: 256, 128>}, {transform_indices = @transform_6, window_bounds = array<i64: 1568, 128>}, {transform_indices = @transform_7, window_bounds = array<i64: 1568, 128>}, {transform_indices = @transform_8, window_bounds = array<i64: 1568, 128>}, {transform_indices = @transform_9, window_bounds = array<i64: 1568, 128>}]} {
    %get3A = arith.constant 0 : index
    %get3A_0 = arith.constant 0 : index
    %get3A_1 = vector.load %arg1[%get3A, %get3A_0] : memref<1568x256xf32, #tpu.memory_space<vmem>>, vector<1568x256xf32>
    %get3A_2 = arith.constant 0 : index
    %get3A_3 = arith.constant 0 : index
    %get3A_4 = vector.load %arg3[%get3A_2, %get3A_3] : memref<256x128xf32, #tpu.memory_space<vmem>>, vector<256x128xf32>
    %dot_general3A = arith.constant dense<0.000000e+00> : vector<1568x128xf32>
    %dot_general3A_5 = tpu.matmul %get3A_1, %get3A_4, %dot_general3A {dimension_numbers = #tpu.dot_dimension_numbers<[1], [0], [0], [1], [0, 0, 1, 1], [], []>, transpose_lhs_hint = false} : vector<1568x256xf32>, vector<256x128xf32>, vector<1568x128xf32> -> vector<1568x128xf32>
    %swap3A = arith.constant 0 : index
    %swap3A_6 = arith.constant 0 : index
    %swap3A_7 = vector.load %arg7[%swap3A, %swap3A_6] : memref<1568x128xf32, #tpu.memory_space<vmem>>, vector<1568x128xf32>
    tpu.vector_store %arg7[%swap3A, %swap3A_6], %dot_general3A_5 {strides = array<i32>} : memref<1568x128xf32, #tpu.memory_space<vmem>>, vector<1568x128xf32>,
    %get3A_8 = arith.constant 0 : index
    %get3A_9 = arith.constant 0 : index
    %get3A_10 = vector.load %arg1[%get3A_8, %get3A_9] : memref<1568x256xf32, #tpu.memory_space<vmem>>, vector<1568x256xf32>
    %get3A_11 = arith.constant 0 : index
    %get3A_12 = arith.constant 0 : index
    %get3A_13 = vector.load %arg4[%get3A_11, %get3A_12] : memref<256x128xf32, #tpu.memory_space<vmem>>, vector<256x128xf32>
    %dot_general3A_14 = arith.constant dense<0.000000e+00> : vector<1568x128xf32>
    %dot_general3A_15 = tpu.matmul %get3A_10, %get3A_13, %dot_general3A_14 {dimension_numbers = #tpu.dot_dimension_numbers<[1], [0], [0], [1], [0, 0, 1, 1], [], []>, transpose_lhs_hint = false} : vector<1568x256xf32>, vector<256x128xf32>, vector<1568x128xf32> -> vector<1568x128xf32>
    %swap3A_16 = arith.constant 0 : index
    %swap3A_17 = arith.constant 0 : index
    %swap3A_18 = vector.load %arg8[%swap3A_16, %swap3A_17] : memref<1568x128xf32, #tpu.memory_space<vmem>>, vector<1568x128xf32>
    tpu.vector_store %arg8[%swap3A_16, %swap3A_17], %dot_general3A_15 {strides = array<i32>} : memref<1568x128xf32, #tpu.memory_space<vmem>>, vector<1568x128xf32>,
    %get3A_19 = arith.constant 0 : index
    %get3A_20 = arith.constant 0 : index
    %get3A_21 = vector.load %arg2[%get3A_19, %get3A_20] : memref<1568x256xf32, #tpu.memory_space<vmem>>, vector<1568x256xf32>
    %get3A_22 = arith.constant 0 : index
    %get3A_23 = arith.constant 0 : index
    %get3A_24 = vector.load %arg5[%get3A_22, %get3A_23] : memref<256x128xf32, #tpu.memory_space<vmem>>, vector<256x128xf32>
    %dot_general3A_25 = arith.constant dense<0.000000e+00> : vector<1568x128xf32>
    %dot_general3A_26 = tpu.matmul %get3A_21, %get3A_24, %dot_general3A_25 {dimension_numbers = #tpu.dot_dimension_numbers<[1], [0], [0], [1], [0, 0, 1, 1], [], []>, transpose_lhs_hint = false} : vector<1568x256xf32>, vector<256x128xf32>, vector<1568x128xf32> -> vector<1568x128xf32>
    %swap3A_27 = arith.constant 0 : index
    %swap3A_28 = arith.constant 0 : index
    %swap3A_29 = vector.load %arg9[%swap3A_27, %swap3A_28] : memref<1568x128xf32, #tpu.memory_space<vmem>>, vector<1568x128xf32>
    tpu.vector_store %arg9[%swap3A_27, %swap3A_28], %dot_general3A_26 {strides = array<i32>} : memref<1568x128xf32, #tpu.memory_space<vmem>>, vector<1568x128xf32>,
    %get3A_30 = arith.constant 0 : index
    %get3A_31 = arith.constant 0 : index
    %get3A_32 = vector.load %arg2[%get3A_30, %get3A_31] : memref<1568x256xf32, #tpu.memory_space<vmem>>, vector<1568x256xf32>
    %get3A_33 = arith.constant 0 : index
    %get3A_34 = arith.constant 0 : index
    %get3A_35 = vector.load %arg6[%get3A_33, %get3A_34] : memref<256x128xf32, #tpu.memory_space<vmem>>, vector<256x128xf32>
    %dot_general3A_36 = arith.constant dense<0.000000e+00> : vector<1568x128xf32>
    %dot_general3A_37 = tpu.matmul %get3A_32, %get3A_35, %dot_general3A_36 {dimension_numbers = #tpu.dot_dimension_numbers<[1], [0], [0], [1], [0, 0, 1, 1], [], []>, transpose_lhs_hint = false} : vector<1568x256xf32>, vector<256x128xf32>, vector<1568x128xf32> -> vector<1568x128xf32>
    %swap3A_38 = arith.constant 0 : index
    %swap3A_39 = arith.constant 0 : index
    %swap3A_40 = vector.load %arg10[%swap3A_38, %swap3A_39] : memref<1568x128xf32, #tpu.memory_space<vmem>>, vector<1568x128xf32>
    tpu.vector_store %arg10[%swap3A_38, %swap3A_39], %dot_general3A_37 {strides = array<i32>} : memref<1568x128xf32, #tpu.memory_space<vmem>>, vector<1568x128xf32>,
    return
  }
  func.func @transform_0(%arg0: i32) -> (i32, i32) {
    %c0_i32 = arith.constant 0 : i32
    %c0_i32_0 = arith.constant 0 : i32
    return %arg0, %c0_i32 : i32, i32
  }
  func.func @transform_1(%arg0: i32) -> (i32, i32) {
    %c0_i32 = arith.constant 0 : i32
    %c0_i32_0 = arith.constant 0 : i32
    return %arg0, %c0_i32 : i32, i32
  }
  func.func @transform_2(%arg0: i32) -> (i32, i32) {
    %c0_i32 = arith.constant 0 : i32
    %c0_i32_0 = arith.constant 0 : i32
    %c0_i32_1 = arith.constant 0 : i32
    return %c0_i32, %c0_i32_0 : i32, i32
  }
  func.func @transform_3(%arg0: i32) -> (i32, i32) {
    %c0_i32 = arith.constant 0 : i32
    %c0_i32_0 = arith.constant 0 : i32
    %c0_i32_1 = arith.constant 0 : i32
    return %c0_i32, %c0_i32_0 : i32, i32
  }
  func.func @transform_4(%arg0: i32) -> (i32, i32) {
    %c0_i32 = arith.constant 0 : i32
    %c0_i32_0 = arith.constant 0 : i32
    %c0_i32_1 = arith.constant 0 : i32
    return %c0_i32, %c0_i32_0 : i32, i32
  }
  func.func @transform_5(%arg0: i32) -> (i32, i32) {
    %c0_i32 = arith.constant 0 : i32
    %c0_i32_0 = arith.constant 0 : i32
    %c0_i32_1 = arith.constant 0 : i32
    return %c0_i32, %c0_i32_0 : i32, i32
  }
  func.func @transform_6(%arg0: i32) -> (i32, i32) {
    %c0_i32 = arith.constant 0 : i32
    %c0_i32_0 = arith.constant 0 : i32
    return %arg0, %c0_i32 : i32, i32
  }
  func.func @transform_7(%arg0: i32) -> (i32, i32) {
    %c0_i32 = arith.constant 0 : i32
    %c0_i32_0 = arith.constant 0 : i32
    return %arg0, %c0_i32 : i32, i32
  }
  func.func @transform_8(%arg0: i32) -> (i32, i32) {
    %c0_i32 = arith.constant 0 : i32
    %c0_i32_0 = arith.constant 0 : i32
    return %arg0, %c0_i32 : i32, i32
  }
  func.func @transform_9(%arg0: i32) -> (i32, i32) {
    %c0_i32 = arith.constant 0 : i32
    %c0_i32_0 = arith.constant 0 : i32
    return %arg0, %c0_i32 : i32, i32
  }
}

module attributes {stable_mosaic.version = 14 : i64} {
  func.func @_tcB_body(%arg0: i32, %arg1: memref<1568x256xf32, #tpu.memory_space<vmem>>, %arg2: memref<1568x128xf32, #tpu.memory_space<vmem>>, %arg3: memref<1568x128xf32, #tpu.memory_space<vmem>>, %arg4: memref<1568x128xf32, #tpu.memory_space<vmem>>, %arg5: memref<256x256xf32, #tpu.memory_space<vmem>>, %arg6: memref<1x256xf32, #tpu.memory_space<vmem>>, %arg7: memref<256x128xf32, #tpu.memory_space<vmem>>, %arg8: memref<256x128xf32, #tpu.memory_space<vmem>>, %arg9: memref<1568x256xf32, #tpu.memory_space<vmem>>, %arg10: memref<1568x128xf32, #tpu.memory_space<vmem>>, %arg11: memref<1568x128xf32, #tpu.memory_space<vmem>>, %arg12: memref<1568x128xf32, #tpu.memory_space<vmem>>, %arg13: memref<256x256xf32, #tpu.memory_space<vmem>>, %arg14: memref<1x256xf32, #tpu.memory_space<vmem>>, %arg15: memref<256x128xf32, #tpu.memory_space<vmem>>, %arg16: memref<256x128xf32, #tpu.memory_space<vmem>>, %arg17: memref<128x256xf32, #tpu.memory_space<vmem>>, %arg18: memref<128x256xf32, #tpu.memory_space<vmem>>, %arg19: memref<1568x256xf32, #tpu.memory_space<vmem>>, %arg20: memref<1568x128xf32, #tpu.memory_space<vmem>>, %arg21: memref<1568x128xf32, #tpu.memory_space<vmem>>, %arg22: memref<1568x256xf32, #tpu.memory_space<vmem>>, %arg23: memref<1568x128xf32, #tpu.memory_space<vmem>>, %arg24: memref<1568x128xf32, #tpu.memory_space<vmem>>) attributes {dimension_semantics = [#tpu.dimension_semantics<arbitrary>], iteration_bounds = array<i64: 8>, scalar_prefetch = 0 : i64, scratch_operands = 0 : i64, tpu.core_type = #tpu.core_type<tc>, window_params = [{transform_indices = @transform_0, window_bounds = array<i64: 1568, 256>}, {transform_indices = @transform_1, window_bounds = array<i64: 1568, 128>}, {transform_indices = @transform_2, window_bounds = array<i64: 1568, 128>}, {transform_indices = @transform_3, window_bounds = array<i64: 1568, 128>}, {pipeline_mode = #tpu.pipeline_mode<synchronous>, transform_indices = @transform_4, window_bounds = array<i64: 256, 256>}, {pipeline_mode = #tpu.pipeline_mode<synchronous>, transform_indices = @transform_5, window_bounds = array<i64: 1, 256>}, {pipeline_mode = #tpu.pipeline_mode<synchronous>, transform_indices = @transform_6, window_bounds = array<i64: 256, 128>}, {pipeline_mode = #tpu.pipeline_mode<synchronous>, transform_indices = @transform_7, window_bounds = array<i64: 256, 128>}, {transform_indices = @transform_8, window_bounds = array<i64: 1568, 256>}, {transform_indices = @transform_9, window_bounds = array<i64: 1568, 128>}, {transform_indices = @transform_10, window_bounds = array<i64: 1568, 128>}, {transform_indices = @transform_11, window_bounds = array<i64: 1568, 128>}, {pipeline_mode = #tpu.pipeline_mode<synchronous>, transform_indices = @transform_12, window_bounds = array<i64: 256, 256>}, {pipeline_mode = #tpu.pipeline_mode<synchronous>, transform_indices = @transform_13, window_bounds = array<i64: 1, 256>}, {pipeline_mode = #tpu.pipeline_mode<synchronous>, transform_indices = @transform_14, window_bounds = array<i64: 256, 128>}, {pipeline_mode = #tpu.pipeline_mode<synchronous>, transform_indices = @transform_15, window_bounds = array<i64: 256, 128>}, {pipeline_mode = #tpu.pipeline_mode<synchronous>, transform_indices = @transform_16, window_bounds = array<i64: 128, 256>}, {pipeline_mode = #tpu.pipeline_mode<synchronous>, transform_indices = @transform_17, window_bounds = array<i64: 128, 256>}, {transform_indices = @transform_18, window_bounds = array<i64: 1568, 256>}, {transform_indices = @transform_19, window_bounds = array<i64: 1568, 128>}, {transform_indices = @transform_20, window_bounds = array<i64: 1568, 128>}, {transform_indices = @transform_21, window_bounds = array<i64: 1568, 256>}, {transform_indices = @transform_22, window_bounds = array<i64: 1568, 128>}, {transform_indices = @transform_23, window_bounds = array<i64: 1568, 128>}]} {
    %get3A = arith.constant 0 : index
    %get3A_0 = arith.constant 0 : index
    %get3A_1 = vector.load %arg1[%get3A, %get3A_0] : memref<1568x256xf32, #tpu.memory_space<vmem>>, vector<1568x256xf32>
    %get3A_2 = arith.constant 0 : index
    %get3A_3 = arith.constant 0 : index
    %get3A_4 = vector.load %arg5[%get3A_2, %get3A_3] : memref<256x256xf32, #tpu.memory_space<vmem>>, vector<256x256xf32>
    %dot_general3A = arith.constant dense<0.000000e+00> : vector<1568x256xf32>
    %dot_general3A_5 = tpu.matmul %get3A_1, %get3A_4, %dot_general3A {dimension_numbers = #tpu.dot_dimension_numbers<[1], [0], [0], [1], [0, 0, 1, 1], [], []>, transpose_lhs_hint = false} : vector<1568x256xf32>, vector<256x256xf32>, vector<1568x256xf32> -> vector<1568x256xf32>
    %get3A_6 = arith.constant 0 : index
    %get3A_7 = arith.constant 0 : index
    %get3A_8 = vector.load %arg2[%get3A_6, %get3A_7] : memref<1568x128xf32, #tpu.memory_space<vmem>>, vector<1568x128xf32>
    %get3A_9 = arith.constant 0 : index
    %get3A_10 = arith.constant 0 : index
    %get3A_11 = vector.load %arg3[%get3A_9, %get3A_10] : memref<1568x128xf32, #tpu.memory_space<vmem>>, vector<1568x128xf32>
    %get3A_12 = arith.constant 0 : index
    %get3A_13 = arith.constant 0 : index
    %get3A_14 = vector.load %arg4[%get3A_12, %get3A_13] : memref<1568x128xf32, #tpu.memory_space<vmem>>, vector<1568x128xf32>
    %get3A_15 = arith.constant 0 : index
    %get3A_16 = arith.constant 0 : index
    %get3A_17 = vector.load %arg17[%get3A_15, %get3A_16] : memref<128x256xf32, #tpu.memory_space<vmem>>, vector<128x256xf32>
    %get3A_18 = arith.constant 0 : index
    %get3A_19 = arith.constant 0 : index
    %get3A_20 = vector.load %arg18[%get3A_18, %get3A_19] : memref<128x256xf32, #tpu.memory_space<vmem>>, vector<128x256xf32>
    %max3A = arith.constant 1.000000e+00 : f32
    %max3A_21 = vector.broadcast %max3A : f32 to vector<1568x128xf32>
    %max3A_22 = arith.maximumf %get3A_14, %max3A_21 : vector<1568x128xf32>
    %div3A = arith.constant 1.000000e+00 : f32
    %div3A_23 = vector.broadcast %div3A : f32 to vector<1568x128xf32>
    %div3A_24 = arith.divf %div3A_23, %max3A_22 : vector<1568x128xf32>
    %mul3A = arith.mulf %get3A_8, %div3A_24 : vector<1568x128xf32>
    %dot_general3A_25 = arith.constant dense<0.000000e+00> : vector<1568x256xf32>
    %dot_general3A_26 = tpu.matmul %mul3A, %get3A_17, %dot_general3A_25 {dimension_numbers = #tpu.dot_dimension_numbers<[1], [0], [0], [1], [0, 0, 1, 1], [], []>, transpose_lhs_hint = false} : vector<1568x128xf32>, vector<128x256xf32>, vector<1568x256xf32> -> vector<1568x256xf32>
    %mul3A_27 = arith.mulf %get3A_11, %div3A_24 : vector<1568x128xf32>
    %dot_general3A_28 = arith.constant dense<0.000000e+00> : vector<1568x256xf32>
    %dot_general3A_29 = tpu.matmul %mul3A_27, %get3A_20, %dot_general3A_28 {dimension_numbers = #tpu.dot_dimension_numbers<[1], [0], [0], [1], [0, 0, 1, 1], [], []>, transpose_lhs_hint = false} : vector<1568x128xf32>, vector<128x256xf32>, vector<1568x256xf32> -> vector<1568x256xf32>
    %add3A = arith.addf %dot_general3A_26, %dot_general3A_29 : vector<1568x256xf32>
    %add3A_30 = arith.addf %dot_general3A_5, %add3A : vector<1568x256xf32>
    %get3A_31 = arith.constant 0 : index
    %get3A_32 = arith.constant 0 : index
    %get3A_33 = vector.load %arg6[%get3A_31, %get3A_32] : memref<1x256xf32, #tpu.memory_space<vmem>>, vector<1x256xf32>
    %add3A_34 = vector.broadcast %get3A_33 : vector<1x256xf32> to vector<1568x256xf32>
    %add3A_35 = arith.addf %add3A_30, %add3A_34 : vector<1568x256xf32>
    %max3A_36 = arith.constant 0.000000e+00 : f32
    %max3A_37 = vector.broadcast %max3A_36 : f32 to vector<1568x256xf32>
    %max3A_38 = arith.maximumf %add3A_35, %max3A_37 : vector<1568x256xf32>
    %swap3A = arith.constant 0 : index
    %swap3A_39 = arith.constant 0 : index
    %swap3A_40 = vector.load %arg19[%swap3A, %swap3A_39] : memref<1568x256xf32, #tpu.memory_space<vmem>>, vector<1568x256xf32>
    tpu.vector_store %arg19[%swap3A, %swap3A_39], %max3A_38 {strides = array<i32>} : memref<1568x256xf32, #tpu.memory_space<vmem>>, vector<1568x256xf32>,
    %get3A_41 = arith.constant 0 : index
    %get3A_42 = arith.constant 0 : index
    %get3A_43 = vector.load %arg7[%get3A_41, %get3A_42] : memref<256x128xf32, #tpu.memory_space<vmem>>, vector<256x128xf32>
    %dot_general3A_44 = arith.constant dense<0.000000e+00> : vector<1568x128xf32>
    %dot_general3A_45 = tpu.matmul %max3A_38, %get3A_43, %dot_general3A_44 {dimension_numbers = #tpu.dot_dimension_numbers<[1], [0], [0], [1], [0, 0, 1, 1], [], []>, transpose_lhs_hint = false} : vector<1568x256xf32>, vector<256x128xf32>, vector<1568x128xf32> -> vector<1568x128xf32>
    %swap3A_46 = arith.constant 0 : index
    %swap3A_47 = arith.constant 0 : index
    %swap3A_48 = vector.load %arg20[%swap3A_46, %swap3A_47] : memref<1568x128xf32, #tpu.memory_space<vmem>>, vector<1568x128xf32>
    tpu.vector_store %arg20[%swap3A_46, %swap3A_47], %dot_general3A_45 {strides = array<i32>} : memref<1568x128xf32, #tpu.memory_space<vmem>>, vector<1568x128xf32>,
    %get3A_49 = arith.constant 0 : index
    %get3A_50 = arith.constant 0 : index
    %get3A_51 = vector.load %arg8[%get3A_49, %get3A_50] : memref<256x128xf32, #tpu.memory_space<vmem>>, vector<256x128xf32>
    %dot_general3A_52 = arith.constant dense<0.000000e+00> : vector<1568x128xf32>
    %dot_general3A_53 = tpu.matmul %max3A_38, %get3A_51, %dot_general3A_52 {dimension_numbers = #tpu.dot_dimension_numbers<[1], [0], [0], [1], [0, 0, 1, 1], [], []>, transpose_lhs_hint = false} : vector<1568x256xf32>, vector<256x128xf32>, vector<1568x128xf32> -> vector<1568x128xf32>
    %swap3A_54 = arith.constant 0 : index
    %swap3A_55 = arith.constant 0 : index
    %swap3A_56 = vector.load %arg21[%swap3A_54, %swap3A_55] : memref<1568x128xf32, #tpu.memory_space<vmem>>, vector<1568x128xf32>
    tpu.vector_store %arg21[%swap3A_54, %swap3A_55], %dot_general3A_53 {strides = array<i32>} : memref<1568x128xf32, #tpu.memory_space<vmem>>, vector<1568x128xf32>,
    %get3A_57 = arith.constant 0 : index
    %get3A_58 = arith.constant 0 : index
    %get3A_59 = vector.load %arg9[%get3A_57, %get3A_58] : memref<1568x256xf32, #tpu.memory_space<vmem>>, vector<1568x256xf32>
    %get3A_60 = arith.constant 0 : index
    %get3A_61 = arith.constant 0 : index
    %get3A_62 = vector.load %arg13[%get3A_60, %get3A_61] : memref<256x256xf32, #tpu.memory_space<vmem>>, vector<256x256xf32>
    %dot_general3A_63 = arith.constant dense<0.000000e+00> : vector<1568x256xf32>
    %dot_general3A_64 = tpu.matmul %get3A_59, %get3A_62, %dot_general3A_63 {dimension_numbers = #tpu.dot_dimension_numbers<[1], [0], [0], [1], [0, 0, 1, 1], [], []>, transpose_lhs_hint = false} : vector<1568x256xf32>, vector<256x256xf32>, vector<1568x256xf32> -> vector<1568x256xf32>
    %get3A_65 = arith.constant 0 : index
    %get3A_66 = arith.constant 0 : index
    %get3A_67 = vector.load %arg10[%get3A_65, %get3A_66] : memref<1568x128xf32, #tpu.memory_space<vmem>>, vector<1568x128xf32>
    %get3A_68 = arith.constant 0 : index
    %get3A_69 = arith.constant 0 : index
    %get3A_70 = vector.load %arg11[%get3A_68, %get3A_69] : memref<1568x128xf32, #tpu.memory_space<vmem>>, vector<1568x128xf32>
    %get3A_71 = arith.constant 0 : index
    %get3A_72 = arith.constant 0 : index
    %get3A_73 = vector.load %arg12[%get3A_71, %get3A_72] : memref<1568x128xf32, #tpu.memory_space<vmem>>, vector<1568x128xf32>
    %get3A_74 = arith.constant 0 : index
    %get3A_75 = arith.constant 0 : index
    %get3A_76 = vector.load %arg17[%get3A_74, %get3A_75] : memref<128x256xf32, #tpu.memory_space<vmem>>, vector<128x256xf32>
    %get3A_77 = arith.constant 0 : index
    %get3A_78 = arith.constant 0 : index
    %get3A_79 = vector.load %arg18[%get3A_77, %get3A_78] : memref<128x256xf32, #tpu.memory_space<vmem>>, vector<128x256xf32>
    %max3A_80 = arith.constant 1.000000e+00 : f32
    %max3A_81 = vector.broadcast %max3A_80 : f32 to vector<1568x128xf32>
    %max3A_82 = arith.maximumf %get3A_73, %max3A_81 : vector<1568x128xf32>
    %div3A_83 = arith.constant 1.000000e+00 : f32
    %div3A_84 = vector.broadcast %div3A_83 : f32 to vector<1568x128xf32>
    %div3A_85 = arith.divf %div3A_84, %max3A_82 : vector<1568x128xf32>
    %mul3A_86 = arith.mulf %get3A_67, %div3A_85 : vector<1568x128xf32>
    %dot_general3A_87 = arith.constant dense<0.000000e+00> : vector<1568x256xf32>
    %dot_general3A_88 = tpu.matmul %mul3A_86, %get3A_76, %dot_general3A_87 {dimension_numbers = #tpu.dot_dimension_numbers<[1], [0], [0], [1], [0, 0, 1, 1], [], []>, transpose_lhs_hint = false} : vector<1568x128xf32>, vector<128x256xf32>, vector<1568x256xf32> -> vector<1568x256xf32>
    %mul3A_89 = arith.mulf %get3A_70, %div3A_85 : vector<1568x128xf32>
    %dot_general3A_90 = arith.constant dense<0.000000e+00> : vector<1568x256xf32>
    %dot_general3A_91 = tpu.matmul %mul3A_89, %get3A_79, %dot_general3A_90 {dimension_numbers = #tpu.dot_dimension_numbers<[1], [0], [0], [1], [0, 0, 1, 1], [], []>, transpose_lhs_hint = false} : vector<1568x128xf32>, vector<128x256xf32>, vector<1568x256xf32> -> vector<1568x256xf32>
    %add3A_92 = arith.addf %dot_general3A_88, %dot_general3A_91 : vector<1568x256xf32>
    %add3A_93 = arith.addf %dot_general3A_64, %add3A_92 : vector<1568x256xf32>
    %get3A_94 = arith.constant 0 : index
    %get3A_95 = arith.constant 0 : index
    %get3A_96 = vector.load %arg14[%get3A_94, %get3A_95] : memref<1x256xf32, #tpu.memory_space<vmem>>, vector<1x256xf32>
    %add3A_97 = vector.broadcast %get3A_96 : vector<1x256xf32> to vector<1568x256xf32>
    %add3A_98 = arith.addf %add3A_93, %add3A_97 : vector<1568x256xf32>
    %max3A_99 = arith.constant 0.000000e+00 : f32
    %max3A_100 = vector.broadcast %max3A_99 : f32 to vector<1568x256xf32>
    %max3A_101 = arith.maximumf %add3A_98, %max3A_100 : vector<1568x256xf32>
    %swap3A_102 = arith.constant 0 : index
    %swap3A_103 = arith.constant 0 : index
    %swap3A_104 = vector.load %arg22[%swap3A_102, %swap3A_103] : memref<1568x256xf32, #tpu.memory_space<vmem>>, vector<1568x256xf32>
    tpu.vector_store %arg22[%swap3A_102, %swap3A_103], %max3A_101 {strides = array<i32>} : memref<1568x256xf32, #tpu.memory_space<vmem>>, vector<1568x256xf32>,
    %get3A_105 = arith.constant 0 : index
    %get3A_106 = arith.constant 0 : index
    %get3A_107 = vector.load %arg15[%get3A_105, %get3A_106] : memref<256x128xf32, #tpu.memory_space<vmem>>, vector<256x128xf32>
    %dot_general3A_108 = arith.constant dense<0.000000e+00> : vector<1568x128xf32>
    %dot_general3A_109 = tpu.matmul %max3A_101, %get3A_107, %dot_general3A_108 {dimension_numbers = #tpu.dot_dimension_numbers<[1], [0], [0], [1], [0, 0, 1, 1], [], []>, transpose_lhs_hint = false} : vector<1568x256xf32>, vector<256x128xf32>, vector<1568x128xf32> -> vector<1568x128xf32>
    %swap3A_110 = arith.constant 0 : index
    %swap3A_111 = arith.constant 0 : index
    %swap3A_112 = vector.load %arg23[%swap3A_110, %swap3A_111] : memref<1568x128xf32, #tpu.memory_space<vmem>>, vector<1568x128xf32>
    tpu.vector_store %arg23[%swap3A_110, %swap3A_111], %dot_general3A_109 {strides = array<i32>} : memref<1568x128xf32, #tpu.memory_space<vmem>>, vector<1568x128xf32>,
    %get3A_113 = arith.constant 0 : index
    %get3A_114 = arith.constant 0 : index
    %get3A_115 = vector.load %arg16[%get3A_113, %get3A_114] : memref<256x128xf32, #tpu.memory_space<vmem>>, vector<256x128xf32>
    %dot_general3A_116 = arith.constant dense<0.000000e+00> : vector<1568x128xf32>
    %dot_general3A_117 = tpu.matmul %max3A_101, %get3A_115, %dot_general3A_116 {dimension_numbers = #tpu.dot_dimension_numbers<[1], [0], [0], [1], [0, 0, 1, 1], [], []>, transpose_lhs_hint = false} : vector<1568x256xf32>, vector<256x128xf32>, vector<1568x128xf32> -> vector<1568x128xf32>
    %swap3A_118 = arith.constant 0 : index
    %swap3A_119 = arith.constant 0 : index
    %swap3A_120 = vector.load %arg24[%swap3A_118, %swap3A_119] : memref<1568x128xf32, #tpu.memory_space<vmem>>, vector<1568x128xf32>
    tpu.vector_store %arg24[%swap3A_118, %swap3A_119], %dot_general3A_117 {strides = array<i32>} : memref<1568x128xf32, #tpu.memory_space<vmem>>, vector<1568x128xf32>,
    return
  }
  func.func @transform_0(%arg0: i32) -> (i32, i32) {
    %c0_i32 = arith.constant 0 : i32
    %c0_i32_0 = arith.constant 0 : i32
    return %arg0, %c0_i32 : i32, i32
  }
  func.func @transform_1(%arg0: i32) -> (i32, i32) {
    %c0_i32 = arith.constant 0 : i32
    %c0_i32_0 = arith.constant 0 : i32
    return %arg0, %c0_i32 : i32, i32
  }
  func.func @transform_2(%arg0: i32) -> (i32, i32) {
    %c0_i32 = arith.constant 0 : i32
    %c0_i32_0 = arith.constant 0 : i32
    return %arg0, %c0_i32 : i32, i32
  }
  func.func @transform_3(%arg0: i32) -> (i32, i32) {
    %c0_i32 = arith.constant 0 : i32
    %c0_i32_0 = arith.constant 0 : i32
    return %arg0, %c0_i32 : i32, i32
  }
  func.func @transform_4(%arg0: i32) -> (i32, i32) {
    %c0_i32 = arith.constant 0 : i32
    %c0_i32_0 = arith.constant 0 : i32
    %c0_i32_1 = arith.constant 0 : i32
    return %c0_i32, %c0_i32_0 : i32, i32
  }
  func.func @transform_5(%arg0: i32) -> (i32, i32) {
    %c0_i32 = arith.constant 0 : i32
    %c0_i32_0 = arith.constant 0 : i32
    %c0_i32_1 = arith.constant 0 : i32
    return %c0_i32, %c0_i32_0 : i32, i32
  }
  func.func @transform_6(%arg0: i32) -> (i32, i32) {
    %c0_i32 = arith.constant 0 : i32
    %c0_i32_0 = arith.constant 0 : i32
    %c0_i32_1 = arith.constant 0 : i32
    return %c0_i32, %c0_i32_0 : i32, i32
  }
  func.func @transform_7(%arg0: i32) -> (i32, i32) {
    %c0_i32 = arith.constant 0 : i32
    %c0_i32_0 = arith.constant 0 : i32
    %c0_i32_1 = arith.constant 0 : i32
    return %c0_i32, %c0_i32_0 : i32, i32
  }
  func.func @transform_8(%arg0: i32) -> (i32, i32) {
    %c0_i32 = arith.constant 0 : i32
    %c0_i32_0 = arith.constant 0 : i32
    return %arg0, %c0_i32 : i32, i32
  }
  func.func @transform_9(%arg0: i32) -> (i32, i32) {
    %c0_i32 = arith.constant 0 : i32
    %c0_i32_0 = arith.constant 0 : i32
    return %arg0, %c0_i32 : i32, i32
  }
  func.func @transform_10(%arg0: i32) -> (i32, i32) {
    %c0_i32 = arith.constant 0 : i32
    %c0_i32_0 = arith.constant 0 : i32
    return %arg0, %c0_i32 : i32, i32
  }
  func.func @transform_11(%arg0: i32) -> (i32, i32) {
    %c0_i32 = arith.constant 0 : i32
    %c0_i32_0 = arith.constant 0 : i32
    return %arg0, %c0_i32 : i32, i32
  }
  func.func @transform_12(%arg0: i32) -> (i32, i32) {
    %c0_i32 = arith.constant 0 : i32
    %c0_i32_0 = arith.constant 0 : i32
    %c0_i32_1 = arith.constant 0 : i32
    return %c0_i32, %c0_i32_0 : i32, i32
  }
  func.func @transform_13(%arg0: i32) -> (i32, i32) {
    %c0_i32 = arith.constant 0 : i32
    %c0_i32_0 = arith.constant 0 : i32
    %c0_i32_1 = arith.constant 0 : i32
    return %c0_i32, %c0_i32_0 : i32, i32
  }
  func.func @transform_14(%arg0: i32) -> (i32, i32) {
    %c0_i32 = arith.constant 0 : i32
    %c0_i32_0 = arith.constant 0 : i32
    %c0_i32_1 = arith.constant 0 : i32
    return %c0_i32, %c0_i32_0 : i32, i32
  }
  func.func @transform_15(%arg0: i32) -> (i32, i32) {
    %c0_i32 = arith.constant 0 : i32
    %c0_i32_0 = arith.constant 0 : i32
    %c0_i32_1 = arith.constant 0 : i32
    return %c0_i32, %c0_i32_0 : i32, i32
  }
  func.func @transform_16(%arg0: i32) -> (i32, i32) {
    %c0_i32 = arith.constant 0 : i32
    %c0_i32_0 = arith.constant 0 : i32
    %c0_i32_1 = arith.constant 0 : i32
    return %c0_i32, %c0_i32_0 : i32, i32
  }
  func.func @transform_17(%arg0: i32) -> (i32, i32) {
    %c0_i32 = arith.constant 0 : i32
    %c0_i32_0 = arith.constant 0 : i32
    %c0_i32_1 = arith.constant 0 : i32
    return %c0_i32, %c0_i32_0 : i32, i32
  }
  func.func @transform_18(%arg0: i32) -> (i32, i32) {
    %c0_i32 = arith.constant 0 : i32
    %c0_i32_0 = arith.constant 0 : i32
    return %arg0, %c0_i32 : i32, i32
  }
  func.func @transform_19(%arg0: i32) -> (i32, i32) {
    %c0_i32 = arith.constant 0 : i32
    %c0_i32_0 = arith.constant 0 : i32
    return %arg0, %c0_i32 : i32, i32
  }
  func.func @transform_20(%arg0: i32) -> (i32, i32) {
    %c0_i32 = arith.constant 0 : i32
    %c0_i32_0 = arith.constant 0 : i32
    return %arg0, %c0_i32 : i32, i32
  }
  func.func @transform_21(%arg0: i32) -> (i32, i32) {
    %c0_i32 = arith.constant 0 : i32
    %c0_i32_0 = arith.constant 0 : i32
    return %arg0, %c0_i32 : i32, i32
  }
  func.func @transform_22(%arg0: i32) -> (i32, i32) {
    %c0_i32 = arith.constant 0 : i32
    %c0_i32_0 = arith.constant 0 : i32
    return %arg0, %c0_i32 : i32, i32
  }
  func.func @transform_23(%arg0: i32) -> (i32, i32) {
    %c0_i32 = arith.constant 0 : i32
    %c0_i32_0 = arith.constant 0 : i32
    return %arg0, %c0_i32 : i32, i32
  }
}

module attributes {stable_mosaic.version = 14 : i64} {
  func.func @_tcC_body(%arg0: i32, %arg1: memref<1568x256xf32, #tpu.memory_space<vmem>>, %arg2: memref<1568x128xf32, #tpu.memory_space<vmem>>, %arg3: memref<1568x128xf32, #tpu.memory_space<vmem>>, %arg4: memref<1568x128xf32, #tpu.memory_space<vmem>>, %arg5: memref<256x256xf32, #tpu.memory_space<vmem>>, %arg6: memref<1x256xf32, #tpu.memory_space<vmem>>, %arg7: memref<1568x256xf32, #tpu.memory_space<vmem>>, %arg8: memref<1568x128xf32, #tpu.memory_space<vmem>>, %arg9: memref<1568x128xf32, #tpu.memory_space<vmem>>, %arg10: memref<1568x128xf32, #tpu.memory_space<vmem>>, %arg11: memref<256x256xf32, #tpu.memory_space<vmem>>, %arg12: memref<1x256xf32, #tpu.memory_space<vmem>>, %arg13: memref<128x256xf32, #tpu.memory_space<vmem>>, %arg14: memref<128x256xf32, #tpu.memory_space<vmem>>, %arg15: memref<1568x256xf32, #tpu.memory_space<vmem>>, %arg16: memref<1568x256xf32, #tpu.memory_space<vmem>>) attributes {dimension_semantics = [#tpu.dimension_semantics<arbitrary>], iteration_bounds = array<i64: 8>, scalar_prefetch = 0 : i64, scratch_operands = 0 : i64, tpu.core_type = #tpu.core_type<tc>, window_params = [{transform_indices = @transform_0, window_bounds = array<i64: 1568, 256>}, {transform_indices = @transform_1, window_bounds = array<i64: 1568, 128>}, {transform_indices = @transform_2, window_bounds = array<i64: 1568, 128>}, {transform_indices = @transform_3, window_bounds = array<i64: 1568, 128>}, {pipeline_mode = #tpu.pipeline_mode<synchronous>, transform_indices = @transform_4, window_bounds = array<i64: 256, 256>}, {pipeline_mode = #tpu.pipeline_mode<synchronous>, transform_indices = @transform_5, window_bounds = array<i64: 1, 256>}, {transform_indices = @transform_6, window_bounds = array<i64: 1568, 256>}, {transform_indices = @transform_7, window_bounds = array<i64: 1568, 128>}, {transform_indices = @transform_8, window_bounds = array<i64: 1568, 128>}, {transform_indices = @transform_9, window_bounds = array<i64: 1568, 128>}, {pipeline_mode = #tpu.pipeline_mode<synchronous>, transform_indices = @transform_10, window_bounds = array<i64: 256, 256>}, {pipeline_mode = #tpu.pipeline_mode<synchronous>, transform_indices = @transform_11, window_bounds = array<i64: 1, 256>}, {pipeline_mode = #tpu.pipeline_mode<synchronous>, transform_indices = @transform_12, window_bounds = array<i64: 128, 256>}, {pipeline_mode = #tpu.pipeline_mode<synchronous>, transform_indices = @transform_13, window_bounds = array<i64: 128, 256>}, {transform_indices = @transform_14, window_bounds = array<i64: 1568, 256>}, {transform_indices = @transform_15, window_bounds = array<i64: 1568, 256>}]} {
    %get3A = arith.constant 0 : index
    %get3A_0 = arith.constant 0 : index
    %get3A_1 = vector.load %arg1[%get3A, %get3A_0] : memref<1568x256xf32, #tpu.memory_space<vmem>>, vector<1568x256xf32>
    %get3A_2 = arith.constant 0 : index
    %get3A_3 = arith.constant 0 : index
    %get3A_4 = vector.load %arg5[%get3A_2, %get3A_3] : memref<256x256xf32, #tpu.memory_space<vmem>>, vector<256x256xf32>
    %dot_general3A = arith.constant dense<0.000000e+00> : vector<1568x256xf32>
    %dot_general3A_5 = tpu.matmul %get3A_1, %get3A_4, %dot_general3A {dimension_numbers = #tpu.dot_dimension_numbers<[1], [0], [0], [1], [0, 0, 1, 1], [], []>, transpose_lhs_hint = false} : vector<1568x256xf32>, vector<256x256xf32>, vector<1568x256xf32> -> vector<1568x256xf32>
    %get3A_6 = arith.constant 0 : index
    %get3A_7 = arith.constant 0 : index
    %get3A_8 = vector.load %arg2[%get3A_6, %get3A_7] : memref<1568x128xf32, #tpu.memory_space<vmem>>, vector<1568x128xf32>
    %get3A_9 = arith.constant 0 : index
    %get3A_10 = arith.constant 0 : index
    %get3A_11 = vector.load %arg3[%get3A_9, %get3A_10] : memref<1568x128xf32, #tpu.memory_space<vmem>>, vector<1568x128xf32>
    %get3A_12 = arith.constant 0 : index
    %get3A_13 = arith.constant 0 : index
    %get3A_14 = vector.load %arg4[%get3A_12, %get3A_13] : memref<1568x128xf32, #tpu.memory_space<vmem>>, vector<1568x128xf32>
    %get3A_15 = arith.constant 0 : index
    %get3A_16 = arith.constant 0 : index
    %get3A_17 = vector.load %arg13[%get3A_15, %get3A_16] : memref<128x256xf32, #tpu.memory_space<vmem>>, vector<128x256xf32>
    %get3A_18 = arith.constant 0 : index
    %get3A_19 = arith.constant 0 : index
    %get3A_20 = vector.load %arg14[%get3A_18, %get3A_19] : memref<128x256xf32, #tpu.memory_space<vmem>>, vector<128x256xf32>
    %max3A = arith.constant 1.000000e+00 : f32
    %max3A_21 = vector.broadcast %max3A : f32 to vector<1568x128xf32>
    %max3A_22 = arith.maximumf %get3A_14, %max3A_21 : vector<1568x128xf32>
    %div3A = arith.constant 1.000000e+00 : f32
    %div3A_23 = vector.broadcast %div3A : f32 to vector<1568x128xf32>
    %div3A_24 = arith.divf %div3A_23, %max3A_22 : vector<1568x128xf32>
    %mul3A = arith.mulf %get3A_8, %div3A_24 : vector<1568x128xf32>
    %dot_general3A_25 = arith.constant dense<0.000000e+00> : vector<1568x256xf32>
    %dot_general3A_26 = tpu.matmul %mul3A, %get3A_17, %dot_general3A_25 {dimension_numbers = #tpu.dot_dimension_numbers<[1], [0], [0], [1], [0, 0, 1, 1], [], []>, transpose_lhs_hint = false} : vector<1568x128xf32>, vector<128x256xf32>, vector<1568x256xf32> -> vector<1568x256xf32>
    %mul3A_27 = arith.mulf %get3A_11, %div3A_24 : vector<1568x128xf32>
    %dot_general3A_28 = arith.constant dense<0.000000e+00> : vector<1568x256xf32>
    %dot_general3A_29 = tpu.matmul %mul3A_27, %get3A_20, %dot_general3A_28 {dimension_numbers = #tpu.dot_dimension_numbers<[1], [0], [0], [1], [0, 0, 1, 1], [], []>, transpose_lhs_hint = false} : vector<1568x128xf32>, vector<128x256xf32>, vector<1568x256xf32> -> vector<1568x256xf32>
    %add3A = arith.addf %dot_general3A_26, %dot_general3A_29 : vector<1568x256xf32>
    %add3A_30 = arith.addf %dot_general3A_5, %add3A : vector<1568x256xf32>
    %get3A_31 = arith.constant 0 : index
    %get3A_32 = arith.constant 0 : index
    %get3A_33 = vector.load %arg6[%get3A_31, %get3A_32] : memref<1x256xf32, #tpu.memory_space<vmem>>, vector<1x256xf32>
    %add3A_34 = vector.broadcast %get3A_33 : vector<1x256xf32> to vector<1568x256xf32>
    %add3A_35 = arith.addf %add3A_30, %add3A_34 : vector<1568x256xf32>
    %swap3A = arith.constant 0 : index
    %swap3A_36 = arith.constant 0 : index
    %swap3A_37 = vector.load %arg15[%swap3A, %swap3A_36] : memref<1568x256xf32, #tpu.memory_space<vmem>>, vector<1568x256xf32>
    tpu.vector_store %arg15[%swap3A, %swap3A_36], %add3A_35 {strides = array<i32>} : memref<1568x256xf32, #tpu.memory_space<vmem>>, vector<1568x256xf32>,
    %get3A_38 = arith.constant 0 : index
    %get3A_39 = arith.constant 0 : index
    %get3A_40 = vector.load %arg7[%get3A_38, %get3A_39] : memref<1568x256xf32, #tpu.memory_space<vmem>>, vector<1568x256xf32>
    %get3A_41 = arith.constant 0 : index
    %get3A_42 = arith.constant 0 : index
    %get3A_43 = vector.load %arg11[%get3A_41, %get3A_42] : memref<256x256xf32, #tpu.memory_space<vmem>>, vector<256x256xf32>
    %dot_general3A_44 = arith.constant dense<0.000000e+00> : vector<1568x256xf32>
    %dot_general3A_45 = tpu.matmul %get3A_40, %get3A_43, %dot_general3A_44 {dimension_numbers = #tpu.dot_dimension_numbers<[1], [0], [0], [1], [0, 0, 1, 1], [], []>, transpose_lhs_hint = false} : vector<1568x256xf32>, vector<256x256xf32>, vector<1568x256xf32> -> vector<1568x256xf32>
    %get3A_46 = arith.constant 0 : index
    %get3A_47 = arith.constant 0 : index
    %get3A_48 = vector.load %arg8[%get3A_46, %get3A_47] : memref<1568x128xf32, #tpu.memory_space<vmem>>, vector<1568x128xf32>
    %get3A_49 = arith.constant 0 : index
    %get3A_50 = arith.constant 0 : index
    %get3A_51 = vector.load %arg9[%get3A_49, %get3A_50] : memref<1568x128xf32, #tpu.memory_space<vmem>>, vector<1568x128xf32>
    %get3A_52 = arith.constant 0 : index
    %get3A_53 = arith.constant 0 : index
    %get3A_54 = vector.load %arg10[%get3A_52, %get3A_53] : memref<1568x128xf32, #tpu.memory_space<vmem>>, vector<1568x128xf32>
    %get3A_55 = arith.constant 0 : index
    %get3A_56 = arith.constant 0 : index
    %get3A_57 = vector.load %arg13[%get3A_55, %get3A_56] : memref<128x256xf32, #tpu.memory_space<vmem>>, vector<128x256xf32>
    %get3A_58 = arith.constant 0 : index
    %get3A_59 = arith.constant 0 : index
    %get3A_60 = vector.load %arg14[%get3A_58, %get3A_59] : memref<128x256xf32, #tpu.memory_space<vmem>>, vector<128x256xf32>
    %max3A_61 = arith.constant 1.000000e+00 : f32
    %max3A_62 = vector.broadcast %max3A_61 : f32 to vector<1568x128xf32>
    %max3A_63 = arith.maximumf %get3A_54, %max3A_62 : vector<1568x128xf32>
    %div3A_64 = arith.constant 1.000000e+00 : f32
    %div3A_65 = vector.broadcast %div3A_64 : f32 to vector<1568x128xf32>
    %div3A_66 = arith.divf %div3A_65, %max3A_63 : vector<1568x128xf32>
    %mul3A_67 = arith.mulf %get3A_48, %div3A_66 : vector<1568x128xf32>
    %dot_general3A_68 = arith.constant dense<0.000000e+00> : vector<1568x256xf32>
    %dot_general3A_69 = tpu.matmul %mul3A_67, %get3A_57, %dot_general3A_68 {dimension_numbers = #tpu.dot_dimension_numbers<[1], [0], [0], [1], [0, 0, 1, 1], [], []>, transpose_lhs_hint = false} : vector<1568x128xf32>, vector<128x256xf32>, vector<1568x256xf32> -> vector<1568x256xf32>
    %mul3A_70 = arith.mulf %get3A_51, %div3A_66 : vector<1568x128xf32>
    %dot_general3A_71 = arith.constant dense<0.000000e+00> : vector<1568x256xf32>
    %dot_general3A_72 = tpu.matmul %mul3A_70, %get3A_60, %dot_general3A_71 {dimension_numbers = #tpu.dot_dimension_numbers<[1], [0], [0], [1], [0, 0, 1, 1], [], []>, transpose_lhs_hint = false} : vector<1568x128xf32>, vector<128x256xf32>, vector<1568x256xf32> -> vector<1568x256xf32>
    %add3A_73 = arith.addf %dot_general3A_69, %dot_general3A_72 : vector<1568x256xf32>
    %add3A_74 = arith.addf %dot_general3A_45, %add3A_73 : vector<1568x256xf32>
    %get3A_75 = arith.constant 0 : index
    %get3A_76 = arith.constant 0 : index
    %get3A_77 = vector.load %arg12[%get3A_75, %get3A_76] : memref<1x256xf32, #tpu.memory_space<vmem>>, vector<1x256xf32>
    %add3A_78 = vector.broadcast %get3A_77 : vector<1x256xf32> to vector<1568x256xf32>
    %add3A_79 = arith.addf %add3A_74, %add3A_78 : vector<1568x256xf32>
    %swap3A_80 = arith.constant 0 : index
    %swap3A_81 = arith.constant 0 : index
    %swap3A_82 = vector.load %arg16[%swap3A_80, %swap3A_81] : memref<1568x256xf32, #tpu.memory_space<vmem>>, vector<1568x256xf32>
    tpu.vector_store %arg16[%swap3A_80, %swap3A_81], %add3A_79 {strides = array<i32>} : memref<1568x256xf32, #tpu.memory_space<vmem>>, vector<1568x256xf32>,
    return
  }
  func.func @transform_0(%arg0: i32) -> (i32, i32) {
    %c0_i32 = arith.constant 0 : i32
    %c0_i32_0 = arith.constant 0 : i32
    return %arg0, %c0_i32 : i32, i32
  }
  func.func @transform_1(%arg0: i32) -> (i32, i32) {
    %c0_i32 = arith.constant 0 : i32
    %c0_i32_0 = arith.constant 0 : i32
    return %arg0, %c0_i32 : i32, i32
  }
  func.func @transform_2(%arg0: i32) -> (i32, i32) {
    %c0_i32 = arith.constant 0 : i32
    %c0_i32_0 = arith.constant 0 : i32
    return %arg0, %c0_i32 : i32, i32
  }
  func.func @transform_3(%arg0: i32) -> (i32, i32) {
    %c0_i32 = arith.constant 0 : i32
    %c0_i32_0 = arith.constant 0 : i32
    return %arg0, %c0_i32 : i32, i32
  }
  func.func @transform_4(%arg0: i32) -> (i32, i32) {
    %c0_i32 = arith.constant 0 : i32
    %c0_i32_0 = arith.constant 0 : i32
    %c0_i32_1 = arith.constant 0 : i32
    return %c0_i32, %c0_i32_0 : i32, i32
  }
  func.func @transform_5(%arg0: i32) -> (i32, i32) {
    %c0_i32 = arith.constant 0 : i32
    %c0_i32_0 = arith.constant 0 : i32
    %c0_i32_1 = arith.constant 0 : i32
    return %c0_i32, %c0_i32_0 : i32, i32
  }
  func.func @transform_6(%arg0: i32) -> (i32, i32) {
    %c0_i32 = arith.constant 0 : i32
    %c0_i32_0 = arith.constant 0 : i32
    return %arg0, %c0_i32 : i32, i32
  }
  func.func @transform_7(%arg0: i32) -> (i32, i32) {
    %c0_i32 = arith.constant 0 : i32
    %c0_i32_0 = arith.constant 0 : i32
    return %arg0, %c0_i32 : i32, i32
  }
  func.func @transform_8(%arg0: i32) -> (i32, i32) {
    %c0_i32 = arith.constant 0 : i32
    %c0_i32_0 = arith.constant 0 : i32
    return %arg0, %c0_i32 : i32, i32
  }
  func.func @transform_9(%arg0: i32) -> (i32, i32) {
    %c0_i32 = arith.constant 0 : i32
    %c0_i32_0 = arith.constant 0 : i32
    return %arg0, %c0_i32 : i32, i32
  }
  func.func @transform_10(%arg0: i32) -> (i32, i32) {
    %c0_i32 = arith.constant 0 : i32
    %c0_i32_0 = arith.constant 0 : i32
    %c0_i32_1 = arith.constant 0 : i32
    return %c0_i32, %c0_i32_0 : i32, i32
  }
  func.func @transform_11(%arg0: i32) -> (i32, i32) {
    %c0_i32 = arith.constant 0 : i32
    %c0_i32_0 = arith.constant 0 : i32
    %c0_i32_1 = arith.constant 0 : i32
    return %c0_i32, %c0_i32_0 : i32, i32
  }
  func.func @transform_12(%arg0: i32) -> (i32, i32) {
    %c0_i32 = arith.constant 0 : i32
    %c0_i32_0 = arith.constant 0 : i32
    %c0_i32_1 = arith.constant 0 : i32
    return %c0_i32, %c0_i32_0 : i32, i32
  }
  func.func @transform_13(%arg0: i32) -> (i32, i32) {
    %c0_i32 = arith.constant 0 : i32
    %c0_i32_0 = arith.constant 0 : i32
    %c0_i32_1 = arith.constant 0 : i32
    return %c0_i32, %c0_i32_0 : i32, i32
  }
  func.func @transform_14(%arg0: i32) -> (i32, i32) {
    %c0_i32 = arith.constant 0 : i32
    %c0_i32_0 = arith.constant 0 : i32
    return %arg0, %c0_i32 : i32, i32
  }
  func.func @transform_15(%arg0: i32) -> (i32, i32) {
    %c0_i32 = arith.constant 0 : i32
    %c0_i32_0 = arith.constant 0 : i32
    return %arg0, %c0_i32 : i32, i32
  }
}

</mosaic_0001>

<sc_bundles>
// kernel: kernel.11.cloned.1.call-start
scs
__scs_entry_jumppad:
0x0: {  	(pc) =	sbr.rel $0x88, $3  }
0x1: {  	(tag) =	ssettag $0x0;
	lr =	simm.s32 $0x1  }
0x2: {  	[smem:$0x3F91] =	sst lr;
	_ =	strace $0xD0000000  }
0x3: {  	_ = 	snop  }
0x4: {  	_ = 	snop  }
0x5: {  	_ = 	snop  }
0x6: {  	_ = 	snop  }
0x7: {  	_ = 	snop  }
__scs_overlays_trampoline_lowered:
0x8: {  	[smem:$0x3FA0] =	sst s0  }
0x9: {  	[smem:$0x3FA1] =	sst s1  }
0xa: {  	[smem:$0x3FA2] =	sst s2  }
0xb: {  	[smem:$0x3FA3] =	sst s3  }
0xc: {  	[smem:$0x3FA4] =	sst s4  }
0xd: {  	[smem:$0x3FA5] =	sst s5  }
0xe: {  	[smem:$0x3FA6] =	sst s6  }
0xf: {  	[smem:$0x3FA7] =	sst s7  }
0x10: {  	[smem:$0x3FA8] =	sst s8  }
0x11: {  	[smem:$0x3FA9] =	sst s9;
	s0 =	simm.s32 @!p0 $0x0  }
0x12: {  	s1 =	sld [smem:$0x3F8F];
	s0 =	simm.s32 @p0 $0x1  }
0x13: {  	[smem:$0x3FAA] =	sst s0;
	s0 =	simm.s32 @!p1 $0x0  }
0x14: {  	s2 =	sld [smem:$0x3F8E];
	s0 =	simm.s32 @p1 $0x1  }
0x15: {  	[smem:$0x3FAB] =	sst s0;
	s0 =	simm.s32 @!p2 $0x0  }
0x16: {  	s3 =	sld [smem:$0x3FDB];
	s0 =	simm.s32 @p2 $0x1  }
0x17: {  	s4 =	simm.s32 $0x1BF5;
	[smem:$0x3FAD] =	sst s0  }
0x18: {  	s0 =	sld [smem:$0x3F90];
	_ =	swait.ge [sflag:s4], $0x0  }
0x19: {  	s7 =	sld [smem:$0x3F91]  }
0x1a: {  	s8 =	sadd.s32 $0xFFFFE003, lr  }
0x1b: {  	s9 =	sadd.s32 $0xFFFFFEF7, lr;
	s5 =	simm.s32 $0xFFFFFFFF;
	p2 =	slt.u32 s8, $0xFFFFF086  }
0x1c: {  	p1 =	slt.u32 s9, $0xF7A;
	s5 =	simm.s32 @!p2 $0x0  }
0x1d: {  	s5 =	simm.s32 @p1 $0x1;
	p0 =	seq.s32 s7, s2  }
0x1e: {  	s7 =	smul.u32 @!p0 $0xF7A, s2;
	p2 =	seq.s32 @!p0 s5, $0x0  }
0x1f: {  	s9 =	smul.u32 $0xF7A, s1;
	s8 =	simm.s32 @!p0 $0x1BF5;
	p2 =	por !p2, p0  }
0x20: {  	[sflag:s8] =	ssyncset.s32 @!p0 $0xFFFFF086;
	s6 =	sadd.s32 @!p0 s3, s7;
	s7 =	simm.s32 @!p0 $0x108  }
0x21: {  	s3 =	sadd.s32 s3, s9;
	s6 =	sadd.s32 @!p0 $0x88, s6;
	s7 =	simm.s32 @p2 $0x1082  }
0x22: {  	[simem:s7], [sflag:s8] =	dma.local @!p0 [hbm:s6], $0xF7A  }
0x23: {  	s9 =	sor.u32 $0xD0000000, s2;
	s6 =	simm.s32 $0x108;
	_ =	swait.ge @!p0 [sflag:s8], $0x0  }
0x24: {  	s3 =	sadd.s32 $0x88, s3;
	s6 =	simm.s32 @!p1 $0x1082;
	[sflag:s4] =	ssyncset.s32 $0xFFFFF086  }
0x25: {  	[simem:s6], [sflag:s4] =	dma.local [hbm:s3], $0xF7A  }
0x26: {  	[smem:$0x3F91] =	sst s1;
	(tag) =	ssettag s2;
	_ =	strace s9  }
0x27: {  	s1 =	sld [smem:$0x3FA1]  }
0x28: {  	s2 =	sld [smem:$0x3FA2]  }
0x29: {  	s4 =	sld [smem:$0x3FA4]  }
0x2a: {  	p0 =	seq.s32 s5, $0x0;
	s5 =	sld [smem:$0x3FA5]  }
0x2b: {  	s6 =	sld [smem:$0x3FA6]  }
0x2c: {  	s7 =	sld [smem:$0x3FA7]  }
0x2d: {  	s3 =	simm.s32 $0x108;
	s8 =	sld [smem:$0x3FA8]  }
0x2e: {  	s3 =	simm.s32 @!p0 $0x1082;
	s9 =	sld [smem:$0x3FA9]  }
0x2f: {  	lr =	sadd.s32 s0, s3;
	s0 =	sld [smem:$0x3FA0]  }
0x30: {  	s3 =	sld [smem:$0x3FA3]  }
0x31: {  	[smem:$0x3FAC] =	sst s10  }
0x32: {  	s10 =	sld [smem:$0x3FAA];
	_ =	sdelay $0x3  }
0x33: {  	p0 =	seq.s32 s10, $0x1;
	s10 =	sld [smem:$0x3FAC];
	_ =	sdelay $0x3  }
0x34: {  	[smem:$0x3FAC] =	sst s10  }
0x35: {  	s10 =	sld [smem:$0x3FAB];
	_ =	sdelay $0x3  }
0x36: {  	p1 =	seq.s32 s10, $0x1;
	s10 =	sld [smem:$0x3FAC];
	_ =	sdelay $0x3  }
0x37: {  	[smem:$0x3FAC] =	sst s10  }
0x38: {  	s10 =	sld [smem:$0x3FAD]  }
0x39: {  	_ = 	snop;
	(pc) =	sbr.ind lr, $3  }
0x3a: {  	_ = 	snop  }
0x3b: {  	_ = 	snop  }
0x3c: {  	p2 =	seq.s32 s10, $0x1;
	s10 =	sld [smem:$0x3FAC]  }
0x3d: {  	_ =	shalt  }
0x3e: {  	_ =	shalt  }
0x3f: {  	_ =	shalt  }
0x40: {  	_ =	shalt  }
0x41: {  	_ =	shalt  }
0x42: {  	_ =	shalt  }
0x43: {  	_ =	shalt  }
0x44: {  	_ =	shalt  }
0x45: {  	_ =	shalt  }
0x46: {  	_ =	shalt  }
0x47: {  	_ =	shalt  }
0x48: {  	_ =	shalt  }
0x49: {  	_ =	shalt  }
0x4a: {  	_ =	shalt  }
0x4b: {  	_ =	shalt  }
0x4c: {  	_ =	shalt  }
0x4d: {  	_ =	shalt  }
0x4e: {  	_ =	shalt  }
0x4f: {  	_ =	shalt  }
0x50: {  	_ =	shalt  }
0x51: {  	_ =	shalt  }
0x52: {  	_ =	shalt  }
0x53: {  	_ =	shalt  }
0x54: {  	_ =	shalt  }
0x55: {  	_ =	shalt  }
0x56: {  	_ =	shalt  }
0x57: {  	_ =	shalt  }
0x58: {  	_ =	shalt  }
0x59: {  	_ =	shalt  }
0x5a: {  	_ =	shalt  }
0x5b: {  	_ =	shalt  }
0x5c: {  	_ =	shalt  }
0x5d: {  	_ =	shalt  }
0x5e: {  	_ =	shalt  }
0x5f: {  	_ =	shalt  }
0x60: {  	_ =	shalt  }
0x61: {  	_ =	shalt  }
0x62: {  	_ =	shalt  }
0x63: {  	_ =	shalt  }
0x64: {  	_ =	shalt  }
0x65: {  	_ =	shalt  }
0x66: {  	_ =	shalt  }
0x67: {  	_ =	shalt  }
0x68: {  	_ =	shalt  }
0x69: {  	_ =	shalt  }
0x6a: {  	_ =	shalt  }
0x6b: {  	_ =	shalt  }
0x6c: {  	_ =	shalt  }
0x6d: {  	_ =	shalt  }
0x6e: {  	_ =	shalt  }
0x6f: {  	_ =	shalt  }
0x70: {  	_ =	shalt  }
0x71: {  	_ =	shalt  }
0x72: {  	_ =	shalt  }
0x73: {  	_ =	shalt  }
0x74: {  	_ =	shalt  }
0x75: {  	_ =	shalt  }
0x76: {  	_ =	shalt  }
0x77: {  	_ =	shalt  }
0x78: {  	_ =	shalt  }
0x79: {  	_ =	shalt  }
0x7a: {  	_ =	shalt  }
0x7b: {  	_ =	shalt  }
0x7c: {  	_ =	shalt  }
0x7d: {  	_ =	shalt  }
0x7e: {  	_ =	shalt  }
0x7f: {  	_ =	shalt  }
0x80: {  	_ =	shalt  }
0x81: {  	_ =	shalt  }
0x82: {  	_ =	shalt  }
0x83: {  	_ =	shalt  }
0x84: {  	_ =	shalt  }
0x85: {  	_ =	shalt  }
0x86: {  	_ =	shalt  }
0x87: {  	_ =	shalt  }
.Lfunc_end0:
.L_simem_size_0:
called_computation.1_lowered:
.L_overlay_start_0:
0x88: {  	s2 =	sld [smem:$0x3FD9]  }
0x89: {  	s3 =	sld [smem:$0x3FFE];
	_ =	sdelay $0x1  }
0x8a: {  	s1 =	srdreg.scid  }
0x8b: {  	s0 =	sand.u32 $0x1, s1  }
0x8c: {  	s14 =	sshll.u32 s0, $0xA;
	s2 =	sadd.s32 s3, s2  }
0x8d: {  	s2 =	sadd.s32 s2, s14  }
0x8e: {  	[smem:$0x3FB8] =	sst s2  }
0x8f: {  	_ = 	snop  }
0x90: {  	s2 =	sld [smem:$0x3FD0];
	_ =	sdelay $0x2  }
0x91: {  	s15 =	simm.s32 $0xB;
	s4 =	simm.s32 $0x10  }
0x92: {  	[smem:s4], [sflag:s15] =	dma.local [hbm:s2], $0x1  }
0x93: {  	_ =	swait.eq [sflag:s15], $0x1  }
0x94: {  	[sflag:s15] =	ssyncset.done $0x0  }
0x95: {  	s16 =	sld [smem:$0x10];
	[sflag:s15] =	ssyncadd.s32 $0xFFFFFFFF  }
0x96: {  	s17 =	sld [smem:$0x11];
	(tm) =	ssettm $0x1  }
0x97: {  	s18 =	sld [smem:$0x3FFB];
	_ =	sdelay $0x3  }
0x98: {  	_ =	strace s18  }
0x99: {  	s4 =	sld [smem:$0x3FFC];
	_ =	sdelay $0x3  }
0x9a: {  	_ =	strace s4  }
0x9b: {  	s4 =	sld [smem:$0x3FFD];
	_ =	sdelay $0x3  }
0x9c: {  	_ =	strace s4  }
0x9d: {  	_ =	strace $0x8FFFFFFF  }
0x9e: {  	s19 =	sld [smem:$0x3FDB];
	_ =	sdelay $0x1  }
0x9f: {  	s5 =	simm.s32 $_scs_section_size  }
0xa0: {  	s6 =	simm.s32 $_size__tile_overlayer_lowered;
	s7 =	simm.s32 $_tile_overlayer_lowered  }
0xa1: {  	s22 =	simm.s32 $0x1BFF;
	s21 =	sshll.u32 s7, $0x1;
	s4 =	sadd.s32 s5, s19  }
0xa2: {  	s8 =	simm.s32 $0x0;
	s20 =	sshll.u32 s6, $0x1;
	s6 =	sadd.s32 s21, s4  }
0xa3: {  	[timem:s8], [sflag:s22] =	dma.local [hbm:s6], s20  }
0xa4: {  	_ =	swait.ge [sflag:s22], s20  }
0xa5: {  	s5 =	ssub.s32 $0x0, s20;
	[sflag:s22] =	ssyncset.done $0x0  }
0xa6: {  	[sflag:s22] =	ssyncadd.s32 s5;
	_ =	sdelay $0x1  }
0xa7: {  	s23 =	simm.s32 $0x1B8B  }
0xa8: {  	_ =	swait.ge [sflag:s23], $0x1  }
0xa9: {  	[sflag:s23] =	ssyncset.done $0x0  }
0xaa: {  	s25 =	simm.s32 $0x1B8E;
	s24 =	sld [smem:$0x3FFE];
	[sflag:s23] =	ssyncadd.s32 $0xFFFFFFFF  }
0xab: {  	s26 =	simm.s32 $execute0_lowered;
	[smem:$0x3FD2] =	sst s25  }
0xac: {  	s6 =	sshll.u32 s26, $0x1;
	_ =	strace $0x80000046;
	[dreg:$0x1] =	wrdreg $0xFFFFFFFF  }
0xad: {  	s28 =	simm.s32 $_size_execute0_lowered;
	s4 =	sadd.s32 s4, s6;
	[dreg:$0x0] =	wrdreg $0x0  }
0xae: {  	s6 =	sshll.u32 s28, $0x1;
	[dreg:$0x2] =	wrdreg s4  }
0xaf: {  	[dreg:$0x3] =	wrdreg s6  }
0xb0: {  	[dreg:$0x4] =	wrdreg $0xC0  }
0xb1: {  	_ =	task [dreg:s8], $0x5FFFF  }
0xb2: {  	[dreg:$0x1] =	wrdreg $0xFFFFFFFF  }
0xb3: {  	[dreg:$0x0] =	wrdreg $0x60  }
0xb4: {  	[dreg:$0x2] =	wrdreg s16  }
0xb5: {  	[dreg:$0x3] =	wrdreg s24  }
0xb6: {  	[dreg:$0x4] =	wrdreg s17  }
0xb7: {  	[dreg:$0x5] =	wrdreg $0x0  }
0xb8: {  	[dreg:$0x6] =	wrdreg $0xA  }
0xb9: {  	_ =	task.clear_ibuf [dreg:s8], $0x7FFFF;
	_ =	strace $0x90000046  }
0xba: {  	s29 =	simm.s32 $0xA;
	_ =	strace $0x80000048  }
0xbb: {  	_ =	swait.ge [sflag:s29], $0x1  }
0xbc: {  	[sflag:s29] =	ssyncadd.s32 $0xFFFFFFFF  }
0xbd: {  	_ =	strace $0x90000048  }
0xbe: {  	_ =	sfence  }
0xbf: {  	s30 =	sld [smem:$0x0];
	_ =	sdelay $0x2  }
0xc0: {  	s31 =	sshll.u32 s1, $0xD;
	s1 =	sshrl.u32 s1, $0x2  }
0xc1: {  	s3 =	sand.u32 $0x4000, s31;
	s1 =	sadd.s32 s1, s30  }
0xc2: {  	s0 =	sor.u32 s3, s0;
	s1 =	sshll.u32 s1, $0x11  }
0xc3: {  	s0 =	sor.u32 s1, s0  }
0xc4: {  	s0 =	sadd.s32 $0x8F2B, s0  }
0xc5: {  	[sflag:s0] =	ssyncadd.remote.s32 $0x1  }
0xc6: {  	_ =	sfence.sel $0xFFFF  }
0xc7: {  	[dreg:$0x0] =	wrdreg $0xFFFFFFFF;
	(pc) =	sbr.abs _section_cstart, $3  }
0xc8: {  	[dreg:$0x1] =	wrdreg $0xFFFFFFFF  }
0xc9: {  	_ =	task.clear_ibuf [dreg:s8], $0x2FFFF;
	_ =	strace $0x9FFFFFFF  }
0xca: {  	(tm) =	ssettm $0x7FFFFFFF  }
0xcb: {  	_ =	shalt  }
tec
execute0_lowered:
.L_overlay_start_1:
0x0: {  	(tag) =	ssettag $0x1  }
0x1: {  	s31 =	rddreg [dreg:$0x0]  }
0x2: {  	s0 =	rddreg [dreg:$0x1]  }
0x3: {  	s3 =	rddreg [dreg:$0x3];
	s4 =	simm.s32 $0x0;
	s2 =	stileid.u32  }
0x4: {  	s8 =	srdreg.scid;
	s29 =	simm.s32 $0x18800;
	s6 =	sadd.s32 $0x13E600, s0  }
0x5: {  	s28 =	simm.s32 $0x7;
	s7 =	sadd.s32 $0x16F600, s0;
	s1 =	sadd.s32 $0x1D1600, s0  }
0x6: {  	[smem:$0x7FF] =	sst s4;
	s5 =	smul.u32 $0x18800, s2;
	s9 =	sadd.s32 $0x202600, s0  }
0x7: {  	s30 =	simm.s32 $0x0;
	s10 =	sadd.s32 $0x1A0600, s0;
	s11 =	sadd.s32 $0x233600, s0  }
0x8: {  	s8 =	sand.u32 $0x1, s8;
	s13 =	sadd.s32 $0xDCA00, s0;
	s16 =	sadd.s32 $0x295600, s0  }
0x9: {  	s26 =	smul.u32 $0x3100, s2;
	_ =	strace $0x80000047;
	[dreg:$0x6] =	wrdreg s13  }
0xa: {  	s12 =	ssub.s32 $0x2, s8;
	[dreg:$0x7] =	wrdreg s16;
	p0 =	seq.s32 s8, $0x1  }
0xb: {  	s8 =	simm.s32 $0x4;
	s15 =	sshrl.u32 s5, $0x3;
	s14 =	sshrl.u32 s12, $0x1  }
0xc: {  	s5 =	sadd.s32 s5, s3;
	s19 =	sadd.s32 s26, s9;
	s20 =	sadd.s32 s26, s1  }
0xd: {  	s22 =	sadd.s32 s26, s10;
	s13 =	sadd.s32 s15, s0;
	[dreg:$0x9] =	wrdreg s5  }
0xe: {  	s0 =	sadd.s32 $0x2C6600, s0;
	s23 =	sadd.s32 s1, s15;
	[dreg:$0x5] =	wrdreg s15  }
0xf: {  	s24 =	sadd.s32 s9, s15;
	s25 =	sor.u32 $0x40, s15;
	[dreg:$0x8] =	wrdreg s0  }
0x10: {  	s18 =	sadd.s32 s10, s15;
	s21 =	sadd.s32 s11, s15;
	[dreg:$0xa] =	wrdreg s23  }
0x11: {  	s15 =	simm.s32 $0x6;
	s0 =	ssub.s32 s12, s14;
	[dreg:$0xb] =	wrdreg s24  }
0x12: {  	s14 =	sadd.s32 s1, s25;
	s16 =	sadd.s32 s9, s25;
	s17 =	sadd.s32 s10, s25  }
0x13: {  	s5 =	sadd.s32 s11, s25;
	[dreg:$0x10] =	wrdreg s18;
	s23 =	sadd.s32 s26, s11  }
0x14: {  	[dreg:$0x11] =	wrdreg s21;
	s24 =	sadd.s32 $0xDFC00, s13;
	s25 =	sshll.u32 s2, $0x6  }
0x15: {  	s26 =	sadd.s32 $0x264600, s13;
	s2 =	simm.s32 $0x9;
	[dreg:$0xc] =	wrdreg s14  }
0x16: {  	s10 =	simm.s32 $0x19200;
	s11 =	simm.s32 $0x5;
	[dreg:$0xd] =	wrdreg s16  }
0x17: {  	s12 =	simm.s32 $0x18C00;
	s13 =	simm.s32 $0x19400;
	[dreg:$0xe] =	wrdreg s17  }
0x18: {  	s18 =	simm.s32 $0x19600;
	s21 =	simm.s32 $0x2;
	[dreg:$0xf] =	wrdreg s5  }
.Ltmp0:
0x19: {  	s9 =	simm.s32 $0x8;
	[dreg:$0x12] =	wrdreg s24;
	(pc) =	sbr.rel .LBB2_1-.Ltmp0, $4  }
0x1a: {  	[dreg:$0x13] =	wrdreg s26;
	s0 =	smax.u32 s0, $0x1;
	s1 =	sor.u32 $0x1C09, s25  }
0x1b: {  	s5 =	simm.s32 $0x18A00;
	s25 =	simm.s32 $0x200;
	s26 =	simm.s32 $0x19800  }
0x1c: {  	s14 =	simm.s32 $0x1;
	s16 =	simm.s32 $0x1B800;
	[dreg:$0x14] =	wrdreg s0  }
0x1d: {  	s17 =	simm.s32 $0x18E00;
	s24 =	simm.s32 $0x3;
	[dreg:$0x15] =	wrdreg s1  }
.LBB2_14:
0x1e: {  	s1 =	rddreg [dreg:$0x8]  }
0x1f: {  	s30 =	rddreg [dreg:$0x16]  }
.LBB2_15:
0x20: {  	_ =	swait.ge [sflag:s21], $0x2000  }
0x21: {  	[sflag:s21] =	ssyncset.done $0x0  }
0x22: {  	[sflag:s21] =	ssyncadd.s32 $0xFFFFE000  }
0x23: {  	[spmem:s3] =	stream.indirect.scatter.add.f32 [tilespmem:s16], [sflag:$0x4], $0x10, s18, s25, $0xb8;
	[tilespmem:$0x1D800] =	vst v63  }
0x24: {  	_ =	swait.ge [sflag:s24], $0x2000  }
0x25: {  	[sflag:s24] =	ssyncset.done $0x0  }
0x26: {  	[sflag:s24] =	ssyncadd.s32 $0xFFFFE000  }
0x27: {  	_ =	swait.ge [sflag:s8], $0x2000  }
0x28: {  	[sflag:s8] =	ssyncset.done $0x0  }
0x29: {  	[sflag:s8] =	ssyncadd.s32 $0xFFFFE000  }
0x2a: {  	s0 =	rddreg [dreg:$0x5];
	[bflag:$0x0] =	sbarrier.arrive $0xFFFF  }
0x2b: {  	s0 =	sadd.s32 s1, s0;
	s1 =	rddreg [dreg:$0x15]  }
0x2c: {  	s2 =	rddreg [dreg:$0x17]  }
0x2d: {  	[hbm:s0], [sflag:s1] =	dma.local [spmem:s2], $0x3100  }
0x2e: {  	s2 =	simm.s32 $0x9  }
0x2f: {  	_ =	swait.ge [sflag:s2], $0x3100  }
0x30: {  	s30 =	sadd.s32 $0x1, s30;
	s0 =	rddreg [dreg:$0x14]  }
0x31: {  	p1 =	sne.s32 s30, s0  }
.Ltmp1:
0x32: {  	_ = 	snop;
	(pc) =	sbr.rel @!p1 .LBB2_16-.Ltmp1, $4  }
0x33: {  	[sflag:s2] =	ssyncset.done $0x0  }
0x34: {  	[sflag:s2] =	ssyncadd.s32 $0xFFFFCF00  }
0x35: {  	[bflag:$0x0] =	sbarrier.arrive $0xFFFF  }
0x36: {  	s29 =	simm.s32 $0x18800;
	s31 =	rddreg [dreg:$0x0]  }
.LBB2_1:
0x37: {  	[dreg:$0x16] =	wrdreg s30  }
0x38: {  	s0 =	rddreg [dreg:$0x9]  }
0x39: {  	s30 =	sshrl.u32 s0, $0x3;
	s0 =	rddreg [dreg:$0x6]  }
0x3a: {  	[dreg:$0x17] =	wrdreg s30  }
0x3b: {  	[spmem:s30], [sflag:s1] =	dma.local [hbm:s0], $0x3100  }
0x3c: {  	_ =	swait.ge [sflag:s2], $0x3100  }
0x3d: {  	[sflag:s2] =	ssyncset.done $0x0  }
0x3e: {  	[sflag:s2] =	ssyncadd.s32 $0xFFFFCF00  }
0x3f: {  	[bflag:$0x0] =	sbarrier.arrive $0xFFFF  }
0x40: {  	s1 =	rddreg [dreg:$0xa]  }
0x41: {  	[tilespmem:s29], [sflag:$0x5] =	stream.linear.gather [hbm4b:s1+s4], $0x200, $0x38;
	[tilespmem:$0x1D800] =	vst v63  }
0x42: {  	s30 =	simm.s32 $0x19000;
	s2 =	rddreg [dreg:$0xb]  }
0x43: {  	[tilespmem:s30], [sflag:$0x5] =	stream.linear.gather [hbm4b:s2+s4], $0x200, $0x38;
	[tilespmem:$0x1D800] =	vst v63  }
0x44: {  	s2 =	rddreg [dreg:$0xc]  }
0x45: {  	[tilespmem:s5], [sflag:$0x6] =	stream.linear.gather [hbm4b:s2+s4], $0x200, $0x38;
	[tilespmem:$0x1D800] =	vst v63  }
0x46: {  	s30 =	rddreg [dreg:$0xd]  }
0x47: {  	[tilespmem:s10], [sflag:$0x6] =	stream.linear.gather [hbm4b:s30+s4], $0x200, $0x38;
	[tilespmem:$0x1D800] =	vst v63  }
0x48: {  	_ =	swait.ge [sflag:s11], $0x200  }
.Ltmp2:
0x49: {  	[sflag:s11] =	ssyncset.done $0x0;
	(pc) =	sbr.rel @!p0 .LBB2_2-.Ltmp2, $4  }
0x4a: {  	[sflag:s11] =	ssyncadd.s32 $0xFFFFFE00  }
0x4b: {  	_ =	swait.ge [sflag:s11], $0x200  }
0x4c: {  	[sflag:s11] =	ssyncset.done $0x0  }
0x4d: {  	[sflag:s11] =	ssyncadd.s32 $0xFFFFFE00  }
0x4e: {  	[tilespmem:s26], [sflag:$0x1] =	stream.indirect.gather [hbm4b:s6+s25], $0x10, s29, s25, $0xb8;
	[tilespmem:$0x1D800] =	vst v63  }
0x4f: {  	s30 =	simm.s32 $0x0  }
.LBB2_10:
0x50: {  	s29 =	sadd.s32 s30, s20  }
0x51: {  	s1 =	sadd.s32 s30, s19;
	s0 =	sadd.s32 $0x80, s29  }
0x52: {  	[tilespmem:s12], [sflag:$0x7] =	stream.linear.gather [hbm4b:s0+s4], $0x200, $0x38;
	[tilespmem:$0x1D800] =	vst v63  }
0x53: {  	s2 =	sadd.s32 $0x80, s1  }
0x54: {  	[tilespmem:s13], [sflag:$0x7] =	stream.linear.gather [hbm4b:s2+s4], $0x200, $0x38;
	[tilespmem:$0x1D800] =	vst v63  }
0x55: {  	_ =	swait.ge [sflag:s14], $0x2000  }
0x56: {  	p1 =	seq.s32 s30, $0x0;
	[sflag:s14] =	ssyncset.done $0x0  }
0x57: {  	s31 =	simm.s32 $0x19000;
	s0 =	simm.s32 @!p1 $0x4;
	[sflag:s14] =	ssyncadd.s32 $0xFFFFE000  }
0x58: {  	[spmem:s3] =	stream.indirect.scatter.add.f32 [tilespmem:s26], [sflag:$0x3], $0x10, s31, s25, $0xb8;
	[tilespmem:$0x1D800] =	vst v63  }
0x59: {  	_ =	swait.ge @!p1 [sflag:s0], $0x2000  }
0x5a: {  	[sflag:s0] =	ssyncset.done @!p1 $0x0  }
0x5b: {  	[sflag:s0] =	ssyncadd.s32 @!p1 $0xFFFFE000  }
0x5c: {  	_ =	swait.ge [sflag:s15], $0x200  }
0x5d: {  	[sflag:s15] =	ssyncset.done $0x0  }
0x5e: {  	[sflag:s15] =	ssyncadd.s32 $0xFFFFFE00  }
0x5f: {  	_ =	swait.ge [sflag:s15], $0x200  }
0x60: {  	[sflag:s15] =	ssyncset.done $0x0  }
0x61: {  	[sflag:s15] =	ssyncadd.s32 $0xFFFFFE00  }
0x62: {  	[tilespmem:s16], [sflag:$0x2] =	stream.indirect.gather [hbm4b:s6+s25], $0x10, s5, s25, $0xb8;
	[tilespmem:$0x1D800] =	vst v63  }
0x63: {  	s2 =	sadd.s32 $0xC0, s29  }
0x64: {  	[tilespmem:s17], [sflag:$0x8] =	stream.linear.gather [hbm4b:s2+s4], $0x200, $0x38;
	[tilespmem:$0x1D800] =	vst v63  }
0x65: {  	s31 =	sadd.s32 $0xC0, s1  }
0x66: {  	[tilespmem:s18], [sflag:$0x8] =	stream.linear.gather [hbm4b:s31+s4], $0x200, $0x38;
	[tilespmem:$0x1D800] =	vst v63  }
0x67: {  	_ =	swait.ge [sflag:s21], $0x2000  }
0x68: {  	[sflag:s21] =	ssyncset.done $0x0  }
0x69: {  	[sflag:s21] =	ssyncadd.s32 $0xFFFFE000  }
0x6a: {  	[spmem:s3] =	stream.indirect.scatter.add.f32 [tilespmem:s16], [sflag:$0x4], $0x10, s10, s25, $0xb8;
	[tilespmem:$0x1D800] =	vst v63  }
0x6b: {  	_ =	swait.ge [sflag:s24], $0x2000  }
0x6c: {  	[sflag:s24] =	ssyncset.done $0x0  }
0x6d: {  	[sflag:s24] =	ssyncadd.s32 $0xFFFFE000  }
0x6e: {  	_ =	swait.ge [sflag:s28], $0x200  }
0x6f: {  	[sflag:s28] =	ssyncset.done $0x0  }
0x70: {  	[sflag:s28] =	ssyncadd.s32 $0xFFFFFE00  }
0x71: {  	_ =	swait.ge [sflag:s28], $0x200  }
0x72: {  	p1 =	seq.s32 s30, $0x3000;
	[sflag:s28] =	ssyncset.done $0x0  }
0x73: {  	s0 =	sadd.s32 @!p1 s30, s20;
	[sflag:s28] =	ssyncadd.s32 $0xFFFFFE00  }
0x74: {  	[tilespmem:s26], [sflag:$0x1] =	stream.indirect.gather [hbm4b:s6+s25], $0x10, s12, s25, $0xb8;
	[tilespmem:$0x1D800] =	vst v63  }
0x75: {  	s0 =	sadd.s32 @!p1 $0x100, s0;
	s2 =	simm.s32 @!p1 $0x0;
	s31 =	simm.s32 @!p1 $0x18800  }
0x76: {  	[tilespmem:s31], [sflag:$0x5] =	stream.linear.gather @!p1 [hbm4b:s0+s2], $0x200, $0x38;
	[tilespmem:$0x1D800] =	vst v63  }
0x77: {  	s0 =	sadd.s32 @!p1 s30, s19  }
0x78: {  	s31 =	simm.s32 @!p1 $0x19000;
	s0 =	sadd.s32 @!p1 $0x100, s0  }
0x79: {  	[tilespmem:s31], [sflag:$0x5] =	stream.linear.gather @!p1 [hbm4b:s0+s2], $0x200, $0x38;
	[tilespmem:$0x1D800] =	vst v63  }
0x7a: {  	_ =	swait.ge [sflag:s14], $0x2000  }
0x7b: {  	[sflag:s14] =	ssyncset.done $0x0  }
0x7c: {  	[sflag:s14] =	ssyncadd.s32 $0xFFFFE000  }
0x7d: {  	[spmem:s3] =	stream.indirect.scatter.add.f32 [tilespmem:s26], [sflag:$0x3], $0x10, s13, s25, $0xb8;
	[tilespmem:$0x1D800] =	vst v63  }
0x7e: {  	_ =	swait.ge [sflag:s8], $0x2000  }
0x7f: {  	[sflag:s8] =	ssyncset.done $0x0  }
0x80: {  	[sflag:s8] =	ssyncadd.s32 $0xFFFFE000  }
0x81: {  	_ =	swait.ge [sflag:s9], $0x200  }
0x82: {  	[sflag:s9] =	ssyncset.done $0x0  }
.Ltmp3:
0x83: {  	[sflag:s9] =	ssyncadd.s32 $0xFFFFFE00;
	(pc) =	sbr.rel @p1 .LBB2_12-.Ltmp3, $4  }
0x84: {  	_ =	swait.ge [sflag:s9], $0x200  }
0x85: {  	[sflag:s9] =	ssyncset.done $0x0  }
0x86: {  	[sflag:s9] =	ssyncadd.s32 $0xFFFFFE00  }
0x87: {  	[tilespmem:s16], [sflag:$0x2] =	stream.indirect.gather [hbm4b:s6+s25], $0x10, s17, s25, $0xb8;
	[tilespmem:$0x1D800] =	vst v63  }
0x88: {  	s0 =	sadd.s32 $0x140, s29  }
0x89: {  	[tilespmem:s5], [sflag:$0x6] =	stream.linear.gather [hbm4b:s0+s4], $0x200, $0x38;
	[tilespmem:$0x1D800] =	vst v63  }
0x8a: {  	s29 =	sadd.s32 $0x140, s1  }
0x8b: {  	[tilespmem:s10], [sflag:$0x6] =	stream.linear.gather [hbm4b:s29+s4], $0x200, $0x38;
	[tilespmem:$0x1D800] =	vst v63  }
0x8c: {  	_ =	swait.ge [sflag:s21], $0x2000  }
0x8d: {  	[sflag:s21] =	ssyncset.done $0x0  }
0x8e: {  	[sflag:s21] =	ssyncadd.s32 $0xFFFFE000  }
0x8f: {  	[spmem:s3] =	stream.indirect.scatter.add.f32 [tilespmem:s16], [sflag:$0x4], $0x10, s18, s25, $0xb8;
	[tilespmem:$0x1D800] =	vst v63  }
0x90: {  	_ =	swait.ge [sflag:s24], $0x2000  }
0x91: {  	[sflag:s24] =	ssyncset.done $0x0  }
0x92: {  	[sflag:s24] =	ssyncadd.s32 $0xFFFFE000  }
0x93: {  	_ =	swait.ge [sflag:s11], $0x200  }
0x94: {  	[sflag:s11] =	ssyncset.done $0x0  }
.Ltmp4:
0x95: {  	[sflag:s11] =	ssyncadd.s32 $0xFFFFFE00;
	(pc) =	sbr.rel .LBB2_10-.Ltmp4, $4  }
0x96: {  	_ =	swait.ge [sflag:s11], $0x200  }
0x97: {  	[sflag:s11] =	ssyncset.done $0x0  }
0x98: {  	s31 =	simm.s32 $0x18800;
	s30 =	sadd.s32 $0x100, s30;
	[sflag:s11] =	ssyncadd.s32 $0xFFFFFE00  }
0x99: {  	[tilespmem:s26], [sflag:$0x1] =	stream.indirect.gather [hbm4b:s6+s25], $0x10, s31, s25, $0xb8;
	[tilespmem:$0x1D800] =	vst v63  }
.LBB2_2:
0x9a: {  	[tilespmem:s26], [sflag:$0x1] =	stream.indirect.gather [hbm4b:s31+s25], $0x10, s29, s25, $0xb8;
	[tilespmem:$0x1D800] =	vst v63  }
0x9b: {  	s30 =	simm.s32 $0x0  }
.LBB2_3:
0x9c: {  	s29 =	sadd.s32 s30, s20  }
0x9d: {  	s1 =	sadd.s32 $0x80, s29  }
0x9e: {  	[tilespmem:s12], [sflag:$0x7] =	stream.linear.gather [hbm4b:s1+s4], $0x200, $0x38;
	[tilespmem:$0x1D800] =	vst v63  }
0x9f: {  	s1 =	sadd.s32 s30, s19  }
0xa0: {  	s2 =	sadd.s32 $0x80, s1  }
0xa1: {  	[tilespmem:s13], [sflag:$0x7] =	stream.linear.gather [hbm4b:s2+s4], $0x200, $0x38;
	[tilespmem:$0x1D800] =	vst v63  }
0xa2: {  	_ =	swait.ge [sflag:s14], $0x2000  }
0xa3: {  	p1 =	seq.s32 s30, $0x0;
	[sflag:s14] =	ssyncset.done $0x0  }
0xa4: {  	s0 =	simm.s32 $0x19000;
	s2 =	simm.s32 @!p1 $0x4;
	[sflag:s14] =	ssyncadd.s32 $0xFFFFE000  }
0xa5: {  	[spmem:s3] =	stream.indirect.scatter.add.f32 [tilespmem:s26], [sflag:$0x3], $0x10, s0, s25, $0xb8;
	[tilespmem:$0x1D800] =	vst v63  }
0xa6: {  	_ =	swait.ge @!p1 [sflag:s2], $0x2000  }
0xa7: {  	[sflag:s2] =	ssyncset.done @!p1 $0x0  }
0xa8: {  	[sflag:s2] =	ssyncadd.s32 @!p1 $0xFFFFE000  }
0xa9: {  	_ =	swait.ge [sflag:s15], $0x200  }
0xaa: {  	[sflag:s15] =	ssyncset.done $0x0  }
0xab: {  	[sflag:s15] =	ssyncadd.s32 $0xFFFFFE00  }
0xac: {  	_ =	swait.ge [sflag:s15], $0x200  }
0xad: {  	[sflag:s15] =	ssyncset.done $0x0  }
0xae: {  	[sflag:s15] =	ssyncadd.s32 $0xFFFFFE00  }
0xaf: {  	[tilespmem:s16], [sflag:$0x2] =	stream.indirect.gather [hbm4b:s31+s25], $0x10, s5, s25, $0xb8;
	[tilespmem:$0x1D800] =	vst v63  }
0xb0: {  	s0 =	sadd.s32 $0xC0, s29  }
0xb1: {  	[tilespmem:s17], [sflag:$0x8] =	stream.linear.gather [hbm4b:s0+s4], $0x200, $0x38;
	[tilespmem:$0x1D800] =	vst v63  }
0xb2: {  	s0 =	sadd.s32 $0xC0, s1  }
0xb3: {  	[tilespmem:s18], [sflag:$0x8] =	stream.linear.gather [hbm4b:s0+s4], $0x200, $0x38;
	[tilespmem:$0x1D800] =	vst v63  }
0xb4: {  	_ =	swait.ge [sflag:s21], $0x2000  }
0xb5: {  	[sflag:s21] =	ssyncset.done $0x0  }
0xb6: {  	[sflag:s21] =	ssyncadd.s32 $0xFFFFE000  }
0xb7: {  	[spmem:s3] =	stream.indirect.scatter.add.f32 [tilespmem:s16], [sflag:$0x4], $0x10, s10, s25, $0xb8;
	[tilespmem:$0x1D800] =	vst v63  }
0xb8: {  	_ =	swait.ge [sflag:s24], $0x2000  }
0xb9: {  	[sflag:s24] =	ssyncset.done $0x0  }
0xba: {  	[sflag:s24] =	ssyncadd.s32 $0xFFFFE000  }
0xbb: {  	_ =	swait.ge [sflag:s28], $0x200  }
0xbc: {  	[sflag:s28] =	ssyncset.done $0x0  }
0xbd: {  	[sflag:s28] =	ssyncadd.s32 $0xFFFFFE00  }
0xbe: {  	_ =	swait.ge [sflag:s28], $0x200  }
0xbf: {  	p1 =	seq.s32 s30, $0x3000;
	[sflag:s28] =	ssyncset.done $0x0  }
0xc0: {  	s2 =	sadd.s32 @!p1 s30, s20;
	[sflag:s28] =	ssyncadd.s32 $0xFFFFFE00  }
0xc1: {  	[tilespmem:s26], [sflag:$0x1] =	stream.indirect.gather [hbm4b:s31+s25], $0x10, s12, s25, $0xb8;
	[tilespmem:$0x1D800] =	vst v63  }
0xc2: {  	s2 =	sadd.s32 @!p1 $0x100, s2;
	s0 =	simm.s32 @!p1 $0x18800;
	s31 =	simm.s32 @!p1 $0x0  }
0xc3: {  	[tilespmem:s0], [sflag:$0x5] =	stream.linear.gather @!p1 [hbm4b:s2+s31], $0x200, $0x38;
	[tilespmem:$0x1D800] =	vst v63  }
0xc4: {  	s0 =	sadd.s32 @!p1 s30, s19  }
0xc5: {  	s2 =	simm.s32 @!p1 $0x19000;
	s0 =	sadd.s32 @!p1 $0x100, s0  }
0xc6: {  	[tilespmem:s2], [sflag:$0x5] =	stream.linear.gather @!p1 [hbm4b:s0+s31], $0x200, $0x38;
	[tilespmem:$0x1D800] =	vst v63  }
0xc7: {  	s31 =	rddreg [dreg:$0x0];
	_ =	swait.ge [sflag:s14], $0x2000  }
0xc8: {  	[sflag:s14] =	ssyncset.done $0x0  }
0xc9: {  	[sflag:s14] =	ssyncadd.s32 $0xFFFFE000  }
0xca: {  	[spmem:s3] =	stream.indirect.scatter.add.f32 [tilespmem:s26], [sflag:$0x3], $0x10, s13, s25, $0xb8;
	[tilespmem:$0x1D800] =	vst v63  }
0xcb: {  	_ =	swait.ge [sflag:s8], $0x2000  }
0xcc: {  	[sflag:s8] =	ssyncset.done $0x0  }
0xcd: {  	[sflag:s8] =	ssyncadd.s32 $0xFFFFE000  }
0xce: {  	_ =	swait.ge [sflag:s9], $0x200  }
0xcf: {  	[sflag:s9] =	ssyncset.done $0x0  }
.Ltmp5:
0xd0: {  	[sflag:s9] =	ssyncadd.s32 $0xFFFFFE00;
	(pc) =	sbr.rel @p1 .LBB2_5-.Ltmp5, $4  }
0xd1: {  	_ =	swait.ge [sflag:s9], $0x200  }
0xd2: {  	[sflag:s9] =	ssyncset.done $0x0  }
0xd3: {  	[sflag:s9] =	ssyncadd.s32 $0xFFFFFE00  }
0xd4: {  	[tilespmem:s16], [sflag:$0x2] =	stream.indirect.gather [hbm4b:s31+s25], $0x10, s17, s25, $0xb8;
	[tilespmem:$0x1D800] =	vst v63  }
0xd5: {  	s0 =	sadd.s32 $0x140, s29  }
0xd6: {  	[tilespmem:s5], [sflag:$0x6] =	stream.linear.gather [hbm4b:s0+s4], $0x200, $0x38;
	[tilespmem:$0x1D800] =	vst v63  }
0xd7: {  	s2 =	sadd.s32 $0x140, s1  }
0xd8: {  	[tilespmem:s10], [sflag:$0x6] =	stream.linear.gather [hbm4b:s2+s4], $0x200, $0x38;
	[tilespmem:$0x1D800] =	vst v63  }
0xd9: {  	_ =	swait.ge [sflag:s21], $0x2000  }
0xda: {  	[sflag:s21] =	ssyncset.done $0x0  }
0xdb: {  	[sflag:s21] =	ssyncadd.s32 $0xFFFFE000  }
0xdc: {  	[spmem:s3] =	stream.indirect.scatter.add.f32 [tilespmem:s16], [sflag:$0x4], $0x10, s18, s25, $0xb8;
	[tilespmem:$0x1D800] =	vst v63  }
0xdd: {  	_ =	swait.ge [sflag:s24], $0x2000  }
0xde: {  	[sflag:s24] =	ssyncset.done $0x0  }
0xdf: {  	[sflag:s24] =	ssyncadd.s32 $0xFFFFE000  }
0xe0: {  	_ =	swait.ge [sflag:s11], $0x200  }
0xe1: {  	[sflag:s11] =	ssyncset.done $0x0  }
.Ltmp6:
0xe2: {  	[sflag:s11] =	ssyncadd.s32 $0xFFFFFE00;
	(pc) =	sbr.rel .LBB2_3-.Ltmp6, $4  }
0xe3: {  	_ =	swait.ge [sflag:s11], $0x200  }
0xe4: {  	[sflag:s11] =	ssyncset.done $0x0  }
0xe5: {  	s29 =	simm.s32 $0x18800;
	s30 =	sadd.s32 $0x100, s30;
	[sflag:s11] =	ssyncadd.s32 $0xFFFFFE00  }
0xe6: {  	[tilespmem:s26], [sflag:$0x1] =	stream.indirect.gather [hbm4b:s31+s25], $0x10, s29, s25, $0xb8;
	[tilespmem:$0x1D800] =	vst v63  }
.LBB2_12:
0xe7: {  	_ =	swait.ge [sflag:s21], $0x2000  }
0xe8: {  	[sflag:s21] =	ssyncset.done $0x0  }
0xe9: {  	[sflag:s21] =	ssyncadd.s32 $0xFFFFE000  }
0xea: {  	[spmem:s3] =	stream.indirect.scatter.add.f32 [tilespmem:s16], [sflag:$0x4], $0x10, s18, s25, $0xb8;
	[tilespmem:$0x1D800] =	vst v63  }
0xeb: {  	_ =	swait.ge [sflag:s24], $0x2000  }
0xec: {  	[sflag:s24] =	ssyncset.done $0x0  }
0xed: {  	[sflag:s24] =	ssyncadd.s32 $0xFFFFE000  }
0xee: {  	_ =	swait.ge [sflag:s8], $0x2000  }
0xef: {  	[sflag:s8] =	ssyncset.done $0x0  }
0xf0: {  	[sflag:s8] =	ssyncadd.s32 $0xFFFFE000  }
0xf1: {  	[bflag:$0x0] =	sbarrier.arrive $0xFFFF  }
0xf2: {  	s0 =	rddreg [dreg:$0x13]  }
0xf3: {  	s1 =	rddreg [dreg:$0x15]  }
0xf4: {  	s2 =	simm.s32 $0x9;
	s29 =	rddreg [dreg:$0x17]  }
0xf5: {  	[hbm:s0], [sflag:s1] =	dma.local [spmem:s29], $0x3100  }
0xf6: {  	_ =	swait.ge [sflag:s2], $0x3100  }
0xf7: {  	[sflag:s2] =	ssyncset.done $0x0  }
0xf8: {  	[sflag:s2] =	ssyncadd.s32 $0xFFFFCF00  }
0xf9: {  	[bflag:$0x0] =	sbarrier.arrive $0xFFFF  }
0xfa: {  	s31 =	rddreg [dreg:$0x6]  }
0xfb: {  	[spmem:s29], [sflag:s1] =	dma.local [hbm:s31], $0x3100  }
0xfc: {  	_ =	swait.ge [sflag:s2], $0x3100  }
0xfd: {  	[sflag:s2] =	ssyncset.done $0x0  }
0xfe: {  	[sflag:s2] =	ssyncadd.s32 $0xFFFFCF00  }
0xff: {  	[bflag:$0x0] =	sbarrier.arrive $0xFFFF  }
0x100: {  	s30 =	simm.s32 $0x0;
	s1 =	simm.s32 $0x18800;
	s2 =	rddreg [dreg:$0x10]  }
0x101: {  	[tilespmem:s1], [sflag:$0x5] =	stream.linear.gather [hbm4b:s2+s30], $0x200, $0x38;
	[tilespmem:$0x1D800] =	vst v63  }
0x102: {  	s31 =	simm.s32 $0x19000;
	s29 =	rddreg [dreg:$0x11]  }
0x103: {  	[tilespmem:s31], [sflag:$0x5] =	stream.linear.gather [hbm4b:s29+s30], $0x200, $0x38;
	[tilespmem:$0x1D800] =	vst v63  }
0x104: {  	s29 =	rddreg [dreg:$0xe]  }
0x105: {  	[tilespmem:s5], [sflag:$0x6] =	stream.linear.gather [hbm4b:s29+s30], $0x200, $0x38;
	[tilespmem:$0x1D800] =	vst v63  }
0x106: {  	s31 =	rddreg [dreg:$0xf]  }
0x107: {  	[tilespmem:s10], [sflag:$0x6] =	stream.linear.gather [hbm4b:s31+s30], $0x200, $0x38;
	[tilespmem:$0x1D800] =	vst v63  }
0x108: {  	_ =	swait.ge [sflag:s11], $0x200  }
0x109: {  	[sflag:s11] =	ssyncset.done $0x0  }
0x10a: {  	[sflag:s11] =	ssyncadd.s32 $0xFFFFFE00  }
0x10b: {  	_ =	swait.ge [sflag:s11], $0x200  }
0x10c: {  	[sflag:s11] =	ssyncset.done $0x0  }
0x10d: {  	[sflag:s11] =	ssyncadd.s32 $0xFFFFFE00  }
0x10e: {  	s2 =	rddreg [dreg:$0x2]  }
0x10f: {  	[tilespmem:s26], [sflag:$0x1] =	stream.indirect.gather [hbm4b:s2+s25], $0x10, s1, s25, $0xb8;
	[tilespmem:$0x1D800] =	vst v63  }
.LBB2_13:
0x110: {  	s1 =	sadd.s32 s30, s22  }
0x111: {  	s29 =	sadd.s32 s30, s23;
	s0 =	sadd.s32 $0x80, s1  }
0x112: {  	[tilespmem:s12], [sflag:$0x7] =	stream.linear.gather [hbm4b:s0+s4], $0x200, $0x38;
	[tilespmem:$0x1D800] =	vst v63  }
0x113: {  	s31 =	sadd.s32 $0x80, s29  }
0x114: {  	[tilespmem:s13], [sflag:$0x7] =	stream.linear.gather [hbm4b:s31+s4], $0x200, $0x38;
	[tilespmem:$0x1D800] =	vst v63  }
0x115: {  	_ =	swait.ge [sflag:s14], $0x2000  }
0x116: {  	p1 =	seq.s32 s30, $0x0;
	[sflag:s14] =	ssyncset.done $0x0  }
0x117: {  	s0 =	simm.s32 @!p1 $0x4;
	s31 =	simm.s32 $0x19000;
	[sflag:s14] =	ssyncadd.s32 $0xFFFFE000  }
0x118: {  	[spmem:s3] =	stream.indirect.scatter.add.f32 [tilespmem:s26], [sflag:$0x3], $0x10, s31, s25, $0xb8;
	[tilespmem:$0x1D800] =	vst v63  }
0x119: {  	_ =	swait.ge @!p1 [sflag:s0], $0x2000  }
0x11a: {  	[sflag:s0] =	ssyncset.done @!p1 $0x0  }
0x11b: {  	[sflag:s0] =	ssyncadd.s32 @!p1 $0xFFFFE000  }
0x11c: {  	_ =	swait.ge [sflag:s15], $0x200  }
0x11d: {  	[sflag:s15] =	ssyncset.done $0x0  }
0x11e: {  	[sflag:s15] =	ssyncadd.s32 $0xFFFFFE00  }
0x11f: {  	_ =	swait.ge [sflag:s15], $0x200  }
0x120: {  	[sflag:s15] =	ssyncset.done $0x0  }
0x121: {  	[sflag:s15] =	ssyncadd.s32 $0xFFFFFE00  }
0x122: {  	[tilespmem:s16], [sflag:$0x2] =	stream.indirect.gather [hbm4b:s2+s25], $0x10, s5, s25, $0xb8;
	[tilespmem:$0x1D800] =	vst v63  }
0x123: {  	s31 =	sadd.s32 $0xC0, s1  }
0x124: {  	[tilespmem:s17], [sflag:$0x8] =	stream.linear.gather [hbm4b:s31+s4], $0x200, $0x38;
	[tilespmem:$0x1D800] =	vst v63  }
0x125: {  	s31 =	sadd.s32 $0xC0, s29  }
0x126: {  	[tilespmem:s18], [sflag:$0x8] =	stream.linear.gather [hbm4b:s31+s4], $0x200, $0x38;
	[tilespmem:$0x1D800] =	vst v63  }
0x127: {  	_ =	swait.ge [sflag:s21], $0x2000  }
0x128: {  	[sflag:s21] =	ssyncset.done $0x0  }
0x129: {  	[sflag:s21] =	ssyncadd.s32 $0xFFFFE000  }
0x12a: {  	[spmem:s3] =	stream.indirect.scatter.add.f32 [tilespmem:s16], [sflag:$0x4], $0x10, s10, s25, $0xb8;
	[tilespmem:$0x1D800] =	vst v63  }
0x12b: {  	_ =	swait.ge [sflag:s24], $0x2000  }
0x12c: {  	[sflag:s24] =	ssyncset.done $0x0  }
0x12d: {  	[sflag:s24] =	ssyncadd.s32 $0xFFFFE000  }
0x12e: {  	_ =	swait.ge [sflag:s28], $0x200  }
0x12f: {  	[sflag:s28] =	ssyncset.done $0x0  }
0x130: {  	[sflag:s28] =	ssyncadd.s32 $0xFFFFFE00  }
0x131: {  	_ =	swait.ge [sflag:s28], $0x200  }
0x132: {  	p1 =	seq.s32 s30, $0x3000;
	[sflag:s28] =	ssyncset.done $0x0  }
0x133: {  	s0 =	sadd.s32 @!p1 s30, s22;
	[sflag:s28] =	ssyncadd.s32 $0xFFFFFE00  }
0x134: {  	[tilespmem:s26], [sflag:$0x1] =	stream.indirect.gather [hbm4b:s2+s25], $0x10, s12, s25, $0xb8;
	[tilespmem:$0x1D800] =	vst v63  }
0x135: {  	s0 =	sadd.s32 @!p1 $0x100, s0;
	s31 =	simm.s32 @!p1 $0x18800;
	s2 =	simm.s32 @!p1 $0x0  }
0x136: {  	[tilespmem:s31], [sflag:$0x5] =	stream.linear.gather @!p1 [hbm4b:s0+s2], $0x200, $0x38;
	[tilespmem:$0x1D800] =	vst v63  }
0x137: {  	s0 =	sadd.s32 @!p1 s30, s23  }
0x138: {  	s31 =	simm.s32 @!p1 $0x19000;
	s0 =	sadd.s32 @!p1 $0x100, s0  }
0x139: {  	[tilespmem:s31], [sflag:$0x5] =	stream.linear.gather @!p1 [hbm4b:s0+s2], $0x200, $0x38;
	[tilespmem:$0x1D800] =	vst v63  }
0x13a: {  	s2 =	rddreg [dreg:$0x2];
	_ =	swait.ge [sflag:s14], $0x2000  }
0x13b: {  	[sflag:s14] =	ssyncset.done $0x0  }
0x13c: {  	[sflag:s14] =	ssyncadd.s32 $0xFFFFE000  }
0x13d: {  	[spmem:s3] =	stream.indirect.scatter.add.f32 [tilespmem:s26], [sflag:$0x3], $0x10, s13, s25, $0xb8;
	[tilespmem:$0x1D800] =	vst v63  }
0x13e: {  	_ =	swait.ge [sflag:s8], $0x2000  }
0x13f: {  	[sflag:s8] =	ssyncset.done $0x0  }
0x140: {  	[sflag:s8] =	ssyncadd.s32 $0xFFFFE000  }
0x141: {  	_ =	swait.ge [sflag:s9], $0x200  }
0x142: {  	[sflag:s9] =	ssyncset.done $0x0  }
.Ltmp7:
0x143: {  	[sflag:s9] =	ssyncadd.s32 $0xFFFFFE00;
	(pc) =	sbr.rel @p1 .LBB2_14-.Ltmp7, $4  }
0x144: {  	_ =	swait.ge [sflag:s9], $0x200  }
0x145: {  	[sflag:s9] =	ssyncset.done $0x0  }
0x146: {  	[sflag:s9] =	ssyncadd.s32 $0xFFFFFE00  }
0x147: {  	[tilespmem:s16], [sflag:$0x2] =	stream.indirect.gather [hbm4b:s2+s25], $0x10, s17, s25, $0xb8;
	[tilespmem:$0x1D800] =	vst v63  }
0x148: {  	s0 =	sadd.s32 $0x140, s1  }
0x149: {  	[tilespmem:s5], [sflag:$0x6] =	stream.linear.gather [hbm4b:s0+s4], $0x200, $0x38;
	[tilespmem:$0x1D800] =	vst v63  }
0x14a: {  	s29 =	sadd.s32 $0x140, s29  }
0x14b: {  	[tilespmem:s10], [sflag:$0x6] =	stream.linear.gather [hbm4b:s29+s4], $0x200, $0x38;
	[tilespmem:$0x1D800] =	vst v63  }
0x14c: {  	_ =	swait.ge [sflag:s21], $0x2000  }
0x14d: {  	[sflag:s21] =	ssyncset.done $0x0  }
0x14e: {  	[sflag:s21] =	ssyncadd.s32 $0xFFFFE000  }
0x14f: {  	[spmem:s3] =	stream.indirect.scatter.add.f32 [tilespmem:s16], [sflag:$0x4], $0x10, s18, s25, $0xb8;
	[tilespmem:$0x1D800] =	vst v63  }
0x150: {  	_ =	swait.ge [sflag:s24], $0x2000  }
0x151: {  	[sflag:s24] =	ssyncset.done $0x0  }
0x152: {  	[sflag:s24] =	ssyncadd.s32 $0xFFFFE000  }
0x153: {  	_ =	swait.ge [sflag:s11], $0x200  }
0x154: {  	[sflag:s11] =	ssyncset.done $0x0  }
.Ltmp8:
0x155: {  	[sflag:s11] =	ssyncadd.s32 $0xFFFFFE00;
	(pc) =	sbr.rel .LBB2_13-.Ltmp8, $4  }
0x156: {  	_ =	swait.ge [sflag:s11], $0x200  }
0x157: {  	[sflag:s11] =	ssyncset.done $0x0  }
0x158: {  	s31 =	simm.s32 $0x18800;
	s30 =	sadd.s32 $0x100, s30;
	[sflag:s11] =	ssyncadd.s32 $0xFFFFFE00  }
0x159: {  	[tilespmem:s26], [sflag:$0x1] =	stream.indirect.gather [hbm4b:s2+s25], $0x10, s31, s25, $0xb8;
	[tilespmem:$0x1D800] =	vst v63  }
.LBB2_5:
0x15a: {  	_ =	swait.ge [sflag:s21], $0x2000  }
0x15b: {  	[sflag:s21] =	ssyncset.done $0x0  }
0x15c: {  	[sflag:s21] =	ssyncadd.s32 $0xFFFFE000  }
0x15d: {  	[spmem:s3] =	stream.indirect.scatter.add.f32 [tilespmem:s16], [sflag:$0x4], $0x10, s18, s25, $0xb8;
	[tilespmem:$0x1D800] =	vst v63  }
0x15e: {  	_ =	swait.ge [sflag:s24], $0x2000  }
0x15f: {  	[sflag:s24] =	ssyncset.done $0x0  }
0x160: {  	[sflag:s24] =	ssyncadd.s32 $0xFFFFE000  }
0x161: {  	_ =	swait.ge [sflag:s8], $0x2000  }
0x162: {  	[sflag:s8] =	ssyncset.done $0x0  }
0x163: {  	[sflag:s8] =	ssyncadd.s32 $0xFFFFE000  }
0x164: {  	[bflag:$0x0] =	sbarrier.arrive $0xFFFF  }
0x165: {  	s0 =	rddreg [dreg:$0x12]  }
0x166: {  	s1 =	rddreg [dreg:$0x15]  }
0x167: {  	s2 =	simm.s32 $0x9;
	s29 =	rddreg [dreg:$0x17]  }
0x168: {  	[hbm:s0], [sflag:s1] =	dma.local [spmem:s29], $0x3100  }
0x169: {  	_ =	swait.ge [sflag:s2], $0x3100  }
0x16a: {  	[sflag:s2] =	ssyncset.done $0x0  }
0x16b: {  	[sflag:s2] =	ssyncadd.s32 $0xFFFFCF00  }
0x16c: {  	[bflag:$0x0] =	sbarrier.arrive $0xFFFF  }
0x16d: {  	s31 =	rddreg [dreg:$0x6]  }
0x16e: {  	[spmem:s29], [sflag:s1] =	dma.local [hbm:s31], $0x3100  }
0x16f: {  	_ =	swait.ge [sflag:s2], $0x3100  }
0x170: {  	[sflag:s2] =	ssyncset.done $0x0  }
0x171: {  	[sflag:s2] =	ssyncadd.s32 $0xFFFFCF00  }
0x172: {  	[bflag:$0x0] =	sbarrier.arrive $0xFFFF  }
0x173: {  	s30 =	simm.s32 $0x0;
	s1 =	simm.s32 $0x18800;
	s2 =	rddreg [dreg:$0x10]  }
0x174: {  	[tilespmem:s1], [sflag:$0x5] =	stream.linear.gather [hbm4b:s2+s30], $0x200, $0x38;
	[tilespmem:$0x1D800] =	vst v63  }
0x175: {  	s31 =	simm.s32 $0x19000;
	s29 =	rddreg [dreg:$0x11]  }
0x176: {  	[tilespmem:s31], [sflag:$0x5] =	stream.linear.gather [hbm4b:s29+s30], $0x200, $0x38;
	[tilespmem:$0x1D800] =	vst v63  }
0x177: {  	s29 =	rddreg [dreg:$0xe]  }
0x178: {  	[tilespmem:s5], [sflag:$0x6] =	stream.linear.gather [hbm4b:s29+s30], $0x200, $0x38;
	[tilespmem:$0x1D800] =	vst v63  }
0x179: {  	s31 =	rddreg [dreg:$0xf]  }
0x17a: {  	[tilespmem:s10], [sflag:$0x6] =	stream.linear.gather [hbm4b:s31+s30], $0x200, $0x38;
	[tilespmem:$0x1D800] =	vst v63  }
0x17b: {  	_ =	swait.ge [sflag:s11], $0x200  }
0x17c: {  	[sflag:s11] =	ssyncset.done $0x0  }
0x17d: {  	[sflag:s11] =	ssyncadd.s32 $0xFFFFFE00  }
0x17e: {  	_ =	swait.ge [sflag:s11], $0x200  }
0x17f: {  	[sflag:s11] =	ssyncset.done $0x0  }
0x180: {  	[sflag:s11] =	ssyncadd.s32 $0xFFFFFE00  }
0x181: {  	[tilespmem:s26], [sflag:$0x1] =	stream.indirect.gather [hbm4b:s7+s25], $0x10, s1, s25, $0xb8;
	[tilespmem:$0x1D800] =	vst v63  }
.LBB2_6:
0x182: {  	s1 =	sadd.s32 s30, s22  }
0x183: {  	s29 =	sadd.s32 s30, s23;
	s0 =	sadd.s32 $0x80, s1  }
0x184: {  	[tilespmem:s12], [sflag:$0x7] =	stream.linear.gather [hbm4b:s0+s4], $0x200, $0x38;
	[tilespmem:$0x1D800] =	vst v63  }
0x185: {  	s2 =	sadd.s32 $0x80, s29  }
0x186: {  	[tilespmem:s13], [sflag:$0x7] =	stream.linear.gather [hbm4b:s2+s4], $0x200, $0x38;
	[tilespmem:$0x1D800] =	vst v63  }
0x187: {  	_ =	swait.ge [sflag:s14], $0x2000  }
0x188: {  	p1 =	seq.s32 s30, $0x0;
	[sflag:s14] =	ssyncset.done $0x0  }
0x189: {  	s31 =	simm.s32 $0x19000;
	s0 =	simm.s32 @!p1 $0x4;
	[sflag:s14] =	ssyncadd.s32 $0xFFFFE000  }
0x18a: {  	[spmem:s3] =	stream.indirect.scatter.add.f32 [tilespmem:s26], [sflag:$0x3], $0x10, s31, s25, $0xb8;
	[tilespmem:$0x1D800] =	vst v63  }
0x18b: {  	_ =	swait.ge @!p1 [sflag:s0], $0x2000  }
0x18c: {  	[sflag:s0] =	ssyncset.done @!p1 $0x0  }
0x18d: {  	[sflag:s0] =	ssyncadd.s32 @!p1 $0xFFFFE000  }
0x18e: {  	_ =	swait.ge [sflag:s15], $0x200  }
0x18f: {  	[sflag:s15] =	ssyncset.done $0x0  }
0x190: {  	[sflag:s15] =	ssyncadd.s32 $0xFFFFFE00  }
0x191: {  	_ =	swait.ge [sflag:s15], $0x200  }
0x192: {  	[sflag:s15] =	ssyncset.done $0x0  }
0x193: {  	[sflag:s15] =	ssyncadd.s32 $0xFFFFFE00  }
0x194: {  	[tilespmem:s16], [sflag:$0x2] =	stream.indirect.gather [hbm4b:s7+s25], $0x10, s5, s25, $0xb8;
	[tilespmem:$0x1D800] =	vst v63  }
0x195: {  	s2 =	sadd.s32 $0xC0, s1  }
0x196: {  	[tilespmem:s17], [sflag:$0x8] =	stream.linear.gather [hbm4b:s2+s4], $0x200, $0x38;
	[tilespmem:$0x1D800] =	vst v63  }
0x197: {  	s31 =	sadd.s32 $0xC0, s29  }
0x198: {  	[tilespmem:s18], [sflag:$0x8] =	stream.linear.gather [hbm4b:s31+s4], $0x200, $0x38;
	[tilespmem:$0x1D800] =	vst v63  }
0x199: {  	_ =	swait.ge [sflag:s21], $0x2000  }
0x19a: {  	[sflag:s21] =	ssyncset.done $0x0  }
0x19b: {  	[sflag:s21] =	ssyncadd.s32 $0xFFFFE000  }
0x19c: {  	[spmem:s3] =	stream.indirect.scatter.add.f32 [tilespmem:s16], [sflag:$0x4], $0x10, s10, s25, $0xb8;
	[tilespmem:$0x1D800] =	vst v63  }
0x19d: {  	_ =	swait.ge [sflag:s24], $0x2000  }
0x19e: {  	[sflag:s24] =	ssyncset.done $0x0  }
0x19f: {  	[sflag:s24] =	ssyncadd.s32 $0xFFFFE000  }
0x1a0: {  	_ =	swait.ge [sflag:s28], $0x200  }
0x1a1: {  	[sflag:s28] =	ssyncset.done $0x0  }
0x1a2: {  	[sflag:s28] =	ssyncadd.s32 $0xFFFFFE00  }
0x1a3: {  	_ =	swait.ge [sflag:s28], $0x200  }
0x1a4: {  	p1 =	seq.s32 s30, $0x3000;
	[sflag:s28] =	ssyncset.done $0x0  }
0x1a5: {  	s0 =	sadd.s32 @!p1 s30, s22;
	[sflag:s28] =	ssyncadd.s32 $0xFFFFFE00  }
0x1a6: {  	[tilespmem:s26], [sflag:$0x1] =	stream.indirect.gather [hbm4b:s7+s25], $0x10, s12, s25, $0xb8;
	[tilespmem:$0x1D800] =	vst v63  }
0x1a7: {  	s0 =	sadd.s32 @!p1 $0x100, s0;
	s2 =	simm.s32 @!p1 $0x0;
	s31 =	simm.s32 @!p1 $0x18800  }
0x1a8: {  	[tilespmem:s31], [sflag:$0x5] =	stream.linear.gather @!p1 [hbm4b:s0+s2], $0x200, $0x38;
	[tilespmem:$0x1D800] =	vst v63  }
0x1a9: {  	s0 =	sadd.s32 @!p1 s30, s23  }
0x1aa: {  	s31 =	simm.s32 @!p1 $0x19000;
	s0 =	sadd.s32 @!p1 $0x100, s0  }
0x1ab: {  	[tilespmem:s31], [sflag:$0x5] =	stream.linear.gather @!p1 [hbm4b:s0+s2], $0x200, $0x38;
	[tilespmem:$0x1D800] =	vst v63  }
0x1ac: {  	_ =	swait.ge [sflag:s14], $0x2000  }
0x1ad: {  	[sflag:s14] =	ssyncset.done $0x0  }
0x1ae: {  	[sflag:s14] =	ssyncadd.s32 $0xFFFFE000  }
0x1af: {  	[spmem:s3] =	stream.indirect.scatter.add.f32 [tilespmem:s26], [sflag:$0x3], $0x10, s13, s25, $0xb8;
	[tilespmem:$0x1D800] =	vst v63  }
0x1b0: {  	_ =	swait.ge [sflag:s8], $0x2000  }
0x1b1: {  	[sflag:s8] =	ssyncset.done $0x0  }
0x1b2: {  	[sflag:s8] =	ssyncadd.s32 $0xFFFFE000  }
0x1b3: {  	_ =	swait.ge [sflag:s9], $0x200  }
0x1b4: {  	[sflag:s9] =	ssyncset.done $0x0  }
.Ltmp9:
0x1b5: {  	[sflag:s9] =	ssyncadd.s32 $0xFFFFFE00;
	(pc) =	sbr.rel @p1 .LBB2_7-.Ltmp9, $4  }
0x1b6: {  	_ =	swait.ge [sflag:s9], $0x200  }
0x1b7: {  	[sflag:s9] =	ssyncset.done $0x0  }
0x1b8: {  	[sflag:s9] =	ssyncadd.s32 $0xFFFFFE00  }
0x1b9: {  	[tilespmem:s16], [sflag:$0x2] =	stream.indirect.gather [hbm4b:s7+s25], $0x10, s17, s25, $0xb8;
	[tilespmem:$0x1D800] =	vst v63  }
0x1ba: {  	s0 =	sadd.s32 $0x140, s1  }
0x1bb: {  	[tilespmem:s5], [sflag:$0x6] =	stream.linear.gather [hbm4b:s0+s4], $0x200, $0x38;
	[tilespmem:$0x1D800] =	vst v63  }
0x1bc: {  	s29 =	sadd.s32 $0x140, s29  }
0x1bd: {  	[tilespmem:s10], [sflag:$0x6] =	stream.linear.gather [hbm4b:s29+s4], $0x200, $0x38;
	[tilespmem:$0x1D800] =	vst v63  }
0x1be: {  	_ =	swait.ge [sflag:s21], $0x2000  }
0x1bf: {  	[sflag:s21] =	ssyncset.done $0x0  }
0x1c0: {  	[sflag:s21] =	ssyncadd.s32 $0xFFFFE000  }
0x1c1: {  	[spmem:s3] =	stream.indirect.scatter.add.f32 [tilespmem:s16], [sflag:$0x4], $0x10, s18, s25, $0xb8;
	[tilespmem:$0x1D800] =	vst v63  }
0x1c2: {  	_ =	swait.ge [sflag:s24], $0x2000  }
0x1c3: {  	[sflag:s24] =	ssyncset.done $0x0  }
0x1c4: {  	[sflag:s24] =	ssyncadd.s32 $0xFFFFE000  }
0x1c5: {  	_ =	swait.ge [sflag:s11], $0x200  }
0x1c6: {  	[sflag:s11] =	ssyncset.done $0x0  }
.Ltmp10:
0x1c7: {  	[sflag:s11] =	ssyncadd.s32 $0xFFFFFE00;
	(pc) =	sbr.rel .LBB2_6-.Ltmp10, $4  }
0x1c8: {  	_ =	swait.ge [sflag:s11], $0x200  }
0x1c9: {  	[sflag:s11] =	ssyncset.done $0x0  }
0x1ca: {  	s31 =	simm.s32 $0x18800;
	s30 =	sadd.s32 $0x100, s30;
	[sflag:s11] =	ssyncadd.s32 $0xFFFFFE00  }
0x1cb: {  	[tilespmem:s26], [sflag:$0x1] =	stream.indirect.gather [hbm4b:s7+s25], $0x10, s31, s25, $0xb8;
	[tilespmem:$0x1D800] =	vst v63  }
.LBB2_7:
.Ltmp11:
0x1cc: {  	(pc) =	sbr.rel .LBB2_15-.Ltmp11, $3  }
0x1cd: {  	_ =	sdelay $0x1  }
0x1ce: {  	s1 =	rddreg [dreg:$0x7]  }
0x1cf: {  	s30 =	rddreg [dreg:$0x16]  }
.LBB2_16:
0x1d0: {  	_ =	sfence.sel $0x180000  }
0x1d1: {  	[bflag:$0x0] =	sbarrier.arrive $0xFFFF  }
0x1d2: {  	_ =	strace $0x90000047  }
0x1d3: {  	s0 =	stileid.u32;
	[bflag:$0x2] =	sbarrier.arrive $0xFFFF  }
0x1d4: {  	p0 =	sne.s32 s0, $0x0;
	s0 =	rddreg [dreg:$0x4]  }
0x1d5: {  	s0 =	sadd.s32 @!p0 $0x100000, s0  }
0x1d6: {  	[sflag:s0] =	ssyncadd.tile.s32 @!p0 $0x1;
	_ =	shalt  }
.Lfunc_end2:
_tile_overlayer_lowered:
.L_overlay_start_2:
0x1d7: {  	(tag) =	ssettag $0x2  }
0x1d8: {  	s0 =	rddreg [dreg:$0x0];
	s2 =	stileid.u32  }
0x1d9: {  	s1 =	rddreg [dreg:$0x1];
	p0 =	sne.s32 s2, $0x0  }
0x1da: {  	s3 =	rddreg [dreg:$0x2];
	[bflag:$0x3] =	sbarrier.arrive $0xFFFF;
	s2 =	simm.s32 @!p0 $0x1C09  }
0x1db: {  	[timem:s3], [sflag:s2] =	dma.local @!p0 [hbm:s0], s1  }
0x1dc: {  	s0 =	simm.s32 @!p0 $0x9  }
0x1dd: {  	_ =	swait.ge @!p0 [sflag:s0], s1  }
0x1de: {  	s1 =	ssub.s32 @!p0 $0x0, s1;
	[sflag:s0] =	ssyncset.done @!p0 $0x0  }
0x1df: {  	[sflag:s0] =	ssyncadd.s32 @!p0 s1  }
0x1e0: {  	[bflag:$0x3] =	sbarrier.arrive $0xFFFF  }
0x1e1: {  	_ =	shalt  }

// kernel: kernel.14.cloned.1.call-start
scs
__scs_entry_jumppad:
0x0: {  	(pc) =	sbr.rel $0x88, $3  }
0x1: {  	(tag) =	ssettag $0x0;
	lr =	simm.s32 $0x1  }
0x2: {  	[smem:$0x3F91] =	sst lr;
	_ =	strace $0xD0000000  }
0x3: {  	_ = 	snop  }
0x4: {  	_ = 	snop  }
0x5: {  	_ = 	snop  }
0x6: {  	_ = 	snop  }
0x7: {  	_ = 	snop  }
__scs_overlays_trampoline_lowered:
0x8: {  	[smem:$0x3FA0] =	sst s0  }
0x9: {  	[smem:$0x3FA1] =	sst s1  }
0xa: {  	[smem:$0x3FA2] =	sst s2  }
0xb: {  	[smem:$0x3FA3] =	sst s3  }
0xc: {  	[smem:$0x3FA4] =	sst s4  }
0xd: {  	[smem:$0x3FA5] =	sst s5  }
0xe: {  	[smem:$0x3FA6] =	sst s6  }
0xf: {  	[smem:$0x3FA7] =	sst s7  }
0x10: {  	[smem:$0x3FA8] =	sst s8  }
0x11: {  	[smem:$0x3FA9] =	sst s9;
	s0 =	simm.s32 @!p0 $0x0  }
0x12: {  	s1 =	sld [smem:$0x3F8F];
	s0 =	simm.s32 @p0 $0x1  }
0x13: {  	[smem:$0x3FAA] =	sst s0;
	s0 =	simm.s32 @!p1 $0x0  }
0x14: {  	s2 =	sld [smem:$0x3F8E];
	s0 =	simm.s32 @p1 $0x1  }
0x15: {  	[smem:$0x3FAB] =	sst s0;
	s0 =	simm.s32 @!p2 $0x0  }
0x16: {  	s3 =	sld [smem:$0x3FDB];
	s0 =	simm.s32 @p2 $0x1  }
0x17: {  	s4 =	simm.s32 $0x1BF5;
	[smem:$0x3FAD] =	sst s0  }
0x18: {  	s0 =	sld [smem:$0x3F90];
	_ =	swait.ge [sflag:s4], $0x0  }
0x19: {  	s7 =	sld [smem:$0x3F91]  }
0x1a: {  	s8 =	sadd.s32 $0xFFFFE003, lr  }
0x1b: {  	s9 =	sadd.s32 $0xFFFFFEF7, lr;
	s5 =	simm.s32 $0xFFFFFFFF;
	p2 =	slt.u32 s8, $0xFFFFF086  }
0x1c: {  	p1 =	slt.u32 s9, $0xF7A;
	s5 =	simm.s32 @!p2 $0x0  }
0x1d: {  	s5 =	simm.s32 @p1 $0x1;
	p0 =	seq.s32 s7, s2  }
0x1e: {  	s7 =	smul.u32 @!p0 $0xF7A, s2;
	p2 =	seq.s32 @!p0 s5, $0x0  }
0x1f: {  	s9 =	smul.u32 $0xF7A, s1;
	s8 =	simm.s32 @!p0 $0x1BF5;
	p2 =	por !p2, p0  }
0x20: {  	[sflag:s8] =	ssyncset.s32 @!p0 $0xFFFFF086;
	s6 =	sadd.s32 @!p0 s3, s7;
	s7 =	simm.s32 @!p0 $0x108  }
0x21: {  	s3 =	sadd.s32 s3, s9;
	s6 =	sadd.s32 @!p0 $0x88, s6;
	s7 =	simm.s32 @p2 $0x1082  }
0x22: {  	[simem:s7], [sflag:s8] =	dma.local @!p0 [hbm:s6], $0xF7A  }
0x23: {  	s9 =	sor.u32 $0xD0000000, s2;
	s6 =	simm.s32 $0x108;
	_ =	swait.ge @!p0 [sflag:s8], $0x0  }
0x24: {  	s3 =	sadd.s32 $0x88, s3;
	s6 =	simm.s32 @!p1 $0x1082;
	[sflag:s4] =	ssyncset.s32 $0xFFFFF086  }
0x25: {  	[simem:s6], [sflag:s4] =	dma.local [hbm:s3], $0xF7A  }
0x26: {  	[smem:$0x3F91] =	sst s1;
	(tag) =	ssettag s2;
	_ =	strace s9  }
0x27: {  	s1 =	sld [smem:$0x3FA1]  }
0x28: {  	s2 =	sld [smem:$0x3FA2]  }
0x29: {  	s4 =	sld [smem:$0x3FA4]  }
0x2a: {  	p0 =	seq.s32 s5, $0x0;
	s5 =	sld [smem:$0x3FA5]  }
0x2b: {  	s6 =	sld [smem:$0x3FA6]  }
0x2c: {  	s7 =	sld [smem:$0x3FA7]  }
0x2d: {  	s3 =	simm.s32 $0x108;
	s8 =	sld [smem:$0x3FA8]  }
0x2e: {  	s3 =	simm.s32 @!p0 $0x1082;
	s9 =	sld [smem:$0x3FA9]  }
0x2f: {  	lr =	sadd.s32 s0, s3;
	s0 =	sld [smem:$0x3FA0]  }
0x30: {  	s3 =	sld [smem:$0x3FA3]  }
0x31: {  	[smem:$0x3FAC] =	sst s10  }
0x32: {  	s10 =	sld [smem:$0x3FAA];
	_ =	sdelay $0x3  }
0x33: {  	p0 =	seq.s32 s10, $0x1;
	s10 =	sld [smem:$0x3FAC];
	_ =	sdelay $0x3  }
0x34: {  	[smem:$0x3FAC] =	sst s10  }
0x35: {  	s10 =	sld [smem:$0x3FAB];
	_ =	sdelay $0x3  }
0x36: {  	p1 =	seq.s32 s10, $0x1;
	s10 =	sld [smem:$0x3FAC];
	_ =	sdelay $0x3  }
0x37: {  	[smem:$0x3FAC] =	sst s10  }
0x38: {  	s10 =	sld [smem:$0x3FAD]  }
0x39: {  	_ = 	snop;
	(pc) =	sbr.ind lr, $3  }
0x3a: {  	_ = 	snop  }
0x3b: {  	_ = 	snop  }
0x3c: {  	p2 =	seq.s32 s10, $0x1;
	s10 =	sld [smem:$0x3FAC]  }
0x3d: {  	_ =	shalt  }
0x3e: {  	_ =	shalt  }
0x3f: {  	_ =	shalt  }
0x40: {  	_ =	shalt  }
0x41: {  	_ =	shalt  }
0x42: {  	_ =	shalt  }
0x43: {  	_ =	shalt  }
0x44: {  	_ =	shalt  }
0x45: {  	_ =	shalt  }
0x46: {  	_ =	shalt  }
0x47: {  	_ =	shalt  }
0x48: {  	_ =	shalt  }
0x49: {  	_ =	shalt  }
0x4a: {  	_ =	shalt  }
0x4b: {  	_ =	shalt  }
0x4c: {  	_ =	shalt  }
0x4d: {  	_ =	shalt  }
0x4e: {  	_ =	shalt  }
0x4f: {  	_ =	shalt  }
0x50: {  	_ =	shalt  }
0x51: {  	_ =	shalt  }
0x52: {  	_ =	shalt  }
0x53: {  	_ =	shalt  }
0x54: {  	_ =	shalt  }
0x55: {  	_ =	shalt  }
0x56: {  	_ =	shalt  }
0x57: {  	_ =	shalt  }
0x58: {  	_ =	shalt  }
0x59: {  	_ =	shalt  }
0x5a: {  	_ =	shalt  }
0x5b: {  	_ =	shalt  }
0x5c: {  	_ =	shalt  }
0x5d: {  	_ =	shalt  }
0x5e: {  	_ =	shalt  }
0x5f: {  	_ =	shalt  }
0x60: {  	_ =	shalt  }
0x61: {  	_ =	shalt  }
0x62: {  	_ =	shalt  }
0x63: {  	_ =	shalt  }
0x64: {  	_ =	shalt  }
0x65: {  	_ =	shalt  }
0x66: {  	_ =	shalt  }
0x67: {  	_ =	shalt  }
0x68: {  	_ =	shalt  }
0x69: {  	_ =	shalt  }
0x6a: {  	_ =	shalt  }
0x6b: {  	_ =	shalt  }
0x6c: {  	_ =	shalt  }
0x6d: {  	_ =	shalt  }
0x6e: {  	_ =	shalt  }
0x6f: {  	_ =	shalt  }
0x70: {  	_ =	shalt  }
0x71: {  	_ =	shalt  }
0x72: {  	_ =	shalt  }
0x73: {  	_ =	shalt  }
0x74: {  	_ =	shalt  }
0x75: {  	_ =	shalt  }
0x76: {  	_ =	shalt  }
0x77: {  	_ =	shalt  }
0x78: {  	_ =	shalt  }
0x79: {  	_ =	shalt  }
0x7a: {  	_ =	shalt  }
0x7b: {  	_ =	shalt  }
0x7c: {  	_ =	shalt  }
0x7d: {  	_ =	shalt  }
0x7e: {  	_ =	shalt  }
0x7f: {  	_ =	shalt  }
0x80: {  	_ =	shalt  }
0x81: {  	_ =	shalt  }
0x82: {  	_ =	shalt  }
0x83: {  	_ =	shalt  }
0x84: {  	_ =	shalt  }
0x85: {  	_ =	shalt  }
0x86: {  	_ =	shalt  }
0x87: {  	_ =	shalt  }
.Lfunc_end0:
.L_simem_size_0:
called_computation.2_lowered:
.L_overlay_start_0:
0x88: {  	s2 =	sld [smem:$0x3FD9]  }
0x89: {  	s3 =	sld [smem:$0x3FFE];
	_ =	sdelay $0x1  }
0x8a: {  	s1 =	srdreg.scid  }
0x8b: {  	s0 =	sand.u32 $0x1, s1  }
0x8c: {  	s14 =	sshll.u32 s0, $0xA;
	s2 =	sadd.s32 s3, s2  }
0x8d: {  	s2 =	sadd.s32 s2, s14  }
0x8e: {  	[smem:$0x3FB8] =	sst s2  }
0x8f: {  	_ = 	snop  }
0x90: {  	s2 =	sld [smem:$0x3FD0];
	_ =	sdelay $0x2  }
0x91: {  	s15 =	simm.s32 $0xB;
	s4 =	simm.s32 $0x10  }
0x92: {  	[smem:s4], [sflag:s15] =	dma.local [hbm:s2], $0x1  }
0x93: {  	_ =	swait.eq [sflag:s15], $0x1  }
0x94: {  	[sflag:s15] =	ssyncset.done $0x0  }
0x95: {  	s16 =	sld [smem:$0x10];
	[sflag:s15] =	ssyncadd.s32 $0xFFFFFFFF  }
0x96: {  	s17 =	sld [smem:$0x11];
	(tm) =	ssettm $0x1  }
0x97: {  	s18 =	sld [smem:$0x3FFB];
	_ =	sdelay $0x3  }
0x98: {  	_ =	strace s18  }
0x99: {  	s4 =	sld [smem:$0x3FFC];
	_ =	sdelay $0x3  }
0x9a: {  	_ =	strace s4  }
0x9b: {  	s4 =	sld [smem:$0x3FFD];
	_ =	sdelay $0x3  }
0x9c: {  	_ =	strace s4  }
0x9d: {  	_ =	strace $0x8FFFFFFF  }
0x9e: {  	s19 =	sld [smem:$0x3FDB];
	_ =	sdelay $0x1  }
0x9f: {  	s5 =	simm.s32 $_scs_section_size  }
0xa0: {  	s6 =	simm.s32 $_size__tile_overlayer_lowered;
	s7 =	simm.s32 $_tile_overlayer_lowered  }
0xa1: {  	s22 =	simm.s32 $0x1BFF;
	s21 =	sshll.u32 s7, $0x1;
	s4 =	sadd.s32 s5, s19  }
0xa2: {  	s8 =	simm.s32 $0x0;
	s20 =	sshll.u32 s6, $0x1;
	s6 =	sadd.s32 s21, s4  }
0xa3: {  	[timem:s8], [sflag:s22] =	dma.local [hbm:s6], s20  }
0xa4: {  	_ =	swait.ge [sflag:s22], s20  }
0xa5: {  	s5 =	ssub.s32 $0x0, s20;
	[sflag:s22] =	ssyncset.done $0x0  }
0xa6: {  	[sflag:s22] =	ssyncadd.s32 s5;
	_ =	sdelay $0x1  }
0xa7: {  	s23 =	simm.s32 $0x1B8B  }
0xa8: {  	_ =	swait.ge [sflag:s23], $0x1  }
0xa9: {  	[sflag:s23] =	ssyncset.done $0x0  }
0xaa: {  	s25 =	simm.s32 $0x1B8E;
	s24 =	sld [smem:$0x3FFE];
	[sflag:s23] =	ssyncadd.s32 $0xFFFFFFFF  }
0xab: {  	s26 =	simm.s32 $execute0_lowered;
	[smem:$0x3FD2] =	sst s25  }
0xac: {  	s6 =	sshll.u32 s26, $0x1;
	_ =	strace $0x8000004C;
	[dreg:$0x1] =	wrdreg $0xFFFFFFFF  }
0xad: {  	s28 =	simm.s32 $_size_execute0_lowered;
	s4 =	sadd.s32 s4, s6;
	[dreg:$0x0] =	wrdreg $0x0  }
0xae: {  	s6 =	sshll.u32 s28, $0x1;
	[dreg:$0x2] =	wrdreg s4  }
0xaf: {  	[dreg:$0x3] =	wrdreg s6  }
0xb0: {  	[dreg:$0x4] =	wrdreg $0xC0  }
0xb1: {  	_ =	task [dreg:s8], $0x5FFFF  }
0xb2: {  	[dreg:$0x1] =	wrdreg $0xFFFFFFFF  }
0xb3: {  	[dreg:$0x0] =	wrdreg $0x60  }
0xb4: {  	[dreg:$0x2] =	wrdreg s16  }
0xb5: {  	[dreg:$0x3] =	wrdreg s24  }
0xb6: {  	[dreg:$0x4] =	wrdreg s17  }
0xb7: {  	[dreg:$0x5] =	wrdreg $0x0  }
0xb8: {  	[dreg:$0x6] =	wrdreg $0x9  }
0xb9: {  	_ =	task.clear_ibuf [dreg:s8], $0x7FFFF;
	_ =	strace $0x9000004C  }
0xba: {  	s29 =	simm.s32 $0x9;
	_ =	strace $0x8000004E  }
0xbb: {  	_ =	swait.ge [sflag:s29], $0x1  }
0xbc: {  	[sflag:s29] =	ssyncadd.s32 $0xFFFFFFFF  }
0xbd: {  	_ =	strace $0x9000004E  }
0xbe: {  	_ =	sfence  }
0xbf: {  	s30 =	sld [smem:$0x0];
	_ =	sdelay $0x2  }
0xc0: {  	s31 =	sshll.u32 s1, $0xD;
	s1 =	sshrl.u32 s1, $0x2  }
0xc1: {  	s3 =	sand.u32 $0x4000, s31;
	s1 =	sadd.s32 s1, s30  }
0xc2: {  	s0 =	sor.u32 s3, s0;
	s1 =	sshll.u32 s1, $0x11  }
0xc3: {  	s0 =	sor.u32 s1, s0  }
0xc4: {  	s0 =	sadd.s32 $0x8F2B, s0  }
0xc5: {  	[sflag:s0] =	ssyncadd.remote.s32 $0x1  }
0xc6: {  	_ =	sfence.sel $0xFFFF  }
0xc7: {  	[dreg:$0x0] =	wrdreg $0xFFFFFFFF;
	(pc) =	sbr.abs _section_cstart, $3  }
0xc8: {  	[dreg:$0x1] =	wrdreg $0xFFFFFFFF  }
0xc9: {  	_ =	task.clear_ibuf [dreg:s8], $0x2FFFF;
	_ =	strace $0x9FFFFFFF  }
0xca: {  	(tm) =	ssettm $0x7FFFFFFF  }
0xcb: {  	_ =	shalt  }
tec
execute0_lowered:
.L_overlay_start_1:
0x0: {  	(tag) =	ssettag $0x1  }
0x1: {  	s31 =	rddreg [dreg:$0x0]  }
0x2: {  	s0 =	rddreg [dreg:$0x1]  }
0x3: {  	s3 =	rddreg [dreg:$0x3];
	s4 =	simm.s32 $0x0;
	s2 =	stileid.u32  }
0x4: {  	s8 =	srdreg.scid;
	s29 =	simm.s32 $0x18800;
	[smem:$0x7FF] =	sst s4  }
0x5: {  	s28 =	simm.s32 $0x7;
	s7 =	sadd.s32 $0x264600, s0;
	s1 =	sadd.s32 $0x1D1600, s0  }
0x6: {  	s6 =	sadd.s32 $0xDFC00, s0;
	s5 =	smul.u32 $0x18800, s2;
	s9 =	sadd.s32 $0x202600, s0  }
0x7: {  	s30 =	simm.s32 $0x0;
	s10 =	sadd.s32 $0x1A0600, s0;
	s11 =	sadd.s32 $0x233600, s0  }
0x8: {  	s8 =	sand.u32 $0x1, s8;
	s13 =	sadd.s32 $0xDCA00, s0;
	s16 =	sadd.s32 $0x295600, s0  }
0x9: {  	s26 =	smul.u32 $0x3100, s2;
	_ =	strace $0x8000004D;
	[dreg:$0x6] =	wrdreg s13  }
0xa: {  	s12 =	ssub.s32 $0x2, s8;
	[dreg:$0x7] =	wrdreg s16;
	p0 =	seq.s32 s8, $0x1  }
0xb: {  	s8 =	simm.s32 $0x4;
	s15 =	sshrl.u32 s5, $0x3;
	s14 =	sshrl.u32 s12, $0x1  }
0xc: {  	s5 =	sadd.s32 s5, s3;
	s19 =	sadd.s32 s26, s9;
	s20 =	sadd.s32 s26, s1  }
0xd: {  	s22 =	sadd.s32 s26, s10;
	s13 =	sadd.s32 s15, s0;
	[dreg:$0x9] =	wrdreg s5  }
0xe: {  	s0 =	sadd.s32 $0x2C6600, s0;
	s23 =	sadd.s32 s1, s15;
	[dreg:$0x5] =	wrdreg s15  }
0xf: {  	s24 =	sadd.s32 s9, s15;
	s25 =	sor.u32 $0x40, s15;
	[dreg:$0x8] =	wrdreg s0  }
0x10: {  	s18 =	sadd.s32 s10, s15;
	s21 =	sadd.s32 s11, s15;
	[dreg:$0xa] =	wrdreg s23  }
0x11: {  	s15 =	simm.s32 $0x6;
	s0 =	ssub.s32 s12, s14;
	[dreg:$0xb] =	wrdreg s24  }
0x12: {  	s14 =	sadd.s32 s1, s25;
	s16 =	sadd.s32 s9, s25;
	s17 =	sadd.s32 s10, s25  }
0x13: {  	s5 =	sadd.s32 s11, s25;
	[dreg:$0x10] =	wrdreg s18;
	s23 =	sadd.s32 s26, s11  }
0x14: {  	[dreg:$0x11] =	wrdreg s21;
	s24 =	sadd.s32 $0x8000, s13;
	s25 =	sshll.u32 s2, $0x6  }
0x15: {  	s26 =	sadd.s32 $0x39000, s13;
	s2 =	simm.s32 $0x9;
	[dreg:$0xc] =	wrdreg s14  }
0x16: {  	s10 =	simm.s32 $0x19200;
	s11 =	simm.s32 $0x5;
	[dreg:$0xd] =	wrdreg s16  }
0x17: {  	s12 =	simm.s32 $0x18C00;
	s13 =	simm.s32 $0x19400;
	[dreg:$0xe] =	wrdreg s17  }
0x18: {  	s18 =	simm.s32 $0x19600;
	s21 =	simm.s32 $0x2;
	[dreg:$0xf] =	wrdreg s5  }
.Ltmp0:
0x19: {  	s9 =	simm.s32 $0x8;
	[dreg:$0x12] =	wrdreg s24;
	(pc) =	sbr.rel .LBB2_1-.Ltmp0, $4  }
0x1a: {  	[dreg:$0x13] =	wrdreg s26;
	s0 =	smax.u32 s0, $0x1;
	s1 =	sor.u32 $0x1C09, s25  }
0x1b: {  	s5 =	simm.s32 $0x18A00;
	s25 =	simm.s32 $0x200;
	s26 =	simm.s32 $0x19800  }
0x1c: {  	s14 =	simm.s32 $0x1;
	s16 =	simm.s32 $0x1B800;
	[dreg:$0x14] =	wrdreg s0  }
0x1d: {  	s17 =	simm.s32 $0x18E00;
	s24 =	simm.s32 $0x3;
	[dreg:$0x15] =	wrdreg s1  }
.LBB2_14:
0x1e: {  	s1 =	rddreg [dreg:$0x8]  }
0x1f: {  	s30 =	rddreg [dreg:$0x16]  }
.LBB2_15:
0x20: {  	_ =	swait.ge [sflag:s21], $0x2000  }
0x21: {  	[sflag:s21] =	ssyncset.done $0x0  }
0x22: {  	[sflag:s21] =	ssyncadd.s32 $0xFFFFE000  }
0x23: {  	[spmem:s3] =	stream.indirect.scatter.add.f32 [tilespmem:s16], [sflag:$0x4], $0x10, s18, s25, $0xb8;
	[tilespmem:$0x1D800] =	vst v63  }
0x24: {  	_ =	swait.ge [sflag:s24], $0x2000  }
0x25: {  	[sflag:s24] =	ssyncset.done $0x0  }
0x26: {  	[sflag:s24] =	ssyncadd.s32 $0xFFFFE000  }
0x27: {  	_ =	swait.ge [sflag:s8], $0x2000  }
0x28: {  	[sflag:s8] =	ssyncset.done $0x0  }
0x29: {  	[sflag:s8] =	ssyncadd.s32 $0xFFFFE000  }
0x2a: {  	s0 =	rddreg [dreg:$0x5];
	[bflag:$0x0] =	sbarrier.arrive $0xFFFF  }
0x2b: {  	s0 =	sadd.s32 s1, s0;
	s1 =	rddreg [dreg:$0x15]  }
0x2c: {  	s2 =	rddreg [dreg:$0x17]  }
0x2d: {  	[hbm:s0], [sflag:s1] =	dma.local [spmem:s2], $0x3100  }
0x2e: {  	s2 =	simm.s32 $0x9  }
0x2f: {  	_ =	swait.ge [sflag:s2], $0x3100  }
0x30: {  	s30 =	sadd.s32 $0x1, s30;
	s0 =	rddreg [dreg:$0x14]  }
0x31: {  	p1 =	sne.s32 s30, s0  }
.Ltmp1:
0x32: {  	_ = 	snop;
	(pc) =	sbr.rel @!p1 .LBB2_16-.Ltmp1, $4  }
0x33: {  	[sflag:s2] =	ssyncset.done $0x0  }
0x34: {  	[sflag:s2] =	ssyncadd.s32 $0xFFFFCF00  }
0x35: {  	[bflag:$0x0] =	sbarrier.arrive $0xFFFF  }
0x36: {  	s29 =	simm.s32 $0x18800;
	s31 =	rddreg [dreg:$0x0]  }
.LBB2_1:
0x37: {  	[dreg:$0x16] =	wrdreg s30  }
0x38: {  	s0 =	rddreg [dreg:$0x9]  }
0x39: {  	s30 =	sshrl.u32 s0, $0x3;
	s0 =	rddreg [dreg:$0x6]  }
0x3a: {  	[dreg:$0x17] =	wrdreg s30  }
0x3b: {  	[spmem:s30], [sflag:s1] =	dma.local [hbm:s0], $0x3100  }
0x3c: {  	_ =	swait.ge [sflag:s2], $0x3100  }
0x3d: {  	[sflag:s2] =	ssyncset.done $0x0  }
0x3e: {  	[sflag:s2] =	ssyncadd.s32 $0xFFFFCF00  }
0x3f: {  	[bflag:$0x0] =	sbarrier.arrive $0xFFFF  }
0x40: {  	s1 =	rddreg [dreg:$0xa]  }
0x41: {  	[tilespmem:s29], [sflag:$0x5] =	stream.linear.gather [hbm4b:s1+s4], $0x200, $0x38;
	[tilespmem:$0x1D800] =	vst v63  }
0x42: {  	s30 =	simm.s32 $0x19000;
	s2 =	rddreg [dreg:$0xb]  }
0x43: {  	[tilespmem:s30], [sflag:$0x5] =	stream.linear.gather [hbm4b:s2+s4], $0x200, $0x38;
	[tilespmem:$0x1D800] =	vst v63  }
0x44: {  	s2 =	rddreg [dreg:$0xc]  }
0x45: {  	[tilespmem:s5], [sflag:$0x6] =	stream.linear.gather [hbm4b:s2+s4], $0x200, $0x38;
	[tilespmem:$0x1D800] =	vst v63  }
0x46: {  	s30 =	rddreg [dreg:$0xd]  }
0x47: {  	[tilespmem:s10], [sflag:$0x6] =	stream.linear.gather [hbm4b:s30+s4], $0x200, $0x38;
	[tilespmem:$0x1D800] =	vst v63  }
0x48: {  	_ =	swait.ge [sflag:s11], $0x200  }
.Ltmp2:
0x49: {  	[sflag:s11] =	ssyncset.done $0x0;
	(pc) =	sbr.rel @!p0 .LBB2_2-.Ltmp2, $4  }
0x4a: {  	[sflag:s11] =	ssyncadd.s32 $0xFFFFFE00  }
0x4b: {  	_ =	swait.ge [sflag:s11], $0x200  }
0x4c: {  	[sflag:s11] =	ssyncset.done $0x0  }
0x4d: {  	[sflag:s11] =	ssyncadd.s32 $0xFFFFFE00  }
0x4e: {  	[tilespmem:s26], [sflag:$0x1] =	stream.indirect.gather [hbm4b:s6+s25], $0x10, s29, s25, $0xb8;
	[tilespmem:$0x1D800] =	vst v63  }
0x4f: {  	s30 =	simm.s32 $0x0  }
.LBB2_10:
0x50: {  	s29 =	sadd.s32 s30, s20  }
0x51: {  	s1 =	sadd.s32 s30, s19;
	s0 =	sadd.s32 $0x80, s29  }
0x52: {  	[tilespmem:s12], [sflag:$0x7] =	stream.linear.gather [hbm4b:s0+s4], $0x200, $0x38;
	[tilespmem:$0x1D800] =	vst v63  }
0x53: {  	s2 =	sadd.s32 $0x80, s1  }
0x54: {  	[tilespmem:s13], [sflag:$0x7] =	stream.linear.gather [hbm4b:s2+s4], $0x200, $0x38;
	[tilespmem:$0x1D800] =	vst v63  }
0x55: {  	_ =	swait.ge [sflag:s14], $0x2000  }
0x56: {  	p1 =	seq.s32 s30, $0x0;
	[sflag:s14] =	ssyncset.done $0x0  }
0x57: {  	s31 =	simm.s32 $0x19000;
	s0 =	simm.s32 @!p1 $0x4;
	[sflag:s14] =	ssyncadd.s32 $0xFFFFE000  }
0x58: {  	[spmem:s3] =	stream.indirect.scatter.add.f32 [tilespmem:s26], [sflag:$0x3], $0x10, s31, s25, $0xb8;
	[tilespmem:$0x1D800] =	vst v63  }
0x59: {  	_ =	swait.ge @!p1 [sflag:s0], $0x2000  }
0x5a: {  	[sflag:s0] =	ssyncset.done @!p1 $0x0  }
0x5b: {  	[sflag:s0] =	ssyncadd.s32 @!p1 $0xFFFFE000  }
0x5c: {  	_ =	swait.ge [sflag:s15], $0x200  }
0x5d: {  	[sflag:s15] =	ssyncset.done $0x0  }
0x5e: {  	[sflag:s15] =	ssyncadd.s32 $0xFFFFFE00  }
0x5f: {  	_ =	swait.ge [sflag:s15], $0x200  }
0x60: {  	[sflag:s15] =	ssyncset.done $0x0  }
0x61: {  	[sflag:s15] =	ssyncadd.s32 $0xFFFFFE00  }
0x62: {  	[tilespmem:s16], [sflag:$0x2] =	stream.indirect.gather [hbm4b:s6+s25], $0x10, s5, s25, $0xb8;
	[tilespmem:$0x1D800] =	vst v63  }
0x63: {  	s2 =	sadd.s32 $0xC0, s29  }
0x64: {  	[tilespmem:s17], [sflag:$0x8] =	stream.linear.gather [hbm4b:s2+s4], $0x200, $0x38;
	[tilespmem:$0x1D800] =	vst v63  }
0x65: {  	s31 =	sadd.s32 $0xC0, s1  }
0x66: {  	[tilespmem:s18], [sflag:$0x8] =	stream.linear.gather [hbm4b:s31+s4], $0x200, $0x38;
	[tilespmem:$0x1D800] =	vst v63  }
0x67: {  	_ =	swait.ge [sflag:s21], $0x2000  }
0x68: {  	[sflag:s21] =	ssyncset.done $0x0  }
0x69: {  	[sflag:s21] =	ssyncadd.s32 $0xFFFFE000  }
0x6a: {  	[spmem:s3] =	stream.indirect.scatter.add.f32 [tilespmem:s16], [sflag:$0x4], $0x10, s10, s25, $0xb8;
	[tilespmem:$0x1D800] =	vst v63  }
0x6b: {  	_ =	swait.ge [sflag:s24], $0x2000  }
0x6c: {  	[sflag:s24] =	ssyncset.done $0x0  }
0x6d: {  	[sflag:s24] =	ssyncadd.s32 $0xFFFFE000  }
0x6e: {  	_ =	swait.ge [sflag:s28], $0x200  }
0x6f: {  	[sflag:s28] =	ssyncset.done $0x0  }
0x70: {  	[sflag:s28] =	ssyncadd.s32 $0xFFFFFE00  }
0x71: {  	_ =	swait.ge [sflag:s28], $0x200  }
0x72: {  	p1 =	seq.s32 s30, $0x3000;
	[sflag:s28] =	ssyncset.done $0x0  }
0x73: {  	s0 =	sadd.s32 @!p1 s30, s20;
	[sflag:s28] =	ssyncadd.s32 $0xFFFFFE00  }
0x74: {  	[tilespmem:s26], [sflag:$0x1] =	stream.indirect.gather [hbm4b:s6+s25], $0x10, s12, s25, $0xb8;
	[tilespmem:$0x1D800] =	vst v63  }
0x75: {  	s0 =	sadd.s32 @!p1 $0x100, s0;
	s2 =	simm.s32 @!p1 $0x0;
	s31 =	simm.s32 @!p1 $0x18800  }
0x76: {  	[tilespmem:s31], [sflag:$0x5] =	stream.linear.gather @!p1 [hbm4b:s0+s2], $0x200, $0x38;
	[tilespmem:$0x1D800] =	vst v63  }
0x77: {  	s0 =	sadd.s32 @!p1 s30, s19  }
0x78: {  	s31 =	simm.s32 @!p1 $0x19000;
	s0 =	sadd.s32 @!p1 $0x100, s0  }
0x79: {  	[tilespmem:s31], [sflag:$0x5] =	stream.linear.gather @!p1 [hbm4b:s0+s2], $0x200, $0x38;
	[tilespmem:$0x1D800] =	vst v63  }
0x7a: {  	_ =	swait.ge [sflag:s14], $0x2000  }
0x7b: {  	[sflag:s14] =	ssyncset.done $0x0  }
0x7c: {  	[sflag:s14] =	ssyncadd.s32 $0xFFFFE000  }
0x7d: {  	[spmem:s3] =	stream.indirect.scatter.add.f32 [tilespmem:s26], [sflag:$0x3], $0x10, s13, s25, $0xb8;
	[tilespmem:$0x1D800] =	vst v63  }
0x7e: {  	_ =	swait.ge [sflag:s8], $0x2000  }
0x7f: {  	[sflag:s8] =	ssyncset.done $0x0  }
0x80: {  	[sflag:s8] =	ssyncadd.s32 $0xFFFFE000  }
0x81: {  	_ =	swait.ge [sflag:s9], $0x200  }
0x82: {  	[sflag:s9] =	ssyncset.done $0x0  }
.Ltmp3:
0x83: {  	[sflag:s9] =	ssyncadd.s32 $0xFFFFFE00;
	(pc) =	sbr.rel @p1 .LBB2_12-.Ltmp3, $4  }
0x84: {  	_ =	swait.ge [sflag:s9], $0x200  }
0x85: {  	[sflag:s9] =	ssyncset.done $0x0  }
0x86: {  	[sflag:s9] =	ssyncadd.s32 $0xFFFFFE00  }
0x87: {  	[tilespmem:s16], [sflag:$0x2] =	stream.indirect.gather [hbm4b:s6+s25], $0x10, s17, s25, $0xb8;
	[tilespmem:$0x1D800] =	vst v63  }
0x88: {  	s0 =	sadd.s32 $0x140, s29  }
0x89: {  	[tilespmem:s5], [sflag:$0x6] =	stream.linear.gather [hbm4b:s0+s4], $0x200, $0x38;
	[tilespmem:$0x1D800] =	vst v63  }
0x8a: {  	s29 =	sadd.s32 $0x140, s1  }
0x8b: {  	[tilespmem:s10], [sflag:$0x6] =	stream.linear.gather [hbm4b:s29+s4], $0x200, $0x38;
	[tilespmem:$0x1D800] =	vst v63  }
0x8c: {  	_ =	swait.ge [sflag:s21], $0x2000  }
0x8d: {  	[sflag:s21] =	ssyncset.done $0x0  }
0x8e: {  	[sflag:s21] =	ssyncadd.s32 $0xFFFFE000  }
0x8f: {  	[spmem:s3] =	stream.indirect.scatter.add.f32 [tilespmem:s16], [sflag:$0x4], $0x10, s18, s25, $0xb8;
	[tilespmem:$0x1D800] =	vst v63  }
0x90: {  	_ =	swait.ge [sflag:s24], $0x2000  }
0x91: {  	[sflag:s24] =	ssyncset.done $0x0  }
0x92: {  	[sflag:s24] =	ssyncadd.s32 $0xFFFFE000  }
0x93: {  	_ =	swait.ge [sflag:s11], $0x200  }
0x94: {  	[sflag:s11] =	ssyncset.done $0x0  }
.Ltmp4:
0x95: {  	[sflag:s11] =	ssyncadd.s32 $0xFFFFFE00;
	(pc) =	sbr.rel .LBB2_10-.Ltmp4, $4  }
0x96: {  	_ =	swait.ge [sflag:s11], $0x200  }
0x97: {  	[sflag:s11] =	ssyncset.done $0x0  }
0x98: {  	s31 =	simm.s32 $0x18800;
	s30 =	sadd.s32 $0x100, s30;
	[sflag:s11] =	ssyncadd.s32 $0xFFFFFE00  }
0x99: {  	[tilespmem:s26], [sflag:$0x1] =	stream.indirect.gather [hbm4b:s6+s25], $0x10, s31, s25, $0xb8;
	[tilespmem:$0x1D800] =	vst v63  }
.LBB2_2:
0x9a: {  	[tilespmem:s26], [sflag:$0x1] =	stream.indirect.gather [hbm4b:s31+s25], $0x10, s29, s25, $0xb8;
	[tilespmem:$0x1D800] =	vst v63  }
0x9b: {  	s30 =	simm.s32 $0x0  }
.LBB2_3:
0x9c: {  	s29 =	sadd.s32 s30, s20  }
0x9d: {  	s1 =	sadd.s32 $0x80, s29  }
0x9e: {  	[tilespmem:s12], [sflag:$0x7] =	stream.linear.gather [hbm4b:s1+s4], $0x200, $0x38;
	[tilespmem:$0x1D800] =	vst v63  }
0x9f: {  	s1 =	sadd.s32 s30, s19  }
0xa0: {  	s2 =	sadd.s32 $0x80, s1  }
0xa1: {  	[tilespmem:s13], [sflag:$0x7] =	stream.linear.gather [hbm4b:s2+s4], $0x200, $0x38;
	[tilespmem:$0x1D800] =	vst v63  }
0xa2: {  	_ =	swait.ge [sflag:s14], $0x2000  }
0xa3: {  	p1 =	seq.s32 s30, $0x0;
	[sflag:s14] =	ssyncset.done $0x0  }
0xa4: {  	s0 =	simm.s32 $0x19000;
	s2 =	simm.s32 @!p1 $0x4;
	[sflag:s14] =	ssyncadd.s32 $0xFFFFE000  }
0xa5: {  	[spmem:s3] =	stream.indirect.scatter.add.f32 [tilespmem:s26], [sflag:$0x3], $0x10, s0, s25, $0xb8;
	[tilespmem:$0x1D800] =	vst v63  }
0xa6: {  	_ =	swait.ge @!p1 [sflag:s2], $0x2000  }
0xa7: {  	[sflag:s2] =	ssyncset.done @!p1 $0x0  }
0xa8: {  	[sflag:s2] =	ssyncadd.s32 @!p1 $0xFFFFE000  }
0xa9: {  	_ =	swait.ge [sflag:s15], $0x200  }
0xaa: {  	[sflag:s15] =	ssyncset.done $0x0  }
0xab: {  	[sflag:s15] =	ssyncadd.s32 $0xFFFFFE00  }
0xac: {  	_ =	swait.ge [sflag:s15], $0x200  }
0xad: {  	[sflag:s15] =	ssyncset.done $0x0  }
0xae: {  	[sflag:s15] =	ssyncadd.s32 $0xFFFFFE00  }
0xaf: {  	[tilespmem:s16], [sflag:$0x2] =	stream.indirect.gather [hbm4b:s31+s25], $0x10, s5, s25, $0xb8;
	[tilespmem:$0x1D800] =	vst v63  }
0xb0: {  	s0 =	sadd.s32 $0xC0, s29  }
0xb1: {  	[tilespmem:s17], [sflag:$0x8] =	stream.linear.gather [hbm4b:s0+s4], $0x200, $0x38;
	[tilespmem:$0x1D800] =	vst v63  }
0xb2: {  	s0 =	sadd.s32 $0xC0, s1  }
0xb3: {  	[tilespmem:s18], [sflag:$0x8] =	stream.linear.gather [hbm4b:s0+s4], $0x200, $0x38;
	[tilespmem:$0x1D800] =	vst v63  }
0xb4: {  	_ =	swait.ge [sflag:s21], $0x2000  }
0xb5: {  	[sflag:s21] =	ssyncset.done $0x0  }
0xb6: {  	[sflag:s21] =	ssyncadd.s32 $0xFFFFE000  }
0xb7: {  	[spmem:s3] =	stream.indirect.scatter.add.f32 [tilespmem:s16], [sflag:$0x4], $0x10, s10, s25, $0xb8;
	[tilespmem:$0x1D800] =	vst v63  }
0xb8: {  	_ =	swait.ge [sflag:s24], $0x2000  }
0xb9: {  	[sflag:s24] =	ssyncset.done $0x0  }
0xba: {  	[sflag:s24] =	ssyncadd.s32 $0xFFFFE000  }
0xbb: {  	_ =	swait.ge [sflag:s28], $0x200  }
0xbc: {  	[sflag:s28] =	ssyncset.done $0x0  }
0xbd: {  	[sflag:s28] =	ssyncadd.s32 $0xFFFFFE00  }
0xbe: {  	_ =	swait.ge [sflag:s28], $0x200  }
0xbf: {  	p1 =	seq.s32 s30, $0x3000;
	[sflag:s28] =	ssyncset.done $0x0  }
0xc0: {  	s2 =	sadd.s32 @!p1 s30, s20;
	[sflag:s28] =	ssyncadd.s32 $0xFFFFFE00  }
0xc1: {  	[tilespmem:s26], [sflag:$0x1] =	stream.indirect.gather [hbm4b:s31+s25], $0x10, s12, s25, $0xb8;
	[tilespmem:$0x1D800] =	vst v63  }
0xc2: {  	s2 =	sadd.s32 @!p1 $0x100, s2;
	s0 =	simm.s32 @!p1 $0x18800;
	s31 =	simm.s32 @!p1 $0x0  }
0xc3: {  	[tilespmem:s0], [sflag:$0x5] =	stream.linear.gather @!p1 [hbm4b:s2+s31], $0x200, $0x38;
	[tilespmem:$0x1D800] =	vst v63  }
0xc4: {  	s0 =	sadd.s32 @!p1 s30, s19  }
0xc5: {  	s2 =	simm.s32 @!p1 $0x19000;
	s0 =	sadd.s32 @!p1 $0x100, s0  }
0xc6: {  	[tilespmem:s2], [sflag:$0x5] =	stream.linear.gather @!p1 [hbm4b:s0+s31], $0x200, $0x38;
	[tilespmem:$0x1D800] =	vst v63  }
0xc7: {  	s31 =	rddreg [dreg:$0x0];
	_ =	swait.ge [sflag:s14], $0x2000  }
0xc8: {  	[sflag:s14] =	ssyncset.done $0x0  }
0xc9: {  	[sflag:s14] =	ssyncadd.s32 $0xFFFFE000  }
0xca: {  	[spmem:s3] =	stream.indirect.scatter.add.f32 [tilespmem:s26], [sflag:$0x3], $0x10, s13, s25, $0xb8;
	[tilespmem:$0x1D800] =	vst v63  }
0xcb: {  	_ =	swait.ge [sflag:s8], $0x2000  }
0xcc: {  	[sflag:s8] =	ssyncset.done $0x0  }
0xcd: {  	[sflag:s8] =	ssyncadd.s32 $0xFFFFE000  }
0xce: {  	_ =	swait.ge [sflag:s9], $0x200  }
0xcf: {  	[sflag:s9] =	ssyncset.done $0x0  }
.Ltmp5:
0xd0: {  	[sflag:s9] =	ssyncadd.s32 $0xFFFFFE00;
	(pc) =	sbr.rel @p1 .LBB2_5-.Ltmp5, $4  }
0xd1: {  	_ =	swait.ge [sflag:s9], $0x200  }
0xd2: {  	[sflag:s9] =	ssyncset.done $0x0  }
0xd3: {  	[sflag:s9] =	ssyncadd.s32 $0xFFFFFE00  }
0xd4: {  	[tilespmem:s16], [sflag:$0x2] =	stream.indirect.gather [hbm4b:s31+s25], $0x10, s17, s25, $0xb8;
	[tilespmem:$0x1D800] =	vst v63  }
0xd5: {  	s0 =	sadd.s32 $0x140, s29  }
0xd6: {  	[tilespmem:s5], [sflag:$0x6] =	stream.linear.gather [hbm4b:s0+s4], $0x200, $0x38;
	[tilespmem:$0x1D800] =	vst v63  }
0xd7: {  	s2 =	sadd.s32 $0x140, s1  }
0xd8: {  	[tilespmem:s10], [sflag:$0x6] =	stream.linear.gather [hbm4b:s2+s4], $0x200, $0x38;
	[tilespmem:$0x1D800] =	vst v63  }
0xd9: {  	_ =	swait.ge [sflag:s21], $0x2000  }
0xda: {  	[sflag:s21] =	ssyncset.done $0x0  }
0xdb: {  	[sflag:s21] =	ssyncadd.s32 $0xFFFFE000  }
0xdc: {  	[spmem:s3] =	stream.indirect.scatter.add.f32 [tilespmem:s16], [sflag:$0x4], $0x10, s18, s25, $0xb8;
	[tilespmem:$0x1D800] =	vst v63  }
0xdd: {  	_ =	swait.ge [sflag:s24], $0x2000  }
0xde: {  	[sflag:s24] =	ssyncset.done $0x0  }
0xdf: {  	[sflag:s24] =	ssyncadd.s32 $0xFFFFE000  }
0xe0: {  	_ =	swait.ge [sflag:s11], $0x200  }
0xe1: {  	[sflag:s11] =	ssyncset.done $0x0  }
.Ltmp6:
0xe2: {  	[sflag:s11] =	ssyncadd.s32 $0xFFFFFE00;
	(pc) =	sbr.rel .LBB2_3-.Ltmp6, $4  }
0xe3: {  	_ =	swait.ge [sflag:s11], $0x200  }
0xe4: {  	[sflag:s11] =	ssyncset.done $0x0  }
0xe5: {  	s29 =	simm.s32 $0x18800;
	s30 =	sadd.s32 $0x100, s30;
	[sflag:s11] =	ssyncadd.s32 $0xFFFFFE00  }
0xe6: {  	[tilespmem:s26], [sflag:$0x1] =	stream.indirect.gather [hbm4b:s31+s25], $0x10, s29, s25, $0xb8;
	[tilespmem:$0x1D800] =	vst v63  }
.LBB2_12:
0xe7: {  	_ =	swait.ge [sflag:s21], $0x2000  }
0xe8: {  	[sflag:s21] =	ssyncset.done $0x0  }
0xe9: {  	[sflag:s21] =	ssyncadd.s32 $0xFFFFE000  }
0xea: {  	[spmem:s3] =	stream.indirect.scatter.add.f32 [tilespmem:s16], [sflag:$0x4], $0x10, s18, s25, $0xb8;
	[tilespmem:$0x1D800] =	vst v63  }
0xeb: {  	_ =	swait.ge [sflag:s24], $0x2000  }
0xec: {  	[sflag:s24] =	ssyncset.done $0x0  }
0xed: {  	[sflag:s24] =	ssyncadd.s32 $0xFFFFE000  }
0xee: {  	_ =	swait.ge [sflag:s8], $0x2000  }
0xef: {  	[sflag:s8] =	ssyncset.done $0x0  }
0xf0: {  	[sflag:s8] =	ssyncadd.s32 $0xFFFFE000  }
0xf1: {  	[bflag:$0x0] =	sbarrier.arrive $0xFFFF  }
0xf2: {  	s0 =	rddreg [dreg:$0x13]  }
0xf3: {  	s1 =	rddreg [dreg:$0x15]  }
0xf4: {  	s2 =	simm.s32 $0x9;
	s29 =	rddreg [dreg:$0x17]  }
0xf5: {  	[hbm:s0], [sflag:s1] =	dma.local [spmem:s29], $0x3100  }
0xf6: {  	_ =	swait.ge [sflag:s2], $0x3100  }
0xf7: {  	[sflag:s2] =	ssyncset.done $0x0  }
0xf8: {  	[sflag:s2] =	ssyncadd.s32 $0xFFFFCF00  }
0xf9: {  	[bflag:$0x0] =	sbarrier.arrive $0xFFFF  }
0xfa: {  	s31 =	rddreg [dreg:$0x6]  }
0xfb: {  	[spmem:s29], [sflag:s1] =	dma.local [hbm:s31], $0x3100  }
0xfc: {  	_ =	swait.ge [sflag:s2], $0x3100  }
0xfd: {  	[sflag:s2] =	ssyncset.done $0x0  }
0xfe: {  	[sflag:s2] =	ssyncadd.s32 $0xFFFFCF00  }
0xff: {  	[bflag:$0x0] =	sbarrier.arrive $0xFFFF  }
0x100: {  	s30 =	simm.s32 $0x0;
	s1 =	simm.s32 $0x18800;
	s2 =	rddreg [dreg:$0x10]  }
0x101: {  	[tilespmem:s1], [sflag:$0x5] =	stream.linear.gather [hbm4b:s2+s30], $0x200, $0x38;
	[tilespmem:$0x1D800] =	vst v63  }
0x102: {  	s31 =	simm.s32 $0x19000;
	s29 =	rddreg [dreg:$0x11]  }
0x103: {  	[tilespmem:s31], [sflag:$0x5] =	stream.linear.gather [hbm4b:s29+s30], $0x200, $0x38;
	[tilespmem:$0x1D800] =	vst v63  }
0x104: {  	s29 =	rddreg [dreg:$0xe]  }
0x105: {  	[tilespmem:s5], [sflag:$0x6] =	stream.linear.gather [hbm4b:s29+s30], $0x200, $0x38;
	[tilespmem:$0x1D800] =	vst v63  }
0x106: {  	s31 =	rddreg [dreg:$0xf]  }
0x107: {  	[tilespmem:s10], [sflag:$0x6] =	stream.linear.gather [hbm4b:s31+s30], $0x200, $0x38;
	[tilespmem:$0x1D800] =	vst v63  }
0x108: {  	_ =	swait.ge [sflag:s11], $0x200  }
0x109: {  	[sflag:s11] =	ssyncset.done $0x0  }
0x10a: {  	[sflag:s11] =	ssyncadd.s32 $0xFFFFFE00  }
0x10b: {  	_ =	swait.ge [sflag:s11], $0x200  }
0x10c: {  	[sflag:s11] =	ssyncset.done $0x0  }
0x10d: {  	[sflag:s11] =	ssyncadd.s32 $0xFFFFFE00  }
0x10e: {  	s2 =	rddreg [dreg:$0x2]  }
0x10f: {  	[tilespmem:s26], [sflag:$0x1] =	stream.indirect.gather [hbm4b:s2+s25], $0x10, s1, s25, $0xb8;
	[tilespmem:$0x1D800] =	vst v63  }
.LBB2_13:
0x110: {  	s1 =	sadd.s32 s30, s22  }
0x111: {  	s29 =	sadd.s32 s30, s23;
	s0 =	sadd.s32 $0x80, s1  }
0x112: {  	[tilespmem:s12], [sflag:$0x7] =	stream.linear.gather [hbm4b:s0+s4], $0x200, $0x38;
	[tilespmem:$0x1D800] =	vst v63  }
0x113: {  	s31 =	sadd.s32 $0x80, s29  }
0x114: {  	[tilespmem:s13], [sflag:$0x7] =	stream.linear.gather [hbm4b:s31+s4], $0x200, $0x38;
	[tilespmem:$0x1D800] =	vst v63  }
0x115: {  	_ =	swait.ge [sflag:s14], $0x2000  }
0x116: {  	p1 =	seq.s32 s30, $0x0;
	[sflag:s14] =	ssyncset.done $0x0  }
0x117: {  	s0 =	simm.s32 @!p1 $0x4;
	s31 =	simm.s32 $0x19000;
	[sflag:s14] =	ssyncadd.s32 $0xFFFFE000  }
0x118: {  	[spmem:s3] =	stream.indirect.scatter.add.f32 [tilespmem:s26], [sflag:$0x3], $0x10, s31, s25, $0xb8;
	[tilespmem:$0x1D800] =	vst v63  }
0x119: {  	_ =	swait.ge @!p1 [sflag:s0], $0x2000  }
0x11a: {  	[sflag:s0] =	ssyncset.done @!p1 $0x0  }
0x11b: {  	[sflag:s0] =	ssyncadd.s32 @!p1 $0xFFFFE000  }
0x11c: {  	_ =	swait.ge [sflag:s15], $0x200  }
0x11d: {  	[sflag:s15] =	ssyncset.done $0x0  }
0x11e: {  	[sflag:s15] =	ssyncadd.s32 $0xFFFFFE00  }
0x11f: {  	_ =	swait.ge [sflag:s15], $0x200  }
0x120: {  	[sflag:s15] =	ssyncset.done $0x0  }
0x121: {  	[sflag:s15] =	ssyncadd.s32 $0xFFFFFE00  }
0x122: {  	[tilespmem:s16], [sflag:$0x2] =	stream.indirect.gather [hbm4b:s2+s25], $0x10, s5, s25, $0xb8;
	[tilespmem:$0x1D800] =	vst v63  }
0x123: {  	s31 =	sadd.s32 $0xC0, s1  }
0x124: {  	[tilespmem:s17], [sflag:$0x8] =	stream.linear.gather [hbm4b:s31+s4], $0x200, $0x38;
	[tilespmem:$0x1D800] =	vst v63  }
0x125: {  	s31 =	sadd.s32 $0xC0, s29  }
0x126: {  	[tilespmem:s18], [sflag:$0x8] =	stream.linear.gather [hbm4b:s31+s4], $0x200, $0x38;
	[tilespmem:$0x1D800] =	vst v63  }
0x127: {  	_ =	swait.ge [sflag:s21], $0x2000  }
0x128: {  	[sflag:s21] =	ssyncset.done $0x0  }
0x129: {  	[sflag:s21] =	ssyncadd.s32 $0xFFFFE000  }
0x12a: {  	[spmem:s3] =	stream.indirect.scatter.add.f32 [tilespmem:s16], [sflag:$0x4], $0x10, s10, s25, $0xb8;
	[tilespmem:$0x1D800] =	vst v63  }
0x12b: {  	_ =	swait.ge [sflag:s24], $0x2000  }
0x12c: {  	[sflag:s24] =	ssyncset.done $0x0  }
0x12d: {  	[sflag:s24] =	ssyncadd.s32 $0xFFFFE000  }
0x12e: {  	_ =	swait.ge [sflag:s28], $0x200  }
0x12f: {  	[sflag:s28] =	ssyncset.done $0x0  }
0x130: {  	[sflag:s28] =	ssyncadd.s32 $0xFFFFFE00  }
0x131: {  	_ =	swait.ge [sflag:s28], $0x200  }
0x132: {  	p1 =	seq.s32 s30, $0x3000;
	[sflag:s28] =	ssyncset.done $0x0  }
0x133: {  	s0 =	sadd.s32 @!p1 s30, s22;
	[sflag:s28] =	ssyncadd.s32 $0xFFFFFE00  }
0x134: {  	[tilespmem:s26], [sflag:$0x1] =	stream.indirect.gather [hbm4b:s2+s25], $0x10, s12, s25, $0xb8;
	[tilespmem:$0x1D800] =	vst v63  }
0x135: {  	s0 =	sadd.s32 @!p1 $0x100, s0;
	s31 =	simm.s32 @!p1 $0x18800;
	s2 =	simm.s32 @!p1 $0x0  }
0x136: {  	[tilespmem:s31], [sflag:$0x5] =	stream.linear.gather @!p1 [hbm4b:s0+s2], $0x200, $0x38;
	[tilespmem:$0x1D800] =	vst v63  }
0x137: {  	s0 =	sadd.s32 @!p1 s30, s23  }
0x138: {  	s31 =	simm.s32 @!p1 $0x19000;
	s0 =	sadd.s32 @!p1 $0x100, s0  }
0x139: {  	[tilespmem:s31], [sflag:$0x5] =	stream.linear.gather @!p1 [hbm4b:s0+s2], $0x200, $0x38;
	[tilespmem:$0x1D800] =	vst v63  }
0x13a: {  	s2 =	rddreg [dreg:$0x2];
	_ =	swait.ge [sflag:s14], $0x2000  }
0x13b: {  	[sflag:s14] =	ssyncset.done $0x0  }
0x13c: {  	[sflag:s14] =	ssyncadd.s32 $0xFFFFE000  }
0x13d: {  	[spmem:s3] =	stream.indirect.scatter.add.f32 [tilespmem:s26], [sflag:$0x3], $0x10, s13, s25, $0xb8;
	[tilespmem:$0x1D800] =	vst v63  }
0x13e: {  	_ =	swait.ge [sflag:s8], $0x2000  }
0x13f: {  	[sflag:s8] =	ssyncset.done $0x0  }
0x140: {  	[sflag:s8] =	ssyncadd.s32 $0xFFFFE000  }
0x141: {  	_ =	swait.ge [sflag:s9], $0x200  }
0x142: {  	[sflag:s9] =	ssyncset.done $0x0  }
.Ltmp7:
0x143: {  	[sflag:s9] =	ssyncadd.s32 $0xFFFFFE00;
	(pc) =	sbr.rel @p1 .LBB2_14-.Ltmp7, $4  }
0x144: {  	_ =	swait.ge [sflag:s9], $0x200  }
0x145: {  	[sflag:s9] =	ssyncset.done $0x0  }
0x146: {  	[sflag:s9] =	ssyncadd.s32 $0xFFFFFE00  }
0x147: {  	[tilespmem:s16], [sflag:$0x2] =	stream.indirect.gather [hbm4b:s2+s25], $0x10, s17, s25, $0xb8;
	[tilespmem:$0x1D800] =	vst v63  }
0x148: {  	s0 =	sadd.s32 $0x140, s1  }
0x149: {  	[tilespmem:s5], [sflag:$0x6] =	stream.linear.gather [hbm4b:s0+s4], $0x200, $0x38;
	[tilespmem:$0x1D800] =	vst v63  }
0x14a: {  	s29 =	sadd.s32 $0x140, s29  }
0x14b: {  	[tilespmem:s10], [sflag:$0x6] =	stream.linear.gather [hbm4b:s29+s4], $0x200, $0x38;
	[tilespmem:$0x1D800] =	vst v63  }
0x14c: {  	_ =	swait.ge [sflag:s21], $0x2000  }
0x14d: {  	[sflag:s21] =	ssyncset.done $0x0  }
0x14e: {  	[sflag:s21] =	ssyncadd.s32 $0xFFFFE000  }
0x14f: {  	[spmem:s3] =	stream.indirect.scatter.add.f32 [tilespmem:s16], [sflag:$0x4], $0x10, s18, s25, $0xb8;
	[tilespmem:$0x1D800] =	vst v63  }
0x150: {  	_ =	swait.ge [sflag:s24], $0x2000  }
0x151: {  	[sflag:s24] =	ssyncset.done $0x0  }
0x152: {  	[sflag:s24] =	ssyncadd.s32 $0xFFFFE000  }
0x153: {  	_ =	swait.ge [sflag:s11], $0x200  }
0x154: {  	[sflag:s11] =	ssyncset.done $0x0  }
.Ltmp8:
0x155: {  	[sflag:s11] =	ssyncadd.s32 $0xFFFFFE00;
	(pc) =	sbr.rel .LBB2_13-.Ltmp8, $4  }
0x156: {  	_ =	swait.ge [sflag:s11], $0x200  }
0x157: {  	[sflag:s11] =	ssyncset.done $0x0  }
0x158: {  	s31 =	simm.s32 $0x18800;
	s30 =	sadd.s32 $0x100, s30;
	[sflag:s11] =	ssyncadd.s32 $0xFFFFFE00  }
0x159: {  	[tilespmem:s26], [sflag:$0x1] =	stream.indirect.gather [hbm4b:s2+s25], $0x10, s31, s25, $0xb8;
	[tilespmem:$0x1D800] =	vst v63  }
.LBB2_5:
0x15a: {  	_ =	swait.ge [sflag:s21], $0x2000  }
0x15b: {  	[sflag:s21] =	ssyncset.done $0x0  }
0x15c: {  	[sflag:s21] =	ssyncadd.s32 $0xFFFFE000  }
0x15d: {  	[spmem:s3] =	stream.indirect.scatter.add.f32 [tilespmem:s16], [sflag:$0x4], $0x10, s18, s25, $0xb8;
	[tilespmem:$0x1D800] =	vst v63  }
0x15e: {  	_ =	swait.ge [sflag:s24], $0x2000  }
0x15f: {  	[sflag:s24] =	ssyncset.done $0x0  }
0x160: {  	[sflag:s24] =	ssyncadd.s32 $0xFFFFE000  }
0x161: {  	_ =	swait.ge [sflag:s8], $0x2000  }
0x162: {  	[sflag:s8] =	ssyncset.done $0x0  }
0x163: {  	[sflag:s8] =	ssyncadd.s32 $0xFFFFE000  }
0x164: {  	[bflag:$0x0] =	sbarrier.arrive $0xFFFF  }
0x165: {  	s0 =	rddreg [dreg:$0x12]  }
0x166: {  	s1 =	rddreg [dreg:$0x15]  }
0x167: {  	s2 =	simm.s32 $0x9;
	s29 =	rddreg [dreg:$0x17]  }
0x168: {  	[hbm:s0], [sflag:s1] =	dma.local [spmem:s29], $0x3100  }
0x169: {  	_ =	swait.ge [sflag:s2], $0x3100  }
0x16a: {  	[sflag:s2] =	ssyncset.done $0x0  }
0x16b: {  	[sflag:s2] =	ssyncadd.s32 $0xFFFFCF00  }
0x16c: {  	[bflag:$0x0] =	sbarrier.arrive $0xFFFF  }
0x16d: {  	s31 =	rddreg [dreg:$0x6]  }
0x16e: {  	[spmem:s29], [sflag:s1] =	dma.local [hbm:s31], $0x3100  }
0x16f: {  	_ =	swait.ge [sflag:s2], $0x3100  }
0x170: {  	[sflag:s2] =	ssyncset.done $0x0  }
0x171: {  	[sflag:s2] =	ssyncadd.s32 $0xFFFFCF00  }
0x172: {  	[bflag:$0x0] =	sbarrier.arrive $0xFFFF  }
0x173: {  	s30 =	simm.s32 $0x0;
	s1 =	simm.s32 $0x18800;
	s2 =	rddreg [dreg:$0x10]  }
0x174: {  	[tilespmem:s1], [sflag:$0x5] =	stream.linear.gather [hbm4b:s2+s30], $0x200, $0x38;
	[tilespmem:$0x1D800] =	vst v63  }
0x175: {  	s31 =	simm.s32 $0x19000;
	s29 =	rddreg [dreg:$0x11]  }
0x176: {  	[tilespmem:s31], [sflag:$0x5] =	stream.linear.gather [hbm4b:s29+s30], $0x200, $0x38;
	[tilespmem:$0x1D800] =	vst v63  }
0x177: {  	s29 =	rddreg [dreg:$0xe]  }
0x178: {  	[tilespmem:s5], [sflag:$0x6] =	stream.linear.gather [hbm4b:s29+s30], $0x200, $0x38;
	[tilespmem:$0x1D800] =	vst v63  }
0x179: {  	s31 =	rddreg [dreg:$0xf]  }
0x17a: {  	[tilespmem:s10], [sflag:$0x6] =	stream.linear.gather [hbm4b:s31+s30], $0x200, $0x38;
	[tilespmem:$0x1D800] =	vst v63  }
0x17b: {  	_ =	swait.ge [sflag:s11], $0x200  }
0x17c: {  	[sflag:s11] =	ssyncset.done $0x0  }
0x17d: {  	[sflag:s11] =	ssyncadd.s32 $0xFFFFFE00  }
0x17e: {  	_ =	swait.ge [sflag:s11], $0x200  }
0x17f: {  	[sflag:s11] =	ssyncset.done $0x0  }
0x180: {  	[sflag:s11] =	ssyncadd.s32 $0xFFFFFE00  }
0x181: {  	[tilespmem:s26], [sflag:$0x1] =	stream.indirect.gather [hbm4b:s7+s25], $0x10, s1, s25, $0xb8;
	[tilespmem:$0x1D800] =	vst v63  }
.LBB2_6:
0x182: {  	s1 =	sadd.s32 s30, s22  }
0x183: {  	s29 =	sadd.s32 s30, s23;
	s0 =	sadd.s32 $0x80, s1  }
0x184: {  	[tilespmem:s12], [sflag:$0x7] =	stream.linear.gather [hbm4b:s0+s4], $0x200, $0x38;
	[tilespmem:$0x1D800] =	vst v63  }
0x185: {  	s2 =	sadd.s32 $0x80, s29  }
0x186: {  	[tilespmem:s13], [sflag:$0x7] =	stream.linear.gather [hbm4b:s2+s4], $0x200, $0x38;
	[tilespmem:$0x1D800] =	vst v63  }
0x187: {  	_ =	swait.ge [sflag:s14], $0x2000  }
0x188: {  	p1 =	seq.s32 s30, $0x0;
	[sflag:s14] =	ssyncset.done $0x0  }
0x189: {  	s31 =	simm.s32 $0x19000;
	s0 =	simm.s32 @!p1 $0x4;
	[sflag:s14] =	ssyncadd.s32 $0xFFFFE000  }
0x18a: {  	[spmem:s3] =	stream.indirect.scatter.add.f32 [tilespmem:s26], [sflag:$0x3], $0x10, s31, s25, $0xb8;
	[tilespmem:$0x1D800] =	vst v63  }
0x18b: {  	_ =	swait.ge @!p1 [sflag:s0], $0x2000  }
0x18c: {  	[sflag:s0] =	ssyncset.done @!p1 $0x0  }
0x18d: {  	[sflag:s0] =	ssyncadd.s32 @!p1 $0xFFFFE000  }
0x18e: {  	_ =	swait.ge [sflag:s15], $0x200  }
0x18f: {  	[sflag:s15] =	ssyncset.done $0x0  }
0x190: {  	[sflag:s15] =	ssyncadd.s32 $0xFFFFFE00  }
0x191: {  	_ =	swait.ge [sflag:s15], $0x200  }
0x192: {  	[sflag:s15] =	ssyncset.done $0x0  }
0x193: {  	[sflag:s15] =	ssyncadd.s32 $0xFFFFFE00  }
0x194: {  	[tilespmem:s16], [sflag:$0x2] =	stream.indirect.gather [hbm4b:s7+s25], $0x10, s5, s25, $0xb8;
	[tilespmem:$0x1D800] =	vst v63  }
0x195: {  	s2 =	sadd.s32 $0xC0, s1  }
0x196: {  	[tilespmem:s17], [sflag:$0x8] =	stream.linear.gather [hbm4b:s2+s4], $0x200, $0x38;
	[tilespmem:$0x1D800] =	vst v63  }
0x197: {  	s31 =	sadd.s32 $0xC0, s29  }
0x198: {  	[tilespmem:s18], [sflag:$0x8] =	stream.linear.gather [hbm4b:s31+s4], $0x200, $0x38;
	[tilespmem:$0x1D800] =	vst v63  }
0x199: {  	_ =	swait.ge [sflag:s21], $0x2000  }
0x19a: {  	[sflag:s21] =	ssyncset.done $0x0  }
0x19b: {  	[sflag:s21] =	ssyncadd.s32 $0xFFFFE000  }
0x19c: {  	[spmem:s3] =	stream.indirect.scatter.add.f32 [tilespmem:s16], [sflag:$0x4], $0x10, s10, s25, $0xb8;
	[tilespmem:$0x1D800] =	vst v63  }
0x19d: {  	_ =	swait.ge [sflag:s24], $0x2000  }
0x19e: {  	[sflag:s24] =	ssyncset.done $0x0  }
0x19f: {  	[sflag:s24] =	ssyncadd.s32 $0xFFFFE000  }
0x1a0: {  	_ =	swait.ge [sflag:s28], $0x200  }
0x1a1: {  	[sflag:s28] =	ssyncset.done $0x0  }
0x1a2: {  	[sflag:s28] =	ssyncadd.s32 $0xFFFFFE00  }
0x1a3: {  	_ =	swait.ge [sflag:s28], $0x200  }
0x1a4: {  	p1 =	seq.s32 s30, $0x3000;
	[sflag:s28] =	ssyncset.done $0x0  }
0x1a5: {  	s0 =	sadd.s32 @!p1 s30, s22;
	[sflag:s28] =	ssyncadd.s32 $0xFFFFFE00  }
0x1a6: {  	[tilespmem:s26], [sflag:$0x1] =	stream.indirect.gather [hbm4b:s7+s25], $0x10, s12, s25, $0xb8;
	[tilespmem:$0x1D800] =	vst v63  }
0x1a7: {  	s0 =	sadd.s32 @!p1 $0x100, s0;
	s2 =	simm.s32 @!p1 $0x0;
	s31 =	simm.s32 @!p1 $0x18800  }
0x1a8: {  	[tilespmem:s31], [sflag:$0x5] =	stream.linear.gather @!p1 [hbm4b:s0+s2], $0x200, $0x38;
	[tilespmem:$0x1D800] =	vst v63  }
0x1a9: {  	s0 =	sadd.s32 @!p1 s30, s23  }
0x1aa: {  	s31 =	simm.s32 @!p1 $0x19000;
	s0 =	sadd.s32 @!p1 $0x100, s0  }
0x1ab: {  	[tilespmem:s31], [sflag:$0x5] =	stream.linear.gather @!p1 [hbm4b:s0+s2], $0x200, $0x38;
	[tilespmem:$0x1D800] =	vst v63  }
0x1ac: {  	_ =	swait.ge [sflag:s14], $0x2000  }
0x1ad: {  	[sflag:s14] =	ssyncset.done $0x0  }
0x1ae: {  	[sflag:s14] =	ssyncadd.s32 $0xFFFFE000  }
0x1af: {  	[spmem:s3] =	stream.indirect.scatter.add.f32 [tilespmem:s26], [sflag:$0x3], $0x10, s13, s25, $0xb8;
	[tilespmem:$0x1D800] =	vst v63  }
0x1b0: {  	_ =	swait.ge [sflag:s8], $0x2000  }
0x1b1: {  	[sflag:s8] =	ssyncset.done $0x0  }
0x1b2: {  	[sflag:s8] =	ssyncadd.s32 $0xFFFFE000  }
0x1b3: {  	_ =	swait.ge [sflag:s9], $0x200  }
0x1b4: {  	[sflag:s9] =	ssyncset.done $0x0  }
.Ltmp9:
0x1b5: {  	[sflag:s9] =	ssyncadd.s32 $0xFFFFFE00;
	(pc) =	sbr.rel @p1 .LBB2_7-.Ltmp9, $4  }
0x1b6: {  	_ =	swait.ge [sflag:s9], $0x200  }
0x1b7: {  	[sflag:s9] =	ssyncset.done $0x0  }
0x1b8: {  	[sflag:s9] =	ssyncadd.s32 $0xFFFFFE00  }
0x1b9: {  	[tilespmem:s16], [sflag:$0x2] =	stream.indirect.gather [hbm4b:s7+s25], $0x10, s17, s25, $0xb8;
	[tilespmem:$0x1D800] =	vst v63  }
0x1ba: {  	s0 =	sadd.s32 $0x140, s1  }
0x1bb: {  	[tilespmem:s5], [sflag:$0x6] =	stream.linear.gather [hbm4b:s0+s4], $0x200, $0x38;
	[tilespmem:$0x1D800] =	vst v63  }
0x1bc: {  	s29 =	sadd.s32 $0x140, s29  }
0x1bd: {  	[tilespmem:s10], [sflag:$0x6] =	stream.linear.gather [hbm4b:s29+s4], $0x200, $0x38;
	[tilespmem:$0x1D800] =	vst v63  }
0x1be: {  	_ =	swait.ge [sflag:s21], $0x2000  }
0x1bf: {  	[sflag:s21] =	ssyncset.done $0x0  }
0x1c0: {  	[sflag:s21] =	ssyncadd.s32 $0xFFFFE000  }
0x1c1: {  	[spmem:s3] =	stream.indirect.scatter.add.f32 [tilespmem:s16], [sflag:$0x4], $0x10, s18, s25, $0xb8;
	[tilespmem:$0x1D800] =	vst v63  }
0x1c2: {  	_ =	swait.ge [sflag:s24], $0x2000  }
0x1c3: {  	[sflag:s24] =	ssyncset.done $0x0  }
0x1c4: {  	[sflag:s24] =	ssyncadd.s32 $0xFFFFE000  }
0x1c5: {  	_ =	swait.ge [sflag:s11], $0x200  }
0x1c6: {  	[sflag:s11] =	ssyncset.done $0x0  }
.Ltmp10:
0x1c7: {  	[sflag:s11] =	ssyncadd.s32 $0xFFFFFE00;
	(pc) =	sbr.rel .LBB2_6-.Ltmp10, $4  }
0x1c8: {  	_ =	swait.ge [sflag:s11], $0x200  }
0x1c9: {  	[sflag:s11] =	ssyncset.done $0x0  }
0x1ca: {  	s31 =	simm.s32 $0x18800;
	s30 =	sadd.s32 $0x100, s30;
	[sflag:s11] =	ssyncadd.s32 $0xFFFFFE00  }
0x1cb: {  	[tilespmem:s26], [sflag:$0x1] =	stream.indirect.gather [hbm4b:s7+s25], $0x10, s31, s25, $0xb8;
	[tilespmem:$0x1D800] =	vst v63  }
.LBB2_7:
.Ltmp11:
0x1cc: {  	(pc) =	sbr.rel .LBB2_15-.Ltmp11, $3  }
0x1cd: {  	_ =	sdelay $0x1  }
0x1ce: {  	s1 =	rddreg [dreg:$0x7]  }
0x1cf: {  	s30 =	rddreg [dreg:$0x16]  }
.LBB2_16:
0x1d0: {  	_ =	sfence.sel $0x180000  }
0x1d1: {  	[bflag:$0x0] =	sbarrier.arrive $0xFFFF  }
0x1d2: {  	_ =	strace $0x9000004D  }
0x1d3: {  	s0 =	stileid.u32;
	[bflag:$0x2] =	sbarrier.arrive $0xFFFF  }
0x1d4: {  	p0 =	sne.s32 s0, $0x0;
	s0 =	rddreg [dreg:$0x4]  }
0x1d5: {  	s0 =	sadd.s32 @!p0 $0x100000, s0  }
0x1d6: {  	[sflag:s0] =	ssyncadd.tile.s32 @!p0 $0x1;
	_ =	shalt  }
.Lfunc_end2:
_tile_overlayer_lowered:
.L_overlay_start_2:
0x1d7: {  	(tag) =	ssettag $0x2  }
0x1d8: {  	s0 =	rddreg [dreg:$0x0];
	s2 =	stileid.u32  }
0x1d9: {  	s1 =	rddreg [dreg:$0x1];
	p0 =	sne.s32 s2, $0x0  }
0x1da: {  	s3 =	rddreg [dreg:$0x2];
	[bflag:$0x3] =	sbarrier.arrive $0xFFFF;
	s2 =	simm.s32 @!p0 $0x1C09  }
0x1db: {  	[timem:s3], [sflag:s2] =	dma.local @!p0 [hbm:s0], s1  }
0x1dc: {  	s0 =	simm.s32 @!p0 $0x9  }
0x1dd: {  	_ =	swait.ge @!p0 [sflag:s0], s1  }
0x1de: {  	s1 =	ssub.s32 @!p0 $0x0, s1;
	[sflag:s0] =	ssyncset.done @!p0 $0x0  }
0x1df: {  	[sflag:s0] =	ssyncadd.s32 @!p0 s1  }
0x1e0: {  	[bflag:$0x3] =	sbarrier.arrive $0xFFFF  }
0x1e1: {  	_ =	shalt  }

// kernel: kernel.8.cloned.1.call-start
scs
__scs_entry_jumppad:
0x0: {  	(pc) =	sbr.rel $0x88, $3  }
0x1: {  	(tag) =	ssettag $0x0;
	lr =	simm.s32 $0x1  }
0x2: {  	[smem:$0x3F91] =	sst lr;
	_ =	strace $0xD0000000  }
0x3: {  	_ = 	snop  }
0x4: {  	_ = 	snop  }
0x5: {  	_ = 	snop  }
0x6: {  	_ = 	snop  }
0x7: {  	_ = 	snop  }
__scs_overlays_trampoline_lowered:
0x8: {  	[smem:$0x3FA0] =	sst s0  }
0x9: {  	[smem:$0x3FA1] =	sst s1  }
0xa: {  	[smem:$0x3FA2] =	sst s2  }
0xb: {  	[smem:$0x3FA3] =	sst s3  }
0xc: {  	[smem:$0x3FA4] =	sst s4  }
0xd: {  	[smem:$0x3FA5] =	sst s5  }
0xe: {  	[smem:$0x3FA6] =	sst s6  }
0xf: {  	[smem:$0x3FA7] =	sst s7  }
0x10: {  	[smem:$0x3FA8] =	sst s8  }
0x11: {  	[smem:$0x3FA9] =	sst s9;
	s0 =	simm.s32 @!p0 $0x0  }
0x12: {  	s1 =	sld [smem:$0x3F8F];
	s0 =	simm.s32 @p0 $0x1  }
0x13: {  	[smem:$0x3FAA] =	sst s0;
	s0 =	simm.s32 @!p1 $0x0  }
0x14: {  	s2 =	sld [smem:$0x3F8E];
	s0 =	simm.s32 @p1 $0x1  }
0x15: {  	[smem:$0x3FAB] =	sst s0;
	s0 =	simm.s32 @!p2 $0x0  }
0x16: {  	s3 =	sld [smem:$0x3FDB];
	s0 =	simm.s32 @p2 $0x1  }
0x17: {  	s4 =	simm.s32 $0x1BF5;
	[smem:$0x3FAD] =	sst s0  }
0x18: {  	s0 =	sld [smem:$0x3F90];
	_ =	swait.ge [sflag:s4], $0x0  }
0x19: {  	s7 =	sld [smem:$0x3F91]  }
0x1a: {  	s8 =	sadd.s32 $0xFFFFE003, lr  }
0x1b: {  	s9 =	sadd.s32 $0xFFFFFEF7, lr;
	s5 =	simm.s32 $0xFFFFFFFF;
	p2 =	slt.u32 s8, $0xFFFFF086  }
0x1c: {  	p1 =	slt.u32 s9, $0xF7A;
	s5 =	simm.s32 @!p2 $0x0  }
0x1d: {  	s5 =	simm.s32 @p1 $0x1;
	p0 =	seq.s32 s7, s2  }
0x1e: {  	s7 =	smul.u32 @!p0 $0xF7A, s2;
	p2 =	seq.s32 @!p0 s5, $0x0  }
0x1f: {  	s9 =	smul.u32 $0xF7A, s1;
	s8 =	simm.s32 @!p0 $0x1BF5;
	p2 =	por !p2, p0  }
0x20: {  	[sflag:s8] =	ssyncset.s32 @!p0 $0xFFFFF086;
	s6 =	sadd.s32 @!p0 s3, s7;
	s7 =	simm.s32 @!p0 $0x108  }
0x21: {  	s3 =	sadd.s32 s3, s9;
	s6 =	sadd.s32 @!p0 $0x88, s6;
	s7 =	simm.s32 @p2 $0x1082  }
0x22: {  	[simem:s7], [sflag:s8] =	dma.local @!p0 [hbm:s6], $0xF7A  }
0x23: {  	s9 =	sor.u32 $0xD0000000, s2;
	s6 =	simm.s32 $0x108;
	_ =	swait.ge @!p0 [sflag:s8], $0x0  }
0x24: {  	s3 =	sadd.s32 $0x88, s3;
	s6 =	simm.s32 @!p1 $0x1082;
	[sflag:s4] =	ssyncset.s32 $0xFFFFF086  }
0x25: {  	[simem:s6], [sflag:s4] =	dma.local [hbm:s3], $0xF7A  }
0x26: {  	[smem:$0x3F91] =	sst s1;
	(tag) =	ssettag s2;
	_ =	strace s9  }
0x27: {  	s1 =	sld [smem:$0x3FA1]  }
0x28: {  	s2 =	sld [smem:$0x3FA2]  }
0x29: {  	s4 =	sld [smem:$0x3FA4]  }
0x2a: {  	p0 =	seq.s32 s5, $0x0;
	s5 =	sld [smem:$0x3FA5]  }
0x2b: {  	s6 =	sld [smem:$0x3FA6]  }
0x2c: {  	s7 =	sld [smem:$0x3FA7]  }
0x2d: {  	s3 =	simm.s32 $0x108;
	s8 =	sld [smem:$0x3FA8]  }
0x2e: {  	s3 =	simm.s32 @!p0 $0x1082;
	s9 =	sld [smem:$0x3FA9]  }
0x2f: {  	lr =	sadd.s32 s0, s3;
	s0 =	sld [smem:$0x3FA0]  }
0x30: {  	s3 =	sld [smem:$0x3FA3]  }
0x31: {  	[smem:$0x3FAC] =	sst s10  }
0x32: {  	s10 =	sld [smem:$0x3FAA];
	_ =	sdelay $0x3  }
0x33: {  	p0 =	seq.s32 s10, $0x1;
	s10 =	sld [smem:$0x3FAC];
	_ =	sdelay $0x3  }
0x34: {  	[smem:$0x3FAC] =	sst s10  }
0x35: {  	s10 =	sld [smem:$0x3FAB];
	_ =	sdelay $0x3  }
0x36: {  	p1 =	seq.s32 s10, $0x1;
	s10 =	sld [smem:$0x3FAC];
	_ =	sdelay $0x3  }
0x37: {  	[smem:$0x3FAC] =	sst s10  }
0x38: {  	s10 =	sld [smem:$0x3FAD]  }
0x39: {  	_ = 	snop;
	(pc) =	sbr.ind lr, $3  }
0x3a: {  	_ = 	snop  }
0x3b: {  	_ = 	snop  }
0x3c: {  	p2 =	seq.s32 s10, $0x1;
	s10 =	sld [smem:$0x3FAC]  }
0x3d: {  	_ =	shalt  }
0x3e: {  	_ =	shalt  }
0x3f: {  	_ =	shalt  }
0x40: {  	_ =	shalt  }
0x41: {  	_ =	shalt  }
0x42: {  	_ =	shalt  }
0x43: {  	_ =	shalt  }
0x44: {  	_ =	shalt  }
0x45: {  	_ =	shalt  }
0x46: {  	_ =	shalt  }
0x47: {  	_ =	shalt  }
0x48: {  	_ =	shalt  }
0x49: {  	_ =	shalt  }
0x4a: {  	_ =	shalt  }
0x4b: {  	_ =	shalt  }
0x4c: {  	_ =	shalt  }
0x4d: {  	_ =	shalt  }
0x4e: {  	_ =	shalt  }
0x4f: {  	_ =	shalt  }
0x50: {  	_ =	shalt  }
0x51: {  	_ =	shalt  }
0x52: {  	_ =	shalt  }
0x53: {  	_ =	shalt  }
0x54: {  	_ =	shalt  }
0x55: {  	_ =	shalt  }
0x56: {  	_ =	shalt  }
0x57: {  	_ =	shalt  }
0x58: {  	_ =	shalt  }
0x59: {  	_ =	shalt  }
0x5a: {  	_ =	shalt  }
0x5b: {  	_ =	shalt  }
0x5c: {  	_ =	shalt  }
0x5d: {  	_ =	shalt  }
0x5e: {  	_ =	shalt  }
0x5f: {  	_ =	shalt  }
0x60: {  	_ =	shalt  }
0x61: {  	_ =	shalt  }
0x62: {  	_ =	shalt  }
0x63: {  	_ =	shalt  }
0x64: {  	_ =	shalt  }
0x65: {  	_ =	shalt  }
0x66: {  	_ =	shalt  }
0x67: {  	_ =	shalt  }
0x68: {  	_ =	shalt  }
0x69: {  	_ =	shalt  }
0x6a: {  	_ =	shalt  }
0x6b: {  	_ =	shalt  }
0x6c: {  	_ =	shalt  }
0x6d: {  	_ =	shalt  }
0x6e: {  	_ =	shalt  }
0x6f: {  	_ =	shalt  }
0x70: {  	_ =	shalt  }
0x71: {  	_ =	shalt  }
0x72: {  	_ =	shalt  }
0x73: {  	_ =	shalt  }
0x74: {  	_ =	shalt  }
0x75: {  	_ =	shalt  }
0x76: {  	_ =	shalt  }
0x77: {  	_ =	shalt  }
0x78: {  	_ =	shalt  }
0x79: {  	_ =	shalt  }
0x7a: {  	_ =	shalt  }
0x7b: {  	_ =	shalt  }
0x7c: {  	_ =	shalt  }
0x7d: {  	_ =	shalt  }
0x7e: {  	_ =	shalt  }
0x7f: {  	_ =	shalt  }
0x80: {  	_ =	shalt  }
0x81: {  	_ =	shalt  }
0x82: {  	_ =	shalt  }
0x83: {  	_ =	shalt  }
0x84: {  	_ =	shalt  }
0x85: {  	_ =	shalt  }
0x86: {  	_ =	shalt  }
0x87: {  	_ =	shalt  }
.Lfunc_end0:
.L_simem_size_0:
called_computation_lowered:
.L_overlay_start_0:
0x88: {  	s2 =	sld [smem:$0x3FD9]  }
0x89: {  	s3 =	sld [smem:$0x3FFE];
	_ =	sdelay $0x1  }
0x8a: {  	s1 =	srdreg.scid  }
0x8b: {  	s0 =	sand.u32 $0x1, s1  }
0x8c: {  	s17 =	sshll.u32 s0, $0xA;
	s2 =	sadd.s32 s3, s2  }
0x8d: {  	s2 =	sadd.s32 s2, s17  }
0x8e: {  	[smem:$0x3FB8] =	sst s2  }
0x8f: {  	_ = 	snop  }
0x90: {  	(tm) =	ssettm $0x1  }
0x91: {  	s18 =	sld [smem:$0x3FFB];
	_ =	sdelay $0x3  }
0x92: {  	_ =	strace s18  }
0x93: {  	s2 =	sld [smem:$0x3FFC];
	_ =	sdelay $0x3  }
0x94: {  	_ =	strace s2  }
0x95: {  	s2 =	sld [smem:$0x3FFD];
	_ =	sdelay $0x3  }
0x96: {  	_ =	strace s2  }
0x97: {  	_ =	strace $0x8FFFFFFF  }
0x98: {  	s19 =	sld [smem:$0x3FDB];
	_ =	sdelay $0x1  }
0x99: {  	s20 =	simm.s32 $_scs_section_size  }
0x9a: {  	s4 =	simm.s32 $_size__tile_overlayer_lowered;
	s5 =	simm.s32 $_tile_overlayer_lowered  }
0x9b: {  	s6 =	simm.s32 $0x1BFF;
	s21 =	sshll.u32 s5, $0x1;
	s3 =	sadd.s32 s20, s19  }
0x9c: {  	s22 =	simm.s32 $0x0;
	s4 =	sshll.u32 s4, $0x1;
	s5 =	sadd.s32 s21, s3  }
0x9d: {  	[timem:s22], [sflag:s6] =	dma.local [hbm:s5], s4  }
0x9e: {  	_ =	swait.ge [sflag:s6], s4  }
0x9f: {  	s4 =	ssub.s32 $0x0, s4;
	[sflag:s6] =	ssyncset.done $0x0  }
0xa0: {  	[sflag:s6] =	ssyncadd.s32 s4;
	_ =	sdelay $0x1  }
0xa1: {  	s23 =	simm.s32 $0x1B8B  }
0xa2: {  	_ =	swait.ge [sflag:s23], $0x1  }
0xa3: {  	[sflag:s23] =	ssyncset.done $0x0  }
0xa4: {  	[sflag:s23] =	ssyncadd.s32 $0xFFFFFFFF  }
0xa5: {  	s4 =	sld [smem:$0x0]  }
0xa6: {  	s5 =	sand.u32 $0xFFFFFFFE, s1  }
0xa7: {  	p0 =	sne.s32 s1, s5  }
0xa8: {  	s5 =	sshll.u32 @p0 s5, $0xE  }
0xa9: {  	s5 =	sadd.s32 @p0 $0x11B8D, s5;
	s6 =	sshll.u32 @p0 s4, $0x11  }
0xaa: {  	s5 =	sor.u32 @p0 s6, s5  }
0xab: {  	[sflag:s5] =	ssyncadd.remote.s32 @p0 $0x1;
	_ =	sdelay $0x1  }
0xac: {  	s5 =	simm.s32 @p0 $0x1B8D  }
0xad: {  	_ =	swait.eq @p0 [sflag:s5], $0x1  }
0xae: {  	[sflag:s5] =	ssyncadd.s32 @p0 $0xFFFFFFFF  }
0xaf: {  	s6 =	sshll.u32 @!p0 s1, $0xE  }
0xb0: {  	s6 =	sor.u32 @!p0 $0x4000, s6;
	s5 =	simm.s32 @!p0 $0x1B8D  }
0xb1: {  	s4 =	sshll.u32 @!p0 s4, $0x11;
	s6 =	sadd.s32 @!p0 $0x11B8D, s6;
	_ =	swait.eq @!p0 [sflag:s5], $0x1  }
0xb2: {  	s4 =	sor.u32 @!p0 s4, s6;
	[sflag:s5] =	ssyncadd.s32 @!p0 $0xFFFFFFFF  }
0xb3: {  	s25 =	simm.s32 $0x1B8E;
	s24 =	sld [smem:$0x3FFE];
	[sflag:s4] =	ssyncadd.remote.s32 @!p0 $0x1  }
0xb4: {  	s26 =	simm.s32 $execute0_lowered;
	[smem:$0x3FD2] =	sst s25  }
0xb5: {  	s5 =	sshll.u32 s26, $0x1;
	_ =	strace $0x80000049;
	[dreg:$0x1] =	wrdreg $0xFFFFFFFF  }
0xb6: {  	s28 =	simm.s32 $_size_execute0_lowered;
	s3 =	sadd.s32 s3, s5;
	[dreg:$0x0] =	wrdreg $0x0  }
0xb7: {  	s5 =	sshll.u32 s28, $0x1;
	[dreg:$0x2] =	wrdreg s3  }
0xb8: {  	[dreg:$0x3] =	wrdreg s5  }
0xb9: {  	[dreg:$0x4] =	wrdreg $0xC0  }
0xba: {  	_ =	task [dreg:s22], $0x5FFFF  }
0xbb: {  	[dreg:$0x1] =	wrdreg $0xFFFFFFFF  }
0xbc: {  	[dreg:$0x0] =	wrdreg $0x60  }
0xbd: {  	[dreg:$0x2] =	wrdreg s24  }
0xbe: {  	[dreg:$0x3] =	wrdreg $0x0  }
0xbf: {  	[dreg:$0x4] =	wrdreg $0x9  }
0xc0: {  	_ =	task.clear_ibuf [dreg:s22], $0x5FFFF;
	_ =	strace $0x90000049  }
0xc1: {  	s29 =	simm.s32 $0x9;
	_ =	strace $0x8000004B  }
0xc2: {  	_ =	swait.ge [sflag:s29], $0x1  }
0xc3: {  	[sflag:s29] =	ssyncadd.s32 $0xFFFFFFFF  }
0xc4: {  	_ =	strace $0x9000004B  }
0xc5: {  	_ =	sfence  }
0xc6: {  	s30 =	sld [smem:$0x0];
	_ =	sdelay $0x2  }
0xc7: {  	s31 =	sshll.u32 s1, $0xD;
	s1 =	sshrl.u32 s1, $0x2  }
0xc8: {  	s4 =	sand.u32 $0x4000, s31;
	s1 =	sadd.s32 s1, s30  }
0xc9: {  	s0 =	sor.u32 s4, s0;
	s1 =	sshll.u32 s1, $0x11  }
0xca: {  	s0 =	sor.u32 s1, s0  }
0xcb: {  	s0 =	sadd.s32 $0x8F2B, s0  }
0xcc: {  	[sflag:s0] =	ssyncadd.remote.s32 $0x1  }
0xcd: {  	_ =	sfence.sel $0xFFFF  }
0xce: {  	[dreg:$0x0] =	wrdreg $0xFFFFFFFF;
	(pc) =	sbr.abs _section_cstart, $3  }
0xcf: {  	[dreg:$0x1] =	wrdreg $0xFFFFFFFF  }
0xd0: {  	_ =	task.clear_ibuf [dreg:s22], $0x2FFFF;
	_ =	strace $0x9FFFFFFF  }
0xd1: {  	(tm) =	ssettm $0x7FFFFFFF  }
tec
execute0_lowered:
.L_overlay_start_1:
0x0: {  	(tag) =	ssettag $0x1  }
0x1: {  	s7 =	rddreg [dreg:$0x0]  }
0x2: {  	s2 =	rddreg [dreg:$0x1]  }
0x3: {  	s0 =	rddreg [dreg:$0x2];
	s3 =	simm.s32 $0x0;
	s1 =	stileid.u32  }
0x4: {  	s5 =	srdreg.scid;
	s13 =	simm.s32 $0x2;
	s16 =	simm.s32 $0x18800  }
0x5: {  	s17 =	simm.s32 $0x400;
	s18 =	simm.s32 $0x1;
	s19 =	simm.s32 $0x0  }
0x6: {  	[smem:$0x7FF] =	sst s3;
	s4 =	smul.u32 $0x3100, s1;
	s8 =	sand.u32 $0x1, s5  }
0x7: {  	s5 =	sadd.s32 $0xDCA00, s7;
	s12 =	smul.u32 $0x18800, s1;
	s6 =	sadd.s32 $0x328600, s7  }
0x8: {  	s14 =	sshll.u32 s1, $0x6;
	_ =	strace $0x8000004A;
	s9 =	ssub.s32 $0x2, s8  }
.Ltmp0:
0x9: {  	p0 =	seq.s32 s8, $0x1;
	s14 =	sor.u32 $0x1C02, s14;
	(pc) =	sbr.rel .LBB2_1-.Ltmp0, $4  }
0xa: {  	s11 =	sadd.s32 s4, s7;
	s4 =	sadd.s32 $0x110C00, s7;
	s10 =	sshrl.u32 s9, $0x1  }
0xb: {  	s7 =	sadd.s32 $0x2F7600, s7;
	s15 =	sadd.s32 s12, s2;
	s8 =	sshrl.u32 s12, $0x3  }
0xc: {  	s12 =	simm.s32 $0x18C00;
	s9 =	ssub.s32 s9, s10;
	s10 =	sadd.s32 $0x202600, s11  }
0xd: {  	s11 =	sadd.s32 $0x233600, s11;
	s15 =	sshrl.u32 s15, $0x3;
	s9 =	smax.u32 s9, $0x1  }
.LBB2_7:
0xe: {  	s20 =	sadd.s32 s20, s11;
	[sflag:s18] =	ssyncadd.s32 $0xFFFFC000  }
0xf: {  	[tilespmem:s16], [sflag:$0x2] =	stream.linear.gather [hbm4b:s20+s3], $0x400, $0x38;
	[tilespmem:$0x1CC00] =	vst v63  }
0x10: {  	_ =	swait.ge [sflag:s13], $0x400  }
0x11: {  	[sflag:s13] =	ssyncset.done $0x0  }
0x12: {  	[sflag:s13] =	ssyncadd.s32 $0xFFFFFC00  }
0x13: {  	[spmem:s2] =	stream.indirect.scatter.add.f32 [tilespmem:s12], [sflag:$0x1], $0x10, s16, s17, $0xb8;
	[tilespmem:$0x1CC00] =	vst v63  }
0x14: {  	_ =	swait.ge [sflag:s18], $0x4000  }
0x15: {  	[sflag:s18] =	ssyncset.done $0x0  }
0x16: {  	s20 =	smov.u32 s7;
	[sflag:s18] =	ssyncadd.s32 $0xFFFFC000  }
.LBB2_8:
0x17: {  	s19 =	sadd.s32 $0x1, s19  }
0x18: {  	p1 =	sne.s32 s19, s9  }
.Ltmp1:
0x19: {  	s20 =	sadd.s32 s20, s8;
	[bflag:$0x0] =	sbarrier.arrive $0xFFFF;
	(pc) =	sbr.rel @!p1 .LBB2_9-.Ltmp1, $4  }
0x1a: {  	[hbm:s20], [sflag:s14] =	dma.local [spmem:s15], $0x3100  }
0x1b: {  	_ =	swait.ge [sflag:s13], $0x3100  }
0x1c: {  	[sflag:s13] =	ssyncset.done $0x0  }
0x1d: {  	[sflag:s13] =	ssyncadd.s32 $0xFFFFCF00  }
.LBB2_1:
0x1e: {  	[tilespmem:s12], [sflag:$0x2] =	stream.linear.gather [hbm4b:s4+s3], $0x4000, $0x38;
	[tilespmem:$0x1CC00] =	vst v63  }
0x1f: {  	_ =	swait.ge [sflag:s13], $0x4000  }
0x20: {  	[sflag:s13] =	ssyncset.done $0x0  }
0x21: {  	[sflag:s13] =	ssyncadd.s32 $0xFFFFC000  }
0x22: {  	[spmem:s15], [sflag:s14] =	dma.local [hbm:s5], $0x3100  }
.Ltmp2:
0x23: {  	_ =	swait.ge [sflag:s13], $0x3100;
	(pc) =	sbr.rel @!p0 .LBB2_2-.Ltmp2, $3  }
0x24: {  	[sflag:s13] =	ssyncset.done $0x0  }
0x25: {  	[sflag:s13] =	ssyncadd.s32 $0xFFFFCF00  }
0x26: {  	[bflag:$0x0] =	sbarrier.arrive $0xFFFF;
	_ =	sdelay $0x1  }
0x27: {  	s20 =	sadd.s32 $0x0, s11  }
0x28: {  	[tilespmem:s16], [sflag:$0x2] =	stream.linear.gather [hbm4b:s20+s3], $0x400, $0x38;
	[tilespmem:$0x1CC00] =	vst v63  }
0x29: {  	_ =	swait.ge [sflag:s13], $0x400  }
0x2a: {  	[sflag:s13] =	ssyncset.done $0x0  }
0x2b: {  	[sflag:s13] =	ssyncadd.s32 $0xFFFFFC00  }
0x2c: {  	[spmem:s2] =	stream.indirect.scatter.add.f32 [tilespmem:s12], [sflag:$0x1], $0x10, s16, s17, $0xb8;
	[tilespmem:$0x1CC00] =	vst v63  }
0x2d: {  	_ =	swait.ge [sflag:s18], $0x4000  }
0x2e: {  	s21 =	simm.s32 $0x100;
	s20 =	simm.s32 $0x80;
	[sflag:s18] =	ssyncset.done $0x0  }
.LBB2_6:
0x2f: {  	s22 =	sadd.s32 s20, s11  }
0x30: {  	[sflag:s18] =	ssyncadd.s32 $0xFFFFC000;
	s20 =	smov.u32 s21;
	s23 =	sadd.s32 $0x80, s21  }
0x31: {  	[tilespmem:s16], [sflag:$0x2] =	stream.linear.gather [hbm4b:s22+s3], $0x400, $0x38;
	[tilespmem:$0x1CC00] =	vst v63  }
0x32: {  	p1 =	sne.s32 s21, $0x3080;
	_ =	swait.ge [sflag:s13], $0x400  }
.Ltmp3:
0x33: {  	[sflag:s13] =	ssyncset.done $0x0;
	(pc) =	sbr.rel @p1 .LBB2_6-.Ltmp3, $4  }
0x34: {  	[sflag:s13] =	ssyncadd.s32 $0xFFFFFC00  }
0x35: {  	[spmem:s2] =	stream.indirect.scatter.add.f32 [tilespmem:s12], [sflag:$0x1], $0x10, s16, s17, $0xb8;
	[tilespmem:$0x1CC00] =	vst v63  }
0x36: {  	_ =	swait.ge [sflag:s18], $0x4000  }
0x37: {  	s21 =	smov.u32 s23;
	[sflag:s18] =	ssyncset.done $0x0  }
.Ltmp4:
0x38: {  	_ = 	snop;
	(pc) =	sbr.rel .LBB2_7-.Ltmp4, $1  }
0x39: {  	_ =	sdelay $0x3  }
.LBB2_2:
0x3a: {  	s20 =	sadd.s32 $0x0, s10  }
0x3b: {  	[tilespmem:s16], [sflag:$0x2] =	stream.linear.gather [hbm4b:s20+s3], $0x400, $0x38;
	[tilespmem:$0x1CC00] =	vst v63  }
0x3c: {  	_ =	swait.ge [sflag:s13], $0x400  }
0x3d: {  	[sflag:s13] =	ssyncset.done $0x0  }
0x3e: {  	[sflag:s13] =	ssyncadd.s32 $0xFFFFFC00  }
0x3f: {  	[spmem:s2] =	stream.indirect.scatter.add.f32 [tilespmem:s12], [sflag:$0x1], $0x10, s16, s17, $0xb8;
	[tilespmem:$0x1CC00] =	vst v63  }
0x40: {  	_ =	swait.ge [sflag:s18], $0x4000  }
0x41: {  	s21 =	simm.s32 $0x100;
	s20 =	simm.s32 $0x80;
	[sflag:s18] =	ssyncset.done $0x0  }
.LBB2_3:
0x42: {  	s22 =	sadd.s32 s20, s10  }
0x43: {  	[sflag:s18] =	ssyncadd.s32 $0xFFFFC000;
	s20 =	smov.u32 s21;
	s23 =	sadd.s32 $0x80, s21  }
0x44: {  	[tilespmem:s16], [sflag:$0x2] =	stream.linear.gather [hbm4b:s22+s3], $0x400, $0x38;
	[tilespmem:$0x1CC00] =	vst v63  }
0x45: {  	p1 =	seq.s32 s21, $0x3080;
	_ =	swait.ge [sflag:s13], $0x400  }
.Ltmp5:
0x46: {  	[sflag:s13] =	ssyncset.done $0x0;
	(pc) =	sbr.rel @!p1 .LBB2_3-.Ltmp5, $4  }
0x47: {  	[sflag:s13] =	ssyncadd.s32 $0xFFFFFC00  }
0x48: {  	[spmem:s2] =	stream.indirect.scatter.add.f32 [tilespmem:s12], [sflag:$0x1], $0x10, s16, s17, $0xb8;
	[tilespmem:$0x1CC00] =	vst v63  }
0x49: {  	_ =	swait.ge [sflag:s18], $0x4000  }
0x4a: {  	s21 =	smov.u32 s23;
	[sflag:s18] =	ssyncset.done $0x0  }
0x4b: {  	s20 =	sadd.s32 s20, s10;
	[sflag:s18] =	ssyncadd.s32 $0xFFFFC000  }
0x4c: {  	[tilespmem:s16], [sflag:$0x2] =	stream.linear.gather [hbm4b:s20+s3], $0x400, $0x38;
	[tilespmem:$0x1CC00] =	vst v63  }
0x4d: {  	_ =	swait.ge [sflag:s13], $0x400  }
0x4e: {  	[sflag:s13] =	ssyncset.done $0x0  }
.Ltmp6:
0x4f: {  	[sflag:s13] =	ssyncadd.s32 $0xFFFFFC00;
	(pc) =	sbr.rel .LBB2_8-.Ltmp6, $4  }
0x50: {  	[spmem:s2] =	stream.indirect.scatter.add.f32 [tilespmem:s12], [sflag:$0x1], $0x10, s16, s17, $0xb8;
	[tilespmem:$0x1CC00] =	vst v63  }
0x51: {  	_ =	swait.ge [sflag:s18], $0x4000  }
0x52: {  	[sflag:s18] =	ssyncset.done $0x0  }
0x53: {  	s20 =	smov.u32 s6;
	[sflag:s18] =	ssyncadd.s32 $0xFFFFC000  }
.LBB2_9:
0x54: {  	_ =	sfence.sel $0x180000  }
0x55: {  	[bflag:$0x0] =	sbarrier.arrive $0xFFFF  }
0x56: {  	p0 =	sne.s32 s1, $0x0;
	_ =	strace $0x9000004A  }
0x57: {  	s0 =	sadd.s32 @!p0 $0x100000, s0;
	[bflag:$0x2] =	sbarrier.arrive $0xFFFF  }
0x58: {  	[sflag:s0] =	ssyncadd.tile.s32 @!p0 $0x1;
	_ =	shalt  }
.Lfunc_end2:
_tile_overlayer_lowered:
.L_overlay_start_2:
0x59: {  	(tag) =	ssettag $0x2  }
0x5a: {  	s0 =	rddreg [dreg:$0x0];
	s2 =	stileid.u32  }
0x5b: {  	s1 =	rddreg [dreg:$0x1];
	p0 =	sne.s32 s2, $0x0  }
0x5c: {  	s3 =	rddreg [dreg:$0x2];
	[bflag:$0x3] =	sbarrier.arrive $0xFFFF;
	s2 =	simm.s32 @!p0 $0x1C02  }
0x5d: {  	[timem:s3], [sflag:s2] =	dma.local @!p0 [hbm:s0], s1  }
0x5e: {  	s0 =	simm.s32 @!p0 $0x2  }
0x5f: {  	_ =	swait.ge @!p0 [sflag:s0], s1  }
0x60: {  	s1 =	ssub.s32 @!p0 $0x0, s1;
	[sflag:s0] =	ssyncset.done @!p0 $0x0  }
0x61: {  	[sflag:s0] =	ssyncadd.s32 @!p0 s1  }
0x62: {  	[bflag:$0x3] =	sbarrier.arrive $0xFFFF  }
0x63: {  	_ =	shalt  }

</sc_bundles>
